<compile_context>
chip_gen: v7x
topology: tpu7x:2x2x1
jax: 0.10.2.dev20260603
libtpu: 0.0.44.dev20260713+nightly
codegen_flags: <defaults>
</compile_context>

<pallas_src>
import functools

import jax
import jax.numpy as jnp
from jax import lax
from jax.experimental import pallas as pl
from jax.experimental.pallas import tpu as pltpu
from jax.experimental.pallas import tpu_sc as plsc

_NC = 2
_NS = 16
_NW = _NC * _NS


def _sc_gather(xf, deep_table, wide_table, lrw2, nsamp):
    BF = xf.shape[0]
    D = deep_table.shape[1]
    F = lrw2.shape[0]
    per_w = BF // _NW
    CH = 1664
    assert per_w % CH == 0 and CH % F == 0
    nch = per_w // CH
    samp_ch = CH // F

    mesh = plsc.VectorSubcoreMesh(
        core_axis_name="c", subcore_axis_name="s", num_cores=_NC, num_subcores=_NS
    )

    @functools.partial(
        pl.kernel,
        out_type=(
            jax.ShapeDtypeStruct((BF, D), jnp.float32),
            jax.ShapeDtypeStruct((nsamp, D), jnp.float32),
        ),
        mesh=mesh,
        compiler_params=pltpu.CompilerParams(use_tc_tiling_on_sc=False),
        scratch_types=[
            pltpu.VMEM((CH,), jnp.int32),
            pltpu.VMEM((CH,), jnp.int32),
            pltpu.VMEM((CH, D), jnp.float32),
            pltpu.VMEM((CH, D), jnp.float32),
            pltpu.VMEM((CH, D), jnp.float32),
            pltpu.VMEM((CH, D), jnp.float32),
            pltpu.VMEM((samp_ch, D), jnp.float32),
            pltpu.VMEM((F, D), jnp.float32),
            pltpu.SemaphoreType.DMA,
            pltpu.SemaphoreType.DMA,
            pltpu.SemaphoreType.DMA,
            pltpu.SemaphoreType.DMA,
            pltpu.SemaphoreType.DMA,
            pltpu.SemaphoreType.DMA,
        ],
    )
    def gather_k(idx_hbm, deep_hbm, wide_hbm, lrw_hbm, dout, wout,
                 idx0, idx1, dr0, dr1, wr0, wr1, wpart_v, lrw_v,
                 semd0, semd1, semw0, semw1, semb0, semb1):
        wid = lax.axis_index("s") * _NC + lax.axis_index("c")
        idx_b = (idx0, idx1)
        dr_b = (dr0, dr1)
        wr_b = (wr0, wr1)
        semd_b = (semd0, semd1)
        semw_b = (semw0, semw1)
        semb_b = (semb0, semb1)

        pltpu.sync_copy(lrw_hbm, lrw_v)

        def stage(c, b):
            base = wid * per_w + c * CH
            pltpu.sync_copy(idx_hbm.at[pl.ds(base, CH)], idx_b[b])
            cp_d = pltpu.async_copy(deep_hbm.at[idx_b[b]], dr_b[b], semd_b[b])
            cp_w = pltpu.async_copy(wide_hbm.at[idx_b[b]], wr_b[b], semw_b[b])
            return cp_d, cp_w

        inflight = {}
        wb = {}
        inflight[0] = stage(0, 0)
        if nch > 1:
            inflight[1] = stage(1, 1)
        for c in range(nch):
            b = c % 2
            base = wid * per_w + c * CH
            sbase = wid * (per_w // F) + c * samp_ch
            cp_d, cp_w = inflight.pop(c)
            cp_d.wait()
            wb[c] = pltpu.async_copy(dr_b[b], dout.at[pl.ds(base, CH)], semb_b[b])
            cp_w.wait()

            wrows = wr_b[b]

            def body(s, _):
                r0 = s * F
                acc = wrows[r0] * lrw_v[0]
                for f in range(1, F):
                    acc = acc + wrows[r0 + f] * lrw_v[f]
                wpart_v[s] = acc
                return 0

            lax.fori_loop(0, samp_ch, body, 0)
            pltpu.sync_copy(wpart_v, wout.at[pl.ds(sbase, samp_ch)])
            if c + 2 < nch:
                wb.pop(c).wait()
                inflight[c + 2] = stage(c + 2, b)
        for c in sorted(wb):
            wb.pop(c).wait()

    return gather_k(xf, deep_table, wide_table, lrw2)


def _tc_body(deep_ref, wpart_ref, s_ref, w1_ref, b1_ref, w2_ref, b2_ref,
             w3_ref, b3_ref, w4_ref, bout_ref, o_ref):
    xb = deep_ref[...]
    sum_v = jnp.dot(xb, s_ref[...], preferred_element_type=jnp.float32)
    term1 = jnp.sum(sum_v * sum_v, axis=1, keepdims=True)
    term2 = jnp.sum(xb * xb, axis=1, keepdims=True)
    fm = 0.5 * (term1 - term2)
    lr = jnp.sum(wpart_ref[...], axis=1, keepdims=True)
    h = jnp.maximum(
        jnp.dot(xb, w1_ref[...], preferred_element_type=jnp.float32) + b1_ref[...], 0.0)
    h = jnp.maximum(
        jnp.dot(h, w2_ref[...], preferred_element_type=jnp.float32) + b2_ref[...], 0.0)
    h = jnp.maximum(
        jnp.dot(h, w3_ref[...], preferred_element_type=jnp.float32) + b3_ref[...], 0.0)
    dnn = jnp.dot(h, w4_ref[...], preferred_element_type=jnp.float32)
    o_ref[...] = jax.nn.sigmoid(fm + lr + dnn + bout_ref[...])


def _tc_mlp(nn_map, wpart, S, W1, b1, W2, b2, W3, b3, W4, bias_out):
    B, K = nn_map.shape
    D = wpart.shape[1]
    bm = 2048
    grid = B // bm
    d1 = W1.shape[1]
    d2 = W2.shape[1]
    d3 = W3.shape[1]

    full = lambda shape: pl.BlockSpec(shape, lambda i: (0, 0))
    return pl.pallas_call(
        _tc_body,
        grid=(grid,),
        in_specs=[
            pl.BlockSpec((bm, K), lambda i: (i, 0)),
            pl.BlockSpec((bm, D), lambda i: (i, 0)),
            full(S.shape),
            full(W1.shape),
            full((1, d1)),
            full(W2.shape),
            full((1, d2)),
            full(W3.shape),
            full((1, d3)),
            full(W4.shape),
            full((1, 1)),
        ],
        out_specs=pl.BlockSpec((bm, 1), lambda i: (i, 0)),
        out_shape=jax.ShapeDtypeStruct((B, 1), jnp.float32),
    )(nn_map, wpart, S, W1, b1.reshape(1, d1), W2, b2.reshape(1, d2),
      W3, b3.reshape(1, d3), W4, bias_out)


def kernel(x, deep_table, wide_table, lr_W, lr_b, W1, b1, W2, b2, W3, b3, W4, b4):
    B, F = x.shape
    D = deep_table.shape[1]
    xf = x.reshape(-1).astype(jnp.int32)
    lrw2 = lr_W.reshape(F, D)
    deep_rows, wpart = _sc_gather(xf, deep_table, wide_table, lrw2, B)
    nn_map = deep_rows.reshape(B, F * D)
    S = jnp.tile(jnp.eye(D, dtype=jnp.float32), (F, 1))
    bias_out = (b4 + lr_b).reshape(1, 1)
    return _tc_mlp(nn_map, wpart, S, W1, b1, W2, b2, W3, b3, W4, bias_out)

# --- scband reference (transcript-rebuilt; emitter-appended) ---
"""Pipeline reference for scband-deep-fm-11690900979995 (READ-ONLY COPY).

The authoritative reference and input builder live on the scoring server;
editing this copy changes nothing except your own understanding.
"""

import jax, jax.numpy as jnp
import numpy as np

VOCAB = 1000000
B = 16384
F = 26
DIM = 16


def setup_inputs(seed: int = 0) -> dict:
    key = jax.random.key(seed)
    ks = jax.random.split(key, 16)
    x = jax.random.randint(ks[0], (B, F), 0, VOCAB)
    deep_table = jax.random.normal(ks[1], (VOCAB, DIM), dtype=jnp.float32) * 0.1
    wide_table = jax.random.normal(ks[2], (VOCAB, DIM), dtype=jnp.float32) * 0.1
    lr_W = jax.random.normal(ks[3], (F * DIM, 1), dtype=jnp.float32) * 0.05
    lr_b = jnp.zeros((1,), dtype=jnp.float32)
    d_in = F * DIM
    W1 = jax.random.normal(ks[4], (d_in, 1024), dtype=jnp.float32) * (1.0 / np.sqrt(d_in))
    b1 = jnp.zeros((1024,), dtype=jnp.float32)
    W2 = jax.random.normal(ks[5], (1024, 512), dtype=jnp.float32) * (1.0 / np.sqrt(1024))
    b2 = jnp.zeros((512,), dtype=jnp.float32)
    W3 = jax.random.normal(ks[6], (512, 256), dtype=jnp.float32) * (1.0 / np.sqrt(512))
    b3 = jnp.zeros((256,), dtype=jnp.float32)
    W4 = jax.random.normal(ks[7], (256, 1), dtype=jnp.float32) * (1.0 / np.sqrt(256))
    b4 = jnp.zeros((1,), dtype=jnp.float32)
    return {"x": x, "deep_table": deep_table, "wide_table": wide_table,
            "lr_W": lr_W, "lr_b": lr_b, "W1": W1, "b1": b1, "W2": W2, "b2": b2,
            "W3": W3, "b3": b3, "W4": W4, "b4": b4}


def reference(x, deep_table, wide_table, lr_W, lr_b, W1, b1, W2, b2, W3, b3, W4, b4):
    Bx, Fx = x.shape
    # deep embedding lookup (EmbeddingSumConcat with one id per field -> concat)
    emb = jnp.take(deep_table, x, axis=0)            # [B, F, DIM]
    nn_feature_map = emb.reshape(Bx, -1)             # [B, F*DIM]
    # FM second-order interaction
    sum_v = jnp.sum(emb, axis=1)                     # [B, DIM]
    sum_v_sq = jnp.sum(emb * emb, axis=1)            # [B, DIM]
    fm_out = 0.5 * jnp.sum(sum_v * sum_v - sum_v_sq, axis=1, keepdims=True)  # [B, 1]
    # wide (LR) part
    wide_emb = jnp.take(wide_table, x, axis=0).reshape(Bx, -1)  # [B, F*DIM]
    lr_out = wide_emb @ lr_W + lr_b                  # [B, 1]
    fm_out = fm_out + lr_out
    # deep DNN part
    h = jax.nn.relu(nn_feature_map @ W1 + b1)
    h = jax.nn.relu(h @ W2 + b2)
    h = jax.nn.relu(h @ W3 + b3)
    dnn_out = h @ W4 + b4                            # [B, 1]
    fm_out = fm_out + dnn_out
    return jax.nn.sigmoid(fm_out)

if __name__ == "__main__":
    import jax
    _d = setup_inputs()
    print(jax.jit(kernel)(*tuple(_d.values())))

</pallas_src>

<mosaic_0001>
#map = affine_map<(d0, d1) -> (0)>
#map1 = affine_map<(d0, d1) -> (0, 0)>
module attributes {stable_mosaic.version = 14 : i64} {
  func.func @gather_k(%arg0: i32, %arg1: i32, %arg2: memref<425984xi32, #tpu.memory_space<hbm>>, %arg3: memref<1000000x16xf32, #tpu.memory_space<hbm>>, %arg4: memref<1000000x16xf32, #tpu.memory_space<hbm>>, %arg5: memref<26x16xf32, #tpu.memory_space<hbm>>, %arg6: memref<425984x16xf32, #tpu.memory_space<hbm>>, %arg7: memref<16384x16xf32, #tpu.memory_space<hbm>>, %arg8: memref<1664xi32, #tpu.memory_space<vmem>>, %arg9: memref<1664xi32, #tpu.memory_space<vmem>>, %arg10: memref<1664x16xf32, #tpu.memory_space<vmem>>, %arg11: memref<1664x16xf32, #tpu.memory_space<vmem>>, %arg12: memref<1664x16xf32, #tpu.memory_space<vmem>>, %arg13: memref<1664x16xf32, #tpu.memory_space<vmem>>, %arg14: memref<64x16xf32, #tpu.memory_space<vmem>>, %arg15: memref<26x16xf32, #tpu.memory_space<vmem>>, %arg16: memref<!tpu.dma_semaphore, #tpu.memory_space<semaphore_mem>>, %arg17: memref<!tpu.dma_semaphore, #tpu.memory_space<semaphore_mem>>, %arg18: memref<!tpu.dma_semaphore, #tpu.memory_space<semaphore_mem>>, %arg19: memref<!tpu.dma_semaphore, #tpu.memory_space<semaphore_mem>>, %arg20: memref<!tpu.dma_semaphore, #tpu.memory_space<semaphore_mem>>, %arg21: memref<!tpu.dma_semaphore, #tpu.memory_space<semaphore_mem>>) attributes {dimension_semantics = [#tpu.dimension_semantics<core_parallel>, #tpu.dimension_semantics<subcore_parallel>], iteration_bounds = array<i64: 2, 16>, scalar_prefetch = 0 : i64, scratch_operands = 14 : i64, tpu.core_type = #tpu.core_type<sc_vector_subcore>, window_params = [{transform_indices = #map}, {transform_indices = #map1}, {transform_indices = #map1}, {transform_indices = #map1}, {transform_indices = #map1}, {transform_indices = #map1}]} {
    %mul3A = arith.constant 2 : i32
    %mul3A_0 = arith.muli %arg1, %mul3A : i32
    %add3A = arith.addi %mul3A_0, %arg0 : i32
    "tpu.region"() ({
      %run_scoped3A = tpu.sem_alloc : memref<!tpu.dma_semaphore, #tpu.memory_space<semaphore_mem>>
      tpu.enqueue_dma source(%arg5 : memref<26x16xf32, #tpu.memory_space<hbm>>) target(%arg15 : memref<26x16xf32, #tpu.memory_space<vmem>>) target_semaphore(%run_scoped3A : memref<!tpu.dma_semaphore, #tpu.memory_space<semaphore_mem>>)
      tpu.wait_dma2 semaphore(%run_scoped3A : memref<!tpu.dma_semaphore, #tpu.memory_space<semaphore_mem>>) src(%arg5 : memref<26x16xf32, #tpu.memory_space<hbm>>) dst(%arg15 : memref<26x16xf32, #tpu.memory_space<vmem>>)
      tpu.yield
    }) : () -> ()
    %mul3A_1 = arith.constant 13312 : i32
    %mul3A_2 = arith.muli %add3A, %mul3A_1 : i32
    %add3A_3 = arith.constant 0 : i32
    %add3A_4 = arith.addi %mul3A_2, %add3A_3 : i32
    "tpu.region"() ({
      %run_scoped3A = tpu.sem_alloc : memref<!tpu.dma_semaphore, #tpu.memory_space<semaphore_mem>>
      %dma_start3A_310 = tpu.memref_slice %arg2[%add3A_4] : memref<425984xi32, #tpu.memory_space<hbm>> -> memref<1664xi32, #tpu.memory_space<hbm>>
      %dma_start3A_311 = tpu.memref_slice %arg2[%add3A_4] : memref<425984xi32, #tpu.memory_space<hbm>> -> memref<1664xi32, #tpu.memory_space<hbm>>
      tpu.enqueue_dma source(%dma_start3A_311 : memref<1664xi32, #tpu.memory_space<hbm>>) target(%arg8 : memref<1664xi32, #tpu.memory_space<vmem>>) target_semaphore(%run_scoped3A : memref<!tpu.dma_semaphore, #tpu.memory_space<semaphore_mem>>)
      %dma_wait3A_312 = tpu.memref_slice %arg2[%add3A_4] : memref<425984xi32, #tpu.memory_space<hbm>> -> memref<1664xi32, #tpu.memory_space<hbm>>
      %dma_wait3A_313 = tpu.memref_slice %arg2[%add3A_4] : memref<425984xi32, #tpu.memory_space<hbm>> -> memref<1664xi32, #tpu.memory_space<hbm>>
      tpu.wait_dma2 semaphore(%run_scoped3A : memref<!tpu.dma_semaphore, #tpu.memory_space<semaphore_mem>>) src(%dma_wait3A_313 : memref<1664xi32, #tpu.memory_space<hbm>>) dst(%arg8 : memref<1664xi32, #tpu.memory_space<vmem>>)
      tpu.yield
    }) : () -> ()
    %dma_start3A = arith.constant 0 : i32
    %dma_start3A_5 = arith.constant 0 : i32
    %dma_start3A_6 = tpu.memref_slice %arg3[%dma_start3A, %dma_start3A_5] : memref<1000000x16xf32, #tpu.memory_space<hbm>> -> memref<1000000x16xf32, #tpu.memory_space<hbm>>
    tpu.enqueue_indirect_dma source(%dma_start3A_6 : memref<1000000x16xf32, #tpu.memory_space<hbm>>) target(%arg10 : memref<1664x16xf32, #tpu.memory_space<vmem>>) offsets(%arg8 : memref<1664xi32, #tpu.memory_space<vmem>>) semaphore(%arg16 : memref<!tpu.dma_semaphore, #tpu.memory_space<semaphore_mem>>)
    %dma_start3A_7 = arith.constant 0 : i32
    %dma_start3A_8 = arith.constant 0 : i32
    %dma_start3A_9 = tpu.memref_slice %arg4[%dma_start3A_7, %dma_start3A_8] : memref<1000000x16xf32, #tpu.memory_space<hbm>> -> memref<1000000x16xf32, #tpu.memory_space<hbm>>
    tpu.enqueue_indirect_dma source(%dma_start3A_9 : memref<1000000x16xf32, #tpu.memory_space<hbm>>) target(%arg12 : memref<1664x16xf32, #tpu.memory_space<vmem>>) offsets(%arg8 : memref<1664xi32, #tpu.memory_space<vmem>>) semaphore(%arg18 : memref<!tpu.dma_semaphore, #tpu.memory_space<semaphore_mem>>)
    %mul3A_10 = arith.constant 13312 : i32
    %mul3A_11 = arith.muli %add3A, %mul3A_10 : i32
    %add3A_12 = arith.constant 1664 : i32
    %add3A_13 = arith.addi %mul3A_11, %add3A_12 : i32
    "tpu.region"() ({
      %run_scoped3A = tpu.sem_alloc : memref<!tpu.dma_semaphore, #tpu.memory_space<semaphore_mem>>
      %dma_start3A_310 = tpu.memref_slice %arg2[%add3A_13] : memref<425984xi32, #tpu.memory_space<hbm>> -> memref<1664xi32, #tpu.memory_space<hbm>>
      %dma_start3A_311 = tpu.memref_slice %arg2[%add3A_13] : memref<425984xi32, #tpu.memory_space<hbm>> -> memref<1664xi32, #tpu.memory_space<hbm>>
      tpu.enqueue_dma source(%dma_start3A_311 : memref<1664xi32, #tpu.memory_space<hbm>>) target(%arg9 : memref<1664xi32, #tpu.memory_space<vmem>>) target_semaphore(%run_scoped3A : memref<!tpu.dma_semaphore, #tpu.memory_space<semaphore_mem>>)
      %dma_wait3A_312 = tpu.memref_slice %arg2[%add3A_13] : memref<425984xi32, #tpu.memory_space<hbm>> -> memref<1664xi32, #tpu.memory_space<hbm>>
      %dma_wait3A_313 = tpu.memref_slice %arg2[%add3A_13] : memref<425984xi32, #tpu.memory_space<hbm>> -> memref<1664xi32, #tpu.memory_space<hbm>>
      tpu.wait_dma2 semaphore(%run_scoped3A : memref<!tpu.dma_semaphore, #tpu.memory_space<semaphore_mem>>) src(%dma_wait3A_313 : memref<1664xi32, #tpu.memory_space<hbm>>) dst(%arg9 : memref<1664xi32, #tpu.memory_space<vmem>>)
      tpu.yield
    }) : () -> ()
    %dma_start3A_14 = arith.constant 0 : i32
    %dma_start3A_15 = arith.constant 0 : i32
    %dma_start3A_16 = tpu.memref_slice %arg3[%dma_start3A_14, %dma_start3A_15] : memref<1000000x16xf32, #tpu.memory_space<hbm>> -> memref<1000000x16xf32, #tpu.memory_space<hbm>>
    tpu.enqueue_indirect_dma source(%dma_start3A_16 : memref<1000000x16xf32, #tpu.memory_space<hbm>>) target(%arg11 : memref<1664x16xf32, #tpu.memory_space<vmem>>) offsets(%arg9 : memref<1664xi32, #tpu.memory_space<vmem>>) semaphore(%arg17 : memref<!tpu.dma_semaphore, #tpu.memory_space<semaphore_mem>>)
    %dma_start3A_17 = arith.constant 0 : i32
    %dma_start3A_18 = arith.constant 0 : i32
    %dma_start3A_19 = tpu.memref_slice %arg4[%dma_start3A_17, %dma_start3A_18] : memref<1000000x16xf32, #tpu.memory_space<hbm>> -> memref<1000000x16xf32, #tpu.memory_space<hbm>>
    tpu.enqueue_indirect_dma source(%dma_start3A_19 : memref<1000000x16xf32, #tpu.memory_space<hbm>>) target(%arg13 : memref<1664x16xf32, #tpu.memory_space<vmem>>) offsets(%arg9 : memref<1664xi32, #tpu.memory_space<vmem>>) semaphore(%arg19 : memref<!tpu.dma_semaphore, #tpu.memory_space<semaphore_mem>>)
    %mul3A_20 = arith.constant 13312 : i32
    %mul3A_21 = arith.muli %add3A, %mul3A_20 : i32
    %add3A_22 = arith.constant 0 : i32
    %add3A_23 = arith.addi %mul3A_21, %add3A_22 : i32
    %mul3A_24 = arith.constant 512 : i32
    %mul3A_25 = arith.muli %add3A, %mul3A_24 : i32
    %add3A_26 = arith.constant 0 : i32
    %add3A_27 = arith.addi %mul3A_25, %add3A_26 : i32
    %dma_wait3A = arith.constant 0 : i32
    %dma_wait3A_28 = arith.constant 0 : i32
    %dma_wait3A_29 = tpu.memref_slice %arg3[%dma_wait3A, %dma_wait3A_28] : memref<1000000x16xf32, #tpu.memory_space<hbm>> -> memref<1000000x16xf32, #tpu.memory_space<hbm>>
    tpu.wait_indirect_dma semaphore(%arg16 : memref<!tpu.dma_semaphore, #tpu.memory_space<semaphore_mem>>) src(%dma_wait3A_29 : memref<1000000x16xf32, #tpu.memory_space<hbm>>) dst(%arg10 : memref<1664x16xf32, #tpu.memory_space<vmem>>)
    %dma_start3A_30 = arith.constant 0 : i32
    %dma_start3A_31 = tpu.memref_slice %arg6[%add3A_23, %dma_start3A_30] : memref<425984x16xf32, #tpu.memory_space<hbm>> -> memref<1664x16xf32, #tpu.memory_space<hbm>>
    %dma_start3A_32 = arith.constant 0 : i32
    %dma_start3A_33 = tpu.memref_slice %arg6[%add3A_23, %dma_start3A_32] : memref<425984x16xf32, #tpu.memory_space<hbm>> -> memref<1664x16xf32, #tpu.memory_space<hbm>>
    tpu.enqueue_dma source(%arg10 : memref<1664x16xf32, #tpu.memory_space<vmem>>) target(%dma_start3A_33 : memref<1664x16xf32, #tpu.memory_space<hbm>>) target_semaphore(%arg20 : memref<!tpu.dma_semaphore, #tpu.memory_space<semaphore_mem>>)
    %dma_wait3A_34 = arith.constant 0 : i32
    %dma_wait3A_35 = arith.constant 0 : i32
    %dma_wait3A_36 = tpu.memref_slice %arg4[%dma_wait3A_34, %dma_wait3A_35] : memref<1000000x16xf32, #tpu.memory_space<hbm>> -> memref<1000000x16xf32, #tpu.memory_space<hbm>>
    tpu.wait_indirect_dma semaphore(%arg18 : memref<!tpu.dma_semaphore, #tpu.memory_space<semaphore_mem>>) src(%dma_wait3A_36 : memref<1000000x16xf32, #tpu.memory_space<hbm>>) dst(%arg12 : memref<1664x16xf32, #tpu.memory_space<vmem>>)
    %scan3A = arith.constant 0 : i32
    %scan3A_37 = arith.constant 0 : i32
    %scan3A_38 = arith.constant 64 : i32
    %scan3A_39 = arith.addi %scan3A_37, %scan3A_38 : i32
    %scan3A_40 = arith.constant 1 : i32
    %scan3A_41 = scf.for %scan3A_310 = %scan3A_37 to %scan3A_39 step %scan3A_40 iter_args(%scan3A_311 = %scan3A) -> (i32)  : i32 {
      %mul3A_312 = arith.constant 26 : i32
      %mul3A_313 = arith.muli %scan3A_310, %mul3A_312 : i32
      %get3A = arith.index_cast %mul3A_313 : i32 to index
      %get3A_314 = arith.constant 0 : index
      %get3A_315 = tpu.vector_load %arg12[%get3A, %get3A_314] {strides = array<i32>} : memref<1664x16xf32, #tpu.memory_space<vmem>>, vector<1x16xf32>,
      %get3A_316 = vector.shape_cast %get3A_315 : vector<1x16xf32> to vector<16xf32>
      %get3A_317 = arith.constant 0 : i32
      %get3A_318 = arith.index_cast %get3A_317 : i32 to index
      %get3A_319 = arith.constant 0 : index
      %get3A_320 = tpu.vector_load %arg15[%get3A_318, %get3A_319] {strides = array<i32>} : memref<26x16xf32, #tpu.memory_space<vmem>>, vector<1x16xf32>,
      %get3A_321 = vector.shape_cast %get3A_320 : vector<1x16xf32> to vector<16xf32>
      %mul3A_322 = arith.mulf %get3A_316, %get3A_321 : vector<16xf32>
      %add3A_323 = arith.constant 1 : i32
      %add3A_324 = arith.addi %mul3A_313, %add3A_323 : i32
      %get3A_325 = arith.index_cast %add3A_324 : i32 to index
      %get3A_326 = arith.constant 0 : index
      %get3A_327 = tpu.vector_load %arg12[%get3A_325, %get3A_326] {strides = array<i32>} : memref<1664x16xf32, #tpu.memory_space<vmem>>, vector<1x16xf32>,
      %get3A_328 = vector.shape_cast %get3A_327 : vector<1x16xf32> to vector<16xf32>
      %get3A_329 = arith.constant 1 : i32
      %get3A_330 = arith.index_cast %get3A_329 : i32 to index
      %get3A_331 = arith.constant 0 : index
      %get3A_332 = tpu.vector_load %arg15[%get3A_330, %get3A_331] {strides = array<i32>} : memref<26x16xf32, #tpu.memory_space<vmem>>, vector<1x16xf32>,
      %get3A_333 = vector.shape_cast %get3A_332 : vector<1x16xf32> to vector<16xf32>
      %mul3A_334 = arith.mulf %get3A_328, %get3A_333 : vector<16xf32>
      %add3A_335 = arith.addf %mul3A_322, %mul3A_334 : vector<16xf32>
      %add3A_336 = arith.constant 2 : i32
      %add3A_337 = arith.addi %mul3A_313, %add3A_336 : i32
      %get3A_338 = arith.index_cast %add3A_337 : i32 to index
      %get3A_339 = arith.constant 0 : index
      %get3A_340 = tpu.vector_load %arg12[%get3A_338, %get3A_339] {strides = array<i32>} : memref<1664x16xf32, #tpu.memory_space<vmem>>, vector<1x16xf32>,
      %get3A_341 = vector.shape_cast %get3A_340 : vector<1x16xf32> to vector<16xf32>
      %get3A_342 = arith.constant 2 : i32
      %get3A_343 = arith.index_cast %get3A_342 : i32 to index
      %get3A_344 = arith.constant 0 : index
      %get3A_345 = tpu.vector_load %arg15[%get3A_343, %get3A_344] {strides = array<i32>} : memref<26x16xf32, #tpu.memory_space<vmem>>, vector<1x16xf32>,
      %get3A_346 = vector.shape_cast %get3A_345 : vector<1x16xf32> to vector<16xf32>
      %mul3A_347 = arith.mulf %get3A_341, %get3A_346 : vector<16xf32>
      %add3A_348 = arith.addf %add3A_335, %mul3A_347 : vector<16xf32>
      %add3A_349 = arith.constant 3 : i32
      %add3A_350 = arith.addi %mul3A_313, %add3A_349 : i32
      %get3A_351 = arith.index_cast %add3A_350 : i32 to index
      %get3A_352 = arith.constant 0 : index
      %get3A_353 = tpu.vector_load %arg12[%get3A_351, %get3A_352] {strides = array<i32>} : memref<1664x16xf32, #tpu.memory_space<vmem>>, vector<1x16xf32>,
      %get3A_354 = vector.shape_cast %get3A_353 : vector<1x16xf32> to vector<16xf32>
      %get3A_355 = arith.constant 3 : i32
      %get3A_356 = arith.index_cast %get3A_355 : i32 to index
      %get3A_357 = arith.constant 0 : index
      %get3A_358 = tpu.vector_load %arg15[%get3A_356, %get3A_357] {strides = array<i32>} : memref<26x16xf32, #tpu.memory_space<vmem>>, vector<1x16xf32>,
      %get3A_359 = vector.shape_cast %get3A_358 : vector<1x16xf32> to vector<16xf32>
      %mul3A_360 = arith.mulf %get3A_354, %get3A_359 : vector<16xf32>
      %add3A_361 = arith.addf %add3A_348, %mul3A_360 : vector<16xf32>
      %add3A_362 = arith.constant 4 : i32
      %add3A_363 = arith.addi %mul3A_313, %add3A_362 : i32
      %get3A_364 = arith.index_cast %add3A_363 : i32 to index
      %get3A_365 = arith.constant 0 : index
      %get3A_366 = tpu.vector_load %arg12[%get3A_364, %get3A_365] {strides = array<i32>} : memref<1664x16xf32, #tpu.memory_space<vmem>>, vector<1x16xf32>,
      %get3A_367 = vector.shape_cast %get3A_366 : vector<1x16xf32> to vector<16xf32>
      %get3A_368 = arith.constant 4 : i32
      %get3A_369 = arith.index_cast %get3A_368 : i32 to index
      %get3A_370 = arith.constant 0 : index
      %get3A_371 = tpu.vector_load %arg15[%get3A_369, %get3A_370] {strides = array<i32>} : memref<26x16xf32, #tpu.memory_space<vmem>>, vector<1x16xf32>,
      %get3A_372 = vector.shape_cast %get3A_371 : vector<1x16xf32> to vector<16xf32>
      %mul3A_373 = arith.mulf %get3A_367, %get3A_372 : vector<16xf32>
      %add3A_374 = arith.addf %add3A_361, %mul3A_373 : vector<16xf32>
      %add3A_375 = arith.constant 5 : i32
      %add3A_376 = arith.addi %mul3A_313, %add3A_375 : i32
      %get3A_377 = arith.index_cast %add3A_376 : i32 to index
      %get3A_378 = arith.constant 0 : index
      %get3A_379 = tpu.vector_load %arg12[%get3A_377, %get3A_378] {strides = array<i32>} : memref<1664x16xf32, #tpu.memory_space<vmem>>, vector<1x16xf32>,
      %get3A_380 = vector.shape_cast %get3A_379 : vector<1x16xf32> to vector<16xf32>
      %get3A_381 = arith.constant 5 : i32
      %get3A_382 = arith.index_cast %get3A_381 : i32 to index
      %get3A_383 = arith.constant 0 : index
      %get3A_384 = tpu.vector_load %arg15[%get3A_382, %get3A_383] {strides = array<i32>} : memref<26x16xf32, #tpu.memory_space<vmem>>, vector<1x16xf32>,
      %get3A_385 = vector.shape_cast %get3A_384 : vector<1x16xf32> to vector<16xf32>
      %mul3A_386 = arith.mulf %get3A_380, %get3A_385 : vector<16xf32>
      %add3A_387 = arith.addf %add3A_374, %mul3A_386 : vector<16xf32>
      %add3A_388 = arith.constant 6 : i32
      %add3A_389 = arith.addi %mul3A_313, %add3A_388 : i32
      %get3A_390 = arith.index_cast %add3A_389 : i32 to index
      %get3A_391 = arith.constant 0 : index
      %get3A_392 = tpu.vector_load %arg12[%get3A_390, %get3A_391] {strides = array<i32>} : memref<1664x16xf32, #tpu.memory_space<vmem>>, vector<1x16xf32>,
      %get3A_393 = vector.shape_cast %get3A_392 : vector<1x16xf32> to vector<16xf32>
      %get3A_394 = arith.constant 6 : i32
      %get3A_395 = arith.index_cast %get3A_394 : i32 to index
      %get3A_396 = arith.constant 0 : index
      %get3A_397 = tpu.vector_load %arg15[%get3A_395, %get3A_396] {strides = array<i32>} : memref<26x16xf32, #tpu.memory_space<vmem>>, vector<1x16xf32>,
      %get3A_398 = vector.shape_cast %get3A_397 : vector<1x16xf32> to vector<16xf32>
      %mul3A_399 = arith.mulf %get3A_393, %get3A_398 : vector<16xf32>
      %add3A_400 = arith.addf %add3A_387, %mul3A_399 : vector<16xf32>
      %add3A_401 = arith.constant 7 : i32
      %add3A_402 = arith.addi %mul3A_313, %add3A_401 : i32
      %get3A_403 = arith.index_cast %add3A_402 : i32 to index
      %get3A_404 = arith.constant 0 : index
      %get3A_405 = tpu.vector_load %arg12[%get3A_403, %get3A_404] {strides = array<i32>} : memref<1664x16xf32, #tpu.memory_space<vmem>>, vector<1x16xf32>,
      %get3A_406 = vector.shape_cast %get3A_405 : vector<1x16xf32> to vector<16xf32>
      %get3A_407 = arith.constant 7 : i32
      %get3A_408 = arith.index_cast %get3A_407 : i32 to index
      %get3A_409 = arith.constant 0 : index
      %get3A_410 = tpu.vector_load %arg15[%get3A_408, %get3A_409] {strides = array<i32>} : memref<26x16xf32, #tpu.memory_space<vmem>>, vector<1x16xf32>,
      %get3A_411 = vector.shape_cast %get3A_410 : vector<1x16xf32> to vector<16xf32>
      %mul3A_412 = arith.mulf %get3A_406, %get3A_411 : vector<16xf32>
      %add3A_413 = arith.addf %add3A_400, %mul3A_412 : vector<16xf32>
      %add3A_414 = arith.constant 8 : i32
      %add3A_415 = arith.addi %mul3A_313, %add3A_414 : i32
      %get3A_416 = arith.index_cast %add3A_415 : i32 to index
      %get3A_417 = arith.constant 0 : index
      %get3A_418 = tpu.vector_load %arg12[%get3A_416, %get3A_417] {strides = array<i32>} : memref<1664x16xf32, #tpu.memory_space<vmem>>, vector<1x16xf32>,
      %get3A_419 = vector.shape_cast %get3A_418 : vector<1x16xf32> to vector<16xf32>
      %get3A_420 = arith.constant 8 : i32
      %get3A_421 = arith.index_cast %get3A_420 : i32 to index
      %get3A_422 = arith.constant 0 : index
      %get3A_423 = tpu.vector_load %arg15[%get3A_421, %get3A_422] {strides = array<i32>} : memref<26x16xf32, #tpu.memory_space<vmem>>, vector<1x16xf32>,
      %get3A_424 = vector.shape_cast %get3A_423 : vector<1x16xf32> to vector<16xf32>
      %mul3A_425 = arith.mulf %get3A_419, %get3A_424 : vector<16xf32>
      %add3A_426 = arith.addf %add3A_413, %mul3A_425 : vector<16xf32>
      %add3A_427 = arith.constant 9 : i32
      %add3A_428 = arith.addi %mul3A_313, %add3A_427 : i32
      %get3A_429 = arith.index_cast %add3A_428 : i32 to index
      %get3A_430 = arith.constant 0 : index
      %get3A_431 = tpu.vector_load %arg12[%get3A_429, %get3A_430] {strides = array<i32>} : memref<1664x16xf32, #tpu.memory_space<vmem>>, vector<1x16xf32>,
      %get3A_432 = vector.shape_cast %get3A_431 : vector<1x16xf32> to vector<16xf32>
      %get3A_433 = arith.constant 9 : i32
      %get3A_434 = arith.index_cast %get3A_433 : i32 to index
      %get3A_435 = arith.constant 0 : index
      %get3A_436 = tpu.vector_load %arg15[%get3A_434, %get3A_435] {strides = array<i32>} : memref<26x16xf32, #tpu.memory_space<vmem>>, vector<1x16xf32>,
      %get3A_437 = vector.shape_cast %get3A_436 : vector<1x16xf32> to vector<16xf32>
      %mul3A_438 = arith.mulf %get3A_432, %get3A_437 : vector<16xf32>
      %add3A_439 = arith.addf %add3A_426, %mul3A_438 : vector<16xf32>
      %add3A_440 = arith.constant 10 : i32
      %add3A_441 = arith.addi %mul3A_313, %add3A_440 : i32
      %get3A_442 = arith.index_cast %add3A_441 : i32 to index
      %get3A_443 = arith.constant 0 : index
      %get3A_444 = tpu.vector_load %arg12[%get3A_442, %get3A_443] {strides = array<i32>} : memref<1664x16xf32, #tpu.memory_space<vmem>>, vector<1x16xf32>,
      %get3A_445 = vector.shape_cast %get3A_444 : vector<1x16xf32> to vector<16xf32>
      %get3A_446 = arith.constant 10 : i32
      %get3A_447 = arith.index_cast %get3A_446 : i32 to index
      %get3A_448 = arith.constant 0 : index
      %get3A_449 = tpu.vector_load %arg15[%get3A_447, %get3A_448] {strides = array<i32>} : memref<26x16xf32, #tpu.memory_space<vmem>>, vector<1x16xf32>,
      %get3A_450 = vector.shape_cast %get3A_449 : vector<1x16xf32> to vector<16xf32>
      %mul3A_451 = arith.mulf %get3A_445, %get3A_450 : vector<16xf32>
      %add3A_452 = arith.addf %add3A_439, %mul3A_451 : vector<16xf32>
      %add3A_453 = arith.constant 11 : i32
      %add3A_454 = arith.addi %mul3A_313, %add3A_453 : i32
      %get3A_455 = arith.index_cast %add3A_454 : i32 to index
      %get3A_456 = arith.constant 0 : index
      %get3A_457 = tpu.vector_load %arg12[%get3A_455, %get3A_456] {strides = array<i32>} : memref<1664x16xf32, #tpu.memory_space<vmem>>, vector<1x16xf32>,
      %get3A_458 = vector.shape_cast %get3A_457 : vector<1x16xf32> to vector<16xf32>
      %get3A_459 = arith.constant 11 : i32
      %get3A_460 = arith.index_cast %get3A_459 : i32 to index
      %get3A_461 = arith.constant 0 : index
      %get3A_462 = tpu.vector_load %arg15[%get3A_460, %get3A_461] {strides = array<i32>} : memref<26x16xf32, #tpu.memory_space<vmem>>, vector<1x16xf32>,
      %get3A_463 = vector.shape_cast %get3A_462 : vector<1x16xf32> to vector<16xf32>
      %mul3A_464 = arith.mulf %get3A_458, %get3A_463 : vector<16xf32>
      %add3A_465 = arith.addf %add3A_452, %mul3A_464 : vector<16xf32>
      %add3A_466 = arith.constant 12 : i32
      %add3A_467 = arith.addi %mul3A_313, %add3A_466 : i32
      %get3A_468 = arith.index_cast %add3A_467 : i32 to index
      %get3A_469 = arith.constant 0 : index
      %get3A_470 = tpu.vector_load %arg12[%get3A_468, %get3A_469] {strides = array<i32>} : memref<1664x16xf32, #tpu.memory_space<vmem>>, vector<1x16xf32>,
      %get3A_471 = vector.shape_cast %get3A_470 : vector<1x16xf32> to vector<16xf32>
      %get3A_472 = arith.constant 12 : i32
      %get3A_473 = arith.index_cast %get3A_472 : i32 to index
      %get3A_474 = arith.constant 0 : index
      %get3A_475 = tpu.vector_load %arg15[%get3A_473, %get3A_474] {strides = array<i32>} : memref<26x16xf32, #tpu.memory_space<vmem>>, vector<1x16xf32>,
      %get3A_476 = vector.shape_cast %get3A_475 : vector<1x16xf32> to vector<16xf32>
      %mul3A_477 = arith.mulf %get3A_471, %get3A_476 : vector<16xf32>
      %add3A_478 = arith.addf %add3A_465, %mul3A_477 : vector<16xf32>
      %add3A_479 = arith.constant 13 : i32
      %add3A_480 = arith.addi %mul3A_313, %add3A_479 : i32
      %get3A_481 = arith.index_cast %add3A_480 : i32 to index
      %get3A_482 = arith.constant 0 : index
      %get3A_483 = tpu.vector_load %arg12[%get3A_481, %get3A_482] {strides = array<i32>} : memref<1664x16xf32, #tpu.memory_space<vmem>>, vector<1x16xf32>,
      %get3A_484 = vector.shape_cast %get3A_483 : vector<1x16xf32> to vector<16xf32>
      %get3A_485 = arith.constant 13 : i32
      %get3A_486 = arith.index_cast %get3A_485 : i32 to index
      %get3A_487 = arith.constant 0 : index
      %get3A_488 = tpu.vector_load %arg15[%get3A_486, %get3A_487] {strides = array<i32>} : memref<26x16xf32, #tpu.memory_space<vmem>>, vector<1x16xf32>,
      %get3A_489 = vector.shape_cast %get3A_488 : vector<1x16xf32> to vector<16xf32>
      %mul3A_490 = arith.mulf %get3A_484, %get3A_489 : vector<16xf32>
      %add3A_491 = arith.addf %add3A_478, %mul3A_490 : vector<16xf32>
      %add3A_492 = arith.constant 14 : i32
      %add3A_493 = arith.addi %mul3A_313, %add3A_492 : i32
      %get3A_494 = arith.index_cast %add3A_493 : i32 to index
      %get3A_495 = arith.constant 0 : index
      %get3A_496 = tpu.vector_load %arg12[%get3A_494, %get3A_495] {strides = array<i32>} : memref<1664x16xf32, #tpu.memory_space<vmem>>, vector<1x16xf32>,
      %get3A_497 = vector.shape_cast %get3A_496 : vector<1x16xf32> to vector<16xf32>
      %get3A_498 = arith.constant 14 : i32
      %get3A_499 = arith.index_cast %get3A_498 : i32 to index
      %get3A_500 = arith.constant 0 : index
      %get3A_501 = tpu.vector_load %arg15[%get3A_499, %get3A_500] {strides = array<i32>} : memref<26x16xf32, #tpu.memory_space<vmem>>, vector<1x16xf32>,
      %get3A_502 = vector.shape_cast %get3A_501 : vector<1x16xf32> to vector<16xf32>
      %mul3A_503 = arith.mulf %get3A_497, %get3A_502 : vector<16xf32>
      %add3A_504 = arith.addf %add3A_491, %mul3A_503 : vector<16xf32>
      %add3A_505 = arith.constant 15 : i32
      %add3A_506 = arith.addi %mul3A_313, %add3A_505 : i32
      %get3A_507 = arith.index_cast %add3A_506 : i32 to index
      %get3A_508 = arith.constant 0 : index
      %get3A_509 = tpu.vector_load %arg12[%get3A_507, %get3A_508] {strides = array<i32>} : memref<1664x16xf32, #tpu.memory_space<vmem>>, vector<1x16xf32>,
      %get3A_510 = vector.shape_cast %get3A_509 : vector<1x16xf32> to vector<16xf32>
      %get3A_511 = arith.constant 15 : i32
      %get3A_512 = arith.index_cast %get3A_511 : i32 to index
      %get3A_513 = arith.constant 0 : index
      %get3A_514 = tpu.vector_load %arg15[%get3A_512, %get3A_513] {strides = array<i32>} : memref<26x16xf32, #tpu.memory_space<vmem>>, vector<1x16xf32>,
      %get3A_515 = vector.shape_cast %get3A_514 : vector<1x16xf32> to vector<16xf32>
      %mul3A_516 = arith.mulf %get3A_510, %get3A_515 : vector<16xf32>
      %add3A_517 = arith.addf %add3A_504, %mul3A_516 : vector<16xf32>
      %add3A_518 = arith.constant 16 : i32
      %add3A_519 = arith.addi %mul3A_313, %add3A_518 : i32
      %get3A_520 = arith.index_cast %add3A_519 : i32 to index
      %get3A_521 = arith.constant 0 : index
      %get3A_522 = tpu.vector_load %arg12[%get3A_520, %get3A_521] {strides = array<i32>} : memref<1664x16xf32, #tpu.memory_space<vmem>>, vector<1x16xf32>,
      %get3A_523 = vector.shape_cast %get3A_522 : vector<1x16xf32> to vector<16xf32>
      %get3A_524 = arith.constant 16 : i32
      %get3A_525 = arith.index_cast %get3A_524 : i32 to index
      %get3A_526 = arith.constant 0 : index
      %get3A_527 = tpu.vector_load %arg15[%get3A_525, %get3A_526] {strides = array<i32>} : memref<26x16xf32, #tpu.memory_space<vmem>>, vector<1x16xf32>,
      %get3A_528 = vector.shape_cast %get3A_527 : vector<1x16xf32> to vector<16xf32>
      %mul3A_529 = arith.mulf %get3A_523, %get3A_528 : vector<16xf32>
      %add3A_530 = arith.addf %add3A_517, %mul3A_529 : vector<16xf32>
      %add3A_531 = arith.constant 17 : i32
      %add3A_532 = arith.addi %mul3A_313, %add3A_531 : i32
      %get3A_533 = arith.index_cast %add3A_532 : i32 to index
      %get3A_534 = arith.constant 0 : index
      %get3A_535 = tpu.vector_load %arg12[%get3A_533, %get3A_534] {strides = array<i32>} : memref<1664x16xf32, #tpu.memory_space<vmem>>, vector<1x16xf32>,
      %get3A_536 = vector.shape_cast %get3A_535 : vector<1x16xf32> to vector<16xf32>
      %get3A_537 = arith.constant 17 : i32
      %get3A_538 = arith.index_cast %get3A_537 : i32 to index
      %get3A_539 = arith.constant 0 : index
      %get3A_540 = tpu.vector_load %arg15[%get3A_538, %get3A_539] {strides = array<i32>} : memref<26x16xf32, #tpu.memory_space<vmem>>, vector<1x16xf32>,
      %get3A_541 = vector.shape_cast %get3A_540 : vector<1x16xf32> to vector<16xf32>
      %mul3A_542 = arith.mulf %get3A_536, %get3A_541 : vector<16xf32>
      %add3A_543 = arith.addf %add3A_530, %mul3A_542 : vector<16xf32>
      %add3A_544 = arith.constant 18 : i32
      %add3A_545 = arith.addi %mul3A_313, %add3A_544 : i32
      %get3A_546 = arith.index_cast %add3A_545 : i32 to index
      %get3A_547 = arith.constant 0 : index
      %get3A_548 = tpu.vector_load %arg12[%get3A_546, %get3A_547] {strides = array<i32>} : memref<1664x16xf32, #tpu.memory_space<vmem>>, vector<1x16xf32>,
      %get3A_549 = vector.shape_cast %get3A_548 : vector<1x16xf32> to vector<16xf32>
      %get3A_550 = arith.constant 18 : i32
      %get3A_551 = arith.index_cast %get3A_550 : i32 to index
      %get3A_552 = arith.constant 0 : index
      %get3A_553 = tpu.vector_load %arg15[%get3A_551, %get3A_552] {strides = array<i32>} : memref<26x16xf32, #tpu.memory_space<vmem>>, vector<1x16xf32>,
      %get3A_554 = vector.shape_cast %get3A_553 : vector<1x16xf32> to vector<16xf32>
      %mul3A_555 = arith.mulf %get3A_549, %get3A_554 : vector<16xf32>
      %add3A_556 = arith.addf %add3A_543, %mul3A_555 : vector<16xf32>
      %add3A_557 = arith.constant 19 : i32
      %add3A_558 = arith.addi %mul3A_313, %add3A_557 : i32
      %get3A_559 = arith.index_cast %add3A_558 : i32 to index
      %get3A_560 = arith.constant 0 : index
      %get3A_561 = tpu.vector_load %arg12[%get3A_559, %get3A_560] {strides = array<i32>} : memref<1664x16xf32, #tpu.memory_space<vmem>>, vector<1x16xf32>,
      %get3A_562 = vector.shape_cast %get3A_561 : vector<1x16xf32> to vector<16xf32>
      %get3A_563 = arith.constant 19 : i32
      %get3A_564 = arith.index_cast %get3A_563 : i32 to index
      %get3A_565 = arith.constant 0 : index
      %get3A_566 = tpu.vector_load %arg15[%get3A_564, %get3A_565] {strides = array<i32>} : memref<26x16xf32, #tpu.memory_space<vmem>>, vector<1x16xf32>,
      %get3A_567 = vector.shape_cast %get3A_566 : vector<1x16xf32> to vector<16xf32>
      %mul3A_568 = arith.mulf %get3A_562, %get3A_567 : vector<16xf32>
      %add3A_569 = arith.addf %add3A_556, %mul3A_568 : vector<16xf32>
      %add3A_570 = arith.constant 20 : i32
      %add3A_571 = arith.addi %mul3A_313, %add3A_570 : i32
      %get3A_572 = arith.index_cast %add3A_571 : i32 to index
      %get3A_573 = arith.constant 0 : index
      %get3A_574 = tpu.vector_load %arg12[%get3A_572, %get3A_573] {strides = array<i32>} : memref<1664x16xf32, #tpu.memory_space<vmem>>, vector<1x16xf32>,
      %get3A_575 = vector.shape_cast %get3A_574 : vector<1x16xf32> to vector<16xf32>
      %get3A_576 = arith.constant 20 : i32
      %get3A_577 = arith.index_cast %get3A_576 : i32 to index
      %get3A_578 = arith.constant 0 : index
      %get3A_579 = tpu.vector_load %arg15[%get3A_577, %get3A_578] {strides = array<i32>} : memref<26x16xf32, #tpu.memory_space<vmem>>, vector<1x16xf32>,
      %get3A_580 = vector.shape_cast %get3A_579 : vector<1x16xf32> to vector<16xf32>
      %mul3A_581 = arith.mulf %get3A_575, %get3A_580 : vector<16xf32>
      %add3A_582 = arith.addf %add3A_569, %mul3A_581 : vector<16xf32>
      %add3A_583 = arith.constant 21 : i32
      %add3A_584 = arith.addi %mul3A_313, %add3A_583 : i32
      %get3A_585 = arith.index_cast %add3A_584 : i32 to index
      %get3A_586 = arith.constant 0 : index
      %get3A_587 = tpu.vector_load %arg12[%get3A_585, %get3A_586] {strides = array<i32>} : memref<1664x16xf32, #tpu.memory_space<vmem>>, vector<1x16xf32>,
      %get3A_588 = vector.shape_cast %get3A_587 : vector<1x16xf32> to vector<16xf32>
      %get3A_589 = arith.constant 21 : i32
      %get3A_590 = arith.index_cast %get3A_589 : i32 to index
      %get3A_591 = arith.constant 0 : index
      %get3A_592 = tpu.vector_load %arg15[%get3A_590, %get3A_591] {strides = array<i32>} : memref<26x16xf32, #tpu.memory_space<vmem>>, vector<1x16xf32>,
      %get3A_593 = vector.shape_cast %get3A_592 : vector<1x16xf32> to vector<16xf32>
      %mul3A_594 = arith.mulf %get3A_588, %get3A_593 : vector<16xf32>
      %add3A_595 = arith.addf %add3A_582, %mul3A_594 : vector<16xf32>
      %add3A_596 = arith.constant 22 : i32
      %add3A_597 = arith.addi %mul3A_313, %add3A_596 : i32
      %get3A_598 = arith.index_cast %add3A_597 : i32 to index
      %get3A_599 = arith.constant 0 : index
      %get3A_600 = tpu.vector_load %arg12[%get3A_598, %get3A_599] {strides = array<i32>} : memref<1664x16xf32, #tpu.memory_space<vmem>>, vector<1x16xf32>,
      %get3A_601 = vector.shape_cast %get3A_600 : vector<1x16xf32> to vector<16xf32>
      %get3A_602 = arith.constant 22 : i32
      %get3A_603 = arith.index_cast %get3A_602 : i32 to index
      %get3A_604 = arith.constant 0 : index
      %get3A_605 = tpu.vector_load %arg15[%get3A_603, %get3A_604] {strides = array<i32>} : memref<26x16xf32, #tpu.memory_space<vmem>>, vector<1x16xf32>,
      %get3A_606 = vector.shape_cast %get3A_605 : vector<1x16xf32> to vector<16xf32>
      %mul3A_607 = arith.mulf %get3A_601, %get3A_606 : vector<16xf32>
      %add3A_608 = arith.addf %add3A_595, %mul3A_607 : vector<16xf32>
      %add3A_609 = arith.constant 23 : i32
      %add3A_610 = arith.addi %mul3A_313, %add3A_609 : i32
      %get3A_611 = arith.index_cast %add3A_610 : i32 to index
      %get3A_612 = arith.constant 0 : index
      %get3A_613 = tpu.vector_load %arg12[%get3A_611, %get3A_612] {strides = array<i32>} : memref<1664x16xf32, #tpu.memory_space<vmem>>, vector<1x16xf32>,
      %get3A_614 = vector.shape_cast %get3A_613 : vector<1x16xf32> to vector<16xf32>
      %get3A_615 = arith.constant 23 : i32
      %get3A_616 = arith.index_cast %get3A_615 : i32 to index
      %get3A_617 = arith.constant 0 : index
      %get3A_618 = tpu.vector_load %arg15[%get3A_616, %get3A_617] {strides = array<i32>} : memref<26x16xf32, #tpu.memory_space<vmem>>, vector<1x16xf32>,
      %get3A_619 = vector.shape_cast %get3A_618 : vector<1x16xf32> to vector<16xf32>
      %mul3A_620 = arith.mulf %get3A_614, %get3A_619 : vector<16xf32>
      %add3A_621 = arith.addf %add3A_608, %mul3A_620 : vector<16xf32>
      %add3A_622 = arith.constant 24 : i32
      %add3A_623 = arith.addi %mul3A_313, %add3A_622 : i32
      %get3A_624 = arith.index_cast %add3A_623 : i32 to index
      %get3A_625 = arith.constant 0 : index
      %get3A_626 = tpu.vector_load %arg12[%get3A_624, %get3A_625] {strides = array<i32>} : memref<1664x16xf32, #tpu.memory_space<vmem>>, vector<1x16xf32>,
      %get3A_627 = vector.shape_cast %get3A_626 : vector<1x16xf32> to vector<16xf32>
      %get3A_628 = arith.constant 24 : i32
      %get3A_629 = arith.index_cast %get3A_628 : i32 to index
      %get3A_630 = arith.constant 0 : index
      %get3A_631 = tpu.vector_load %arg15[%get3A_629, %get3A_630] {strides = array<i32>} : memref<26x16xf32, #tpu.memory_space<vmem>>, vector<1x16xf32>,
      %get3A_632 = vector.shape_cast %get3A_631 : vector<1x16xf32> to vector<16xf32>
      %mul3A_633 = arith.mulf %get3A_627, %get3A_632 : vector<16xf32>
      %add3A_634 = arith.addf %add3A_621, %mul3A_633 : vector<16xf32>
      %add3A_635 = arith.constant 25 : i32
      %add3A_636 = arith.addi %mul3A_313, %add3A_635 : i32
      %get3A_637 = arith.index_cast %add3A_636 : i32 to index
      %get3A_638 = arith.constant 0 : index
      %get3A_639 = tpu.vector_load %arg12[%get3A_637, %get3A_638] {strides = array<i32>} : memref<1664x16xf32, #tpu.memory_space<vmem>>, vector<1x16xf32>,
      %get3A_640 = vector.shape_cast %get3A_639 : vector<1x16xf32> to vector<16xf32>
      %get3A_641 = arith.constant 25 : i32
      %get3A_642 = arith.index_cast %get3A_641 : i32 to index
      %get3A_643 = arith.constant 0 : index
      %get3A_644 = tpu.vector_load %arg15[%get3A_642, %get3A_643] {strides = array<i32>} : memref<26x16xf32, #tpu.memory_space<vmem>>, vector<1x16xf32>,
      %get3A_645 = vector.shape_cast %get3A_644 : vector<1x16xf32> to vector<16xf32>
      %mul3A_646 = arith.mulf %get3A_640, %get3A_645 : vector<16xf32>
      %add3A_647 = arith.addf %add3A_634, %mul3A_646 : vector<16xf32>
      %swap3A = arith.index_cast %scan3A_310 : i32 to index
      %swap3A_648 = arith.constant 0 : index
      %swap3A_649 = tpu.vector_load %arg14[%swap3A, %swap3A_648] {strides = array<i32>} : memref<64x16xf32, #tpu.memory_space<vmem>>, vector<1x16xf32>,
      %swap3A_650 = vector.shape_cast %swap3A_649 : vector<1x16xf32> to vector<16xf32>
      %swap3A_651 = vector.shape_cast %add3A_647 : vector<16xf32> to vector<1x16xf32>
      tpu.vector_store %arg14[%swap3A, %swap3A_648], %swap3A_651 {strides = array<i32>} : memref<64x16xf32, #tpu.memory_space<vmem>>, vector<1x16xf32>,
      %scan3A_652 = arith.constant 0 : i32
      scf.yield %scan3A_652 : i32
    }
    %scan3A_42 = arith.constant 64 : i32
    "tpu.region"() ({
      %run_scoped3A = tpu.sem_alloc : memref<!tpu.dma_semaphore, #tpu.memory_space<semaphore_mem>>
      %dma_start3A_310 = arith.constant 0 : i32
      %dma_start3A_311 = tpu.memref_slice %arg7[%add3A_27, %dma_start3A_310] : memref<16384x16xf32, #tpu.memory_space<hbm>> -> memref<64x16xf32, #tpu.memory_space<hbm>>
      %dma_start3A_312 = arith.constant 0 : i32
      %dma_start3A_313 = tpu.memref_slice %arg7[%add3A_27, %dma_start3A_312] : memref<16384x16xf32, #tpu.memory_space<hbm>> -> memref<64x16xf32, #tpu.memory_space<hbm>>
      tpu.enqueue_dma source(%arg14 : memref<64x16xf32, #tpu.memory_space<vmem>>) target(%dma_start3A_313 : memref<64x16xf32, #tpu.memory_space<hbm>>) target_semaphore(%run_scoped3A : memref<!tpu.dma_semaphore, #tpu.memory_space<semaphore_mem>>)
      %dma_wait3A_314 = arith.constant 0 : i32
      %dma_wait3A_315 = tpu.memref_slice %arg7[%add3A_27, %dma_wait3A_314] : memref<16384x16xf32, #tpu.memory_space<hbm>> -> memref<64x16xf32, #tpu.memory_space<hbm>>
      %dma_wait3A_316 = arith.constant 0 : i32
      %dma_wait3A_317 = tpu.memref_slice %arg7[%add3A_27, %dma_wait3A_316] : memref<16384x16xf32, #tpu.memory_space<hbm>> -> memref<64x16xf32, #tpu.memory_space<hbm>>
      tpu.wait_dma2 semaphore(%run_scoped3A : memref<!tpu.dma_semaphore, #tpu.memory_space<semaphore_mem>>) src(%arg14 : memref<64x16xf32, #tpu.memory_space<vmem>>) dst(%dma_wait3A_317 : memref<64x16xf32, #tpu.memory_space<hbm>>)
      tpu.yield
    }) : () -> ()
    %dma_wait3A_43 = arith.constant 0 : i32
    %dma_wait3A_44 = tpu.memref_slice %arg6[%add3A_23, %dma_wait3A_43] : memref<425984x16xf32, #tpu.memory_space<hbm>> -> memref<1664x16xf32, #tpu.memory_space<hbm>>
    %dma_wait3A_45 = arith.constant 0 : i32
    %dma_wait3A_46 = tpu.memref_slice %arg6[%add3A_23, %dma_wait3A_45] : memref<425984x16xf32, #tpu.memory_space<hbm>> -> memref<1664x16xf32, #tpu.memory_space<hbm>>
    tpu.wait_dma2 semaphore(%arg20 : memref<!tpu.dma_semaphore, #tpu.memory_space<semaphore_mem>>) src(%arg10 : memref<1664x16xf32, #tpu.memory_space<vmem>>) dst(%dma_wait3A_46 : memref<1664x16xf32, #tpu.memory_space<hbm>>)
    %mul3A_47 = arith.constant 13312 : i32
    %mul3A_48 = arith.muli %add3A, %mul3A_47 : i32
    %add3A_49 = arith.constant 3328 : i32
    %add3A_50 = arith.addi %mul3A_48, %add3A_49 : i32
    "tpu.region"() ({
      %run_scoped3A = tpu.sem_alloc : memref<!tpu.dma_semaphore, #tpu.memory_space<semaphore_mem>>
      %dma_start3A_310 = tpu.memref_slice %arg2[%add3A_50] : memref<425984xi32, #tpu.memory_space<hbm>> -> memref<1664xi32, #tpu.memory_space<hbm>>
      %dma_start3A_311 = tpu.memref_slice %arg2[%add3A_50] : memref<425984xi32, #tpu.memory_space<hbm>> -> memref<1664xi32, #tpu.memory_space<hbm>>
      tpu.enqueue_dma source(%dma_start3A_311 : memref<1664xi32, #tpu.memory_space<hbm>>) target(%arg8 : memref<1664xi32, #tpu.memory_space<vmem>>) target_semaphore(%run_scoped3A : memref<!tpu.dma_semaphore, #tpu.memory_space<semaphore_mem>>)
      %dma_wait3A_312 = tpu.memref_slice %arg2[%add3A_50] : memref<425984xi32, #tpu.memory_space<hbm>> -> memref<1664xi32, #tpu.memory_space<hbm>>
      %dma_wait3A_313 = tpu.memref_slice %arg2[%add3A_50] : memref<425984xi32, #tpu.memory_space<hbm>> -> memref<1664xi32, #tpu.memory_space<hbm>>
      tpu.wait_dma2 semaphore(%run_scoped3A : memref<!tpu.dma_semaphore, #tpu.memory_space<semaphore_mem>>) src(%dma_wait3A_313 : memref<1664xi32, #tpu.memory_space<hbm>>) dst(%arg8 : memref<1664xi32, #tpu.memory_space<vmem>>)
      tpu.yield
    }) : () -> ()
    %dma_start3A_51 = arith.constant 0 : i32
    %dma_start3A_52 = arith.constant 0 : i32
    %dma_start3A_53 = tpu.memref_slice %arg3[%dma_start3A_51, %dma_start3A_52] : memref<1000000x16xf32, #tpu.memory_space<hbm>> -> memref<1000000x16xf32, #tpu.memory_space<hbm>>
    tpu.enqueue_indirect_dma source(%dma_start3A_53 : memref<1000000x16xf32, #tpu.memory_space<hbm>>) target(%arg10 : memref<1664x16xf32, #tpu.memory_space<vmem>>) offsets(%arg8 : memref<1664xi32, #tpu.memory_space<vmem>>) semaphore(%arg16 : memref<!tpu.dma_semaphore, #tpu.memory_space<semaphore_mem>>)
    %dma_start3A_54 = arith.constant 0 : i32
    %dma_start3A_55 = arith.constant 0 : i32
    %dma_start3A_56 = tpu.memref_slice %arg4[%dma_start3A_54, %dma_start3A_55] : memref<1000000x16xf32, #tpu.memory_space<hbm>> -> memref<1000000x16xf32, #tpu.memory_space<hbm>>
    tpu.enqueue_indirect_dma source(%dma_start3A_56 : memref<1000000x16xf32, #tpu.memory_space<hbm>>) target(%arg12 : memref<1664x16xf32, #tpu.memory_space<vmem>>) offsets(%arg8 : memref<1664xi32, #tpu.memory_space<vmem>>) semaphore(%arg18 : memref<!tpu.dma_semaphore, #tpu.memory_space<semaphore_mem>>)
    %mul3A_57 = arith.constant 13312 : i32
    %mul3A_58 = arith.muli %add3A, %mul3A_57 : i32
    %add3A_59 = arith.constant 1664 : i32
    %add3A_60 = arith.addi %mul3A_58, %add3A_59 : i32
    %mul3A_61 = arith.constant 512 : i32
    %mul3A_62 = arith.muli %add3A, %mul3A_61 : i32
    %add3A_63 = arith.constant 64 : i32
    %add3A_64 = arith.addi %mul3A_62, %add3A_63 : i32
    %dma_wait3A_65 = arith.constant 0 : i32
    %dma_wait3A_66 = arith.constant 0 : i32
    %dma_wait3A_67 = tpu.memref_slice %arg3[%dma_wait3A_65, %dma_wait3A_66] : memref<1000000x16xf32, #tpu.memory_space<hbm>> -> memref<1000000x16xf32, #tpu.memory_space<hbm>>
    tpu.wait_indirect_dma semaphore(%arg17 : memref<!tpu.dma_semaphore, #tpu.memory_space<semaphore_mem>>) src(%dma_wait3A_67 : memref<1000000x16xf32, #tpu.memory_space<hbm>>) dst(%arg11 : memref<1664x16xf32, #tpu.memory_space<vmem>>)
    %dma_start3A_68 = arith.constant 0 : i32
    %dma_start3A_69 = tpu.memref_slice %arg6[%add3A_60, %dma_start3A_68] : memref<425984x16xf32, #tpu.memory_space<hbm>> -> memref<1664x16xf32, #tpu.memory_space<hbm>>
    %dma_start3A_70 = arith.constant 0 : i32
    %dma_start3A_71 = tpu.memref_slice %arg6[%add3A_60, %dma_start3A_70] : memref<425984x16xf32, #tpu.memory_space<hbm>> -> memref<1664x16xf32, #tpu.memory_space<hbm>>
    tpu.enqueue_dma source(%arg11 : memref<1664x16xf32, #tpu.memory_space<vmem>>) target(%dma_start3A_71 : memref<1664x16xf32, #tpu.memory_space<hbm>>) target_semaphore(%arg21 : memref<!tpu.dma_semaphore, #tpu.memory_space<semaphore_mem>>)
    %dma_wait3A_72 = arith.constant 0 : i32
    %dma_wait3A_73 = arith.constant 0 : i32
    %dma_wait3A_74 = tpu.memref_slice %arg4[%dma_wait3A_72, %dma_wait3A_73] : memref<1000000x16xf32, #tpu.memory_space<hbm>> -> memref<1000000x16xf32, #tpu.memory_space<hbm>>
    tpu.wait_indirect_dma semaphore(%arg19 : memref<!tpu.dma_semaphore, #tpu.memory_space<semaphore_mem>>) src(%dma_wait3A_74 : memref<1000000x16xf32, #tpu.memory_space<hbm>>) dst(%arg13 : memref<1664x16xf32, #tpu.memory_space<vmem>>)
    %scan3A_75 = arith.constant 0 : i32
    %scan3A_76 = arith.constant 0 : i32
    %scan3A_77 = arith.constant 64 : i32
    %scan3A_78 = arith.addi %scan3A_76, %scan3A_77 : i32
    %scan3A_79 = arith.constant 1 : i32
    %scan3A_80 = scf.for %scan3A_310 = %scan3A_76 to %scan3A_78 step %scan3A_79 iter_args(%scan3A_311 = %scan3A_75) -> (i32)  : i32 {
      %mul3A_312 = arith.constant 26 : i32
      %mul3A_313 = arith.muli %scan3A_310, %mul3A_312 : i32
      %get3A = arith.index_cast %mul3A_313 : i32 to index
      %get3A_314 = arith.constant 0 : index
      %get3A_315 = tpu.vector_load %arg13[%get3A, %get3A_314] {strides = array<i32>} : memref<1664x16xf32, #tpu.memory_space<vmem>>, vector<1x16xf32>,
      %get3A_316 = vector.shape_cast %get3A_315 : vector<1x16xf32> to vector<16xf32>
      %get3A_317 = arith.constant 0 : i32
      %get3A_318 = arith.index_cast %get3A_317 : i32 to index
      %get3A_319 = arith.constant 0 : index
      %get3A_320 = tpu.vector_load %arg15[%get3A_318, %get3A_319] {strides = array<i32>} : memref<26x16xf32, #tpu.memory_space<vmem>>, vector<1x16xf32>,
      %get3A_321 = vector.shape_cast %get3A_320 : vector<1x16xf32> to vector<16xf32>
      %mul3A_322 = arith.mulf %get3A_316, %get3A_321 : vector<16xf32>
      %add3A_323 = arith.constant 1 : i32
      %add3A_324 = arith.addi %mul3A_313, %add3A_323 : i32
      %get3A_325 = arith.index_cast %add3A_324 : i32 to index
      %get3A_326 = arith.constant 0 : index
      %get3A_327 = tpu.vector_load %arg13[%get3A_325, %get3A_326] {strides = array<i32>} : memref<1664x16xf32, #tpu.memory_space<vmem>>, vector<1x16xf32>,
      %get3A_328 = vector.shape_cast %get3A_327 : vector<1x16xf32> to vector<16xf32>
      %get3A_329 = arith.constant 1 : i32
      %get3A_330 = arith.index_cast %get3A_329 : i32 to index
      %get3A_331 = arith.constant 0 : index
      %get3A_332 = tpu.vector_load %arg15[%get3A_330, %get3A_331] {strides = array<i32>} : memref<26x16xf32, #tpu.memory_space<vmem>>, vector<1x16xf32>,
      %get3A_333 = vector.shape_cast %get3A_332 : vector<1x16xf32> to vector<16xf32>
      %mul3A_334 = arith.mulf %get3A_328, %get3A_333 : vector<16xf32>
      %add3A_335 = arith.addf %mul3A_322, %mul3A_334 : vector<16xf32>
      %add3A_336 = arith.constant 2 : i32
      %add3A_337 = arith.addi %mul3A_313, %add3A_336 : i32
      %get3A_338 = arith.index_cast %add3A_337 : i32 to index
      %get3A_339 = arith.constant 0 : index
      %get3A_340 = tpu.vector_load %arg13[%get3A_338, %get3A_339] {strides = array<i32>} : memref<1664x16xf32, #tpu.memory_space<vmem>>, vector<1x16xf32>,
      %get3A_341 = vector.shape_cast %get3A_340 : vector<1x16xf32> to vector<16xf32>
      %get3A_342 = arith.constant 2 : i32
      %get3A_343 = arith.index_cast %get3A_342 : i32 to index
      %get3A_344 = arith.constant 0 : index
      %get3A_345 = tpu.vector_load %arg15[%get3A_343, %get3A_344] {strides = array<i32>} : memref<26x16xf32, #tpu.memory_space<vmem>>, vector<1x16xf32>,
      %get3A_346 = vector.shape_cast %get3A_345 : vector<1x16xf32> to vector<16xf32>
      %mul3A_347 = arith.mulf %get3A_341, %get3A_346 : vector<16xf32>
      %add3A_348 = arith.addf %add3A_335, %mul3A_347 : vector<16xf32>
      %add3A_349 = arith.constant 3 : i32
      %add3A_350 = arith.addi %mul3A_313, %add3A_349 : i32
      %get3A_351 = arith.index_cast %add3A_350 : i32 to index
      %get3A_352 = arith.constant 0 : index
      %get3A_353 = tpu.vector_load %arg13[%get3A_351, %get3A_352] {strides = array<i32>} : memref<1664x16xf32, #tpu.memory_space<vmem>>, vector<1x16xf32>,
      %get3A_354 = vector.shape_cast %get3A_353 : vector<1x16xf32> to vector<16xf32>
      %get3A_355 = arith.constant 3 : i32
      %get3A_356 = arith.index_cast %get3A_355 : i32 to index
      %get3A_357 = arith.constant 0 : index
      %get3A_358 = tpu.vector_load %arg15[%get3A_356, %get3A_357] {strides = array<i32>} : memref<26x16xf32, #tpu.memory_space<vmem>>, vector<1x16xf32>,
      %get3A_359 = vector.shape_cast %get3A_358 : vector<1x16xf32> to vector<16xf32>
      %mul3A_360 = arith.mulf %get3A_354, %get3A_359 : vector<16xf32>
      %add3A_361 = arith.addf %add3A_348, %mul3A_360 : vector<16xf32>
      %add3A_362 = arith.constant 4 : i32
      %add3A_363 = arith.addi %mul3A_313, %add3A_362 : i32
      %get3A_364 = arith.index_cast %add3A_363 : i32 to index
      %get3A_365 = arith.constant 0 : index
      %get3A_366 = tpu.vector_load %arg13[%get3A_364, %get3A_365] {strides = array<i32>} : memref<1664x16xf32, #tpu.memory_space<vmem>>, vector<1x16xf32>,
      %get3A_367 = vector.shape_cast %get3A_366 : vector<1x16xf32> to vector<16xf32>
      %get3A_368 = arith.constant 4 : i32
      %get3A_369 = arith.index_cast %get3A_368 : i32 to index
      %get3A_370 = arith.constant 0 : index
      %get3A_371 = tpu.vector_load %arg15[%get3A_369, %get3A_370] {strides = array<i32>} : memref<26x16xf32, #tpu.memory_space<vmem>>, vector<1x16xf32>,
      %get3A_372 = vector.shape_cast %get3A_371 : vector<1x16xf32> to vector<16xf32>
      %mul3A_373 = arith.mulf %get3A_367, %get3A_372 : vector<16xf32>
      %add3A_374 = arith.addf %add3A_361, %mul3A_373 : vector<16xf32>
      %add3A_375 = arith.constant 5 : i32
      %add3A_376 = arith.addi %mul3A_313, %add3A_375 : i32
      %get3A_377 = arith.index_cast %add3A_376 : i32 to index
      %get3A_378 = arith.constant 0 : index
      %get3A_379 = tpu.vector_load %arg13[%get3A_377, %get3A_378] {strides = array<i32>} : memref<1664x16xf32, #tpu.memory_space<vmem>>, vector<1x16xf32>,
      %get3A_380 = vector.shape_cast %get3A_379 : vector<1x16xf32> to vector<16xf32>
      %get3A_381 = arith.constant 5 : i32
      %get3A_382 = arith.index_cast %get3A_381 : i32 to index
      %get3A_383 = arith.constant 0 : index
      %get3A_384 = tpu.vector_load %arg15[%get3A_382, %get3A_383] {strides = array<i32>} : memref<26x16xf32, #tpu.memory_space<vmem>>, vector<1x16xf32>,
      %get3A_385 = vector.shape_cast %get3A_384 : vector<1x16xf32> to vector<16xf32>
      %mul3A_386 = arith.mulf %get3A_380, %get3A_385 : vector<16xf32>
      %add3A_387 = arith.addf %add3A_374, %mul3A_386 : vector<16xf32>
      %add3A_388 = arith.constant 6 : i32
      %add3A_389 = arith.addi %mul3A_313, %add3A_388 : i32
      %get3A_390 = arith.index_cast %add3A_389 : i32 to index
      %get3A_391 = arith.constant 0 : index
      %get3A_392 = tpu.vector_load %arg13[%get3A_390, %get3A_391] {strides = array<i32>} : memref<1664x16xf32, #tpu.memory_space<vmem>>, vector<1x16xf32>,
      %get3A_393 = vector.shape_cast %get3A_392 : vector<1x16xf32> to vector<16xf32>
      %get3A_394 = arith.constant 6 : i32
      %get3A_395 = arith.index_cast %get3A_394 : i32 to index
      %get3A_396 = arith.constant 0 : index
      %get3A_397 = tpu.vector_load %arg15[%get3A_395, %get3A_396] {strides = array<i32>} : memref<26x16xf32, #tpu.memory_space<vmem>>, vector<1x16xf32>,
      %get3A_398 = vector.shape_cast %get3A_397 : vector<1x16xf32> to vector<16xf32>
      %mul3A_399 = arith.mulf %get3A_393, %get3A_398 : vector<16xf32>
      %add3A_400 = arith.addf %add3A_387, %mul3A_399 : vector<16xf32>
      %add3A_401 = arith.constant 7 : i32
      %add3A_402 = arith.addi %mul3A_313, %add3A_401 : i32
      %get3A_403 = arith.index_cast %add3A_402 : i32 to index
      %get3A_404 = arith.constant 0 : index
      %get3A_405 = tpu.vector_load %arg13[%get3A_403, %get3A_404] {strides = array<i32>} : memref<1664x16xf32, #tpu.memory_space<vmem>>, vector<1x16xf32>,
      %get3A_406 = vector.shape_cast %get3A_405 : vector<1x16xf32> to vector<16xf32>
      %get3A_407 = arith.constant 7 : i32
      %get3A_408 = arith.index_cast %get3A_407 : i32 to index
      %get3A_409 = arith.constant 0 : index
      %get3A_410 = tpu.vector_load %arg15[%get3A_408, %get3A_409] {strides = array<i32>} : memref<26x16xf32, #tpu.memory_space<vmem>>, vector<1x16xf32>,
      %get3A_411 = vector.shape_cast %get3A_410 : vector<1x16xf32> to vector<16xf32>
      %mul3A_412 = arith.mulf %get3A_406, %get3A_411 : vector<16xf32>
      %add3A_413 = arith.addf %add3A_400, %mul3A_412 : vector<16xf32>
      %add3A_414 = arith.constant 8 : i32
      %add3A_415 = arith.addi %mul3A_313, %add3A_414 : i32
      %get3A_416 = arith.index_cast %add3A_415 : i32 to index
      %get3A_417 = arith.constant 0 : index
      %get3A_418 = tpu.vector_load %arg13[%get3A_416, %get3A_417] {strides = array<i32>} : memref<1664x16xf32, #tpu.memory_space<vmem>>, vector<1x16xf32>,
      %get3A_419 = vector.shape_cast %get3A_418 : vector<1x16xf32> to vector<16xf32>
      %get3A_420 = arith.constant 8 : i32
      %get3A_421 = arith.index_cast %get3A_420 : i32 to index
      %get3A_422 = arith.constant 0 : index
      %get3A_423 = tpu.vector_load %arg15[%get3A_421, %get3A_422] {strides = array<i32>} : memref<26x16xf32, #tpu.memory_space<vmem>>, vector<1x16xf32>,
      %get3A_424 = vector.shape_cast %get3A_423 : vector<1x16xf32> to vector<16xf32>
      %mul3A_425 = arith.mulf %get3A_419, %get3A_424 : vector<16xf32>
      %add3A_426 = arith.addf %add3A_413, %mul3A_425 : vector<16xf32>
      %add3A_427 = arith.constant 9 : i32
      %add3A_428 = arith.addi %mul3A_313, %add3A_427 : i32
      %get3A_429 = arith.index_cast %add3A_428 : i32 to index
      %get3A_430 = arith.constant 0 : index
      %get3A_431 = tpu.vector_load %arg13[%get3A_429, %get3A_430] {strides = array<i32>} : memref<1664x16xf32, #tpu.memory_space<vmem>>, vector<1x16xf32>,
      %get3A_432 = vector.shape_cast %get3A_431 : vector<1x16xf32> to vector<16xf32>
      %get3A_433 = arith.constant 9 : i32
      %get3A_434 = arith.index_cast %get3A_433 : i32 to index
      %get3A_435 = arith.constant 0 : index
      %get3A_436 = tpu.vector_load %arg15[%get3A_434, %get3A_435] {strides = array<i32>} : memref<26x16xf32, #tpu.memory_space<vmem>>, vector<1x16xf32>,
      %get3A_437 = vector.shape_cast %get3A_436 : vector<1x16xf32> to vector<16xf32>
      %mul3A_438 = arith.mulf %get3A_432, %get3A_437 : vector<16xf32>
      %add3A_439 = arith.addf %add3A_426, %mul3A_438 : vector<16xf32>
      %add3A_440 = arith.constant 10 : i32
      %add3A_441 = arith.addi %mul3A_313, %add3A_440 : i32
      %get3A_442 = arith.index_cast %add3A_441 : i32 to index
      %get3A_443 = arith.constant 0 : index
      %get3A_444 = tpu.vector_load %arg13[%get3A_442, %get3A_443] {strides = array<i32>} : memref<1664x16xf32, #tpu.memory_space<vmem>>, vector<1x16xf32>,
      %get3A_445 = vector.shape_cast %get3A_444 : vector<1x16xf32> to vector<16xf32>
      %get3A_446 = arith.constant 10 : i32
      %get3A_447 = arith.index_cast %get3A_446 : i32 to index
      %get3A_448 = arith.constant 0 : index
      %get3A_449 = tpu.vector_load %arg15[%get3A_447, %get3A_448] {strides = array<i32>} : memref<26x16xf32, #tpu.memory_space<vmem>>, vector<1x16xf32>,
      %get3A_450 = vector.shape_cast %get3A_449 : vector<1x16xf32> to vector<16xf32>
      %mul3A_451 = arith.mulf %get3A_445, %get3A_450 : vector<16xf32>
      %add3A_452 = arith.addf %add3A_439, %mul3A_451 : vector<16xf32>
      %add3A_453 = arith.constant 11 : i32
      %add3A_454 = arith.addi %mul3A_313, %add3A_453 : i32
      %get3A_455 = arith.index_cast %add3A_454 : i32 to index
      %get3A_456 = arith.constant 0 : index
      %get3A_457 = tpu.vector_load %arg13[%get3A_455, %get3A_456] {strides = array<i32>} : memref<1664x16xf32, #tpu.memory_space<vmem>>, vector<1x16xf32>,
      %get3A_458 = vector.shape_cast %get3A_457 : vector<1x16xf32> to vector<16xf32>
      %get3A_459 = arith.constant 11 : i32
      %get3A_460 = arith.index_cast %get3A_459 : i32 to index
      %get3A_461 = arith.constant 0 : index
      %get3A_462 = tpu.vector_load %arg15[%get3A_460, %get3A_461] {strides = array<i32>} : memref<26x16xf32, #tpu.memory_space<vmem>>, vector<1x16xf32>,
      %get3A_463 = vector.shape_cast %get3A_462 : vector<1x16xf32> to vector<16xf32>
      %mul3A_464 = arith.mulf %get3A_458, %get3A_463 : vector<16xf32>
      %add3A_465 = arith.addf %add3A_452, %mul3A_464 : vector<16xf32>
      %add3A_466 = arith.constant 12 : i32
      %add3A_467 = arith.addi %mul3A_313, %add3A_466 : i32
      %get3A_468 = arith.index_cast %add3A_467 : i32 to index
      %get3A_469 = arith.constant 0 : index
      %get3A_470 = tpu.vector_load %arg13[%get3A_468, %get3A_469] {strides = array<i32>} : memref<1664x16xf32, #tpu.memory_space<vmem>>, vector<1x16xf32>,
      %get3A_471 = vector.shape_cast %get3A_470 : vector<1x16xf32> to vector<16xf32>
      %get3A_472 = arith.constant 12 : i32
      %get3A_473 = arith.index_cast %get3A_472 : i32 to index
      %get3A_474 = arith.constant 0 : index
      %get3A_475 = tpu.vector_load %arg15[%get3A_473, %get3A_474] {strides = array<i32>} : memref<26x16xf32, #tpu.memory_space<vmem>>, vector<1x16xf32>,
      %get3A_476 = vector.shape_cast %get3A_475 : vector<1x16xf32> to vector<16xf32>
      %mul3A_477 = arith.mulf %get3A_471, %get3A_476 : vector<16xf32>
      %add3A_478 = arith.addf %add3A_465, %mul3A_477 : vector<16xf32>
      %add3A_479 = arith.constant 13 : i32
      %add3A_480 = arith.addi %mul3A_313, %add3A_479 : i32
      %get3A_481 = arith.index_cast %add3A_480 : i32 to index
      %get3A_482 = arith.constant 0 : index
      %get3A_483 = tpu.vector_load %arg13[%get3A_481, %get3A_482] {strides = array<i32>} : memref<1664x16xf32, #tpu.memory_space<vmem>>, vector<1x16xf32>,
      %get3A_484 = vector.shape_cast %get3A_483 : vector<1x16xf32> to vector<16xf32>
      %get3A_485 = arith.constant 13 : i32
      %get3A_486 = arith.index_cast %get3A_485 : i32 to index
      %get3A_487 = arith.constant 0 : index
      %get3A_488 = tpu.vector_load %arg15[%get3A_486, %get3A_487] {strides = array<i32>} : memref<26x16xf32, #tpu.memory_space<vmem>>, vector<1x16xf32>,
      %get3A_489 = vector.shape_cast %get3A_488 : vector<1x16xf32> to vector<16xf32>
      %mul3A_490 = arith.mulf %get3A_484, %get3A_489 : vector<16xf32>
      %add3A_491 = arith.addf %add3A_478, %mul3A_490 : vector<16xf32>
      %add3A_492 = arith.constant 14 : i32
      %add3A_493 = arith.addi %mul3A_313, %add3A_492 : i32
      %get3A_494 = arith.index_cast %add3A_493 : i32 to index
      %get3A_495 = arith.constant 0 : index
      %get3A_496 = tpu.vector_load %arg13[%get3A_494, %get3A_495] {strides = array<i32>} : memref<1664x16xf32, #tpu.memory_space<vmem>>, vector<1x16xf32>,
      %get3A_497 = vector.shape_cast %get3A_496 : vector<1x16xf32> to vector<16xf32>
      %get3A_498 = arith.constant 14 : i32
      %get3A_499 = arith.index_cast %get3A_498 : i32 to index
      %get3A_500 = arith.constant 0 : index
      %get3A_501 = tpu.vector_load %arg15[%get3A_499, %get3A_500] {strides = array<i32>} : memref<26x16xf32, #tpu.memory_space<vmem>>, vector<1x16xf32>,
      %get3A_502 = vector.shape_cast %get3A_501 : vector<1x16xf32> to vector<16xf32>
      %mul3A_503 = arith.mulf %get3A_497, %get3A_502 : vector<16xf32>
      %add3A_504 = arith.addf %add3A_491, %mul3A_503 : vector<16xf32>
      %add3A_505 = arith.constant 15 : i32
      %add3A_506 = arith.addi %mul3A_313, %add3A_505 : i32
      %get3A_507 = arith.index_cast %add3A_506 : i32 to index
      %get3A_508 = arith.constant 0 : index
      %get3A_509 = tpu.vector_load %arg13[%get3A_507, %get3A_508] {strides = array<i32>} : memref<1664x16xf32, #tpu.memory_space<vmem>>, vector<1x16xf32>,
      %get3A_510 = vector.shape_cast %get3A_509 : vector<1x16xf32> to vector<16xf32>
      %get3A_511 = arith.constant 15 : i32
      %get3A_512 = arith.index_cast %get3A_511 : i32 to index
      %get3A_513 = arith.constant 0 : index
      %get3A_514 = tpu.vector_load %arg15[%get3A_512, %get3A_513] {strides = array<i32>} : memref<26x16xf32, #tpu.memory_space<vmem>>, vector<1x16xf32>,
      %get3A_515 = vector.shape_cast %get3A_514 : vector<1x16xf32> to vector<16xf32>
      %mul3A_516 = arith.mulf %get3A_510, %get3A_515 : vector<16xf32>
      %add3A_517 = arith.addf %add3A_504, %mul3A_516 : vector<16xf32>
      %add3A_518 = arith.constant 16 : i32
      %add3A_519 = arith.addi %mul3A_313, %add3A_518 : i32
      %get3A_520 = arith.index_cast %add3A_519 : i32 to index
      %get3A_521 = arith.constant 0 : index
      %get3A_522 = tpu.vector_load %arg13[%get3A_520, %get3A_521] {strides = array<i32>} : memref<1664x16xf32, #tpu.memory_space<vmem>>, vector<1x16xf32>,
      %get3A_523 = vector.shape_cast %get3A_522 : vector<1x16xf32> to vector<16xf32>
      %get3A_524 = arith.constant 16 : i32
      %get3A_525 = arith.index_cast %get3A_524 : i32 to index
      %get3A_526 = arith.constant 0 : index
      %get3A_527 = tpu.vector_load %arg15[%get3A_525, %get3A_526] {strides = array<i32>} : memref<26x16xf32, #tpu.memory_space<vmem>>, vector<1x16xf32>,
      %get3A_528 = vector.shape_cast %get3A_527 : vector<1x16xf32> to vector<16xf32>
      %mul3A_529 = arith.mulf %get3A_523, %get3A_528 : vector<16xf32>
      %add3A_530 = arith.addf %add3A_517, %mul3A_529 : vector<16xf32>
      %add3A_531 = arith.constant 17 : i32
      %add3A_532 = arith.addi %mul3A_313, %add3A_531 : i32
      %get3A_533 = arith.index_cast %add3A_532 : i32 to index
      %get3A_534 = arith.constant 0 : index
      %get3A_535 = tpu.vector_load %arg13[%get3A_533, %get3A_534] {strides = array<i32>} : memref<1664x16xf32, #tpu.memory_space<vmem>>, vector<1x16xf32>,
      %get3A_536 = vector.shape_cast %get3A_535 : vector<1x16xf32> to vector<16xf32>
      %get3A_537 = arith.constant 17 : i32
      %get3A_538 = arith.index_cast %get3A_537 : i32 to index
      %get3A_539 = arith.constant 0 : index
      %get3A_540 = tpu.vector_load %arg15[%get3A_538, %get3A_539] {strides = array<i32>} : memref<26x16xf32, #tpu.memory_space<vmem>>, vector<1x16xf32>,
      %get3A_541 = vector.shape_cast %get3A_540 : vector<1x16xf32> to vector<16xf32>
      %mul3A_542 = arith.mulf %get3A_536, %get3A_541 : vector<16xf32>
      %add3A_543 = arith.addf %add3A_530, %mul3A_542 : vector<16xf32>
      %add3A_544 = arith.constant 18 : i32
      %add3A_545 = arith.addi %mul3A_313, %add3A_544 : i32
      %get3A_546 = arith.index_cast %add3A_545 : i32 to index
      %get3A_547 = arith.constant 0 : index
      %get3A_548 = tpu.vector_load %arg13[%get3A_546, %get3A_547] {strides = array<i32>} : memref<1664x16xf32, #tpu.memory_space<vmem>>, vector<1x16xf32>,
      %get3A_549 = vector.shape_cast %get3A_548 : vector<1x16xf32> to vector<16xf32>
      %get3A_550 = arith.constant 18 : i32
      %get3A_551 = arith.index_cast %get3A_550 : i32 to index
      %get3A_552 = arith.constant 0 : index
      %get3A_553 = tpu.vector_load %arg15[%get3A_551, %get3A_552] {strides = array<i32>} : memref<26x16xf32, #tpu.memory_space<vmem>>, vector<1x16xf32>,
      %get3A_554 = vector.shape_cast %get3A_553 : vector<1x16xf32> to vector<16xf32>
      %mul3A_555 = arith.mulf %get3A_549, %get3A_554 : vector<16xf32>
      %add3A_556 = arith.addf %add3A_543, %mul3A_555 : vector<16xf32>
      %add3A_557 = arith.constant 19 : i32
      %add3A_558 = arith.addi %mul3A_313, %add3A_557 : i32
      %get3A_559 = arith.index_cast %add3A_558 : i32 to index
      %get3A_560 = arith.constant 0 : index
      %get3A_561 = tpu.vector_load %arg13[%get3A_559, %get3A_560] {strides = array<i32>} : memref<1664x16xf32, #tpu.memory_space<vmem>>, vector<1x16xf32>,
      %get3A_562 = vector.shape_cast %get3A_561 : vector<1x16xf32> to vector<16xf32>
      %get3A_563 = arith.constant 19 : i32
      %get3A_564 = arith.index_cast %get3A_563 : i32 to index
      %get3A_565 = arith.constant 0 : index
      %get3A_566 = tpu.vector_load %arg15[%get3A_564, %get3A_565] {strides = array<i32>} : memref<26x16xf32, #tpu.memory_space<vmem>>, vector<1x16xf32>,
      %get3A_567 = vector.shape_cast %get3A_566 : vector<1x16xf32> to vector<16xf32>
      %mul3A_568 = arith.mulf %get3A_562, %get3A_567 : vector<16xf32>
      %add3A_569 = arith.addf %add3A_556, %mul3A_568 : vector<16xf32>
      %add3A_570 = arith.constant 20 : i32
      %add3A_571 = arith.addi %mul3A_313, %add3A_570 : i32
      %get3A_572 = arith.index_cast %add3A_571 : i32 to index
      %get3A_573 = arith.constant 0 : index
      %get3A_574 = tpu.vector_load %arg13[%get3A_572, %get3A_573] {strides = array<i32>} : memref<1664x16xf32, #tpu.memory_space<vmem>>, vector<1x16xf32>,
      %get3A_575 = vector.shape_cast %get3A_574 : vector<1x16xf32> to vector<16xf32>
      %get3A_576 = arith.constant 20 : i32
      %get3A_577 = arith.index_cast %get3A_576 : i32 to index
      %get3A_578 = arith.constant 0 : index
      %get3A_579 = tpu.vector_load %arg15[%get3A_577, %get3A_578] {strides = array<i32>} : memref<26x16xf32, #tpu.memory_space<vmem>>, vector<1x16xf32>,
      %get3A_580 = vector.shape_cast %get3A_579 : vector<1x16xf32> to vector<16xf32>
      %mul3A_581 = arith.mulf %get3A_575, %get3A_580 : vector<16xf32>
      %add3A_582 = arith.addf %add3A_569, %mul3A_581 : vector<16xf32>
      %add3A_583 = arith.constant 21 : i32
      %add3A_584 = arith.addi %mul3A_313, %add3A_583 : i32
      %get3A_585 = arith.index_cast %add3A_584 : i32 to index
      %get3A_586 = arith.constant 0 : index
      %get3A_587 = tpu.vector_load %arg13[%get3A_585, %get3A_586] {strides = array<i32>} : memref<1664x16xf32, #tpu.memory_space<vmem>>, vector<1x16xf32>,
      %get3A_588 = vector.shape_cast %get3A_587 : vector<1x16xf32> to vector<16xf32>
      %get3A_589 = arith.constant 21 : i32
      %get3A_590 = arith.index_cast %get3A_589 : i32 to index
      %get3A_591 = arith.constant 0 : index
      %get3A_592 = tpu.vector_load %arg15[%get3A_590, %get3A_591] {strides = array<i32>} : memref<26x16xf32, #tpu.memory_space<vmem>>, vector<1x16xf32>,
      %get3A_593 = vector.shape_cast %get3A_592 : vector<1x16xf32> to vector<16xf32>
      %mul3A_594 = arith.mulf %get3A_588, %get3A_593 : vector<16xf32>
      %add3A_595 = arith.addf %add3A_582, %mul3A_594 : vector<16xf32>
      %add3A_596 = arith.constant 22 : i32
      %add3A_597 = arith.addi %mul3A_313, %add3A_596 : i32
      %get3A_598 = arith.index_cast %add3A_597 : i32 to index
      %get3A_599 = arith.constant 0 : index
      %get3A_600 = tpu.vector_load %arg13[%get3A_598, %get3A_599] {strides = array<i32>} : memref<1664x16xf32, #tpu.memory_space<vmem>>, vector<1x16xf32>,
      %get3A_601 = vector.shape_cast %get3A_600 : vector<1x16xf32> to vector<16xf32>
      %get3A_602 = arith.constant 22 : i32
      %get3A_603 = arith.index_cast %get3A_602 : i32 to index
      %get3A_604 = arith.constant 0 : index
      %get3A_605 = tpu.vector_load %arg15[%get3A_603, %get3A_604] {strides = array<i32>} : memref<26x16xf32, #tpu.memory_space<vmem>>, vector<1x16xf32>,
      %get3A_606 = vector.shape_cast %get3A_605 : vector<1x16xf32> to vector<16xf32>
      %mul3A_607 = arith.mulf %get3A_601, %get3A_606 : vector<16xf32>
      %add3A_608 = arith.addf %add3A_595, %mul3A_607 : vector<16xf32>
      %add3A_609 = arith.constant 23 : i32
      %add3A_610 = arith.addi %mul3A_313, %add3A_609 : i32
      %get3A_611 = arith.index_cast %add3A_610 : i32 to index
      %get3A_612 = arith.constant 0 : index
      %get3A_613 = tpu.vector_load %arg13[%get3A_611, %get3A_612] {strides = array<i32>} : memref<1664x16xf32, #tpu.memory_space<vmem>>, vector<1x16xf32>,
      %get3A_614 = vector.shape_cast %get3A_613 : vector<1x16xf32> to vector<16xf32>
      %get3A_615 = arith.constant 23 : i32
      %get3A_616 = arith.index_cast %get3A_615 : i32 to index
      %get3A_617 = arith.constant 0 : index
      %get3A_618 = tpu.vector_load %arg15[%get3A_616, %get3A_617] {strides = array<i32>} : memref<26x16xf32, #tpu.memory_space<vmem>>, vector<1x16xf32>,
      %get3A_619 = vector.shape_cast %get3A_618 : vector<1x16xf32> to vector<16xf32>
      %mul3A_620 = arith.mulf %get3A_614, %get3A_619 : vector<16xf32>
      %add3A_621 = arith.addf %add3A_608, %mul3A_620 : vector<16xf32>
      %add3A_622 = arith.constant 24 : i32
      %add3A_623 = arith.addi %mul3A_313, %add3A_622 : i32
      %get3A_624 = arith.index_cast %add3A_623 : i32 to index
      %get3A_625 = arith.constant 0 : index
      %get3A_626 = tpu.vector_load %arg13[%get3A_624, %get3A_625] {strides = array<i32>} : memref<1664x16xf32, #tpu.memory_space<vmem>>, vector<1x16xf32>,
      %get3A_627 = vector.shape_cast %get3A_626 : vector<1x16xf32> to vector<16xf32>
      %get3A_628 = arith.constant 24 : i32
      %get3A_629 = arith.index_cast %get3A_628 : i32 to index
      %get3A_630 = arith.constant 0 : index
      %get3A_631 = tpu.vector_load %arg15[%get3A_629, %get3A_630] {strides = array<i32>} : memref<26x16xf32, #tpu.memory_space<vmem>>, vector<1x16xf32>,
      %get3A_632 = vector.shape_cast %get3A_631 : vector<1x16xf32> to vector<16xf32>
      %mul3A_633 = arith.mulf %get3A_627, %get3A_632 : vector<16xf32>
      %add3A_634 = arith.addf %add3A_621, %mul3A_633 : vector<16xf32>
      %add3A_635 = arith.constant 25 : i32
      %add3A_636 = arith.addi %mul3A_313, %add3A_635 : i32
      %get3A_637 = arith.index_cast %add3A_636 : i32 to index
      %get3A_638 = arith.constant 0 : index
      %get3A_639 = tpu.vector_load %arg13[%get3A_637, %get3A_638] {strides = array<i32>} : memref<1664x16xf32, #tpu.memory_space<vmem>>, vector<1x16xf32>,
      %get3A_640 = vector.shape_cast %get3A_639 : vector<1x16xf32> to vector<16xf32>
      %get3A_641 = arith.constant 25 : i32
      %get3A_642 = arith.index_cast %get3A_641 : i32 to index
      %get3A_643 = arith.constant 0 : index
      %get3A_644 = tpu.vector_load %arg15[%get3A_642, %get3A_643] {strides = array<i32>} : memref<26x16xf32, #tpu.memory_space<vmem>>, vector<1x16xf32>,
      %get3A_645 = vector.shape_cast %get3A_644 : vector<1x16xf32> to vector<16xf32>
      %mul3A_646 = arith.mulf %get3A_640, %get3A_645 : vector<16xf32>
      %add3A_647 = arith.addf %add3A_634, %mul3A_646 : vector<16xf32>
      %swap3A = arith.index_cast %scan3A_310 : i32 to index
      %swap3A_648 = arith.constant 0 : index
      %swap3A_649 = tpu.vector_load %arg14[%swap3A, %swap3A_648] {strides = array<i32>} : memref<64x16xf32, #tpu.memory_space<vmem>>, vector<1x16xf32>,
      %swap3A_650 = vector.shape_cast %swap3A_649 : vector<1x16xf32> to vector<16xf32>
      %swap3A_651 = vector.shape_cast %add3A_647 : vector<16xf32> to vector<1x16xf32>
      tpu.vector_store %arg14[%swap3A, %swap3A_648], %swap3A_651 {strides = array<i32>} : memref<64x16xf32, #tpu.memory_space<vmem>>, vector<1x16xf32>,
      %scan3A_652 = arith.constant 0 : i32
      scf.yield %scan3A_652 : i32
    }
    %scan3A_81 = arith.constant 64 : i32
    "tpu.region"() ({
      %run_scoped3A = tpu.sem_alloc : memref<!tpu.dma_semaphore, #tpu.memory_space<semaphore_mem>>
      %dma_start3A_310 = arith.constant 0 : i32
      %dma_start3A_311 = tpu.memref_slice %arg7[%add3A_64, %dma_start3A_310] : memref<16384x16xf32, #tpu.memory_space<hbm>> -> memref<64x16xf32, #tpu.memory_space<hbm>>
      %dma_start3A_312 = arith.constant 0 : i32
      %dma_start3A_313 = tpu.memref_slice %arg7[%add3A_64, %dma_start3A_312] : memref<16384x16xf32, #tpu.memory_space<hbm>> -> memref<64x16xf32, #tpu.memory_space<hbm>>
      tpu.enqueue_dma source(%arg14 : memref<64x16xf32, #tpu.memory_space<vmem>>) target(%dma_start3A_313 : memref<64x16xf32, #tpu.memory_space<hbm>>) target_semaphore(%run_scoped3A : memref<!tpu.dma_semaphore, #tpu.memory_space<semaphore_mem>>)
      %dma_wait3A_314 = arith.constant 0 : i32
      %dma_wait3A_315 = tpu.memref_slice %arg7[%add3A_64, %dma_wait3A_314] : memref<16384x16xf32, #tpu.memory_space<hbm>> -> memref<64x16xf32, #tpu.memory_space<hbm>>
      %dma_wait3A_316 = arith.constant 0 : i32
      %dma_wait3A_317 = tpu.memref_slice %arg7[%add3A_64, %dma_wait3A_316] : memref<16384x16xf32, #tpu.memory_space<hbm>> -> memref<64x16xf32, #tpu.memory_space<hbm>>
      tpu.wait_dma2 semaphore(%run_scoped3A : memref<!tpu.dma_semaphore, #tpu.memory_space<semaphore_mem>>) src(%arg14 : memref<64x16xf32, #tpu.memory_space<vmem>>) dst(%dma_wait3A_317 : memref<64x16xf32, #tpu.memory_space<hbm>>)
      tpu.yield
    }) : () -> ()
    %dma_wait3A_82 = arith.constant 0 : i32
    %dma_wait3A_83 = tpu.memref_slice %arg6[%add3A_60, %dma_wait3A_82] : memref<425984x16xf32, #tpu.memory_space<hbm>> -> memref<1664x16xf32, #tpu.memory_space<hbm>>
    %dma_wait3A_84 = arith.constant 0 : i32
    %dma_wait3A_85 = tpu.memref_slice %arg6[%add3A_60, %dma_wait3A_84] : memref<425984x16xf32, #tpu.memory_space<hbm>> -> memref<1664x16xf32, #tpu.memory_space<hbm>>
    tpu.wait_dma2 semaphore(%arg21 : memref<!tpu.dma_semaphore, #tpu.memory_space<semaphore_mem>>) src(%arg11 : memref<1664x16xf32, #tpu.memory_space<vmem>>) dst(%dma_wait3A_85 : memref<1664x16xf32, #tpu.memory_space<hbm>>)
    %mul3A_86 = arith.constant 13312 : i32
    %mul3A_87 = arith.muli %add3A, %mul3A_86 : i32
    %add3A_88 = arith.constant 4992 : i32
    %add3A_89 = arith.addi %mul3A_87, %add3A_88 : i32
    "tpu.region"() ({
      %run_scoped3A = tpu.sem_alloc : memref<!tpu.dma_semaphore, #tpu.memory_space<semaphore_mem>>
      %dma_start3A_310 = tpu.memref_slice %arg2[%add3A_89] : memref<425984xi32, #tpu.memory_space<hbm>> -> memref<1664xi32, #tpu.memory_space<hbm>>
      %dma_start3A_311 = tpu.memref_slice %arg2[%add3A_89] : memref<425984xi32, #tpu.memory_space<hbm>> -> memref<1664xi32, #tpu.memory_space<hbm>>
      tpu.enqueue_dma source(%dma_start3A_311 : memref<1664xi32, #tpu.memory_space<hbm>>) target(%arg9 : memref<1664xi32, #tpu.memory_space<vmem>>) target_semaphore(%run_scoped3A : memref<!tpu.dma_semaphore, #tpu.memory_space<semaphore_mem>>)
      %dma_wait3A_312 = tpu.memref_slice %arg2[%add3A_89] : memref<425984xi32, #tpu.memory_space<hbm>> -> memref<1664xi32, #tpu.memory_space<hbm>>
      %dma_wait3A_313 = tpu.memref_slice %arg2[%add3A_89] : memref<425984xi32, #tpu.memory_space<hbm>> -> memref<1664xi32, #tpu.memory_space<hbm>>
      tpu.wait_dma2 semaphore(%run_scoped3A : memref<!tpu.dma_semaphore, #tpu.memory_space<semaphore_mem>>) src(%dma_wait3A_313 : memref<1664xi32, #tpu.memory_space<hbm>>) dst(%arg9 : memref<1664xi32, #tpu.memory_space<vmem>>)
      tpu.yield
    }) : () -> ()
    %dma_start3A_90 = arith.constant 0 : i32
    %dma_start3A_91 = arith.constant 0 : i32
    %dma_start3A_92 = tpu.memref_slice %arg3[%dma_start3A_90, %dma_start3A_91] : memref<1000000x16xf32, #tpu.memory_space<hbm>> -> memref<1000000x16xf32, #tpu.memory_space<hbm>>
    tpu.enqueue_indirect_dma source(%dma_start3A_92 : memref<1000000x16xf32, #tpu.memory_space<hbm>>) target(%arg11 : memref<1664x16xf32, #tpu.memory_space<vmem>>) offsets(%arg9 : memref<1664xi32, #tpu.memory_space<vmem>>) semaphore(%arg17 : memref<!tpu.dma_semaphore, #tpu.memory_space<semaphore_mem>>)
    %dma_start3A_93 = arith.constant 0 : i32
    %dma_start3A_94 = arith.constant 0 : i32
    %dma_start3A_95 = tpu.memref_slice %arg4[%dma_start3A_93, %dma_start3A_94] : memref<1000000x16xf32, #tpu.memory_space<hbm>> -> memref<1000000x16xf32, #tpu.memory_space<hbm>>
    tpu.enqueue_indirect_dma source(%dma_start3A_95 : memref<1000000x16xf32, #tpu.memory_space<hbm>>) target(%arg13 : memref<1664x16xf32, #tpu.memory_space<vmem>>) offsets(%arg9 : memref<1664xi32, #tpu.memory_space<vmem>>) semaphore(%arg19 : memref<!tpu.dma_semaphore, #tpu.memory_space<semaphore_mem>>)
    %mul3A_96 = arith.constant 13312 : i32
    %mul3A_97 = arith.muli %add3A, %mul3A_96 : i32
    %add3A_98 = arith.constant 3328 : i32
    %add3A_99 = arith.addi %mul3A_97, %add3A_98 : i32
    %mul3A_100 = arith.constant 512 : i32
    %mul3A_101 = arith.muli %add3A, %mul3A_100 : i32
    %add3A_102 = arith.constant 128 : i32
    %add3A_103 = arith.addi %mul3A_101, %add3A_102 : i32
    %dma_wait3A_104 = arith.constant 0 : i32
    %dma_wait3A_105 = arith.constant 0 : i32
    %dma_wait3A_106 = tpu.memref_slice %arg3[%dma_wait3A_104, %dma_wait3A_105] : memref<1000000x16xf32, #tpu.memory_space<hbm>> -> memref<1000000x16xf32, #tpu.memory_space<hbm>>
    tpu.wait_indirect_dma semaphore(%arg16 : memref<!tpu.dma_semaphore, #tpu.memory_space<semaphore_mem>>) src(%dma_wait3A_106 : memref<1000000x16xf32, #tpu.memory_space<hbm>>) dst(%arg10 : memref<1664x16xf32, #tpu.memory_space<vmem>>)
    %dma_start3A_107 = arith.constant 0 : i32
    %dma_start3A_108 = tpu.memref_slice %arg6[%add3A_99, %dma_start3A_107] : memref<425984x16xf32, #tpu.memory_space<hbm>> -> memref<1664x16xf32, #tpu.memory_space<hbm>>
    %dma_start3A_109 = arith.constant 0 : i32
    %dma_start3A_110 = tpu.memref_slice %arg6[%add3A_99, %dma_start3A_109] : memref<425984x16xf32, #tpu.memory_space<hbm>> -> memref<1664x16xf32, #tpu.memory_space<hbm>>
    tpu.enqueue_dma source(%arg10 : memref<1664x16xf32, #tpu.memory_space<vmem>>) target(%dma_start3A_110 : memref<1664x16xf32, #tpu.memory_space<hbm>>) target_semaphore(%arg20 : memref<!tpu.dma_semaphore, #tpu.memory_space<semaphore_mem>>)
    %dma_wait3A_111 = arith.constant 0 : i32
    %dma_wait3A_112 = arith.constant 0 : i32
    %dma_wait3A_113 = tpu.memref_slice %arg4[%dma_wait3A_111, %dma_wait3A_112] : memref<1000000x16xf32, #tpu.memory_space<hbm>> -> memref<1000000x16xf32, #tpu.memory_space<hbm>>
    tpu.wait_indirect_dma semaphore(%arg18 : memref<!tpu.dma_semaphore, #tpu.memory_space<semaphore_mem>>) src(%dma_wait3A_113 : memref<1000000x16xf32, #tpu.memory_space<hbm>>) dst(%arg12 : memref<1664x16xf32, #tpu.memory_space<vmem>>)
    %scan3A_114 = arith.constant 0 : i32
    %scan3A_115 = arith.constant 0 : i32
    %scan3A_116 = arith.constant 64 : i32
    %scan3A_117 = arith.addi %scan3A_115, %scan3A_116 : i32
    %scan3A_118 = arith.constant 1 : i32
    %scan3A_119 = scf.for %scan3A_310 = %scan3A_115 to %scan3A_117 step %scan3A_118 iter_args(%scan3A_311 = %scan3A_114) -> (i32)  : i32 {
      %mul3A_312 = arith.constant 26 : i32
      %mul3A_313 = arith.muli %scan3A_310, %mul3A_312 : i32
      %get3A = arith.index_cast %mul3A_313 : i32 to index
      %get3A_314 = arith.constant 0 : index
      %get3A_315 = tpu.vector_load %arg12[%get3A, %get3A_314] {strides = array<i32>} : memref<1664x16xf32, #tpu.memory_space<vmem>>, vector<1x16xf32>,
      %get3A_316 = vector.shape_cast %get3A_315 : vector<1x16xf32> to vector<16xf32>
      %get3A_317 = arith.constant 0 : i32
      %get3A_318 = arith.index_cast %get3A_317 : i32 to index
      %get3A_319 = arith.constant 0 : index
      %get3A_320 = tpu.vector_load %arg15[%get3A_318, %get3A_319] {strides = array<i32>} : memref<26x16xf32, #tpu.memory_space<vmem>>, vector<1x16xf32>,
      %get3A_321 = vector.shape_cast %get3A_320 : vector<1x16xf32> to vector<16xf32>
      %mul3A_322 = arith.mulf %get3A_316, %get3A_321 : vector<16xf32>
      %add3A_323 = arith.constant 1 : i32
      %add3A_324 = arith.addi %mul3A_313, %add3A_323 : i32
      %get3A_325 = arith.index_cast %add3A_324 : i32 to index
      %get3A_326 = arith.constant 0 : index
      %get3A_327 = tpu.vector_load %arg12[%get3A_325, %get3A_326] {strides = array<i32>} : memref<1664x16xf32, #tpu.memory_space<vmem>>, vector<1x16xf32>,
      %get3A_328 = vector.shape_cast %get3A_327 : vector<1x16xf32> to vector<16xf32>
      %get3A_329 = arith.constant 1 : i32
      %get3A_330 = arith.index_cast %get3A_329 : i32 to index
      %get3A_331 = arith.constant 0 : index
      %get3A_332 = tpu.vector_load %arg15[%get3A_330, %get3A_331] {strides = array<i32>} : memref<26x16xf32, #tpu.memory_space<vmem>>, vector<1x16xf32>,
      %get3A_333 = vector.shape_cast %get3A_332 : vector<1x16xf32> to vector<16xf32>
      %mul3A_334 = arith.mulf %get3A_328, %get3A_333 : vector<16xf32>
      %add3A_335 = arith.addf %mul3A_322, %mul3A_334 : vector<16xf32>
      %add3A_336 = arith.constant 2 : i32
      %add3A_337 = arith.addi %mul3A_313, %add3A_336 : i32
      %get3A_338 = arith.index_cast %add3A_337 : i32 to index
      %get3A_339 = arith.constant 0 : index
      %get3A_340 = tpu.vector_load %arg12[%get3A_338, %get3A_339] {strides = array<i32>} : memref<1664x16xf32, #tpu.memory_space<vmem>>, vector<1x16xf32>,
      %get3A_341 = vector.shape_cast %get3A_340 : vector<1x16xf32> to vector<16xf32>
      %get3A_342 = arith.constant 2 : i32
      %get3A_343 = arith.index_cast %get3A_342 : i32 to index
      %get3A_344 = arith.constant 0 : index
      %get3A_345 = tpu.vector_load %arg15[%get3A_343, %get3A_344] {strides = array<i32>} : memref<26x16xf32, #tpu.memory_space<vmem>>, vector<1x16xf32>,
      %get3A_346 = vector.shape_cast %get3A_345 : vector<1x16xf32> to vector<16xf32>
      %mul3A_347 = arith.mulf %get3A_341, %get3A_346 : vector<16xf32>
      %add3A_348 = arith.addf %add3A_335, %mul3A_347 : vector<16xf32>
      %add3A_349 = arith.constant 3 : i32
      %add3A_350 = arith.addi %mul3A_313, %add3A_349 : i32
      %get3A_351 = arith.index_cast %add3A_350 : i32 to index
      %get3A_352 = arith.constant 0 : index
      %get3A_353 = tpu.vector_load %arg12[%get3A_351, %get3A_352] {strides = array<i32>} : memref<1664x16xf32, #tpu.memory_space<vmem>>, vector<1x16xf32>,
      %get3A_354 = vector.shape_cast %get3A_353 : vector<1x16xf32> to vector<16xf32>
      %get3A_355 = arith.constant 3 : i32
      %get3A_356 = arith.index_cast %get3A_355 : i32 to index
      %get3A_357 = arith.constant 0 : index
      %get3A_358 = tpu.vector_load %arg15[%get3A_356, %get3A_357] {strides = array<i32>} : memref<26x16xf32, #tpu.memory_space<vmem>>, vector<1x16xf32>,
      %get3A_359 = vector.shape_cast %get3A_358 : vector<1x16xf32> to vector<16xf32>
      %mul3A_360 = arith.mulf %get3A_354, %get3A_359 : vector<16xf32>
      %add3A_361 = arith.addf %add3A_348, %mul3A_360 : vector<16xf32>
      %add3A_362 = arith.constant 4 : i32
      %add3A_363 = arith.addi %mul3A_313, %add3A_362 : i32
      %get3A_364 = arith.index_cast %add3A_363 : i32 to index
      %get3A_365 = arith.constant 0 : index
      %get3A_366 = tpu.vector_load %arg12[%get3A_364, %get3A_365] {strides = array<i32>} : memref<1664x16xf32, #tpu.memory_space<vmem>>, vector<1x16xf32>,
      %get3A_367 = vector.shape_cast %get3A_366 : vector<1x16xf32> to vector<16xf32>
      %get3A_368 = arith.constant 4 : i32
      %get3A_369 = arith.index_cast %get3A_368 : i32 to index
      %get3A_370 = arith.constant 0 : index
      %get3A_371 = tpu.vector_load %arg15[%get3A_369, %get3A_370] {strides = array<i32>} : memref<26x16xf32, #tpu.memory_space<vmem>>, vector<1x16xf32>,
      %get3A_372 = vector.shape_cast %get3A_371 : vector<1x16xf32> to vector<16xf32>
      %mul3A_373 = arith.mulf %get3A_367, %get3A_372 : vector<16xf32>
      %add3A_374 = arith.addf %add3A_361, %mul3A_373 : vector<16xf32>
      %add3A_375 = arith.constant 5 : i32
      %add3A_376 = arith.addi %mul3A_313, %add3A_375 : i32
      %get3A_377 = arith.index_cast %add3A_376 : i32 to index
      %get3A_378 = arith.constant 0 : index
      %get3A_379 = tpu.vector_load %arg12[%get3A_377, %get3A_378] {strides = array<i32>} : memref<1664x16xf32, #tpu.memory_space<vmem>>, vector<1x16xf32>,
      %get3A_380 = vector.shape_cast %get3A_379 : vector<1x16xf32> to vector<16xf32>
      %get3A_381 = arith.constant 5 : i32
      %get3A_382 = arith.index_cast %get3A_381 : i32 to index
      %get3A_383 = arith.constant 0 : index
      %get3A_384 = tpu.vector_load %arg15[%get3A_382, %get3A_383] {strides = array<i32>} : memref<26x16xf32, #tpu.memory_space<vmem>>, vector<1x16xf32>,
      %get3A_385 = vector.shape_cast %get3A_384 : vector<1x16xf32> to vector<16xf32>
      %mul3A_386 = arith.mulf %get3A_380, %get3A_385 : vector<16xf32>
      %add3A_387 = arith.addf %add3A_374, %mul3A_386 : vector<16xf32>
      %add3A_388 = arith.constant 6 : i32
      %add3A_389 = arith.addi %mul3A_313, %add3A_388 : i32
      %get3A_390 = arith.index_cast %add3A_389 : i32 to index
      %get3A_391 = arith.constant 0 : index
      %get3A_392 = tpu.vector_load %arg12[%get3A_390, %get3A_391] {strides = array<i32>} : memref<1664x16xf32, #tpu.memory_space<vmem>>, vector<1x16xf32>,
      %get3A_393 = vector.shape_cast %get3A_392 : vector<1x16xf32> to vector<16xf32>
      %get3A_394 = arith.constant 6 : i32
      %get3A_395 = arith.index_cast %get3A_394 : i32 to index
      %get3A_396 = arith.constant 0 : index
      %get3A_397 = tpu.vector_load %arg15[%get3A_395, %get3A_396] {strides = array<i32>} : memref<26x16xf32, #tpu.memory_space<vmem>>, vector<1x16xf32>,
      %get3A_398 = vector.shape_cast %get3A_397 : vector<1x16xf32> to vector<16xf32>
      %mul3A_399 = arith.mulf %get3A_393, %get3A_398 : vector<16xf32>
      %add3A_400 = arith.addf %add3A_387, %mul3A_399 : vector<16xf32>
      %add3A_401 = arith.constant 7 : i32
      %add3A_402 = arith.addi %mul3A_313, %add3A_401 : i32
      %get3A_403 = arith.index_cast %add3A_402 : i32 to index
      %get3A_404 = arith.constant 0 : index
      %get3A_405 = tpu.vector_load %arg12[%get3A_403, %get3A_404] {strides = array<i32>} : memref<1664x16xf32, #tpu.memory_space<vmem>>, vector<1x16xf32>,
      %get3A_406 = vector.shape_cast %get3A_405 : vector<1x16xf32> to vector<16xf32>
      %get3A_407 = arith.constant 7 : i32
      %get3A_408 = arith.index_cast %get3A_407 : i32 to index
      %get3A_409 = arith.constant 0 : index
      %get3A_410 = tpu.vector_load %arg15[%get3A_408, %get3A_409] {strides = array<i32>} : memref<26x16xf32, #tpu.memory_space<vmem>>, vector<1x16xf32>,
      %get3A_411 = vector.shape_cast %get3A_410 : vector<1x16xf32> to vector<16xf32>
      %mul3A_412 = arith.mulf %get3A_406, %get3A_411 : vector<16xf32>
      %add3A_413 = arith.addf %add3A_400, %mul3A_412 : vector<16xf32>
      %add3A_414 = arith.constant 8 : i32
      %add3A_415 = arith.addi %mul3A_313, %add3A_414 : i32
      %get3A_416 = arith.index_cast %add3A_415 : i32 to index
      %get3A_417 = arith.constant 0 : index
      %get3A_418 = tpu.vector_load %arg12[%get3A_416, %get3A_417] {strides = array<i32>} : memref<1664x16xf32, #tpu.memory_space<vmem>>, vector<1x16xf32>,
      %get3A_419 = vector.shape_cast %get3A_418 : vector<1x16xf32> to vector<16xf32>
      %get3A_420 = arith.constant 8 : i32
      %get3A_421 = arith.index_cast %get3A_420 : i32 to index
      %get3A_422 = arith.constant 0 : index
      %get3A_423 = tpu.vector_load %arg15[%get3A_421, %get3A_422] {strides = array<i32>} : memref<26x16xf32, #tpu.memory_space<vmem>>, vector<1x16xf32>,
      %get3A_424 = vector.shape_cast %get3A_423 : vector<1x16xf32> to vector<16xf32>
      %mul3A_425 = arith.mulf %get3A_419, %get3A_424 : vector<16xf32>
      %add3A_426 = arith.addf %add3A_413, %mul3A_425 : vector<16xf32>
      %add3A_427 = arith.constant 9 : i32
      %add3A_428 = arith.addi %mul3A_313, %add3A_427 : i32
      %get3A_429 = arith.index_cast %add3A_428 : i32 to index
      %get3A_430 = arith.constant 0 : index
      %get3A_431 = tpu.vector_load %arg12[%get3A_429, %get3A_430] {strides = array<i32>} : memref<1664x16xf32, #tpu.memory_space<vmem>>, vector<1x16xf32>,
      %get3A_432 = vector.shape_cast %get3A_431 : vector<1x16xf32> to vector<16xf32>
      %get3A_433 = arith.constant 9 : i32
      %get3A_434 = arith.index_cast %get3A_433 : i32 to index
      %get3A_435 = arith.constant 0 : index
      %get3A_436 = tpu.vector_load %arg15[%get3A_434, %get3A_435] {strides = array<i32>} : memref<26x16xf32, #tpu.memory_space<vmem>>, vector<1x16xf32>,
      %get3A_437 = vector.shape_cast %get3A_436 : vector<1x16xf32> to vector<16xf32>
      %mul3A_438 = arith.mulf %get3A_432, %get3A_437 : vector<16xf32>
      %add3A_439 = arith.addf %add3A_426, %mul3A_438 : vector<16xf32>
      %add3A_440 = arith.constant 10 : i32
      %add3A_441 = arith.addi %mul3A_313, %add3A_440 : i32
      %get3A_442 = arith.index_cast %add3A_441 : i32 to index
      %get3A_443 = arith.constant 0 : index
      %get3A_444 = tpu.vector_load %arg12[%get3A_442, %get3A_443] {strides = array<i32>} : memref<1664x16xf32, #tpu.memory_space<vmem>>, vector<1x16xf32>,
      %get3A_445 = vector.shape_cast %get3A_444 : vector<1x16xf32> to vector<16xf32>
      %get3A_446 = arith.constant 10 : i32
      %get3A_447 = arith.index_cast %get3A_446 : i32 to index
      %get3A_448 = arith.constant 0 : index
      %get3A_449 = tpu.vector_load %arg15[%get3A_447, %get3A_448] {strides = array<i32>} : memref<26x16xf32, #tpu.memory_space<vmem>>, vector<1x16xf32>,
      %get3A_450 = vector.shape_cast %get3A_449 : vector<1x16xf32> to vector<16xf32>
      %mul3A_451 = arith.mulf %get3A_445, %get3A_450 : vector<16xf32>
      %add3A_452 = arith.addf %add3A_439, %mul3A_451 : vector<16xf32>
      %add3A_453 = arith.constant 11 : i32
      %add3A_454 = arith.addi %mul3A_313, %add3A_453 : i32
      %get3A_455 = arith.index_cast %add3A_454 : i32 to index
      %get3A_456 = arith.constant 0 : index
      %get3A_457 = tpu.vector_load %arg12[%get3A_455, %get3A_456] {strides = array<i32>} : memref<1664x16xf32, #tpu.memory_space<vmem>>, vector<1x16xf32>,
      %get3A_458 = vector.shape_cast %get3A_457 : vector<1x16xf32> to vector<16xf32>
      %get3A_459 = arith.constant 11 : i32
      %get3A_460 = arith.index_cast %get3A_459 : i32 to index
      %get3A_461 = arith.constant 0 : index
      %get3A_462 = tpu.vector_load %arg15[%get3A_460, %get3A_461] {strides = array<i32>} : memref<26x16xf32, #tpu.memory_space<vmem>>, vector<1x16xf32>,
      %get3A_463 = vector.shape_cast %get3A_462 : vector<1x16xf32> to vector<16xf32>
      %mul3A_464 = arith.mulf %get3A_458, %get3A_463 : vector<16xf32>
      %add3A_465 = arith.addf %add3A_452, %mul3A_464 : vector<16xf32>
      %add3A_466 = arith.constant 12 : i32
      %add3A_467 = arith.addi %mul3A_313, %add3A_466 : i32
      %get3A_468 = arith.index_cast %add3A_467 : i32 to index
      %get3A_469 = arith.constant 0 : index
      %get3A_470 = tpu.vector_load %arg12[%get3A_468, %get3A_469] {strides = array<i32>} : memref<1664x16xf32, #tpu.memory_space<vmem>>, vector<1x16xf32>,
      %get3A_471 = vector.shape_cast %get3A_470 : vector<1x16xf32> to vector<16xf32>
      %get3A_472 = arith.constant 12 : i32
      %get3A_473 = arith.index_cast %get3A_472 : i32 to index
      %get3A_474 = arith.constant 0 : index
      %get3A_475 = tpu.vector_load %arg15[%get3A_473, %get3A_474] {strides = array<i32>} : memref<26x16xf32, #tpu.memory_space<vmem>>, vector<1x16xf32>,
      %get3A_476 = vector.shape_cast %get3A_475 : vector<1x16xf32> to vector<16xf32>
      %mul3A_477 = arith.mulf %get3A_471, %get3A_476 : vector<16xf32>
      %add3A_478 = arith.addf %add3A_465, %mul3A_477 : vector<16xf32>
      %add3A_479 = arith.constant 13 : i32
      %add3A_480 = arith.addi %mul3A_313, %add3A_479 : i32
      %get3A_481 = arith.index_cast %add3A_480 : i32 to index
      %get3A_482 = arith.constant 0 : index
      %get3A_483 = tpu.vector_load %arg12[%get3A_481, %get3A_482] {strides = array<i32>} : memref<1664x16xf32, #tpu.memory_space<vmem>>, vector<1x16xf32>,
      %get3A_484 = vector.shape_cast %get3A_483 : vector<1x16xf32> to vector<16xf32>
      %get3A_485 = arith.constant 13 : i32
      %get3A_486 = arith.index_cast %get3A_485 : i32 to index
      %get3A_487 = arith.constant 0 : index
      %get3A_488 = tpu.vector_load %arg15[%get3A_486, %get3A_487] {strides = array<i32>} : memref<26x16xf32, #tpu.memory_space<vmem>>, vector<1x16xf32>,
      %get3A_489 = vector.shape_cast %get3A_488 : vector<1x16xf32> to vector<16xf32>
      %mul3A_490 = arith.mulf %get3A_484, %get3A_489 : vector<16xf32>
      %add3A_491 = arith.addf %add3A_478, %mul3A_490 : vector<16xf32>
      %add3A_492 = arith.constant 14 : i32
      %add3A_493 = arith.addi %mul3A_313, %add3A_492 : i32
      %get3A_494 = arith.index_cast %add3A_493 : i32 to index
      %get3A_495 = arith.constant 0 : index
      %get3A_496 = tpu.vector_load %arg12[%get3A_494, %get3A_495] {strides = array<i32>} : memref<1664x16xf32, #tpu.memory_space<vmem>>, vector<1x16xf32>,
      %get3A_497 = vector.shape_cast %get3A_496 : vector<1x16xf32> to vector<16xf32>
      %get3A_498 = arith.constant 14 : i32
      %get3A_499 = arith.index_cast %get3A_498 : i32 to index
      %get3A_500 = arith.constant 0 : index
      %get3A_501 = tpu.vector_load %arg15[%get3A_499, %get3A_500] {strides = array<i32>} : memref<26x16xf32, #tpu.memory_space<vmem>>, vector<1x16xf32>,
      %get3A_502 = vector.shape_cast %get3A_501 : vector<1x16xf32> to vector<16xf32>
      %mul3A_503 = arith.mulf %get3A_497, %get3A_502 : vector<16xf32>
      %add3A_504 = arith.addf %add3A_491, %mul3A_503 : vector<16xf32>
      %add3A_505 = arith.constant 15 : i32
      %add3A_506 = arith.addi %mul3A_313, %add3A_505 : i32
      %get3A_507 = arith.index_cast %add3A_506 : i32 to index
      %get3A_508 = arith.constant 0 : index
      %get3A_509 = tpu.vector_load %arg12[%get3A_507, %get3A_508] {strides = array<i32>} : memref<1664x16xf32, #tpu.memory_space<vmem>>, vector<1x16xf32>,
      %get3A_510 = vector.shape_cast %get3A_509 : vector<1x16xf32> to vector<16xf32>
      %get3A_511 = arith.constant 15 : i32
      %get3A_512 = arith.index_cast %get3A_511 : i32 to index
      %get3A_513 = arith.constant 0 : index
      %get3A_514 = tpu.vector_load %arg15[%get3A_512, %get3A_513] {strides = array<i32>} : memref<26x16xf32, #tpu.memory_space<vmem>>, vector<1x16xf32>,
      %get3A_515 = vector.shape_cast %get3A_514 : vector<1x16xf32> to vector<16xf32>
      %mul3A_516 = arith.mulf %get3A_510, %get3A_515 : vector<16xf32>
      %add3A_517 = arith.addf %add3A_504, %mul3A_516 : vector<16xf32>
      %add3A_518 = arith.constant 16 : i32
      %add3A_519 = arith.addi %mul3A_313, %add3A_518 : i32
      %get3A_520 = arith.index_cast %add3A_519 : i32 to index
      %get3A_521 = arith.constant 0 : index
      %get3A_522 = tpu.vector_load %arg12[%get3A_520, %get3A_521] {strides = array<i32>} : memref<1664x16xf32, #tpu.memory_space<vmem>>, vector<1x16xf32>,
      %get3A_523 = vector.shape_cast %get3A_522 : vector<1x16xf32> to vector<16xf32>
      %get3A_524 = arith.constant 16 : i32
      %get3A_525 = arith.index_cast %get3A_524 : i32 to index
      %get3A_526 = arith.constant 0 : index
      %get3A_527 = tpu.vector_load %arg15[%get3A_525, %get3A_526] {strides = array<i32>} : memref<26x16xf32, #tpu.memory_space<vmem>>, vector<1x16xf32>,
      %get3A_528 = vector.shape_cast %get3A_527 : vector<1x16xf32> to vector<16xf32>
      %mul3A_529 = arith.mulf %get3A_523, %get3A_528 : vector<16xf32>
      %add3A_530 = arith.addf %add3A_517, %mul3A_529 : vector<16xf32>
      %add3A_531 = arith.constant 17 : i32
      %add3A_532 = arith.addi %mul3A_313, %add3A_531 : i32
      %get3A_533 = arith.index_cast %add3A_532 : i32 to index
      %get3A_534 = arith.constant 0 : index
      %get3A_535 = tpu.vector_load %arg12[%get3A_533, %get3A_534] {strides = array<i32>} : memref<1664x16xf32, #tpu.memory_space<vmem>>, vector<1x16xf32>,
      %get3A_536 = vector.shape_cast %get3A_535 : vector<1x16xf32> to vector<16xf32>
      %get3A_537 = arith.constant 17 : i32
      %get3A_538 = arith.index_cast %get3A_537 : i32 to index
      %get3A_539 = arith.constant 0 : index
      %get3A_540 = tpu.vector_load %arg15[%get3A_538, %get3A_539] {strides = array<i32>} : memref<26x16xf32, #tpu.memory_space<vmem>>, vector<1x16xf32>,
      %get3A_541 = vector.shape_cast %get3A_540 : vector<1x16xf32> to vector<16xf32>
      %mul3A_542 = arith.mulf %get3A_536, %get3A_541 : vector<16xf32>
      %add3A_543 = arith.addf %add3A_530, %mul3A_542 : vector<16xf32>
      %add3A_544 = arith.constant 18 : i32
      %add3A_545 = arith.addi %mul3A_313, %add3A_544 : i32
      %get3A_546 = arith.index_cast %add3A_545 : i32 to index
      %get3A_547 = arith.constant 0 : index
      %get3A_548 = tpu.vector_load %arg12[%get3A_546, %get3A_547] {strides = array<i32>} : memref<1664x16xf32, #tpu.memory_space<vmem>>, vector<1x16xf32>,
      %get3A_549 = vector.shape_cast %get3A_548 : vector<1x16xf32> to vector<16xf32>
      %get3A_550 = arith.constant 18 : i32
      %get3A_551 = arith.index_cast %get3A_550 : i32 to index
      %get3A_552 = arith.constant 0 : index
      %get3A_553 = tpu.vector_load %arg15[%get3A_551, %get3A_552] {strides = array<i32>} : memref<26x16xf32, #tpu.memory_space<vmem>>, vector<1x16xf32>,
      %get3A_554 = vector.shape_cast %get3A_553 : vector<1x16xf32> to vector<16xf32>
      %mul3A_555 = arith.mulf %get3A_549, %get3A_554 : vector<16xf32>
      %add3A_556 = arith.addf %add3A_543, %mul3A_555 : vector<16xf32>
      %add3A_557 = arith.constant 19 : i32
      %add3A_558 = arith.addi %mul3A_313, %add3A_557 : i32
      %get3A_559 = arith.index_cast %add3A_558 : i32 to index
      %get3A_560 = arith.constant 0 : index
      %get3A_561 = tpu.vector_load %arg12[%get3A_559, %get3A_560] {strides = array<i32>} : memref<1664x16xf32, #tpu.memory_space<vmem>>, vector<1x16xf32>,
      %get3A_562 = vector.shape_cast %get3A_561 : vector<1x16xf32> to vector<16xf32>
      %get3A_563 = arith.constant 19 : i32
      %get3A_564 = arith.index_cast %get3A_563 : i32 to index
      %get3A_565 = arith.constant 0 : index
      %get3A_566 = tpu.vector_load %arg15[%get3A_564, %get3A_565] {strides = array<i32>} : memref<26x16xf32, #tpu.memory_space<vmem>>, vector<1x16xf32>,
      %get3A_567 = vector.shape_cast %get3A_566 : vector<1x16xf32> to vector<16xf32>
      %mul3A_568 = arith.mulf %get3A_562, %get3A_567 : vector<16xf32>
      %add3A_569 = arith.addf %add3A_556, %mul3A_568 : vector<16xf32>
      %add3A_570 = arith.constant 20 : i32
      %add3A_571 = arith.addi %mul3A_313, %add3A_570 : i32
      %get3A_572 = arith.index_cast %add3A_571 : i32 to index
      %get3A_573 = arith.constant 0 : index
      %get3A_574 = tpu.vector_load %arg12[%get3A_572, %get3A_573] {strides = array<i32>} : memref<1664x16xf32, #tpu.memory_space<vmem>>, vector<1x16xf32>,
      %get3A_575 = vector.shape_cast %get3A_574 : vector<1x16xf32> to vector<16xf32>
      %get3A_576 = arith.constant 20 : i32
      %get3A_577 = arith.index_cast %get3A_576 : i32 to index
      %get3A_578 = arith.constant 0 : index
      %get3A_579 = tpu.vector_load %arg15[%get3A_577, %get3A_578] {strides = array<i32>} : memref<26x16xf32, #tpu.memory_space<vmem>>, vector<1x16xf32>,
      %get3A_580 = vector.shape_cast %get3A_579 : vector<1x16xf32> to vector<16xf32>
      %mul3A_581 = arith.mulf %get3A_575, %get3A_580 : vector<16xf32>
      %add3A_582 = arith.addf %add3A_569, %mul3A_581 : vector<16xf32>
      %add3A_583 = arith.constant 21 : i32
      %add3A_584 = arith.addi %mul3A_313, %add3A_583 : i32
      %get3A_585 = arith.index_cast %add3A_584 : i32 to index
      %get3A_586 = arith.constant 0 : index
      %get3A_587 = tpu.vector_load %arg12[%get3A_585, %get3A_586] {strides = array<i32>} : memref<1664x16xf32, #tpu.memory_space<vmem>>, vector<1x16xf32>,
      %get3A_588 = vector.shape_cast %get3A_587 : vector<1x16xf32> to vector<16xf32>
      %get3A_589 = arith.constant 21 : i32
      %get3A_590 = arith.index_cast %get3A_589 : i32 to index
      %get3A_591 = arith.constant 0 : index
      %get3A_592 = tpu.vector_load %arg15[%get3A_590, %get3A_591] {strides = array<i32>} : memref<26x16xf32, #tpu.memory_space<vmem>>, vector<1x16xf32>,
      %get3A_593 = vector.shape_cast %get3A_592 : vector<1x16xf32> to vector<16xf32>
      %mul3A_594 = arith.mulf %get3A_588, %get3A_593 : vector<16xf32>
      %add3A_595 = arith.addf %add3A_582, %mul3A_594 : vector<16xf32>
      %add3A_596 = arith.constant 22 : i32
      %add3A_597 = arith.addi %mul3A_313, %add3A_596 : i32
      %get3A_598 = arith.index_cast %add3A_597 : i32 to index
      %get3A_599 = arith.constant 0 : index
      %get3A_600 = tpu.vector_load %arg12[%get3A_598, %get3A_599] {strides = array<i32>} : memref<1664x16xf32, #tpu.memory_space<vmem>>, vector<1x16xf32>,
      %get3A_601 = vector.shape_cast %get3A_600 : vector<1x16xf32> to vector<16xf32>
      %get3A_602 = arith.constant 22 : i32
      %get3A_603 = arith.index_cast %get3A_602 : i32 to index
      %get3A_604 = arith.constant 0 : index
      %get3A_605 = tpu.vector_load %arg15[%get3A_603, %get3A_604] {strides = array<i32>} : memref<26x16xf32, #tpu.memory_space<vmem>>, vector<1x16xf32>,
      %get3A_606 = vector.shape_cast %get3A_605 : vector<1x16xf32> to vector<16xf32>
      %mul3A_607 = arith.mulf %get3A_601, %get3A_606 : vector<16xf32>
      %add3A_608 = arith.addf %add3A_595, %mul3A_607 : vector<16xf32>
      %add3A_609 = arith.constant 23 : i32
      %add3A_610 = arith.addi %mul3A_313, %add3A_609 : i32
      %get3A_611 = arith.index_cast %add3A_610 : i32 to index
      %get3A_612 = arith.constant 0 : index
      %get3A_613 = tpu.vector_load %arg12[%get3A_611, %get3A_612] {strides = array<i32>} : memref<1664x16xf32, #tpu.memory_space<vmem>>, vector<1x16xf32>,
      %get3A_614 = vector.shape_cast %get3A_613 : vector<1x16xf32> to vector<16xf32>
      %get3A_615 = arith.constant 23 : i32
      %get3A_616 = arith.index_cast %get3A_615 : i32 to index
      %get3A_617 = arith.constant 0 : index
      %get3A_618 = tpu.vector_load %arg15[%get3A_616, %get3A_617] {strides = array<i32>} : memref<26x16xf32, #tpu.memory_space<vmem>>, vector<1x16xf32>,
      %get3A_619 = vector.shape_cast %get3A_618 : vector<1x16xf32> to vector<16xf32>
      %mul3A_620 = arith.mulf %get3A_614, %get3A_619 : vector<16xf32>
      %add3A_621 = arith.addf %add3A_608, %mul3A_620 : vector<16xf32>
      %add3A_622 = arith.constant 24 : i32
      %add3A_623 = arith.addi %mul3A_313, %add3A_622 : i32
      %get3A_624 = arith.index_cast %add3A_623 : i32 to index
      %get3A_625 = arith.constant 0 : index
      %get3A_626 = tpu.vector_load %arg12[%get3A_624, %get3A_625] {strides = array<i32>} : memref<1664x16xf32, #tpu.memory_space<vmem>>, vector<1x16xf32>,
      %get3A_627 = vector.shape_cast %get3A_626 : vector<1x16xf32> to vector<16xf32>
      %get3A_628 = arith.constant 24 : i32
      %get3A_629 = arith.index_cast %get3A_628 : i32 to index
      %get3A_630 = arith.constant 0 : index
      %get3A_631 = tpu.vector_load %arg15[%get3A_629, %get3A_630] {strides = array<i32>} : memref<26x16xf32, #tpu.memory_space<vmem>>, vector<1x16xf32>,
      %get3A_632 = vector.shape_cast %get3A_631 : vector<1x16xf32> to vector<16xf32>
      %mul3A_633 = arith.mulf %get3A_627, %get3A_632 : vector<16xf32>
      %add3A_634 = arith.addf %add3A_621, %mul3A_633 : vector<16xf32>
      %add3A_635 = arith.constant 25 : i32
      %add3A_636 = arith.addi %mul3A_313, %add3A_635 : i32
      %get3A_637 = arith.index_cast %add3A_636 : i32 to index
      %get3A_638 = arith.constant 0 : index
      %get3A_639 = tpu.vector_load %arg12[%get3A_637, %get3A_638] {strides = array<i32>} : memref<1664x16xf32, #tpu.memory_space<vmem>>, vector<1x16xf32>,
      %get3A_640 = vector.shape_cast %get3A_639 : vector<1x16xf32> to vector<16xf32>
      %get3A_641 = arith.constant 25 : i32
      %get3A_642 = arith.index_cast %get3A_641 : i32 to index
      %get3A_643 = arith.constant 0 : index
      %get3A_644 = tpu.vector_load %arg15[%get3A_642, %get3A_643] {strides = array<i32>} : memref<26x16xf32, #tpu.memory_space<vmem>>, vector<1x16xf32>,
      %get3A_645 = vector.shape_cast %get3A_644 : vector<1x16xf32> to vector<16xf32>
      %mul3A_646 = arith.mulf %get3A_640, %get3A_645 : vector<16xf32>
      %add3A_647 = arith.addf %add3A_634, %mul3A_646 : vector<16xf32>
      %swap3A = arith.index_cast %scan3A_310 : i32 to index
      %swap3A_648 = arith.constant 0 : index
      %swap3A_649 = tpu.vector_load %arg14[%swap3A, %swap3A_648] {strides = array<i32>} : memref<64x16xf32, #tpu.memory_space<vmem>>, vector<1x16xf32>,
      %swap3A_650 = vector.shape_cast %swap3A_649 : vector<1x16xf32> to vector<16xf32>
      %swap3A_651 = vector.shape_cast %add3A_647 : vector<16xf32> to vector<1x16xf32>
      tpu.vector_store %arg14[%swap3A, %swap3A_648], %swap3A_651 {strides = array<i32>} : memref<64x16xf32, #tpu.memory_space<vmem>>, vector<1x16xf32>,
      %scan3A_652 = arith.constant 0 : i32
      scf.yield %scan3A_652 : i32
    }
    %scan3A_120 = arith.constant 64 : i32
    "tpu.region"() ({
      %run_scoped3A = tpu.sem_alloc : memref<!tpu.dma_semaphore, #tpu.memory_space<semaphore_mem>>
      %dma_start3A_310 = arith.constant 0 : i32
      %dma_start3A_311 = tpu.memref_slice %arg7[%add3A_103, %dma_start3A_310] : memref<16384x16xf32, #tpu.memory_space<hbm>> -> memref<64x16xf32, #tpu.memory_space<hbm>>
      %dma_start3A_312 = arith.constant 0 : i32
      %dma_start3A_313 = tpu.memref_slice %arg7[%add3A_103, %dma_start3A_312] : memref<16384x16xf32, #tpu.memory_space<hbm>> -> memref<64x16xf32, #tpu.memory_space<hbm>>
      tpu.enqueue_dma source(%arg14 : memref<64x16xf32, #tpu.memory_space<vmem>>) target(%dma_start3A_313 : memref<64x16xf32, #tpu.memory_space<hbm>>) target_semaphore(%run_scoped3A : memref<!tpu.dma_semaphore, #tpu.memory_space<semaphore_mem>>)
      %dma_wait3A_314 = arith.constant 0 : i32
      %dma_wait3A_315 = tpu.memref_slice %arg7[%add3A_103, %dma_wait3A_314] : memref<16384x16xf32, #tpu.memory_space<hbm>> -> memref<64x16xf32, #tpu.memory_space<hbm>>
      %dma_wait3A_316 = arith.constant 0 : i32
      %dma_wait3A_317 = tpu.memref_slice %arg7[%add3A_103, %dma_wait3A_316] : memref<16384x16xf32, #tpu.memory_space<hbm>> -> memref<64x16xf32, #tpu.memory_space<hbm>>
      tpu.wait_dma2 semaphore(%run_scoped3A : memref<!tpu.dma_semaphore, #tpu.memory_space<semaphore_mem>>) src(%arg14 : memref<64x16xf32, #tpu.memory_space<vmem>>) dst(%dma_wait3A_317 : memref<64x16xf32, #tpu.memory_space<hbm>>)
      tpu.yield
    }) : () -> ()
    %dma_wait3A_121 = arith.constant 0 : i32
    %dma_wait3A_122 = tpu.memref_slice %arg6[%add3A_99, %dma_wait3A_121] : memref<425984x16xf32, #tpu.memory_space<hbm>> -> memref<1664x16xf32, #tpu.memory_space<hbm>>
    %dma_wait3A_123 = arith.constant 0 : i32
    %dma_wait3A_124 = tpu.memref_slice %arg6[%add3A_99, %dma_wait3A_123] : memref<425984x16xf32, #tpu.memory_space<hbm>> -> memref<1664x16xf32, #tpu.memory_space<hbm>>
    tpu.wait_dma2 semaphore(%arg20 : memref<!tpu.dma_semaphore, #tpu.memory_space<semaphore_mem>>) src(%arg10 : memref<1664x16xf32, #tpu.memory_space<vmem>>) dst(%dma_wait3A_124 : memref<1664x16xf32, #tpu.memory_space<hbm>>)
    %mul3A_125 = arith.constant 13312 : i32
    %mul3A_126 = arith.muli %add3A, %mul3A_125 : i32
    %add3A_127 = arith.constant 6656 : i32
    %add3A_128 = arith.addi %mul3A_126, %add3A_127 : i32
    "tpu.region"() ({
      %run_scoped3A = tpu.sem_alloc : memref<!tpu.dma_semaphore, #tpu.memory_space<semaphore_mem>>
      %dma_start3A_310 = tpu.memref_slice %arg2[%add3A_128] : memref<425984xi32, #tpu.memory_space<hbm>> -> memref<1664xi32, #tpu.memory_space<hbm>>
      %dma_start3A_311 = tpu.memref_slice %arg2[%add3A_128] : memref<425984xi32, #tpu.memory_space<hbm>> -> memref<1664xi32, #tpu.memory_space<hbm>>
      tpu.enqueue_dma source(%dma_start3A_311 : memref<1664xi32, #tpu.memory_space<hbm>>) target(%arg8 : memref<1664xi32, #tpu.memory_space<vmem>>) target_semaphore(%run_scoped3A : memref<!tpu.dma_semaphore, #tpu.memory_space<semaphore_mem>>)
      %dma_wait3A_312 = tpu.memref_slice %arg2[%add3A_128] : memref<425984xi32, #tpu.memory_space<hbm>> -> memref<1664xi32, #tpu.memory_space<hbm>>
      %dma_wait3A_313 = tpu.memref_slice %arg2[%add3A_128] : memref<425984xi32, #tpu.memory_space<hbm>> -> memref<1664xi32, #tpu.memory_space<hbm>>
      tpu.wait_dma2 semaphore(%run_scoped3A : memref<!tpu.dma_semaphore, #tpu.memory_space<semaphore_mem>>) src(%dma_wait3A_313 : memref<1664xi32, #tpu.memory_space<hbm>>) dst(%arg8 : memref<1664xi32, #tpu.memory_space<vmem>>)
      tpu.yield
    }) : () -> ()
    %dma_start3A_129 = arith.constant 0 : i32
    %dma_start3A_130 = arith.constant 0 : i32
    %dma_start3A_131 = tpu.memref_slice %arg3[%dma_start3A_129, %dma_start3A_130] : memref<1000000x16xf32, #tpu.memory_space<hbm>> -> memref<1000000x16xf32, #tpu.memory_space<hbm>>
    tpu.enqueue_indirect_dma source(%dma_start3A_131 : memref<1000000x16xf32, #tpu.memory_space<hbm>>) target(%arg10 : memref<1664x16xf32, #tpu.memory_space<vmem>>) offsets(%arg8 : memref<1664xi32, #tpu.memory_space<vmem>>) semaphore(%arg16 : memref<!tpu.dma_semaphore, #tpu.memory_space<semaphore_mem>>)
    %dma_start3A_132 = arith.constant 0 : i32
    %dma_start3A_133 = arith.constant 0 : i32
    %dma_start3A_134 = tpu.memref_slice %arg4[%dma_start3A_132, %dma_start3A_133] : memref<1000000x16xf32, #tpu.memory_space<hbm>> -> memref<1000000x16xf32, #tpu.memory_space<hbm>>
    tpu.enqueue_indirect_dma source(%dma_start3A_134 : memref<1000000x16xf32, #tpu.memory_space<hbm>>) target(%arg12 : memref<1664x16xf32, #tpu.memory_space<vmem>>) offsets(%arg8 : memref<1664xi32, #tpu.memory_space<vmem>>) semaphore(%arg18 : memref<!tpu.dma_semaphore, #tpu.memory_space<semaphore_mem>>)
    %mul3A_135 = arith.constant 13312 : i32
    %mul3A_136 = arith.muli %add3A, %mul3A_135 : i32
    %add3A_137 = arith.constant 4992 : i32
    %add3A_138 = arith.addi %mul3A_136, %add3A_137 : i32
    %mul3A_139 = arith.constant 512 : i32
    %mul3A_140 = arith.muli %add3A, %mul3A_139 : i32
    %add3A_141 = arith.constant 192 : i32
    %add3A_142 = arith.addi %mul3A_140, %add3A_141 : i32
    %dma_wait3A_143 = arith.constant 0 : i32
    %dma_wait3A_144 = arith.constant 0 : i32
    %dma_wait3A_145 = tpu.memref_slice %arg3[%dma_wait3A_143, %dma_wait3A_144] : memref<1000000x16xf32, #tpu.memory_space<hbm>> -> memref<1000000x16xf32, #tpu.memory_space<hbm>>
    tpu.wait_indirect_dma semaphore(%arg17 : memref<!tpu.dma_semaphore, #tpu.memory_space<semaphore_mem>>) src(%dma_wait3A_145 : memref<1000000x16xf32, #tpu.memory_space<hbm>>) dst(%arg11 : memref<1664x16xf32, #tpu.memory_space<vmem>>)
    %dma_start3A_146 = arith.constant 0 : i32
    %dma_start3A_147 = tpu.memref_slice %arg6[%add3A_138, %dma_start3A_146] : memref<425984x16xf32, #tpu.memory_space<hbm>> -> memref<1664x16xf32, #tpu.memory_space<hbm>>
    %dma_start3A_148 = arith.constant 0 : i32
    %dma_start3A_149 = tpu.memref_slice %arg6[%add3A_138, %dma_start3A_148] : memref<425984x16xf32, #tpu.memory_space<hbm>> -> memref<1664x16xf32, #tpu.memory_space<hbm>>
    tpu.enqueue_dma source(%arg11 : memref<1664x16xf32, #tpu.memory_space<vmem>>) target(%dma_start3A_149 : memref<1664x16xf32, #tpu.memory_space<hbm>>) target_semaphore(%arg21 : memref<!tpu.dma_semaphore, #tpu.memory_space<semaphore_mem>>)
    %dma_wait3A_150 = arith.constant 0 : i32
    %dma_wait3A_151 = arith.constant 0 : i32
    %dma_wait3A_152 = tpu.memref_slice %arg4[%dma_wait3A_150, %dma_wait3A_151] : memref<1000000x16xf32, #tpu.memory_space<hbm>> -> memref<1000000x16xf32, #tpu.memory_space<hbm>>
    tpu.wait_indirect_dma semaphore(%arg19 : memref<!tpu.dma_semaphore, #tpu.memory_space<semaphore_mem>>) src(%dma_wait3A_152 : memref<1000000x16xf32, #tpu.memory_space<hbm>>) dst(%arg13 : memref<1664x16xf32, #tpu.memory_space<vmem>>)
    %scan3A_153 = arith.constant 0 : i32
    %scan3A_154 = arith.constant 0 : i32
    %scan3A_155 = arith.constant 64 : i32
    %scan3A_156 = arith.addi %scan3A_154, %scan3A_155 : i32
    %scan3A_157 = arith.constant 1 : i32
    %scan3A_158 = scf.for %scan3A_310 = %scan3A_154 to %scan3A_156 step %scan3A_157 iter_args(%scan3A_311 = %scan3A_153) -> (i32)  : i32 {
      %mul3A_312 = arith.constant 26 : i32
      %mul3A_313 = arith.muli %scan3A_310, %mul3A_312 : i32
      %get3A = arith.index_cast %mul3A_313 : i32 to index
      %get3A_314 = arith.constant 0 : index
      %get3A_315 = tpu.vector_load %arg13[%get3A, %get3A_314] {strides = array<i32>} : memref<1664x16xf32, #tpu.memory_space<vmem>>, vector<1x16xf32>,
      %get3A_316 = vector.shape_cast %get3A_315 : vector<1x16xf32> to vector<16xf32>
      %get3A_317 = arith.constant 0 : i32
      %get3A_318 = arith.index_cast %get3A_317 : i32 to index
      %get3A_319 = arith.constant 0 : index
      %get3A_320 = tpu.vector_load %arg15[%get3A_318, %get3A_319] {strides = array<i32>} : memref<26x16xf32, #tpu.memory_space<vmem>>, vector<1x16xf32>,
      %get3A_321 = vector.shape_cast %get3A_320 : vector<1x16xf32> to vector<16xf32>
      %mul3A_322 = arith.mulf %get3A_316, %get3A_321 : vector<16xf32>
      %add3A_323 = arith.constant 1 : i32
      %add3A_324 = arith.addi %mul3A_313, %add3A_323 : i32
      %get3A_325 = arith.index_cast %add3A_324 : i32 to index
      %get3A_326 = arith.constant 0 : index
      %get3A_327 = tpu.vector_load %arg13[%get3A_325, %get3A_326] {strides = array<i32>} : memref<1664x16xf32, #tpu.memory_space<vmem>>, vector<1x16xf32>,
      %get3A_328 = vector.shape_cast %get3A_327 : vector<1x16xf32> to vector<16xf32>
      %get3A_329 = arith.constant 1 : i32
      %get3A_330 = arith.index_cast %get3A_329 : i32 to index
      %get3A_331 = arith.constant 0 : index
      %get3A_332 = tpu.vector_load %arg15[%get3A_330, %get3A_331] {strides = array<i32>} : memref<26x16xf32, #tpu.memory_space<vmem>>, vector<1x16xf32>,
      %get3A_333 = vector.shape_cast %get3A_332 : vector<1x16xf32> to vector<16xf32>
      %mul3A_334 = arith.mulf %get3A_328, %get3A_333 : vector<16xf32>
      %add3A_335 = arith.addf %mul3A_322, %mul3A_334 : vector<16xf32>
      %add3A_336 = arith.constant 2 : i32
      %add3A_337 = arith.addi %mul3A_313, %add3A_336 : i32
      %get3A_338 = arith.index_cast %add3A_337 : i32 to index
      %get3A_339 = arith.constant 0 : index
      %get3A_340 = tpu.vector_load %arg13[%get3A_338, %get3A_339] {strides = array<i32>} : memref<1664x16xf32, #tpu.memory_space<vmem>>, vector<1x16xf32>,
      %get3A_341 = vector.shape_cast %get3A_340 : vector<1x16xf32> to vector<16xf32>
      %get3A_342 = arith.constant 2 : i32
      %get3A_343 = arith.index_cast %get3A_342 : i32 to index
      %get3A_344 = arith.constant 0 : index
      %get3A_345 = tpu.vector_load %arg15[%get3A_343, %get3A_344] {strides = array<i32>} : memref<26x16xf32, #tpu.memory_space<vmem>>, vector<1x16xf32>,
      %get3A_346 = vector.shape_cast %get3A_345 : vector<1x16xf32> to vector<16xf32>
      %mul3A_347 = arith.mulf %get3A_341, %get3A_346 : vector<16xf32>
      %add3A_348 = arith.addf %add3A_335, %mul3A_347 : vector<16xf32>
      %add3A_349 = arith.constant 3 : i32
      %add3A_350 = arith.addi %mul3A_313, %add3A_349 : i32
      %get3A_351 = arith.index_cast %add3A_350 : i32 to index
      %get3A_352 = arith.constant 0 : index
      %get3A_353 = tpu.vector_load %arg13[%get3A_351, %get3A_352] {strides = array<i32>} : memref<1664x16xf32, #tpu.memory_space<vmem>>, vector<1x16xf32>,
      %get3A_354 = vector.shape_cast %get3A_353 : vector<1x16xf32> to vector<16xf32>
      %get3A_355 = arith.constant 3 : i32
      %get3A_356 = arith.index_cast %get3A_355 : i32 to index
      %get3A_357 = arith.constant 0 : index
      %get3A_358 = tpu.vector_load %arg15[%get3A_356, %get3A_357] {strides = array<i32>} : memref<26x16xf32, #tpu.memory_space<vmem>>, vector<1x16xf32>,
      %get3A_359 = vector.shape_cast %get3A_358 : vector<1x16xf32> to vector<16xf32>
      %mul3A_360 = arith.mulf %get3A_354, %get3A_359 : vector<16xf32>
      %add3A_361 = arith.addf %add3A_348, %mul3A_360 : vector<16xf32>
      %add3A_362 = arith.constant 4 : i32
      %add3A_363 = arith.addi %mul3A_313, %add3A_362 : i32
      %get3A_364 = arith.index_cast %add3A_363 : i32 to index
      %get3A_365 = arith.constant 0 : index
      %get3A_366 = tpu.vector_load %arg13[%get3A_364, %get3A_365] {strides = array<i32>} : memref<1664x16xf32, #tpu.memory_space<vmem>>, vector<1x16xf32>,
      %get3A_367 = vector.shape_cast %get3A_366 : vector<1x16xf32> to vector<16xf32>
      %get3A_368 = arith.constant 4 : i32
      %get3A_369 = arith.index_cast %get3A_368 : i32 to index
      %get3A_370 = arith.constant 0 : index
      %get3A_371 = tpu.vector_load %arg15[%get3A_369, %get3A_370] {strides = array<i32>} : memref<26x16xf32, #tpu.memory_space<vmem>>, vector<1x16xf32>,
      %get3A_372 = vector.shape_cast %get3A_371 : vector<1x16xf32> to vector<16xf32>
      %mul3A_373 = arith.mulf %get3A_367, %get3A_372 : vector<16xf32>
      %add3A_374 = arith.addf %add3A_361, %mul3A_373 : vector<16xf32>
      %add3A_375 = arith.constant 5 : i32
      %add3A_376 = arith.addi %mul3A_313, %add3A_375 : i32
      %get3A_377 = arith.index_cast %add3A_376 : i32 to index
      %get3A_378 = arith.constant 0 : index
      %get3A_379 = tpu.vector_load %arg13[%get3A_377, %get3A_378] {strides = array<i32>} : memref<1664x16xf32, #tpu.memory_space<vmem>>, vector<1x16xf32>,
      %get3A_380 = vector.shape_cast %get3A_379 : vector<1x16xf32> to vector<16xf32>
      %get3A_381 = arith.constant 5 : i32
      %get3A_382 = arith.index_cast %get3A_381 : i32 to index
      %get3A_383 = arith.constant 0 : index
      %get3A_384 = tpu.vector_load %arg15[%get3A_382, %get3A_383] {strides = array<i32>} : memref<26x16xf32, #tpu.memory_space<vmem>>, vector<1x16xf32>,
      %get3A_385 = vector.shape_cast %get3A_384 : vector<1x16xf32> to vector<16xf32>
      %mul3A_386 = arith.mulf %get3A_380, %get3A_385 : vector<16xf32>
      %add3A_387 = arith.addf %add3A_374, %mul3A_386 : vector<16xf32>
      %add3A_388 = arith.constant 6 : i32
      %add3A_389 = arith.addi %mul3A_313, %add3A_388 : i32
      %get3A_390 = arith.index_cast %add3A_389 : i32 to index
      %get3A_391 = arith.constant 0 : index
      %get3A_392 = tpu.vector_load %arg13[%get3A_390, %get3A_391] {strides = array<i32>} : memref<1664x16xf32, #tpu.memory_space<vmem>>, vector<1x16xf32>,
      %get3A_393 = vector.shape_cast %get3A_392 : vector<1x16xf32> to vector<16xf32>
      %get3A_394 = arith.constant 6 : i32
      %get3A_395 = arith.index_cast %get3A_394 : i32 to index
      %get3A_396 = arith.constant 0 : index
      %get3A_397 = tpu.vector_load %arg15[%get3A_395, %get3A_396] {strides = array<i32>} : memref<26x16xf32, #tpu.memory_space<vmem>>, vector<1x16xf32>,
      %get3A_398 = vector.shape_cast %get3A_397 : vector<1x16xf32> to vector<16xf32>
      %mul3A_399 = arith.mulf %get3A_393, %get3A_398 : vector<16xf32>
      %add3A_400 = arith.addf %add3A_387, %mul3A_399 : vector<16xf32>
      %add3A_401 = arith.constant 7 : i32
      %add3A_402 = arith.addi %mul3A_313, %add3A_401 : i32
      %get3A_403 = arith.index_cast %add3A_402 : i32 to index
      %get3A_404 = arith.constant 0 : index
      %get3A_405 = tpu.vector_load %arg13[%get3A_403, %get3A_404] {strides = array<i32>} : memref<1664x16xf32, #tpu.memory_space<vmem>>, vector<1x16xf32>,
      %get3A_406 = vector.shape_cast %get3A_405 : vector<1x16xf32> to vector<16xf32>
      %get3A_407 = arith.constant 7 : i32
      %get3A_408 = arith.index_cast %get3A_407 : i32 to index
      %get3A_409 = arith.constant 0 : index
      %get3A_410 = tpu.vector_load %arg15[%get3A_408, %get3A_409] {strides = array<i32>} : memref<26x16xf32, #tpu.memory_space<vmem>>, vector<1x16xf32>,
      %get3A_411 = vector.shape_cast %get3A_410 : vector<1x16xf32> to vector<16xf32>
      %mul3A_412 = arith.mulf %get3A_406, %get3A_411 : vector<16xf32>
      %add3A_413 = arith.addf %add3A_400, %mul3A_412 : vector<16xf32>
      %add3A_414 = arith.constant 8 : i32
      %add3A_415 = arith.addi %mul3A_313, %add3A_414 : i32
      %get3A_416 = arith.index_cast %add3A_415 : i32 to index
      %get3A_417 = arith.constant 0 : index
      %get3A_418 = tpu.vector_load %arg13[%get3A_416, %get3A_417] {strides = array<i32>} : memref<1664x16xf32, #tpu.memory_space<vmem>>, vector<1x16xf32>,
      %get3A_419 = vector.shape_cast %get3A_418 : vector<1x16xf32> to vector<16xf32>
      %get3A_420 = arith.constant 8 : i32
      %get3A_421 = arith.index_cast %get3A_420 : i32 to index
      %get3A_422 = arith.constant 0 : index
      %get3A_423 = tpu.vector_load %arg15[%get3A_421, %get3A_422] {strides = array<i32>} : memref<26x16xf32, #tpu.memory_space<vmem>>, vector<1x16xf32>,
      %get3A_424 = vector.shape_cast %get3A_423 : vector<1x16xf32> to vector<16xf32>
      %mul3A_425 = arith.mulf %get3A_419, %get3A_424 : vector<16xf32>
      %add3A_426 = arith.addf %add3A_413, %mul3A_425 : vector<16xf32>
      %add3A_427 = arith.constant 9 : i32
      %add3A_428 = arith.addi %mul3A_313, %add3A_427 : i32
      %get3A_429 = arith.index_cast %add3A_428 : i32 to index
      %get3A_430 = arith.constant 0 : index
      %get3A_431 = tpu.vector_load %arg13[%get3A_429, %get3A_430] {strides = array<i32>} : memref<1664x16xf32, #tpu.memory_space<vmem>>, vector<1x16xf32>,
      %get3A_432 = vector.shape_cast %get3A_431 : vector<1x16xf32> to vector<16xf32>
      %get3A_433 = arith.constant 9 : i32
      %get3A_434 = arith.index_cast %get3A_433 : i32 to index
      %get3A_435 = arith.constant 0 : index
      %get3A_436 = tpu.vector_load %arg15[%get3A_434, %get3A_435] {strides = array<i32>} : memref<26x16xf32, #tpu.memory_space<vmem>>, vector<1x16xf32>,
      %get3A_437 = vector.shape_cast %get3A_436 : vector<1x16xf32> to vector<16xf32>
      %mul3A_438 = arith.mulf %get3A_432, %get3A_437 : vector<16xf32>
      %add3A_439 = arith.addf %add3A_426, %mul3A_438 : vector<16xf32>
      %add3A_440 = arith.constant 10 : i32
      %add3A_441 = arith.addi %mul3A_313, %add3A_440 : i32
      %get3A_442 = arith.index_cast %add3A_441 : i32 to index
      %get3A_443 = arith.constant 0 : index
      %get3A_444 = tpu.vector_load %arg13[%get3A_442, %get3A_443] {strides = array<i32>} : memref<1664x16xf32, #tpu.memory_space<vmem>>, vector<1x16xf32>,
      %get3A_445 = vector.shape_cast %get3A_444 : vector<1x16xf32> to vector<16xf32>
      %get3A_446 = arith.constant 10 : i32
      %get3A_447 = arith.index_cast %get3A_446 : i32 to index
      %get3A_448 = arith.constant 0 : index
      %get3A_449 = tpu.vector_load %arg15[%get3A_447, %get3A_448] {strides = array<i32>} : memref<26x16xf32, #tpu.memory_space<vmem>>, vector<1x16xf32>,
      %get3A_450 = vector.shape_cast %get3A_449 : vector<1x16xf32> to vector<16xf32>
      %mul3A_451 = arith.mulf %get3A_445, %get3A_450 : vector<16xf32>
      %add3A_452 = arith.addf %add3A_439, %mul3A_451 : vector<16xf32>
      %add3A_453 = arith.constant 11 : i32
      %add3A_454 = arith.addi %mul3A_313, %add3A_453 : i32
      %get3A_455 = arith.index_cast %add3A_454 : i32 to index
      %get3A_456 = arith.constant 0 : index
      %get3A_457 = tpu.vector_load %arg13[%get3A_455, %get3A_456] {strides = array<i32>} : memref<1664x16xf32, #tpu.memory_space<vmem>>, vector<1x16xf32>,
      %get3A_458 = vector.shape_cast %get3A_457 : vector<1x16xf32> to vector<16xf32>
      %get3A_459 = arith.constant 11 : i32
      %get3A_460 = arith.index_cast %get3A_459 : i32 to index
      %get3A_461 = arith.constant 0 : index
      %get3A_462 = tpu.vector_load %arg15[%get3A_460, %get3A_461] {strides = array<i32>} : memref<26x16xf32, #tpu.memory_space<vmem>>, vector<1x16xf32>,
      %get3A_463 = vector.shape_cast %get3A_462 : vector<1x16xf32> to vector<16xf32>
      %mul3A_464 = arith.mulf %get3A_458, %get3A_463 : vector<16xf32>
      %add3A_465 = arith.addf %add3A_452, %mul3A_464 : vector<16xf32>
      %add3A_466 = arith.constant 12 : i32
      %add3A_467 = arith.addi %mul3A_313, %add3A_466 : i32
      %get3A_468 = arith.index_cast %add3A_467 : i32 to index
      %get3A_469 = arith.constant 0 : index
      %get3A_470 = tpu.vector_load %arg13[%get3A_468, %get3A_469] {strides = array<i32>} : memref<1664x16xf32, #tpu.memory_space<vmem>>, vector<1x16xf32>,
      %get3A_471 = vector.shape_cast %get3A_470 : vector<1x16xf32> to vector<16xf32>
      %get3A_472 = arith.constant 12 : i32
      %get3A_473 = arith.index_cast %get3A_472 : i32 to index
      %get3A_474 = arith.constant 0 : index
      %get3A_475 = tpu.vector_load %arg15[%get3A_473, %get3A_474] {strides = array<i32>} : memref<26x16xf32, #tpu.memory_space<vmem>>, vector<1x16xf32>,
      %get3A_476 = vector.shape_cast %get3A_475 : vector<1x16xf32> to vector<16xf32>
      %mul3A_477 = arith.mulf %get3A_471, %get3A_476 : vector<16xf32>
      %add3A_478 = arith.addf %add3A_465, %mul3A_477 : vector<16xf32>
      %add3A_479 = arith.constant 13 : i32
      %add3A_480 = arith.addi %mul3A_313, %add3A_479 : i32
      %get3A_481 = arith.index_cast %add3A_480 : i32 to index
      %get3A_482 = arith.constant 0 : index
      %get3A_483 = tpu.vector_load %arg13[%get3A_481, %get3A_482] {strides = array<i32>} : memref<1664x16xf32, #tpu.memory_space<vmem>>, vector<1x16xf32>,
      %get3A_484 = vector.shape_cast %get3A_483 : vector<1x16xf32> to vector<16xf32>
      %get3A_485 = arith.constant 13 : i32
      %get3A_486 = arith.index_cast %get3A_485 : i32 to index
      %get3A_487 = arith.constant 0 : index
      %get3A_488 = tpu.vector_load %arg15[%get3A_486, %get3A_487] {strides = array<i32>} : memref<26x16xf32, #tpu.memory_space<vmem>>, vector<1x16xf32>,
      %get3A_489 = vector.shape_cast %get3A_488 : vector<1x16xf32> to vector<16xf32>
      %mul3A_490 = arith.mulf %get3A_484, %get3A_489 : vector<16xf32>
      %add3A_491 = arith.addf %add3A_478, %mul3A_490 : vector<16xf32>
      %add3A_492 = arith.constant 14 : i32
      %add3A_493 = arith.addi %mul3A_313, %add3A_492 : i32
      %get3A_494 = arith.index_cast %add3A_493 : i32 to index
      %get3A_495 = arith.constant 0 : index
      %get3A_496 = tpu.vector_load %arg13[%get3A_494, %get3A_495] {strides = array<i32>} : memref<1664x16xf32, #tpu.memory_space<vmem>>, vector<1x16xf32>,
      %get3A_497 = vector.shape_cast %get3A_496 : vector<1x16xf32> to vector<16xf32>
      %get3A_498 = arith.constant 14 : i32
      %get3A_499 = arith.index_cast %get3A_498 : i32 to index
      %get3A_500 = arith.constant 0 : index
      %get3A_501 = tpu.vector_load %arg15[%get3A_499, %get3A_500] {strides = array<i32>} : memref<26x16xf32, #tpu.memory_space<vmem>>, vector<1x16xf32>,
      %get3A_502 = vector.shape_cast %get3A_501 : vector<1x16xf32> to vector<16xf32>
      %mul3A_503 = arith.mulf %get3A_497, %get3A_502 : vector<16xf32>
      %add3A_504 = arith.addf %add3A_491, %mul3A_503 : vector<16xf32>
      %add3A_505 = arith.constant 15 : i32
      %add3A_506 = arith.addi %mul3A_313, %add3A_505 : i32
      %get3A_507 = arith.index_cast %add3A_506 : i32 to index
      %get3A_508 = arith.constant 0 : index
      %get3A_509 = tpu.vector_load %arg13[%get3A_507, %get3A_508] {strides = array<i32>} : memref<1664x16xf32, #tpu.memory_space<vmem>>, vector<1x16xf32>,
      %get3A_510 = vector.shape_cast %get3A_509 : vector<1x16xf32> to vector<16xf32>
      %get3A_511 = arith.constant 15 : i32
      %get3A_512 = arith.index_cast %get3A_511 : i32 to index
      %get3A_513 = arith.constant 0 : index
      %get3A_514 = tpu.vector_load %arg15[%get3A_512, %get3A_513] {strides = array<i32>} : memref<26x16xf32, #tpu.memory_space<vmem>>, vector<1x16xf32>,
      %get3A_515 = vector.shape_cast %get3A_514 : vector<1x16xf32> to vector<16xf32>
      %mul3A_516 = arith.mulf %get3A_510, %get3A_515 : vector<16xf32>
      %add3A_517 = arith.addf %add3A_504, %mul3A_516 : vector<16xf32>
      %add3A_518 = arith.constant 16 : i32
      %add3A_519 = arith.addi %mul3A_313, %add3A_518 : i32
      %get3A_520 = arith.index_cast %add3A_519 : i32 to index
      %get3A_521 = arith.constant 0 : index
      %get3A_522 = tpu.vector_load %arg13[%get3A_520, %get3A_521] {strides = array<i32>} : memref<1664x16xf32, #tpu.memory_space<vmem>>, vector<1x16xf32>,
      %get3A_523 = vector.shape_cast %get3A_522 : vector<1x16xf32> to vector<16xf32>
      %get3A_524 = arith.constant 16 : i32
      %get3A_525 = arith.index_cast %get3A_524 : i32 to index
      %get3A_526 = arith.constant 0 : index
      %get3A_527 = tpu.vector_load %arg15[%get3A_525, %get3A_526] {strides = array<i32>} : memref<26x16xf32, #tpu.memory_space<vmem>>, vector<1x16xf32>,
      %get3A_528 = vector.shape_cast %get3A_527 : vector<1x16xf32> to vector<16xf32>
      %mul3A_529 = arith.mulf %get3A_523, %get3A_528 : vector<16xf32>
      %add3A_530 = arith.addf %add3A_517, %mul3A_529 : vector<16xf32>
      %add3A_531 = arith.constant 17 : i32
      %add3A_532 = arith.addi %mul3A_313, %add3A_531 : i32
      %get3A_533 = arith.index_cast %add3A_532 : i32 to index
      %get3A_534 = arith.constant 0 : index
      %get3A_535 = tpu.vector_load %arg13[%get3A_533, %get3A_534] {strides = array<i32>} : memref<1664x16xf32, #tpu.memory_space<vmem>>, vector<1x16xf32>,
      %get3A_536 = vector.shape_cast %get3A_535 : vector<1x16xf32> to vector<16xf32>
      %get3A_537 = arith.constant 17 : i32
      %get3A_538 = arith.index_cast %get3A_537 : i32 to index
      %get3A_539 = arith.constant 0 : index
      %get3A_540 = tpu.vector_load %arg15[%get3A_538, %get3A_539] {strides = array<i32>} : memref<26x16xf32, #tpu.memory_space<vmem>>, vector<1x16xf32>,
      %get3A_541 = vector.shape_cast %get3A_540 : vector<1x16xf32> to vector<16xf32>
      %mul3A_542 = arith.mulf %get3A_536, %get3A_541 : vector<16xf32>
      %add3A_543 = arith.addf %add3A_530, %mul3A_542 : vector<16xf32>
      %add3A_544 = arith.constant 18 : i32
      %add3A_545 = arith.addi %mul3A_313, %add3A_544 : i32
      %get3A_546 = arith.index_cast %add3A_545 : i32 to index
      %get3A_547 = arith.constant 0 : index
      %get3A_548 = tpu.vector_load %arg13[%get3A_546, %get3A_547] {strides = array<i32>} : memref<1664x16xf32, #tpu.memory_space<vmem>>, vector<1x16xf32>,
      %get3A_549 = vector.shape_cast %get3A_548 : vector<1x16xf32> to vector<16xf32>
      %get3A_550 = arith.constant 18 : i32
      %get3A_551 = arith.index_cast %get3A_550 : i32 to index
      %get3A_552 = arith.constant 0 : index
      %get3A_553 = tpu.vector_load %arg15[%get3A_551, %get3A_552] {strides = array<i32>} : memref<26x16xf32, #tpu.memory_space<vmem>>, vector<1x16xf32>,
      %get3A_554 = vector.shape_cast %get3A_553 : vector<1x16xf32> to vector<16xf32>
      %mul3A_555 = arith.mulf %get3A_549, %get3A_554 : vector<16xf32>
      %add3A_556 = arith.addf %add3A_543, %mul3A_555 : vector<16xf32>
      %add3A_557 = arith.constant 19 : i32
      %add3A_558 = arith.addi %mul3A_313, %add3A_557 : i32
      %get3A_559 = arith.index_cast %add3A_558 : i32 to index
      %get3A_560 = arith.constant 0 : index
      %get3A_561 = tpu.vector_load %arg13[%get3A_559, %get3A_560] {strides = array<i32>} : memref<1664x16xf32, #tpu.memory_space<vmem>>, vector<1x16xf32>,
      %get3A_562 = vector.shape_cast %get3A_561 : vector<1x16xf32> to vector<16xf32>
      %get3A_563 = arith.constant 19 : i32
      %get3A_564 = arith.index_cast %get3A_563 : i32 to index
      %get3A_565 = arith.constant 0 : index
      %get3A_566 = tpu.vector_load %arg15[%get3A_564, %get3A_565] {strides = array<i32>} : memref<26x16xf32, #tpu.memory_space<vmem>>, vector<1x16xf32>,
      %get3A_567 = vector.shape_cast %get3A_566 : vector<1x16xf32> to vector<16xf32>
      %mul3A_568 = arith.mulf %get3A_562, %get3A_567 : vector<16xf32>
      %add3A_569 = arith.addf %add3A_556, %mul3A_568 : vector<16xf32>
      %add3A_570 = arith.constant 20 : i32
      %add3A_571 = arith.addi %mul3A_313, %add3A_570 : i32
      %get3A_572 = arith.index_cast %add3A_571 : i32 to index
      %get3A_573 = arith.constant 0 : index
      %get3A_574 = tpu.vector_load %arg13[%get3A_572, %get3A_573] {strides = array<i32>} : memref<1664x16xf32, #tpu.memory_space<vmem>>, vector<1x16xf32>,
      %get3A_575 = vector.shape_cast %get3A_574 : vector<1x16xf32> to vector<16xf32>
      %get3A_576 = arith.constant 20 : i32
      %get3A_577 = arith.index_cast %get3A_576 : i32 to index
      %get3A_578 = arith.constant 0 : index
      %get3A_579 = tpu.vector_load %arg15[%get3A_577, %get3A_578] {strides = array<i32>} : memref<26x16xf32, #tpu.memory_space<vmem>>, vector<1x16xf32>,
      %get3A_580 = vector.shape_cast %get3A_579 : vector<1x16xf32> to vector<16xf32>
      %mul3A_581 = arith.mulf %get3A_575, %get3A_580 : vector<16xf32>
      %add3A_582 = arith.addf %add3A_569, %mul3A_581 : vector<16xf32>
      %add3A_583 = arith.constant 21 : i32
      %add3A_584 = arith.addi %mul3A_313, %add3A_583 : i32
      %get3A_585 = arith.index_cast %add3A_584 : i32 to index
      %get3A_586 = arith.constant 0 : index
      %get3A_587 = tpu.vector_load %arg13[%get3A_585, %get3A_586] {strides = array<i32>} : memref<1664x16xf32, #tpu.memory_space<vmem>>, vector<1x16xf32>,
      %get3A_588 = vector.shape_cast %get3A_587 : vector<1x16xf32> to vector<16xf32>
      %get3A_589 = arith.constant 21 : i32
      %get3A_590 = arith.index_cast %get3A_589 : i32 to index
      %get3A_591 = arith.constant 0 : index
      %get3A_592 = tpu.vector_load %arg15[%get3A_590, %get3A_591] {strides = array<i32>} : memref<26x16xf32, #tpu.memory_space<vmem>>, vector<1x16xf32>,
      %get3A_593 = vector.shape_cast %get3A_592 : vector<1x16xf32> to vector<16xf32>
      %mul3A_594 = arith.mulf %get3A_588, %get3A_593 : vector<16xf32>
      %add3A_595 = arith.addf %add3A_582, %mul3A_594 : vector<16xf32>
      %add3A_596 = arith.constant 22 : i32
      %add3A_597 = arith.addi %mul3A_313, %add3A_596 : i32
      %get3A_598 = arith.index_cast %add3A_597 : i32 to index
      %get3A_599 = arith.constant 0 : index
      %get3A_600 = tpu.vector_load %arg13[%get3A_598, %get3A_599] {strides = array<i32>} : memref<1664x16xf32, #tpu.memory_space<vmem>>, vector<1x16xf32>,
      %get3A_601 = vector.shape_cast %get3A_600 : vector<1x16xf32> to vector<16xf32>
      %get3A_602 = arith.constant 22 : i32
      %get3A_603 = arith.index_cast %get3A_602 : i32 to index
      %get3A_604 = arith.constant 0 : index
      %get3A_605 = tpu.vector_load %arg15[%get3A_603, %get3A_604] {strides = array<i32>} : memref<26x16xf32, #tpu.memory_space<vmem>>, vector<1x16xf32>,
      %get3A_606 = vector.shape_cast %get3A_605 : vector<1x16xf32> to vector<16xf32>
      %mul3A_607 = arith.mulf %get3A_601, %get3A_606 : vector<16xf32>
      %add3A_608 = arith.addf %add3A_595, %mul3A_607 : vector<16xf32>
      %add3A_609 = arith.constant 23 : i32
      %add3A_610 = arith.addi %mul3A_313, %add3A_609 : i32
      %get3A_611 = arith.index_cast %add3A_610 : i32 to index
      %get3A_612 = arith.constant 0 : index
      %get3A_613 = tpu.vector_load %arg13[%get3A_611, %get3A_612] {strides = array<i32>} : memref<1664x16xf32, #tpu.memory_space<vmem>>, vector<1x16xf32>,
      %get3A_614 = vector.shape_cast %get3A_613 : vector<1x16xf32> to vector<16xf32>
      %get3A_615 = arith.constant 23 : i32
      %get3A_616 = arith.index_cast %get3A_615 : i32 to index
      %get3A_617 = arith.constant 0 : index
      %get3A_618 = tpu.vector_load %arg15[%get3A_616, %get3A_617] {strides = array<i32>} : memref<26x16xf32, #tpu.memory_space<vmem>>, vector<1x16xf32>,
      %get3A_619 = vector.shape_cast %get3A_618 : vector<1x16xf32> to vector<16xf32>
      %mul3A_620 = arith.mulf %get3A_614, %get3A_619 : vector<16xf32>
      %add3A_621 = arith.addf %add3A_608, %mul3A_620 : vector<16xf32>
      %add3A_622 = arith.constant 24 : i32
      %add3A_623 = arith.addi %mul3A_313, %add3A_622 : i32
      %get3A_624 = arith.index_cast %add3A_623 : i32 to index
      %get3A_625 = arith.constant 0 : index
      %get3A_626 = tpu.vector_load %arg13[%get3A_624, %get3A_625] {strides = array<i32>} : memref<1664x16xf32, #tpu.memory_space<vmem>>, vector<1x16xf32>,
      %get3A_627 = vector.shape_cast %get3A_626 : vector<1x16xf32> to vector<16xf32>
      %get3A_628 = arith.constant 24 : i32
      %get3A_629 = arith.index_cast %get3A_628 : i32 to index
      %get3A_630 = arith.constant 0 : index
      %get3A_631 = tpu.vector_load %arg15[%get3A_629, %get3A_630] {strides = array<i32>} : memref<26x16xf32, #tpu.memory_space<vmem>>, vector<1x16xf32>,
      %get3A_632 = vector.shape_cast %get3A_631 : vector<1x16xf32> to vector<16xf32>
      %mul3A_633 = arith.mulf %get3A_627, %get3A_632 : vector<16xf32>
      %add3A_634 = arith.addf %add3A_621, %mul3A_633 : vector<16xf32>
      %add3A_635 = arith.constant 25 : i32
      %add3A_636 = arith.addi %mul3A_313, %add3A_635 : i32
      %get3A_637 = arith.index_cast %add3A_636 : i32 to index
      %get3A_638 = arith.constant 0 : index
      %get3A_639 = tpu.vector_load %arg13[%get3A_637, %get3A_638] {strides = array<i32>} : memref<1664x16xf32, #tpu.memory_space<vmem>>, vector<1x16xf32>,
      %get3A_640 = vector.shape_cast %get3A_639 : vector<1x16xf32> to vector<16xf32>
      %get3A_641 = arith.constant 25 : i32
      %get3A_642 = arith.index_cast %get3A_641 : i32 to index
      %get3A_643 = arith.constant 0 : index
      %get3A_644 = tpu.vector_load %arg15[%get3A_642, %get3A_643] {strides = array<i32>} : memref<26x16xf32, #tpu.memory_space<vmem>>, vector<1x16xf32>,
      %get3A_645 = vector.shape_cast %get3A_644 : vector<1x16xf32> to vector<16xf32>
      %mul3A_646 = arith.mulf %get3A_640, %get3A_645 : vector<16xf32>
      %add3A_647 = arith.addf %add3A_634, %mul3A_646 : vector<16xf32>
      %swap3A = arith.index_cast %scan3A_310 : i32 to index
      %swap3A_648 = arith.constant 0 : index
      %swap3A_649 = tpu.vector_load %arg14[%swap3A, %swap3A_648] {strides = array<i32>} : memref<64x16xf32, #tpu.memory_space<vmem>>, vector<1x16xf32>,
      %swap3A_650 = vector.shape_cast %swap3A_649 : vector<1x16xf32> to vector<16xf32>
      %swap3A_651 = vector.shape_cast %add3A_647 : vector<16xf32> to vector<1x16xf32>
      tpu.vector_store %arg14[%swap3A, %swap3A_648], %swap3A_651 {strides = array<i32>} : memref<64x16xf32, #tpu.memory_space<vmem>>, vector<1x16xf32>,
      %scan3A_652 = arith.constant 0 : i32
      scf.yield %scan3A_652 : i32
    }
    %scan3A_159 = arith.constant 64 : i32
    "tpu.region"() ({
      %run_scoped3A = tpu.sem_alloc : memref<!tpu.dma_semaphore, #tpu.memory_space<semaphore_mem>>
      %dma_start3A_310 = arith.constant 0 : i32
      %dma_start3A_311 = tpu.memref_slice %arg7[%add3A_142, %dma_start3A_310] : memref<16384x16xf32, #tpu.memory_space<hbm>> -> memref<64x16xf32, #tpu.memory_space<hbm>>
      %dma_start3A_312 = arith.constant 0 : i32
      %dma_start3A_313 = tpu.memref_slice %arg7[%add3A_142, %dma_start3A_312] : memref<16384x16xf32, #tpu.memory_space<hbm>> -> memref<64x16xf32, #tpu.memory_space<hbm>>
      tpu.enqueue_dma source(%arg14 : memref<64x16xf32, #tpu.memory_space<vmem>>) target(%dma_start3A_313 : memref<64x16xf32, #tpu.memory_space<hbm>>) target_semaphore(%run_scoped3A : memref<!tpu.dma_semaphore, #tpu.memory_space<semaphore_mem>>)
      %dma_wait3A_314 = arith.constant 0 : i32
      %dma_wait3A_315 = tpu.memref_slice %arg7[%add3A_142, %dma_wait3A_314] : memref<16384x16xf32, #tpu.memory_space<hbm>> -> memref<64x16xf32, #tpu.memory_space<hbm>>
      %dma_wait3A_316 = arith.constant 0 : i32
      %dma_wait3A_317 = tpu.memref_slice %arg7[%add3A_142, %dma_wait3A_316] : memref<16384x16xf32, #tpu.memory_space<hbm>> -> memref<64x16xf32, #tpu.memory_space<hbm>>
      tpu.wait_dma2 semaphore(%run_scoped3A : memref<!tpu.dma_semaphore, #tpu.memory_space<semaphore_mem>>) src(%arg14 : memref<64x16xf32, #tpu.memory_space<vmem>>) dst(%dma_wait3A_317 : memref<64x16xf32, #tpu.memory_space<hbm>>)
      tpu.yield
    }) : () -> ()
    %dma_wait3A_160 = arith.constant 0 : i32
    %dma_wait3A_161 = tpu.memref_slice %arg6[%add3A_138, %dma_wait3A_160] : memref<425984x16xf32, #tpu.memory_space<hbm>> -> memref<1664x16xf32, #tpu.memory_space<hbm>>
    %dma_wait3A_162 = arith.constant 0 : i32
    %dma_wait3A_163 = tpu.memref_slice %arg6[%add3A_138, %dma_wait3A_162] : memref<425984x16xf32, #tpu.memory_space<hbm>> -> memref<1664x16xf32, #tpu.memory_space<hbm>>
    tpu.wait_dma2 semaphore(%arg21 : memref<!tpu.dma_semaphore, #tpu.memory_space<semaphore_mem>>) src(%arg11 : memref<1664x16xf32, #tpu.memory_space<vmem>>) dst(%dma_wait3A_163 : memref<1664x16xf32, #tpu.memory_space<hbm>>)
    %mul3A_164 = arith.constant 13312 : i32
    %mul3A_165 = arith.muli %add3A, %mul3A_164 : i32
    %add3A_166 = arith.constant 8320 : i32
    %add3A_167 = arith.addi %mul3A_165, %add3A_166 : i32
    "tpu.region"() ({
      %run_scoped3A = tpu.sem_alloc : memref<!tpu.dma_semaphore, #tpu.memory_space<semaphore_mem>>
      %dma_start3A_310 = tpu.memref_slice %arg2[%add3A_167] : memref<425984xi32, #tpu.memory_space<hbm>> -> memref<1664xi32, #tpu.memory_space<hbm>>
      %dma_start3A_311 = tpu.memref_slice %arg2[%add3A_167] : memref<425984xi32, #tpu.memory_space<hbm>> -> memref<1664xi32, #tpu.memory_space<hbm>>
      tpu.enqueue_dma source(%dma_start3A_311 : memref<1664xi32, #tpu.memory_space<hbm>>) target(%arg9 : memref<1664xi32, #tpu.memory_space<vmem>>) target_semaphore(%run_scoped3A : memref<!tpu.dma_semaphore, #tpu.memory_space<semaphore_mem>>)
      %dma_wait3A_312 = tpu.memref_slice %arg2[%add3A_167] : memref<425984xi32, #tpu.memory_space<hbm>> -> memref<1664xi32, #tpu.memory_space<hbm>>
      %dma_wait3A_313 = tpu.memref_slice %arg2[%add3A_167] : memref<425984xi32, #tpu.memory_space<hbm>> -> memref<1664xi32, #tpu.memory_space<hbm>>
      tpu.wait_dma2 semaphore(%run_scoped3A : memref<!tpu.dma_semaphore, #tpu.memory_space<semaphore_mem>>) src(%dma_wait3A_313 : memref<1664xi32, #tpu.memory_space<hbm>>) dst(%arg9 : memref<1664xi32, #tpu.memory_space<vmem>>)
      tpu.yield
    }) : () -> ()
    %dma_start3A_168 = arith.constant 0 : i32
    %dma_start3A_169 = arith.constant 0 : i32
    %dma_start3A_170 = tpu.memref_slice %arg3[%dma_start3A_168, %dma_start3A_169] : memref<1000000x16xf32, #tpu.memory_space<hbm>> -> memref<1000000x16xf32, #tpu.memory_space<hbm>>
    tpu.enqueue_indirect_dma source(%dma_start3A_170 : memref<1000000x16xf32, #tpu.memory_space<hbm>>) target(%arg11 : memref<1664x16xf32, #tpu.memory_space<vmem>>) offsets(%arg9 : memref<1664xi32, #tpu.memory_space<vmem>>) semaphore(%arg17 : memref<!tpu.dma_semaphore, #tpu.memory_space<semaphore_mem>>)
    %dma_start3A_171 = arith.constant 0 : i32
    %dma_start3A_172 = arith.constant 0 : i32
    %dma_start3A_173 = tpu.memref_slice %arg4[%dma_start3A_171, %dma_start3A_172] : memref<1000000x16xf32, #tpu.memory_space<hbm>> -> memref<1000000x16xf32, #tpu.memory_space<hbm>>
    tpu.enqueue_indirect_dma source(%dma_start3A_173 : memref<1000000x16xf32, #tpu.memory_space<hbm>>) target(%arg13 : memref<1664x16xf32, #tpu.memory_space<vmem>>) offsets(%arg9 : memref<1664xi32, #tpu.memory_space<vmem>>) semaphore(%arg19 : memref<!tpu.dma_semaphore, #tpu.memory_space<semaphore_mem>>)
    %mul3A_174 = arith.constant 13312 : i32
    %mul3A_175 = arith.muli %add3A, %mul3A_174 : i32
    %add3A_176 = arith.constant 6656 : i32
    %add3A_177 = arith.addi %mul3A_175, %add3A_176 : i32
    %mul3A_178 = arith.constant 512 : i32
    %mul3A_179 = arith.muli %add3A, %mul3A_178 : i32
    %add3A_180 = arith.constant 256 : i32
    %add3A_181 = arith.addi %mul3A_179, %add3A_180 : i32
    %dma_wait3A_182 = arith.constant 0 : i32
    %dma_wait3A_183 = arith.constant 0 : i32
    %dma_wait3A_184 = tpu.memref_slice %arg3[%dma_wait3A_182, %dma_wait3A_183] : memref<1000000x16xf32, #tpu.memory_space<hbm>> -> memref<1000000x16xf32, #tpu.memory_space<hbm>>
    tpu.wait_indirect_dma semaphore(%arg16 : memref<!tpu.dma_semaphore, #tpu.memory_space<semaphore_mem>>) src(%dma_wait3A_184 : memref<1000000x16xf32, #tpu.memory_space<hbm>>) dst(%arg10 : memref<1664x16xf32, #tpu.memory_space<vmem>>)
    %dma_start3A_185 = arith.constant 0 : i32
    %dma_start3A_186 = tpu.memref_slice %arg6[%add3A_177, %dma_start3A_185] : memref<425984x16xf32, #tpu.memory_space<hbm>> -> memref<1664x16xf32, #tpu.memory_space<hbm>>
    %dma_start3A_187 = arith.constant 0 : i32
    %dma_start3A_188 = tpu.memref_slice %arg6[%add3A_177, %dma_start3A_187] : memref<425984x16xf32, #tpu.memory_space<hbm>> -> memref<1664x16xf32, #tpu.memory_space<hbm>>
    tpu.enqueue_dma source(%arg10 : memref<1664x16xf32, #tpu.memory_space<vmem>>) target(%dma_start3A_188 : memref<1664x16xf32, #tpu.memory_space<hbm>>) target_semaphore(%arg20 : memref<!tpu.dma_semaphore, #tpu.memory_space<semaphore_mem>>)
    %dma_wait3A_189 = arith.constant 0 : i32
    %dma_wait3A_190 = arith.constant 0 : i32
    %dma_wait3A_191 = tpu.memref_slice %arg4[%dma_wait3A_189, %dma_wait3A_190] : memref<1000000x16xf32, #tpu.memory_space<hbm>> -> memref<1000000x16xf32, #tpu.memory_space<hbm>>
    tpu.wait_indirect_dma semaphore(%arg18 : memref<!tpu.dma_semaphore, #tpu.memory_space<semaphore_mem>>) src(%dma_wait3A_191 : memref<1000000x16xf32, #tpu.memory_space<hbm>>) dst(%arg12 : memref<1664x16xf32, #tpu.memory_space<vmem>>)
    %scan3A_192 = arith.constant 0 : i32
    %scan3A_193 = arith.constant 0 : i32
    %scan3A_194 = arith.constant 64 : i32
    %scan3A_195 = arith.addi %scan3A_193, %scan3A_194 : i32
    %scan3A_196 = arith.constant 1 : i32
    %scan3A_197 = scf.for %scan3A_310 = %scan3A_193 to %scan3A_195 step %scan3A_196 iter_args(%scan3A_311 = %scan3A_192) -> (i32)  : i32 {
      %mul3A_312 = arith.constant 26 : i32
      %mul3A_313 = arith.muli %scan3A_310, %mul3A_312 : i32
      %get3A = arith.index_cast %mul3A_313 : i32 to index
      %get3A_314 = arith.constant 0 : index
      %get3A_315 = tpu.vector_load %arg12[%get3A, %get3A_314] {strides = array<i32>} : memref<1664x16xf32, #tpu.memory_space<vmem>>, vector<1x16xf32>,
      %get3A_316 = vector.shape_cast %get3A_315 : vector<1x16xf32> to vector<16xf32>
      %get3A_317 = arith.constant 0 : i32
      %get3A_318 = arith.index_cast %get3A_317 : i32 to index
      %get3A_319 = arith.constant 0 : index
      %get3A_320 = tpu.vector_load %arg15[%get3A_318, %get3A_319] {strides = array<i32>} : memref<26x16xf32, #tpu.memory_space<vmem>>, vector<1x16xf32>,
      %get3A_321 = vector.shape_cast %get3A_320 : vector<1x16xf32> to vector<16xf32>
      %mul3A_322 = arith.mulf %get3A_316, %get3A_321 : vector<16xf32>
      %add3A_323 = arith.constant 1 : i32
      %add3A_324 = arith.addi %mul3A_313, %add3A_323 : i32
      %get3A_325 = arith.index_cast %add3A_324 : i32 to index
      %get3A_326 = arith.constant 0 : index
      %get3A_327 = tpu.vector_load %arg12[%get3A_325, %get3A_326] {strides = array<i32>} : memref<1664x16xf32, #tpu.memory_space<vmem>>, vector<1x16xf32>,
      %get3A_328 = vector.shape_cast %get3A_327 : vector<1x16xf32> to vector<16xf32>
      %get3A_329 = arith.constant 1 : i32
      %get3A_330 = arith.index_cast %get3A_329 : i32 to index
      %get3A_331 = arith.constant 0 : index
      %get3A_332 = tpu.vector_load %arg15[%get3A_330, %get3A_331] {strides = array<i32>} : memref<26x16xf32, #tpu.memory_space<vmem>>, vector<1x16xf32>,
      %get3A_333 = vector.shape_cast %get3A_332 : vector<1x16xf32> to vector<16xf32>
      %mul3A_334 = arith.mulf %get3A_328, %get3A_333 : vector<16xf32>
      %add3A_335 = arith.addf %mul3A_322, %mul3A_334 : vector<16xf32>
      %add3A_336 = arith.constant 2 : i32
      %add3A_337 = arith.addi %mul3A_313, %add3A_336 : i32
      %get3A_338 = arith.index_cast %add3A_337 : i32 to index
      %get3A_339 = arith.constant 0 : index
      %get3A_340 = tpu.vector_load %arg12[%get3A_338, %get3A_339] {strides = array<i32>} : memref<1664x16xf32, #tpu.memory_space<vmem>>, vector<1x16xf32>,
      %get3A_341 = vector.shape_cast %get3A_340 : vector<1x16xf32> to vector<16xf32>
      %get3A_342 = arith.constant 2 : i32
      %get3A_343 = arith.index_cast %get3A_342 : i32 to index
      %get3A_344 = arith.constant 0 : index
      %get3A_345 = tpu.vector_load %arg15[%get3A_343, %get3A_344] {strides = array<i32>} : memref<26x16xf32, #tpu.memory_space<vmem>>, vector<1x16xf32>,
      %get3A_346 = vector.shape_cast %get3A_345 : vector<1x16xf32> to vector<16xf32>
      %mul3A_347 = arith.mulf %get3A_341, %get3A_346 : vector<16xf32>
      %add3A_348 = arith.addf %add3A_335, %mul3A_347 : vector<16xf32>
      %add3A_349 = arith.constant 3 : i32
      %add3A_350 = arith.addi %mul3A_313, %add3A_349 : i32
      %get3A_351 = arith.index_cast %add3A_350 : i32 to index
      %get3A_352 = arith.constant 0 : index
      %get3A_353 = tpu.vector_load %arg12[%get3A_351, %get3A_352] {strides = array<i32>} : memref<1664x16xf32, #tpu.memory_space<vmem>>, vector<1x16xf32>,
      %get3A_354 = vector.shape_cast %get3A_353 : vector<1x16xf32> to vector<16xf32>
      %get3A_355 = arith.constant 3 : i32
      %get3A_356 = arith.index_cast %get3A_355 : i32 to index
      %get3A_357 = arith.constant 0 : index
      %get3A_358 = tpu.vector_load %arg15[%get3A_356, %get3A_357] {strides = array<i32>} : memref<26x16xf32, #tpu.memory_space<vmem>>, vector<1x16xf32>,
      %get3A_359 = vector.shape_cast %get3A_358 : vector<1x16xf32> to vector<16xf32>
      %mul3A_360 = arith.mulf %get3A_354, %get3A_359 : vector<16xf32>
      %add3A_361 = arith.addf %add3A_348, %mul3A_360 : vector<16xf32>
      %add3A_362 = arith.constant 4 : i32
      %add3A_363 = arith.addi %mul3A_313, %add3A_362 : i32
      %get3A_364 = arith.index_cast %add3A_363 : i32 to index
      %get3A_365 = arith.constant 0 : index
      %get3A_366 = tpu.vector_load %arg12[%get3A_364, %get3A_365] {strides = array<i32>} : memref<1664x16xf32, #tpu.memory_space<vmem>>, vector<1x16xf32>,
      %get3A_367 = vector.shape_cast %get3A_366 : vector<1x16xf32> to vector<16xf32>
      %get3A_368 = arith.constant 4 : i32
      %get3A_369 = arith.index_cast %get3A_368 : i32 to index
      %get3A_370 = arith.constant 0 : index
      %get3A_371 = tpu.vector_load %arg15[%get3A_369, %get3A_370] {strides = array<i32>} : memref<26x16xf32, #tpu.memory_space<vmem>>, vector<1x16xf32>,
      %get3A_372 = vector.shape_cast %get3A_371 : vector<1x16xf32> to vector<16xf32>
      %mul3A_373 = arith.mulf %get3A_367, %get3A_372 : vector<16xf32>
      %add3A_374 = arith.addf %add3A_361, %mul3A_373 : vector<16xf32>
      %add3A_375 = arith.constant 5 : i32
      %add3A_376 = arith.addi %mul3A_313, %add3A_375 : i32
      %get3A_377 = arith.index_cast %add3A_376 : i32 to index
      %get3A_378 = arith.constant 0 : index
      %get3A_379 = tpu.vector_load %arg12[%get3A_377, %get3A_378] {strides = array<i32>} : memref<1664x16xf32, #tpu.memory_space<vmem>>, vector<1x16xf32>,
      %get3A_380 = vector.shape_cast %get3A_379 : vector<1x16xf32> to vector<16xf32>
      %get3A_381 = arith.constant 5 : i32
      %get3A_382 = arith.index_cast %get3A_381 : i32 to index
      %get3A_383 = arith.constant 0 : index
      %get3A_384 = tpu.vector_load %arg15[%get3A_382, %get3A_383] {strides = array<i32>} : memref<26x16xf32, #tpu.memory_space<vmem>>, vector<1x16xf32>,
      %get3A_385 = vector.shape_cast %get3A_384 : vector<1x16xf32> to vector<16xf32>
      %mul3A_386 = arith.mulf %get3A_380, %get3A_385 : vector<16xf32>
      %add3A_387 = arith.addf %add3A_374, %mul3A_386 : vector<16xf32>
      %add3A_388 = arith.constant 6 : i32
      %add3A_389 = arith.addi %mul3A_313, %add3A_388 : i32
      %get3A_390 = arith.index_cast %add3A_389 : i32 to index
      %get3A_391 = arith.constant 0 : index
      %get3A_392 = tpu.vector_load %arg12[%get3A_390, %get3A_391] {strides = array<i32>} : memref<1664x16xf32, #tpu.memory_space<vmem>>, vector<1x16xf32>,
      %get3A_393 = vector.shape_cast %get3A_392 : vector<1x16xf32> to vector<16xf32>
      %get3A_394 = arith.constant 6 : i32
      %get3A_395 = arith.index_cast %get3A_394 : i32 to index
      %get3A_396 = arith.constant 0 : index
      %get3A_397 = tpu.vector_load %arg15[%get3A_395, %get3A_396] {strides = array<i32>} : memref<26x16xf32, #tpu.memory_space<vmem>>, vector<1x16xf32>,
      %get3A_398 = vector.shape_cast %get3A_397 : vector<1x16xf32> to vector<16xf32>
      %mul3A_399 = arith.mulf %get3A_393, %get3A_398 : vector<16xf32>
      %add3A_400 = arith.addf %add3A_387, %mul3A_399 : vector<16xf32>
      %add3A_401 = arith.constant 7 : i32
      %add3A_402 = arith.addi %mul3A_313, %add3A_401 : i32
      %get3A_403 = arith.index_cast %add3A_402 : i32 to index
      %get3A_404 = arith.constant 0 : index
      %get3A_405 = tpu.vector_load %arg12[%get3A_403, %get3A_404] {strides = array<i32>} : memref<1664x16xf32, #tpu.memory_space<vmem>>, vector<1x16xf32>,
      %get3A_406 = vector.shape_cast %get3A_405 : vector<1x16xf32> to vector<16xf32>
      %get3A_407 = arith.constant 7 : i32
      %get3A_408 = arith.index_cast %get3A_407 : i32 to index
      %get3A_409 = arith.constant 0 : index
      %get3A_410 = tpu.vector_load %arg15[%get3A_408, %get3A_409] {strides = array<i32>} : memref<26x16xf32, #tpu.memory_space<vmem>>, vector<1x16xf32>,
      %get3A_411 = vector.shape_cast %get3A_410 : vector<1x16xf32> to vector<16xf32>
      %mul3A_412 = arith.mulf %get3A_406, %get3A_411 : vector<16xf32>
      %add3A_413 = arith.addf %add3A_400, %mul3A_412 : vector<16xf32>
      %add3A_414 = arith.constant 8 : i32
      %add3A_415 = arith.addi %mul3A_313, %add3A_414 : i32
      %get3A_416 = arith.index_cast %add3A_415 : i32 to index
      %get3A_417 = arith.constant 0 : index
      %get3A_418 = tpu.vector_load %arg12[%get3A_416, %get3A_417] {strides = array<i32>} : memref<1664x16xf32, #tpu.memory_space<vmem>>, vector<1x16xf32>,
      %get3A_419 = vector.shape_cast %get3A_418 : vector<1x16xf32> to vector<16xf32>
      %get3A_420 = arith.constant 8 : i32
      %get3A_421 = arith.index_cast %get3A_420 : i32 to index
      %get3A_422 = arith.constant 0 : index
      %get3A_423 = tpu.vector_load %arg15[%get3A_421, %get3A_422] {strides = array<i32>} : memref<26x16xf32, #tpu.memory_space<vmem>>, vector<1x16xf32>,
      %get3A_424 = vector.shape_cast %get3A_423 : vector<1x16xf32> to vector<16xf32>
      %mul3A_425 = arith.mulf %get3A_419, %get3A_424 : vector<16xf32>
      %add3A_426 = arith.addf %add3A_413, %mul3A_425 : vector<16xf32>
      %add3A_427 = arith.constant 9 : i32
      %add3A_428 = arith.addi %mul3A_313, %add3A_427 : i32
      %get3A_429 = arith.index_cast %add3A_428 : i32 to index
      %get3A_430 = arith.constant 0 : index
      %get3A_431 = tpu.vector_load %arg12[%get3A_429, %get3A_430] {strides = array<i32>} : memref<1664x16xf32, #tpu.memory_space<vmem>>, vector<1x16xf32>,
      %get3A_432 = vector.shape_cast %get3A_431 : vector<1x16xf32> to vector<16xf32>
      %get3A_433 = arith.constant 9 : i32
      %get3A_434 = arith.index_cast %get3A_433 : i32 to index
      %get3A_435 = arith.constant 0 : index
      %get3A_436 = tpu.vector_load %arg15[%get3A_434, %get3A_435] {strides = array<i32>} : memref<26x16xf32, #tpu.memory_space<vmem>>, vector<1x16xf32>,
      %get3A_437 = vector.shape_cast %get3A_436 : vector<1x16xf32> to vector<16xf32>
      %mul3A_438 = arith.mulf %get3A_432, %get3A_437 : vector<16xf32>
      %add3A_439 = arith.addf %add3A_426, %mul3A_438 : vector<16xf32>
      %add3A_440 = arith.constant 10 : i32
      %add3A_441 = arith.addi %mul3A_313, %add3A_440 : i32
      %get3A_442 = arith.index_cast %add3A_441 : i32 to index
      %get3A_443 = arith.constant 0 : index
      %get3A_444 = tpu.vector_load %arg12[%get3A_442, %get3A_443] {strides = array<i32>} : memref<1664x16xf32, #tpu.memory_space<vmem>>, vector<1x16xf32>,
      %get3A_445 = vector.shape_cast %get3A_444 : vector<1x16xf32> to vector<16xf32>
      %get3A_446 = arith.constant 10 : i32
      %get3A_447 = arith.index_cast %get3A_446 : i32 to index
      %get3A_448 = arith.constant 0 : index
      %get3A_449 = tpu.vector_load %arg15[%get3A_447, %get3A_448] {strides = array<i32>} : memref<26x16xf32, #tpu.memory_space<vmem>>, vector<1x16xf32>,
      %get3A_450 = vector.shape_cast %get3A_449 : vector<1x16xf32> to vector<16xf32>
      %mul3A_451 = arith.mulf %get3A_445, %get3A_450 : vector<16xf32>
      %add3A_452 = arith.addf %add3A_439, %mul3A_451 : vector<16xf32>
      %add3A_453 = arith.constant 11 : i32
      %add3A_454 = arith.addi %mul3A_313, %add3A_453 : i32
      %get3A_455 = arith.index_cast %add3A_454 : i32 to index
      %get3A_456 = arith.constant 0 : index
      %get3A_457 = tpu.vector_load %arg12[%get3A_455, %get3A_456] {strides = array<i32>} : memref<1664x16xf32, #tpu.memory_space<vmem>>, vector<1x16xf32>,
      %get3A_458 = vector.shape_cast %get3A_457 : vector<1x16xf32> to vector<16xf32>
      %get3A_459 = arith.constant 11 : i32
      %get3A_460 = arith.index_cast %get3A_459 : i32 to index
      %get3A_461 = arith.constant 0 : index
      %get3A_462 = tpu.vector_load %arg15[%get3A_460, %get3A_461] {strides = array<i32>} : memref<26x16xf32, #tpu.memory_space<vmem>>, vector<1x16xf32>,
      %get3A_463 = vector.shape_cast %get3A_462 : vector<1x16xf32> to vector<16xf32>
      %mul3A_464 = arith.mulf %get3A_458, %get3A_463 : vector<16xf32>
      %add3A_465 = arith.addf %add3A_452, %mul3A_464 : vector<16xf32>
      %add3A_466 = arith.constant 12 : i32
      %add3A_467 = arith.addi %mul3A_313, %add3A_466 : i32
      %get3A_468 = arith.index_cast %add3A_467 : i32 to index
      %get3A_469 = arith.constant 0 : index
      %get3A_470 = tpu.vector_load %arg12[%get3A_468, %get3A_469] {strides = array<i32>} : memref<1664x16xf32, #tpu.memory_space<vmem>>, vector<1x16xf32>,
      %get3A_471 = vector.shape_cast %get3A_470 : vector<1x16xf32> to vector<16xf32>
      %get3A_472 = arith.constant 12 : i32
      %get3A_473 = arith.index_cast %get3A_472 : i32 to index
      %get3A_474 = arith.constant 0 : index
      %get3A_475 = tpu.vector_load %arg15[%get3A_473, %get3A_474] {strides = array<i32>} : memref<26x16xf32, #tpu.memory_space<vmem>>, vector<1x16xf32>,
      %get3A_476 = vector.shape_cast %get3A_475 : vector<1x16xf32> to vector<16xf32>
      %mul3A_477 = arith.mulf %get3A_471, %get3A_476 : vector<16xf32>
      %add3A_478 = arith.addf %add3A_465, %mul3A_477 : vector<16xf32>
      %add3A_479 = arith.constant 13 : i32
      %add3A_480 = arith.addi %mul3A_313, %add3A_479 : i32
      %get3A_481 = arith.index_cast %add3A_480 : i32 to index
      %get3A_482 = arith.constant 0 : index
      %get3A_483 = tpu.vector_load %arg12[%get3A_481, %get3A_482] {strides = array<i32>} : memref<1664x16xf32, #tpu.memory_space<vmem>>, vector<1x16xf32>,
      %get3A_484 = vector.shape_cast %get3A_483 : vector<1x16xf32> to vector<16xf32>
      %get3A_485 = arith.constant 13 : i32
      %get3A_486 = arith.index_cast %get3A_485 : i32 to index
      %get3A_487 = arith.constant 0 : index
      %get3A_488 = tpu.vector_load %arg15[%get3A_486, %get3A_487] {strides = array<i32>} : memref<26x16xf32, #tpu.memory_space<vmem>>, vector<1x16xf32>,
      %get3A_489 = vector.shape_cast %get3A_488 : vector<1x16xf32> to vector<16xf32>
      %mul3A_490 = arith.mulf %get3A_484, %get3A_489 : vector<16xf32>
      %add3A_491 = arith.addf %add3A_478, %mul3A_490 : vector<16xf32>
      %add3A_492 = arith.constant 14 : i32
      %add3A_493 = arith.addi %mul3A_313, %add3A_492 : i32
      %get3A_494 = arith.index_cast %add3A_493 : i32 to index
      %get3A_495 = arith.constant 0 : index
      %get3A_496 = tpu.vector_load %arg12[%get3A_494, %get3A_495] {strides = array<i32>} : memref<1664x16xf32, #tpu.memory_space<vmem>>, vector<1x16xf32>,
      %get3A_497 = vector.shape_cast %get3A_496 : vector<1x16xf32> to vector<16xf32>
      %get3A_498 = arith.constant 14 : i32
      %get3A_499 = arith.index_cast %get3A_498 : i32 to index
      %get3A_500 = arith.constant 0 : index
      %get3A_501 = tpu.vector_load %arg15[%get3A_499, %get3A_500] {strides = array<i32>} : memref<26x16xf32, #tpu.memory_space<vmem>>, vector<1x16xf32>,
      %get3A_502 = vector.shape_cast %get3A_501 : vector<1x16xf32> to vector<16xf32>
      %mul3A_503 = arith.mulf %get3A_497, %get3A_502 : vector<16xf32>
      %add3A_504 = arith.addf %add3A_491, %mul3A_503 : vector<16xf32>
      %add3A_505 = arith.constant 15 : i32
      %add3A_506 = arith.addi %mul3A_313, %add3A_505 : i32
      %get3A_507 = arith.index_cast %add3A_506 : i32 to index
      %get3A_508 = arith.constant 0 : index
      %get3A_509 = tpu.vector_load %arg12[%get3A_507, %get3A_508] {strides = array<i32>} : memref<1664x16xf32, #tpu.memory_space<vmem>>, vector<1x16xf32>,
      %get3A_510 = vector.shape_cast %get3A_509 : vector<1x16xf32> to vector<16xf32>
      %get3A_511 = arith.constant 15 : i32
      %get3A_512 = arith.index_cast %get3A_511 : i32 to index
      %get3A_513 = arith.constant 0 : index
      %get3A_514 = tpu.vector_load %arg15[%get3A_512, %get3A_513] {strides = array<i32>} : memref<26x16xf32, #tpu.memory_space<vmem>>, vector<1x16xf32>,
      %get3A_515 = vector.shape_cast %get3A_514 : vector<1x16xf32> to vector<16xf32>
      %mul3A_516 = arith.mulf %get3A_510, %get3A_515 : vector<16xf32>
      %add3A_517 = arith.addf %add3A_504, %mul3A_516 : vector<16xf32>
      %add3A_518 = arith.constant 16 : i32
      %add3A_519 = arith.addi %mul3A_313, %add3A_518 : i32
      %get3A_520 = arith.index_cast %add3A_519 : i32 to index
      %get3A_521 = arith.constant 0 : index
      %get3A_522 = tpu.vector_load %arg12[%get3A_520, %get3A_521] {strides = array<i32>} : memref<1664x16xf32, #tpu.memory_space<vmem>>, vector<1x16xf32>,
      %get3A_523 = vector.shape_cast %get3A_522 : vector<1x16xf32> to vector<16xf32>
      %get3A_524 = arith.constant 16 : i32
      %get3A_525 = arith.index_cast %get3A_524 : i32 to index
      %get3A_526 = arith.constant 0 : index
      %get3A_527 = tpu.vector_load %arg15[%get3A_525, %get3A_526] {strides = array<i32>} : memref<26x16xf32, #tpu.memory_space<vmem>>, vector<1x16xf32>,
      %get3A_528 = vector.shape_cast %get3A_527 : vector<1x16xf32> to vector<16xf32>
      %mul3A_529 = arith.mulf %get3A_523, %get3A_528 : vector<16xf32>
      %add3A_530 = arith.addf %add3A_517, %mul3A_529 : vector<16xf32>
      %add3A_531 = arith.constant 17 : i32
      %add3A_532 = arith.addi %mul3A_313, %add3A_531 : i32
      %get3A_533 = arith.index_cast %add3A_532 : i32 to index
      %get3A_534 = arith.constant 0 : index
      %get3A_535 = tpu.vector_load %arg12[%get3A_533, %get3A_534] {strides = array<i32>} : memref<1664x16xf32, #tpu.memory_space<vmem>>, vector<1x16xf32>,
      %get3A_536 = vector.shape_cast %get3A_535 : vector<1x16xf32> to vector<16xf32>
      %get3A_537 = arith.constant 17 : i32
      %get3A_538 = arith.index_cast %get3A_537 : i32 to index
      %get3A_539 = arith.constant 0 : index
      %get3A_540 = tpu.vector_load %arg15[%get3A_538, %get3A_539] {strides = array<i32>} : memref<26x16xf32, #tpu.memory_space<vmem>>, vector<1x16xf32>,
      %get3A_541 = vector.shape_cast %get3A_540 : vector<1x16xf32> to vector<16xf32>
      %mul3A_542 = arith.mulf %get3A_536, %get3A_541 : vector<16xf32>
      %add3A_543 = arith.addf %add3A_530, %mul3A_542 : vector<16xf32>
      %add3A_544 = arith.constant 18 : i32
      %add3A_545 = arith.addi %mul3A_313, %add3A_544 : i32
      %get3A_546 = arith.index_cast %add3A_545 : i32 to index
      %get3A_547 = arith.constant 0 : index
      %get3A_548 = tpu.vector_load %arg12[%get3A_546, %get3A_547] {strides = array<i32>} : memref<1664x16xf32, #tpu.memory_space<vmem>>, vector<1x16xf32>,
      %get3A_549 = vector.shape_cast %get3A_548 : vector<1x16xf32> to vector<16xf32>
      %get3A_550 = arith.constant 18 : i32
      %get3A_551 = arith.index_cast %get3A_550 : i32 to index
      %get3A_552 = arith.constant 0 : index
      %get3A_553 = tpu.vector_load %arg15[%get3A_551, %get3A_552] {strides = array<i32>} : memref<26x16xf32, #tpu.memory_space<vmem>>, vector<1x16xf32>,
      %get3A_554 = vector.shape_cast %get3A_553 : vector<1x16xf32> to vector<16xf32>
      %mul3A_555 = arith.mulf %get3A_549, %get3A_554 : vector<16xf32>
      %add3A_556 = arith.addf %add3A_543, %mul3A_555 : vector<16xf32>
      %add3A_557 = arith.constant 19 : i32
      %add3A_558 = arith.addi %mul3A_313, %add3A_557 : i32
      %get3A_559 = arith.index_cast %add3A_558 : i32 to index
      %get3A_560 = arith.constant 0 : index
      %get3A_561 = tpu.vector_load %arg12[%get3A_559, %get3A_560] {strides = array<i32>} : memref<1664x16xf32, #tpu.memory_space<vmem>>, vector<1x16xf32>,
      %get3A_562 = vector.shape_cast %get3A_561 : vector<1x16xf32> to vector<16xf32>
      %get3A_563 = arith.constant 19 : i32
      %get3A_564 = arith.index_cast %get3A_563 : i32 to index
      %get3A_565 = arith.constant 0 : index
      %get3A_566 = tpu.vector_load %arg15[%get3A_564, %get3A_565] {strides = array<i32>} : memref<26x16xf32, #tpu.memory_space<vmem>>, vector<1x16xf32>,
      %get3A_567 = vector.shape_cast %get3A_566 : vector<1x16xf32> to vector<16xf32>
      %mul3A_568 = arith.mulf %get3A_562, %get3A_567 : vector<16xf32>
      %add3A_569 = arith.addf %add3A_556, %mul3A_568 : vector<16xf32>
      %add3A_570 = arith.constant 20 : i32
      %add3A_571 = arith.addi %mul3A_313, %add3A_570 : i32
      %get3A_572 = arith.index_cast %add3A_571 : i32 to index
      %get3A_573 = arith.constant 0 : index
      %get3A_574 = tpu.vector_load %arg12[%get3A_572, %get3A_573] {strides = array<i32>} : memref<1664x16xf32, #tpu.memory_space<vmem>>, vector<1x16xf32>,
      %get3A_575 = vector.shape_cast %get3A_574 : vector<1x16xf32> to vector<16xf32>
      %get3A_576 = arith.constant 20 : i32
      %get3A_577 = arith.index_cast %get3A_576 : i32 to index
      %get3A_578 = arith.constant 0 : index
      %get3A_579 = tpu.vector_load %arg15[%get3A_577, %get3A_578] {strides = array<i32>} : memref<26x16xf32, #tpu.memory_space<vmem>>, vector<1x16xf32>,
      %get3A_580 = vector.shape_cast %get3A_579 : vector<1x16xf32> to vector<16xf32>
      %mul3A_581 = arith.mulf %get3A_575, %get3A_580 : vector<16xf32>
      %add3A_582 = arith.addf %add3A_569, %mul3A_581 : vector<16xf32>
      %add3A_583 = arith.constant 21 : i32
      %add3A_584 = arith.addi %mul3A_313, %add3A_583 : i32
      %get3A_585 = arith.index_cast %add3A_584 : i32 to index
      %get3A_586 = arith.constant 0 : index
      %get3A_587 = tpu.vector_load %arg12[%get3A_585, %get3A_586] {strides = array<i32>} : memref<1664x16xf32, #tpu.memory_space<vmem>>, vector<1x16xf32>,
      %get3A_588 = vector.shape_cast %get3A_587 : vector<1x16xf32> to vector<16xf32>
      %get3A_589 = arith.constant 21 : i32
      %get3A_590 = arith.index_cast %get3A_589 : i32 to index
      %get3A_591 = arith.constant 0 : index
      %get3A_592 = tpu.vector_load %arg15[%get3A_590, %get3A_591] {strides = array<i32>} : memref<26x16xf32, #tpu.memory_space<vmem>>, vector<1x16xf32>,
      %get3A_593 = vector.shape_cast %get3A_592 : vector<1x16xf32> to vector<16xf32>
      %mul3A_594 = arith.mulf %get3A_588, %get3A_593 : vector<16xf32>
      %add3A_595 = arith.addf %add3A_582, %mul3A_594 : vector<16xf32>
      %add3A_596 = arith.constant 22 : i32
      %add3A_597 = arith.addi %mul3A_313, %add3A_596 : i32
      %get3A_598 = arith.index_cast %add3A_597 : i32 to index
      %get3A_599 = arith.constant 0 : index
      %get3A_600 = tpu.vector_load %arg12[%get3A_598, %get3A_599] {strides = array<i32>} : memref<1664x16xf32, #tpu.memory_space<vmem>>, vector<1x16xf32>,
      %get3A_601 = vector.shape_cast %get3A_600 : vector<1x16xf32> to vector<16xf32>
      %get3A_602 = arith.constant 22 : i32
      %get3A_603 = arith.index_cast %get3A_602 : i32 to index
      %get3A_604 = arith.constant 0 : index
      %get3A_605 = tpu.vector_load %arg15[%get3A_603, %get3A_604] {strides = array<i32>} : memref<26x16xf32, #tpu.memory_space<vmem>>, vector<1x16xf32>,
      %get3A_606 = vector.shape_cast %get3A_605 : vector<1x16xf32> to vector<16xf32>
      %mul3A_607 = arith.mulf %get3A_601, %get3A_606 : vector<16xf32>
      %add3A_608 = arith.addf %add3A_595, %mul3A_607 : vector<16xf32>
      %add3A_609 = arith.constant 23 : i32
      %add3A_610 = arith.addi %mul3A_313, %add3A_609 : i32
      %get3A_611 = arith.index_cast %add3A_610 : i32 to index
      %get3A_612 = arith.constant 0 : index
      %get3A_613 = tpu.vector_load %arg12[%get3A_611, %get3A_612] {strides = array<i32>} : memref<1664x16xf32, #tpu.memory_space<vmem>>, vector<1x16xf32>,
      %get3A_614 = vector.shape_cast %get3A_613 : vector<1x16xf32> to vector<16xf32>
      %get3A_615 = arith.constant 23 : i32
      %get3A_616 = arith.index_cast %get3A_615 : i32 to index
      %get3A_617 = arith.constant 0 : index
      %get3A_618 = tpu.vector_load %arg15[%get3A_616, %get3A_617] {strides = array<i32>} : memref<26x16xf32, #tpu.memory_space<vmem>>, vector<1x16xf32>,
      %get3A_619 = vector.shape_cast %get3A_618 : vector<1x16xf32> to vector<16xf32>
      %mul3A_620 = arith.mulf %get3A_614, %get3A_619 : vector<16xf32>
      %add3A_621 = arith.addf %add3A_608, %mul3A_620 : vector<16xf32>
      %add3A_622 = arith.constant 24 : i32
      %add3A_623 = arith.addi %mul3A_313, %add3A_622 : i32
      %get3A_624 = arith.index_cast %add3A_623 : i32 to index
      %get3A_625 = arith.constant 0 : index
      %get3A_626 = tpu.vector_load %arg12[%get3A_624, %get3A_625] {strides = array<i32>} : memref<1664x16xf32, #tpu.memory_space<vmem>>, vector<1x16xf32>,
      %get3A_627 = vector.shape_cast %get3A_626 : vector<1x16xf32> to vector<16xf32>
      %get3A_628 = arith.constant 24 : i32
      %get3A_629 = arith.index_cast %get3A_628 : i32 to index
      %get3A_630 = arith.constant 0 : index
      %get3A_631 = tpu.vector_load %arg15[%get3A_629, %get3A_630] {strides = array<i32>} : memref<26x16xf32, #tpu.memory_space<vmem>>, vector<1x16xf32>,
      %get3A_632 = vector.shape_cast %get3A_631 : vector<1x16xf32> to vector<16xf32>
      %mul3A_633 = arith.mulf %get3A_627, %get3A_632 : vector<16xf32>
      %add3A_634 = arith.addf %add3A_621, %mul3A_633 : vector<16xf32>
      %add3A_635 = arith.constant 25 : i32
      %add3A_636 = arith.addi %mul3A_313, %add3A_635 : i32
      %get3A_637 = arith.index_cast %add3A_636 : i32 to index
      %get3A_638 = arith.constant 0 : index
      %get3A_639 = tpu.vector_load %arg12[%get3A_637, %get3A_638] {strides = array<i32>} : memref<1664x16xf32, #tpu.memory_space<vmem>>, vector<1x16xf32>,
      %get3A_640 = vector.shape_cast %get3A_639 : vector<1x16xf32> to vector<16xf32>
      %get3A_641 = arith.constant 25 : i32
      %get3A_642 = arith.index_cast %get3A_641 : i32 to index
      %get3A_643 = arith.constant 0 : index
      %get3A_644 = tpu.vector_load %arg15[%get3A_642, %get3A_643] {strides = array<i32>} : memref<26x16xf32, #tpu.memory_space<vmem>>, vector<1x16xf32>,
      %get3A_645 = vector.shape_cast %get3A_644 : vector<1x16xf32> to vector<16xf32>
      %mul3A_646 = arith.mulf %get3A_640, %get3A_645 : vector<16xf32>
      %add3A_647 = arith.addf %add3A_634, %mul3A_646 : vector<16xf32>
      %swap3A = arith.index_cast %scan3A_310 : i32 to index
      %swap3A_648 = arith.constant 0 : index
      %swap3A_649 = tpu.vector_load %arg14[%swap3A, %swap3A_648] {strides = array<i32>} : memref<64x16xf32, #tpu.memory_space<vmem>>, vector<1x16xf32>,
      %swap3A_650 = vector.shape_cast %swap3A_649 : vector<1x16xf32> to vector<16xf32>
      %swap3A_651 = vector.shape_cast %add3A_647 : vector<16xf32> to vector<1x16xf32>
      tpu.vector_store %arg14[%swap3A, %swap3A_648], %swap3A_651 {strides = array<i32>} : memref<64x16xf32, #tpu.memory_space<vmem>>, vector<1x16xf32>,
      %scan3A_652 = arith.constant 0 : i32
      scf.yield %scan3A_652 : i32
    }
    %scan3A_198 = arith.constant 64 : i32
    "tpu.region"() ({
      %run_scoped3A = tpu.sem_alloc : memref<!tpu.dma_semaphore, #tpu.memory_space<semaphore_mem>>
      %dma_start3A_310 = arith.constant 0 : i32
      %dma_start3A_311 = tpu.memref_slice %arg7[%add3A_181, %dma_start3A_310] : memref<16384x16xf32, #tpu.memory_space<hbm>> -> memref<64x16xf32, #tpu.memory_space<hbm>>
      %dma_start3A_312 = arith.constant 0 : i32
      %dma_start3A_313 = tpu.memref_slice %arg7[%add3A_181, %dma_start3A_312] : memref<16384x16xf32, #tpu.memory_space<hbm>> -> memref<64x16xf32, #tpu.memory_space<hbm>>
      tpu.enqueue_dma source(%arg14 : memref<64x16xf32, #tpu.memory_space<vmem>>) target(%dma_start3A_313 : memref<64x16xf32, #tpu.memory_space<hbm>>) target_semaphore(%run_scoped3A : memref<!tpu.dma_semaphore, #tpu.memory_space<semaphore_mem>>)
      %dma_wait3A_314 = arith.constant 0 : i32
      %dma_wait3A_315 = tpu.memref_slice %arg7[%add3A_181, %dma_wait3A_314] : memref<16384x16xf32, #tpu.memory_space<hbm>> -> memref<64x16xf32, #tpu.memory_space<hbm>>
      %dma_wait3A_316 = arith.constant 0 : i32
      %dma_wait3A_317 = tpu.memref_slice %arg7[%add3A_181, %dma_wait3A_316] : memref<16384x16xf32, #tpu.memory_space<hbm>> -> memref<64x16xf32, #tpu.memory_space<hbm>>
      tpu.wait_dma2 semaphore(%run_scoped3A : memref<!tpu.dma_semaphore, #tpu.memory_space<semaphore_mem>>) src(%arg14 : memref<64x16xf32, #tpu.memory_space<vmem>>) dst(%dma_wait3A_317 : memref<64x16xf32, #tpu.memory_space<hbm>>)
      tpu.yield
    }) : () -> ()
    %dma_wait3A_199 = arith.constant 0 : i32
    %dma_wait3A_200 = tpu.memref_slice %arg6[%add3A_177, %dma_wait3A_199] : memref<425984x16xf32, #tpu.memory_space<hbm>> -> memref<1664x16xf32, #tpu.memory_space<hbm>>
    %dma_wait3A_201 = arith.constant 0 : i32
    %dma_wait3A_202 = tpu.memref_slice %arg6[%add3A_177, %dma_wait3A_201] : memref<425984x16xf32, #tpu.memory_space<hbm>> -> memref<1664x16xf32, #tpu.memory_space<hbm>>
    tpu.wait_dma2 semaphore(%arg20 : memref<!tpu.dma_semaphore, #tpu.memory_space<semaphore_mem>>) src(%arg10 : memref<1664x16xf32, #tpu.memory_space<vmem>>) dst(%dma_wait3A_202 : memref<1664x16xf32, #tpu.memory_space<hbm>>)
    %mul3A_203 = arith.constant 13312 : i32
    %mul3A_204 = arith.muli %add3A, %mul3A_203 : i32
    %add3A_205 = arith.constant 9984 : i32
    %add3A_206 = arith.addi %mul3A_204, %add3A_205 : i32
    "tpu.region"() ({
      %run_scoped3A = tpu.sem_alloc : memref<!tpu.dma_semaphore, #tpu.memory_space<semaphore_mem>>
      %dma_start3A_310 = tpu.memref_slice %arg2[%add3A_206] : memref<425984xi32, #tpu.memory_space<hbm>> -> memref<1664xi32, #tpu.memory_space<hbm>>
      %dma_start3A_311 = tpu.memref_slice %arg2[%add3A_206] : memref<425984xi32, #tpu.memory_space<hbm>> -> memref<1664xi32, #tpu.memory_space<hbm>>
      tpu.enqueue_dma source(%dma_start3A_311 : memref<1664xi32, #tpu.memory_space<hbm>>) target(%arg8 : memref<1664xi32, #tpu.memory_space<vmem>>) target_semaphore(%run_scoped3A : memref<!tpu.dma_semaphore, #tpu.memory_space<semaphore_mem>>)
      %dma_wait3A_312 = tpu.memref_slice %arg2[%add3A_206] : memref<425984xi32, #tpu.memory_space<hbm>> -> memref<1664xi32, #tpu.memory_space<hbm>>
      %dma_wait3A_313 = tpu.memref_slice %arg2[%add3A_206] : memref<425984xi32, #tpu.memory_space<hbm>> -> memref<1664xi32, #tpu.memory_space<hbm>>
      tpu.wait_dma2 semaphore(%run_scoped3A : memref<!tpu.dma_semaphore, #tpu.memory_space<semaphore_mem>>) src(%dma_wait3A_313 : memref<1664xi32, #tpu.memory_space<hbm>>) dst(%arg8 : memref<1664xi32, #tpu.memory_space<vmem>>)
      tpu.yield
    }) : () -> ()
    %dma_start3A_207 = arith.constant 0 : i32
    %dma_start3A_208 = arith.constant 0 : i32
    %dma_start3A_209 = tpu.memref_slice %arg3[%dma_start3A_207, %dma_start3A_208] : memref<1000000x16xf32, #tpu.memory_space<hbm>> -> memref<1000000x16xf32, #tpu.memory_space<hbm>>
    tpu.enqueue_indirect_dma source(%dma_start3A_209 : memref<1000000x16xf32, #tpu.memory_space<hbm>>) target(%arg10 : memref<1664x16xf32, #tpu.memory_space<vmem>>) offsets(%arg8 : memref<1664xi32, #tpu.memory_space<vmem>>) semaphore(%arg16 : memref<!tpu.dma_semaphore, #tpu.memory_space<semaphore_mem>>)
    %dma_start3A_210 = arith.constant 0 : i32
    %dma_start3A_211 = arith.constant 0 : i32
    %dma_start3A_212 = tpu.memref_slice %arg4[%dma_start3A_210, %dma_start3A_211] : memref<1000000x16xf32, #tpu.memory_space<hbm>> -> memref<1000000x16xf32, #tpu.memory_space<hbm>>
    tpu.enqueue_indirect_dma source(%dma_start3A_212 : memref<1000000x16xf32, #tpu.memory_space<hbm>>) target(%arg12 : memref<1664x16xf32, #tpu.memory_space<vmem>>) offsets(%arg8 : memref<1664xi32, #tpu.memory_space<vmem>>) semaphore(%arg18 : memref<!tpu.dma_semaphore, #tpu.memory_space<semaphore_mem>>)
    %mul3A_213 = arith.constant 13312 : i32
    %mul3A_214 = arith.muli %add3A, %mul3A_213 : i32
    %add3A_215 = arith.constant 8320 : i32
    %add3A_216 = arith.addi %mul3A_214, %add3A_215 : i32
    %mul3A_217 = arith.constant 512 : i32
    %mul3A_218 = arith.muli %add3A, %mul3A_217 : i32
    %add3A_219 = arith.constant 320 : i32
    %add3A_220 = arith.addi %mul3A_218, %add3A_219 : i32
    %dma_wait3A_221 = arith.constant 0 : i32
    %dma_wait3A_222 = arith.constant 0 : i32
    %dma_wait3A_223 = tpu.memref_slice %arg3[%dma_wait3A_221, %dma_wait3A_222] : memref<1000000x16xf32, #tpu.memory_space<hbm>> -> memref<1000000x16xf32, #tpu.memory_space<hbm>>
    tpu.wait_indirect_dma semaphore(%arg17 : memref<!tpu.dma_semaphore, #tpu.memory_space<semaphore_mem>>) src(%dma_wait3A_223 : memref<1000000x16xf32, #tpu.memory_space<hbm>>) dst(%arg11 : memref<1664x16xf32, #tpu.memory_space<vmem>>)
    %dma_start3A_224 = arith.constant 0 : i32
    %dma_start3A_225 = tpu.memref_slice %arg6[%add3A_216, %dma_start3A_224] : memref<425984x16xf32, #tpu.memory_space<hbm>> -> memref<1664x16xf32, #tpu.memory_space<hbm>>
    %dma_start3A_226 = arith.constant 0 : i32
    %dma_start3A_227 = tpu.memref_slice %arg6[%add3A_216, %dma_start3A_226] : memref<425984x16xf32, #tpu.memory_space<hbm>> -> memref<1664x16xf32, #tpu.memory_space<hbm>>
    tpu.enqueue_dma source(%arg11 : memref<1664x16xf32, #tpu.memory_space<vmem>>) target(%dma_start3A_227 : memref<1664x16xf32, #tpu.memory_space<hbm>>) target_semaphore(%arg21 : memref<!tpu.dma_semaphore, #tpu.memory_space<semaphore_mem>>)
    %dma_wait3A_228 = arith.constant 0 : i32
    %dma_wait3A_229 = arith.constant 0 : i32
    %dma_wait3A_230 = tpu.memref_slice %arg4[%dma_wait3A_228, %dma_wait3A_229] : memref<1000000x16xf32, #tpu.memory_space<hbm>> -> memref<1000000x16xf32, #tpu.memory_space<hbm>>
    tpu.wait_indirect_dma semaphore(%arg19 : memref<!tpu.dma_semaphore, #tpu.memory_space<semaphore_mem>>) src(%dma_wait3A_230 : memref<1000000x16xf32, #tpu.memory_space<hbm>>) dst(%arg13 : memref<1664x16xf32, #tpu.memory_space<vmem>>)
    %scan3A_231 = arith.constant 0 : i32
    %scan3A_232 = arith.constant 0 : i32
    %scan3A_233 = arith.constant 64 : i32
    %scan3A_234 = arith.addi %scan3A_232, %scan3A_233 : i32
    %scan3A_235 = arith.constant 1 : i32
    %scan3A_236 = scf.for %scan3A_310 = %scan3A_232 to %scan3A_234 step %scan3A_235 iter_args(%scan3A_311 = %scan3A_231) -> (i32)  : i32 {
      %mul3A_312 = arith.constant 26 : i32
      %mul3A_313 = arith.muli %scan3A_310, %mul3A_312 : i32
      %get3A = arith.index_cast %mul3A_313 : i32 to index
      %get3A_314 = arith.constant 0 : index
      %get3A_315 = tpu.vector_load %arg13[%get3A, %get3A_314] {strides = array<i32>} : memref<1664x16xf32, #tpu.memory_space<vmem>>, vector<1x16xf32>,
      %get3A_316 = vector.shape_cast %get3A_315 : vector<1x16xf32> to vector<16xf32>
      %get3A_317 = arith.constant 0 : i32
      %get3A_318 = arith.index_cast %get3A_317 : i32 to index
      %get3A_319 = arith.constant 0 : index
      %get3A_320 = tpu.vector_load %arg15[%get3A_318, %get3A_319] {strides = array<i32>} : memref<26x16xf32, #tpu.memory_space<vmem>>, vector<1x16xf32>,
      %get3A_321 = vector.shape_cast %get3A_320 : vector<1x16xf32> to vector<16xf32>
      %mul3A_322 = arith.mulf %get3A_316, %get3A_321 : vector<16xf32>
      %add3A_323 = arith.constant 1 : i32
      %add3A_324 = arith.addi %mul3A_313, %add3A_323 : i32
      %get3A_325 = arith.index_cast %add3A_324 : i32 to index
      %get3A_326 = arith.constant 0 : index
      %get3A_327 = tpu.vector_load %arg13[%get3A_325, %get3A_326] {strides = array<i32>} : memref<1664x16xf32, #tpu.memory_space<vmem>>, vector<1x16xf32>,
      %get3A_328 = vector.shape_cast %get3A_327 : vector<1x16xf32> to vector<16xf32>
      %get3A_329 = arith.constant 1 : i32
      %get3A_330 = arith.index_cast %get3A_329 : i32 to index
      %get3A_331 = arith.constant 0 : index
      %get3A_332 = tpu.vector_load %arg15[%get3A_330, %get3A_331] {strides = array<i32>} : memref<26x16xf32, #tpu.memory_space<vmem>>, vector<1x16xf32>,
      %get3A_333 = vector.shape_cast %get3A_332 : vector<1x16xf32> to vector<16xf32>
      %mul3A_334 = arith.mulf %get3A_328, %get3A_333 : vector<16xf32>
      %add3A_335 = arith.addf %mul3A_322, %mul3A_334 : vector<16xf32>
      %add3A_336 = arith.constant 2 : i32
      %add3A_337 = arith.addi %mul3A_313, %add3A_336 : i32
      %get3A_338 = arith.index_cast %add3A_337 : i32 to index
      %get3A_339 = arith.constant 0 : index
      %get3A_340 = tpu.vector_load %arg13[%get3A_338, %get3A_339] {strides = array<i32>} : memref<1664x16xf32, #tpu.memory_space<vmem>>, vector<1x16xf32>,
      %get3A_341 = vector.shape_cast %get3A_340 : vector<1x16xf32> to vector<16xf32>
      %get3A_342 = arith.constant 2 : i32
      %get3A_343 = arith.index_cast %get3A_342 : i32 to index
      %get3A_344 = arith.constant 0 : index
      %get3A_345 = tpu.vector_load %arg15[%get3A_343, %get3A_344] {strides = array<i32>} : memref<26x16xf32, #tpu.memory_space<vmem>>, vector<1x16xf32>,
      %get3A_346 = vector.shape_cast %get3A_345 : vector<1x16xf32> to vector<16xf32>
      %mul3A_347 = arith.mulf %get3A_341, %get3A_346 : vector<16xf32>
      %add3A_348 = arith.addf %add3A_335, %mul3A_347 : vector<16xf32>
      %add3A_349 = arith.constant 3 : i32
      %add3A_350 = arith.addi %mul3A_313, %add3A_349 : i32
      %get3A_351 = arith.index_cast %add3A_350 : i32 to index
      %get3A_352 = arith.constant 0 : index
      %get3A_353 = tpu.vector_load %arg13[%get3A_351, %get3A_352] {strides = array<i32>} : memref<1664x16xf32, #tpu.memory_space<vmem>>, vector<1x16xf32>,
      %get3A_354 = vector.shape_cast %get3A_353 : vector<1x16xf32> to vector<16xf32>
      %get3A_355 = arith.constant 3 : i32
      %get3A_356 = arith.index_cast %get3A_355 : i32 to index
      %get3A_357 = arith.constant 0 : index
      %get3A_358 = tpu.vector_load %arg15[%get3A_356, %get3A_357] {strides = array<i32>} : memref<26x16xf32, #tpu.memory_space<vmem>>, vector<1x16xf32>,
      %get3A_359 = vector.shape_cast %get3A_358 : vector<1x16xf32> to vector<16xf32>
      %mul3A_360 = arith.mulf %get3A_354, %get3A_359 : vector<16xf32>
      %add3A_361 = arith.addf %add3A_348, %mul3A_360 : vector<16xf32>
      %add3A_362 = arith.constant 4 : i32
      %add3A_363 = arith.addi %mul3A_313, %add3A_362 : i32
      %get3A_364 = arith.index_cast %add3A_363 : i32 to index
      %get3A_365 = arith.constant 0 : index
      %get3A_366 = tpu.vector_load %arg13[%get3A_364, %get3A_365] {strides = array<i32>} : memref<1664x16xf32, #tpu.memory_space<vmem>>, vector<1x16xf32>,
      %get3A_367 = vector.shape_cast %get3A_366 : vector<1x16xf32> to vector<16xf32>
      %get3A_368 = arith.constant 4 : i32
      %get3A_369 = arith.index_cast %get3A_368 : i32 to index
      %get3A_370 = arith.constant 0 : index
      %get3A_371 = tpu.vector_load %arg15[%get3A_369, %get3A_370] {strides = array<i32>} : memref<26x16xf32, #tpu.memory_space<vmem>>, vector<1x16xf32>,
      %get3A_372 = vector.shape_cast %get3A_371 : vector<1x16xf32> to vector<16xf32>
      %mul3A_373 = arith.mulf %get3A_367, %get3A_372 : vector<16xf32>
      %add3A_374 = arith.addf %add3A_361, %mul3A_373 : vector<16xf32>
      %add3A_375 = arith.constant 5 : i32
      %add3A_376 = arith.addi %mul3A_313, %add3A_375 : i32
      %get3A_377 = arith.index_cast %add3A_376 : i32 to index
      %get3A_378 = arith.constant 0 : index
      %get3A_379 = tpu.vector_load %arg13[%get3A_377, %get3A_378] {strides = array<i32>} : memref<1664x16xf32, #tpu.memory_space<vmem>>, vector<1x16xf32>,
      %get3A_380 = vector.shape_cast %get3A_379 : vector<1x16xf32> to vector<16xf32>
      %get3A_381 = arith.constant 5 : i32
      %get3A_382 = arith.index_cast %get3A_381 : i32 to index
      %get3A_383 = arith.constant 0 : index
      %get3A_384 = tpu.vector_load %arg15[%get3A_382, %get3A_383] {strides = array<i32>} : memref<26x16xf32, #tpu.memory_space<vmem>>, vector<1x16xf32>,
      %get3A_385 = vector.shape_cast %get3A_384 : vector<1x16xf32> to vector<16xf32>
      %mul3A_386 = arith.mulf %get3A_380, %get3A_385 : vector<16xf32>
      %add3A_387 = arith.addf %add3A_374, %mul3A_386 : vector<16xf32>
      %add3A_388 = arith.constant 6 : i32
      %add3A_389 = arith.addi %mul3A_313, %add3A_388 : i32
      %get3A_390 = arith.index_cast %add3A_389 : i32 to index
      %get3A_391 = arith.constant 0 : index
      %get3A_392 = tpu.vector_load %arg13[%get3A_390, %get3A_391] {strides = array<i32>} : memref<1664x16xf32, #tpu.memory_space<vmem>>, vector<1x16xf32>,
      %get3A_393 = vector.shape_cast %get3A_392 : vector<1x16xf32> to vector<16xf32>
      %get3A_394 = arith.constant 6 : i32
      %get3A_395 = arith.index_cast %get3A_394 : i32 to index
      %get3A_396 = arith.constant 0 : index
      %get3A_397 = tpu.vector_load %arg15[%get3A_395, %get3A_396] {strides = array<i32>} : memref<26x16xf32, #tpu.memory_space<vmem>>, vector<1x16xf32>,
      %get3A_398 = vector.shape_cast %get3A_397 : vector<1x16xf32> to vector<16xf32>
      %mul3A_399 = arith.mulf %get3A_393, %get3A_398 : vector<16xf32>
      %add3A_400 = arith.addf %add3A_387, %mul3A_399 : vector<16xf32>
      %add3A_401 = arith.constant 7 : i32
      %add3A_402 = arith.addi %mul3A_313, %add3A_401 : i32
      %get3A_403 = arith.index_cast %add3A_402 : i32 to index
      %get3A_404 = arith.constant 0 : index
      %get3A_405 = tpu.vector_load %arg13[%get3A_403, %get3A_404] {strides = array<i32>} : memref<1664x16xf32, #tpu.memory_space<vmem>>, vector<1x16xf32>,
      %get3A_406 = vector.shape_cast %get3A_405 : vector<1x16xf32> to vector<16xf32>
      %get3A_407 = arith.constant 7 : i32
      %get3A_408 = arith.index_cast %get3A_407 : i32 to index
      %get3A_409 = arith.constant 0 : index
      %get3A_410 = tpu.vector_load %arg15[%get3A_408, %get3A_409] {strides = array<i32>} : memref<26x16xf32, #tpu.memory_space<vmem>>, vector<1x16xf32>,
      %get3A_411 = vector.shape_cast %get3A_410 : vector<1x16xf32> to vector<16xf32>
      %mul3A_412 = arith.mulf %get3A_406, %get3A_411 : vector<16xf32>
      %add3A_413 = arith.addf %add3A_400, %mul3A_412 : vector<16xf32>
      %add3A_414 = arith.constant 8 : i32
      %add3A_415 = arith.addi %mul3A_313, %add3A_414 : i32
      %get3A_416 = arith.index_cast %add3A_415 : i32 to index
      %get3A_417 = arith.constant 0 : index
      %get3A_418 = tpu.vector_load %arg13[%get3A_416, %get3A_417] {strides = array<i32>} : memref<1664x16xf32, #tpu.memory_space<vmem>>, vector<1x16xf32>,
      %get3A_419 = vector.shape_cast %get3A_418 : vector<1x16xf32> to vector<16xf32>
      %get3A_420 = arith.constant 8 : i32
      %get3A_421 = arith.index_cast %get3A_420 : i32 to index
      %get3A_422 = arith.constant 0 : index
      %get3A_423 = tpu.vector_load %arg15[%get3A_421, %get3A_422] {strides = array<i32>} : memref<26x16xf32, #tpu.memory_space<vmem>>, vector<1x16xf32>,
      %get3A_424 = vector.shape_cast %get3A_423 : vector<1x16xf32> to vector<16xf32>
      %mul3A_425 = arith.mulf %get3A_419, %get3A_424 : vector<16xf32>
      %add3A_426 = arith.addf %add3A_413, %mul3A_425 : vector<16xf32>
      %add3A_427 = arith.constant 9 : i32
      %add3A_428 = arith.addi %mul3A_313, %add3A_427 : i32
      %get3A_429 = arith.index_cast %add3A_428 : i32 to index
      %get3A_430 = arith.constant 0 : index
      %get3A_431 = tpu.vector_load %arg13[%get3A_429, %get3A_430] {strides = array<i32>} : memref<1664x16xf32, #tpu.memory_space<vmem>>, vector<1x16xf32>,
      %get3A_432 = vector.shape_cast %get3A_431 : vector<1x16xf32> to vector<16xf32>
      %get3A_433 = arith.constant 9 : i32
      %get3A_434 = arith.index_cast %get3A_433 : i32 to index
      %get3A_435 = arith.constant 0 : index
      %get3A_436 = tpu.vector_load %arg15[%get3A_434, %get3A_435] {strides = array<i32>} : memref<26x16xf32, #tpu.memory_space<vmem>>, vector<1x16xf32>,
      %get3A_437 = vector.shape_cast %get3A_436 : vector<1x16xf32> to vector<16xf32>
      %mul3A_438 = arith.mulf %get3A_432, %get3A_437 : vector<16xf32>
      %add3A_439 = arith.addf %add3A_426, %mul3A_438 : vector<16xf32>
      %add3A_440 = arith.constant 10 : i32
      %add3A_441 = arith.addi %mul3A_313, %add3A_440 : i32
      %get3A_442 = arith.index_cast %add3A_441 : i32 to index
      %get3A_443 = arith.constant 0 : index
      %get3A_444 = tpu.vector_load %arg13[%get3A_442, %get3A_443] {strides = array<i32>} : memref<1664x16xf32, #tpu.memory_space<vmem>>, vector<1x16xf32>,
      %get3A_445 = vector.shape_cast %get3A_444 : vector<1x16xf32> to vector<16xf32>
      %get3A_446 = arith.constant 10 : i32
      %get3A_447 = arith.index_cast %get3A_446 : i32 to index
      %get3A_448 = arith.constant 0 : index
      %get3A_449 = tpu.vector_load %arg15[%get3A_447, %get3A_448] {strides = array<i32>} : memref<26x16xf32, #tpu.memory_space<vmem>>, vector<1x16xf32>,
      %get3A_450 = vector.shape_cast %get3A_449 : vector<1x16xf32> to vector<16xf32>
      %mul3A_451 = arith.mulf %get3A_445, %get3A_450 : vector<16xf32>
      %add3A_452 = arith.addf %add3A_439, %mul3A_451 : vector<16xf32>
      %add3A_453 = arith.constant 11 : i32
      %add3A_454 = arith.addi %mul3A_313, %add3A_453 : i32
      %get3A_455 = arith.index_cast %add3A_454 : i32 to index
      %get3A_456 = arith.constant 0 : index
      %get3A_457 = tpu.vector_load %arg13[%get3A_455, %get3A_456] {strides = array<i32>} : memref<1664x16xf32, #tpu.memory_space<vmem>>, vector<1x16xf32>,
      %get3A_458 = vector.shape_cast %get3A_457 : vector<1x16xf32> to vector<16xf32>
      %get3A_459 = arith.constant 11 : i32
      %get3A_460 = arith.index_cast %get3A_459 : i32 to index
      %get3A_461 = arith.constant 0 : index
      %get3A_462 = tpu.vector_load %arg15[%get3A_460, %get3A_461] {strides = array<i32>} : memref<26x16xf32, #tpu.memory_space<vmem>>, vector<1x16xf32>,
      %get3A_463 = vector.shape_cast %get3A_462 : vector<1x16xf32> to vector<16xf32>
      %mul3A_464 = arith.mulf %get3A_458, %get3A_463 : vector<16xf32>
      %add3A_465 = arith.addf %add3A_452, %mul3A_464 : vector<16xf32>
      %add3A_466 = arith.constant 12 : i32
      %add3A_467 = arith.addi %mul3A_313, %add3A_466 : i32
      %get3A_468 = arith.index_cast %add3A_467 : i32 to index
      %get3A_469 = arith.constant 0 : index
      %get3A_470 = tpu.vector_load %arg13[%get3A_468, %get3A_469] {strides = array<i32>} : memref<1664x16xf32, #tpu.memory_space<vmem>>, vector<1x16xf32>,
      %get3A_471 = vector.shape_cast %get3A_470 : vector<1x16xf32> to vector<16xf32>
      %get3A_472 = arith.constant 12 : i32
      %get3A_473 = arith.index_cast %get3A_472 : i32 to index
      %get3A_474 = arith.constant 0 : index
      %get3A_475 = tpu.vector_load %arg15[%get3A_473, %get3A_474] {strides = array<i32>} : memref<26x16xf32, #tpu.memory_space<vmem>>, vector<1x16xf32>,
      %get3A_476 = vector.shape_cast %get3A_475 : vector<1x16xf32> to vector<16xf32>
      %mul3A_477 = arith.mulf %get3A_471, %get3A_476 : vector<16xf32>
      %add3A_478 = arith.addf %add3A_465, %mul3A_477 : vector<16xf32>
      %add3A_479 = arith.constant 13 : i32
      %add3A_480 = arith.addi %mul3A_313, %add3A_479 : i32
      %get3A_481 = arith.index_cast %add3A_480 : i32 to index
      %get3A_482 = arith.constant 0 : index
      %get3A_483 = tpu.vector_load %arg13[%get3A_481, %get3A_482] {strides = array<i32>} : memref<1664x16xf32, #tpu.memory_space<vmem>>, vector<1x16xf32>,
      %get3A_484 = vector.shape_cast %get3A_483 : vector<1x16xf32> to vector<16xf32>
      %get3A_485 = arith.constant 13 : i32
      %get3A_486 = arith.index_cast %get3A_485 : i32 to index
      %get3A_487 = arith.constant 0 : index
      %get3A_488 = tpu.vector_load %arg15[%get3A_486, %get3A_487] {strides = array<i32>} : memref<26x16xf32, #tpu.memory_space<vmem>>, vector<1x16xf32>,
      %get3A_489 = vector.shape_cast %get3A_488 : vector<1x16xf32> to vector<16xf32>
      %mul3A_490 = arith.mulf %get3A_484, %get3A_489 : vector<16xf32>
      %add3A_491 = arith.addf %add3A_478, %mul3A_490 : vector<16xf32>
      %add3A_492 = arith.constant 14 : i32
      %add3A_493 = arith.addi %mul3A_313, %add3A_492 : i32
      %get3A_494 = arith.index_cast %add3A_493 : i32 to index
      %get3A_495 = arith.constant 0 : index
      %get3A_496 = tpu.vector_load %arg13[%get3A_494, %get3A_495] {strides = array<i32>} : memref<1664x16xf32, #tpu.memory_space<vmem>>, vector<1x16xf32>,
      %get3A_497 = vector.shape_cast %get3A_496 : vector<1x16xf32> to vector<16xf32>
      %get3A_498 = arith.constant 14 : i32
      %get3A_499 = arith.index_cast %get3A_498 : i32 to index
      %get3A_500 = arith.constant 0 : index
      %get3A_501 = tpu.vector_load %arg15[%get3A_499, %get3A_500] {strides = array<i32>} : memref<26x16xf32, #tpu.memory_space<vmem>>, vector<1x16xf32>,
      %get3A_502 = vector.shape_cast %get3A_501 : vector<1x16xf32> to vector<16xf32>
      %mul3A_503 = arith.mulf %get3A_497, %get3A_502 : vector<16xf32>
      %add3A_504 = arith.addf %add3A_491, %mul3A_503 : vector<16xf32>
      %add3A_505 = arith.constant 15 : i32
      %add3A_506 = arith.addi %mul3A_313, %add3A_505 : i32
      %get3A_507 = arith.index_cast %add3A_506 : i32 to index
      %get3A_508 = arith.constant 0 : index
      %get3A_509 = tpu.vector_load %arg13[%get3A_507, %get3A_508] {strides = array<i32>} : memref<1664x16xf32, #tpu.memory_space<vmem>>, vector<1x16xf32>,
      %get3A_510 = vector.shape_cast %get3A_509 : vector<1x16xf32> to vector<16xf32>
      %get3A_511 = arith.constant 15 : i32
      %get3A_512 = arith.index_cast %get3A_511 : i32 to index
      %get3A_513 = arith.constant 0 : index
      %get3A_514 = tpu.vector_load %arg15[%get3A_512, %get3A_513] {strides = array<i32>} : memref<26x16xf32, #tpu.memory_space<vmem>>, vector<1x16xf32>,
      %get3A_515 = vector.shape_cast %get3A_514 : vector<1x16xf32> to vector<16xf32>
      %mul3A_516 = arith.mulf %get3A_510, %get3A_515 : vector<16xf32>
      %add3A_517 = arith.addf %add3A_504, %mul3A_516 : vector<16xf32>
      %add3A_518 = arith.constant 16 : i32
      %add3A_519 = arith.addi %mul3A_313, %add3A_518 : i32
      %get3A_520 = arith.index_cast %add3A_519 : i32 to index
      %get3A_521 = arith.constant 0 : index
      %get3A_522 = tpu.vector_load %arg13[%get3A_520, %get3A_521] {strides = array<i32>} : memref<1664x16xf32, #tpu.memory_space<vmem>>, vector<1x16xf32>,
      %get3A_523 = vector.shape_cast %get3A_522 : vector<1x16xf32> to vector<16xf32>
      %get3A_524 = arith.constant 16 : i32
      %get3A_525 = arith.index_cast %get3A_524 : i32 to index
      %get3A_526 = arith.constant 0 : index
      %get3A_527 = tpu.vector_load %arg15[%get3A_525, %get3A_526] {strides = array<i32>} : memref<26x16xf32, #tpu.memory_space<vmem>>, vector<1x16xf32>,
      %get3A_528 = vector.shape_cast %get3A_527 : vector<1x16xf32> to vector<16xf32>
      %mul3A_529 = arith.mulf %get3A_523, %get3A_528 : vector<16xf32>
      %add3A_530 = arith.addf %add3A_517, %mul3A_529 : vector<16xf32>
      %add3A_531 = arith.constant 17 : i32
      %add3A_532 = arith.addi %mul3A_313, %add3A_531 : i32
      %get3A_533 = arith.index_cast %add3A_532 : i32 to index
      %get3A_534 = arith.constant 0 : index
      %get3A_535 = tpu.vector_load %arg13[%get3A_533, %get3A_534] {strides = array<i32>} : memref<1664x16xf32, #tpu.memory_space<vmem>>, vector<1x16xf32>,
      %get3A_536 = vector.shape_cast %get3A_535 : vector<1x16xf32> to vector<16xf32>
      %get3A_537 = arith.constant 17 : i32
      %get3A_538 = arith.index_cast %get3A_537 : i32 to index
      %get3A_539 = arith.constant 0 : index
      %get3A_540 = tpu.vector_load %arg15[%get3A_538, %get3A_539] {strides = array<i32>} : memref<26x16xf32, #tpu.memory_space<vmem>>, vector<1x16xf32>,
      %get3A_541 = vector.shape_cast %get3A_540 : vector<1x16xf32> to vector<16xf32>
      %mul3A_542 = arith.mulf %get3A_536, %get3A_541 : vector<16xf32>
      %add3A_543 = arith.addf %add3A_530, %mul3A_542 : vector<16xf32>
      %add3A_544 = arith.constant 18 : i32
      %add3A_545 = arith.addi %mul3A_313, %add3A_544 : i32
      %get3A_546 = arith.index_cast %add3A_545 : i32 to index
      %get3A_547 = arith.constant 0 : index
      %get3A_548 = tpu.vector_load %arg13[%get3A_546, %get3A_547] {strides = array<i32>} : memref<1664x16xf32, #tpu.memory_space<vmem>>, vector<1x16xf32>,
      %get3A_549 = vector.shape_cast %get3A_548 : vector<1x16xf32> to vector<16xf32>
      %get3A_550 = arith.constant 18 : i32
      %get3A_551 = arith.index_cast %get3A_550 : i32 to index
      %get3A_552 = arith.constant 0 : index
      %get3A_553 = tpu.vector_load %arg15[%get3A_551, %get3A_552] {strides = array<i32>} : memref<26x16xf32, #tpu.memory_space<vmem>>, vector<1x16xf32>,
      %get3A_554 = vector.shape_cast %get3A_553 : vector<1x16xf32> to vector<16xf32>
      %mul3A_555 = arith.mulf %get3A_549, %get3A_554 : vector<16xf32>
      %add3A_556 = arith.addf %add3A_543, %mul3A_555 : vector<16xf32>
      %add3A_557 = arith.constant 19 : i32
      %add3A_558 = arith.addi %mul3A_313, %add3A_557 : i32
      %get3A_559 = arith.index_cast %add3A_558 : i32 to index
      %get3A_560 = arith.constant 0 : index
      %get3A_561 = tpu.vector_load %arg13[%get3A_559, %get3A_560] {strides = array<i32>} : memref<1664x16xf32, #tpu.memory_space<vmem>>, vector<1x16xf32>,
      %get3A_562 = vector.shape_cast %get3A_561 : vector<1x16xf32> to vector<16xf32>
      %get3A_563 = arith.constant 19 : i32
      %get3A_564 = arith.index_cast %get3A_563 : i32 to index
      %get3A_565 = arith.constant 0 : index
      %get3A_566 = tpu.vector_load %arg15[%get3A_564, %get3A_565] {strides = array<i32>} : memref<26x16xf32, #tpu.memory_space<vmem>>, vector<1x16xf32>,
      %get3A_567 = vector.shape_cast %get3A_566 : vector<1x16xf32> to vector<16xf32>
      %mul3A_568 = arith.mulf %get3A_562, %get3A_567 : vector<16xf32>
      %add3A_569 = arith.addf %add3A_556, %mul3A_568 : vector<16xf32>
      %add3A_570 = arith.constant 20 : i32
      %add3A_571 = arith.addi %mul3A_313, %add3A_570 : i32
      %get3A_572 = arith.index_cast %add3A_571 : i32 to index
      %get3A_573 = arith.constant 0 : index
      %get3A_574 = tpu.vector_load %arg13[%get3A_572, %get3A_573] {strides = array<i32>} : memref<1664x16xf32, #tpu.memory_space<vmem>>, vector<1x16xf32>,
      %get3A_575 = vector.shape_cast %get3A_574 : vector<1x16xf32> to vector<16xf32>
      %get3A_576 = arith.constant 20 : i32
      %get3A_577 = arith.index_cast %get3A_576 : i32 to index
      %get3A_578 = arith.constant 0 : index
      %get3A_579 = tpu.vector_load %arg15[%get3A_577, %get3A_578] {strides = array<i32>} : memref<26x16xf32, #tpu.memory_space<vmem>>, vector<1x16xf32>,
      %get3A_580 = vector.shape_cast %get3A_579 : vector<1x16xf32> to vector<16xf32>
      %mul3A_581 = arith.mulf %get3A_575, %get3A_580 : vector<16xf32>
      %add3A_582 = arith.addf %add3A_569, %mul3A_581 : vector<16xf32>
      %add3A_583 = arith.constant 21 : i32
      %add3A_584 = arith.addi %mul3A_313, %add3A_583 : i32
      %get3A_585 = arith.index_cast %add3A_584 : i32 to index
      %get3A_586 = arith.constant 0 : index
      %get3A_587 = tpu.vector_load %arg13[%get3A_585, %get3A_586] {strides = array<i32>} : memref<1664x16xf32, #tpu.memory_space<vmem>>, vector<1x16xf32>,
      %get3A_588 = vector.shape_cast %get3A_587 : vector<1x16xf32> to vector<16xf32>
      %get3A_589 = arith.constant 21 : i32
      %get3A_590 = arith.index_cast %get3A_589 : i32 to index
      %get3A_591 = arith.constant 0 : index
      %get3A_592 = tpu.vector_load %arg15[%get3A_590, %get3A_591] {strides = array<i32>} : memref<26x16xf32, #tpu.memory_space<vmem>>, vector<1x16xf32>,
      %get3A_593 = vector.shape_cast %get3A_592 : vector<1x16xf32> to vector<16xf32>
      %mul3A_594 = arith.mulf %get3A_588, %get3A_593 : vector<16xf32>
      %add3A_595 = arith.addf %add3A_582, %mul3A_594 : vector<16xf32>
      %add3A_596 = arith.constant 22 : i32
      %add3A_597 = arith.addi %mul3A_313, %add3A_596 : i32
      %get3A_598 = arith.index_cast %add3A_597 : i32 to index
      %get3A_599 = arith.constant 0 : index
      %get3A_600 = tpu.vector_load %arg13[%get3A_598, %get3A_599] {strides = array<i32>} : memref<1664x16xf32, #tpu.memory_space<vmem>>, vector<1x16xf32>,
      %get3A_601 = vector.shape_cast %get3A_600 : vector<1x16xf32> to vector<16xf32>
      %get3A_602 = arith.constant 22 : i32
      %get3A_603 = arith.index_cast %get3A_602 : i32 to index
      %get3A_604 = arith.constant 0 : index
      %get3A_605 = tpu.vector_load %arg15[%get3A_603, %get3A_604] {strides = array<i32>} : memref<26x16xf32, #tpu.memory_space<vmem>>, vector<1x16xf32>,
      %get3A_606 = vector.shape_cast %get3A_605 : vector<1x16xf32> to vector<16xf32>
      %mul3A_607 = arith.mulf %get3A_601, %get3A_606 : vector<16xf32>
      %add3A_608 = arith.addf %add3A_595, %mul3A_607 : vector<16xf32>
      %add3A_609 = arith.constant 23 : i32
      %add3A_610 = arith.addi %mul3A_313, %add3A_609 : i32
      %get3A_611 = arith.index_cast %add3A_610 : i32 to index
      %get3A_612 = arith.constant 0 : index
      %get3A_613 = tpu.vector_load %arg13[%get3A_611, %get3A_612] {strides = array<i32>} : memref<1664x16xf32, #tpu.memory_space<vmem>>, vector<1x16xf32>,
      %get3A_614 = vector.shape_cast %get3A_613 : vector<1x16xf32> to vector<16xf32>
      %get3A_615 = arith.constant 23 : i32
      %get3A_616 = arith.index_cast %get3A_615 : i32 to index
      %get3A_617 = arith.constant 0 : index
      %get3A_618 = tpu.vector_load %arg15[%get3A_616, %get3A_617] {strides = array<i32>} : memref<26x16xf32, #tpu.memory_space<vmem>>, vector<1x16xf32>,
      %get3A_619 = vector.shape_cast %get3A_618 : vector<1x16xf32> to vector<16xf32>
      %mul3A_620 = arith.mulf %get3A_614, %get3A_619 : vector<16xf32>
      %add3A_621 = arith.addf %add3A_608, %mul3A_620 : vector<16xf32>
      %add3A_622 = arith.constant 24 : i32
      %add3A_623 = arith.addi %mul3A_313, %add3A_622 : i32
      %get3A_624 = arith.index_cast %add3A_623 : i32 to index
      %get3A_625 = arith.constant 0 : index
      %get3A_626 = tpu.vector_load %arg13[%get3A_624, %get3A_625] {strides = array<i32>} : memref<1664x16xf32, #tpu.memory_space<vmem>>, vector<1x16xf32>,
      %get3A_627 = vector.shape_cast %get3A_626 : vector<1x16xf32> to vector<16xf32>
      %get3A_628 = arith.constant 24 : i32
      %get3A_629 = arith.index_cast %get3A_628 : i32 to index
      %get3A_630 = arith.constant 0 : index
      %get3A_631 = tpu.vector_load %arg15[%get3A_629, %get3A_630] {strides = array<i32>} : memref<26x16xf32, #tpu.memory_space<vmem>>, vector<1x16xf32>,
      %get3A_632 = vector.shape_cast %get3A_631 : vector<1x16xf32> to vector<16xf32>
      %mul3A_633 = arith.mulf %get3A_627, %get3A_632 : vector<16xf32>
      %add3A_634 = arith.addf %add3A_621, %mul3A_633 : vector<16xf32>
      %add3A_635 = arith.constant 25 : i32
      %add3A_636 = arith.addi %mul3A_313, %add3A_635 : i32
      %get3A_637 = arith.index_cast %add3A_636 : i32 to index
      %get3A_638 = arith.constant 0 : index
      %get3A_639 = tpu.vector_load %arg13[%get3A_637, %get3A_638] {strides = array<i32>} : memref<1664x16xf32, #tpu.memory_space<vmem>>, vector<1x16xf32>,
      %get3A_640 = vector.shape_cast %get3A_639 : vector<1x16xf32> to vector<16xf32>
      %get3A_641 = arith.constant 25 : i32
      %get3A_642 = arith.index_cast %get3A_641 : i32 to index
      %get3A_643 = arith.constant 0 : index
      %get3A_644 = tpu.vector_load %arg15[%get3A_642, %get3A_643] {strides = array<i32>} : memref<26x16xf32, #tpu.memory_space<vmem>>, vector<1x16xf32>,
      %get3A_645 = vector.shape_cast %get3A_644 : vector<1x16xf32> to vector<16xf32>
      %mul3A_646 = arith.mulf %get3A_640, %get3A_645 : vector<16xf32>
      %add3A_647 = arith.addf %add3A_634, %mul3A_646 : vector<16xf32>
      %swap3A = arith.index_cast %scan3A_310 : i32 to index
      %swap3A_648 = arith.constant 0 : index
      %swap3A_649 = tpu.vector_load %arg14[%swap3A, %swap3A_648] {strides = array<i32>} : memref<64x16xf32, #tpu.memory_space<vmem>>, vector<1x16xf32>,
      %swap3A_650 = vector.shape_cast %swap3A_649 : vector<1x16xf32> to vector<16xf32>
      %swap3A_651 = vector.shape_cast %add3A_647 : vector<16xf32> to vector<1x16xf32>
      tpu.vector_store %arg14[%swap3A, %swap3A_648], %swap3A_651 {strides = array<i32>} : memref<64x16xf32, #tpu.memory_space<vmem>>, vector<1x16xf32>,
      %scan3A_652 = arith.constant 0 : i32
      scf.yield %scan3A_652 : i32
    }
    %scan3A_237 = arith.constant 64 : i32
    "tpu.region"() ({
      %run_scoped3A = tpu.sem_alloc : memref<!tpu.dma_semaphore, #tpu.memory_space<semaphore_mem>>
      %dma_start3A_310 = arith.constant 0 : i32
      %dma_start3A_311 = tpu.memref_slice %arg7[%add3A_220, %dma_start3A_310] : memref<16384x16xf32, #tpu.memory_space<hbm>> -> memref<64x16xf32, #tpu.memory_space<hbm>>
      %dma_start3A_312 = arith.constant 0 : i32
      %dma_start3A_313 = tpu.memref_slice %arg7[%add3A_220, %dma_start3A_312] : memref<16384x16xf32, #tpu.memory_space<hbm>> -> memref<64x16xf32, #tpu.memory_space<hbm>>
      tpu.enqueue_dma source(%arg14 : memref<64x16xf32, #tpu.memory_space<vmem>>) target(%dma_start3A_313 : memref<64x16xf32, #tpu.memory_space<hbm>>) target_semaphore(%run_scoped3A : memref<!tpu.dma_semaphore, #tpu.memory_space<semaphore_mem>>)
      %dma_wait3A_314 = arith.constant 0 : i32
      %dma_wait3A_315 = tpu.memref_slice %arg7[%add3A_220, %dma_wait3A_314] : memref<16384x16xf32, #tpu.memory_space<hbm>> -> memref<64x16xf32, #tpu.memory_space<hbm>>
      %dma_wait3A_316 = arith.constant 0 : i32
      %dma_wait3A_317 = tpu.memref_slice %arg7[%add3A_220, %dma_wait3A_316] : memref<16384x16xf32, #tpu.memory_space<hbm>> -> memref<64x16xf32, #tpu.memory_space<hbm>>
      tpu.wait_dma2 semaphore(%run_scoped3A : memref<!tpu.dma_semaphore, #tpu.memory_space<semaphore_mem>>) src(%arg14 : memref<64x16xf32, #tpu.memory_space<vmem>>) dst(%dma_wait3A_317 : memref<64x16xf32, #tpu.memory_space<hbm>>)
      tpu.yield
    }) : () -> ()
    %dma_wait3A_238 = arith.constant 0 : i32
    %dma_wait3A_239 = tpu.memref_slice %arg6[%add3A_216, %dma_wait3A_238] : memref<425984x16xf32, #tpu.memory_space<hbm>> -> memref<1664x16xf32, #tpu.memory_space<hbm>>
    %dma_wait3A_240 = arith.constant 0 : i32
    %dma_wait3A_241 = tpu.memref_slice %arg6[%add3A_216, %dma_wait3A_240] : memref<425984x16xf32, #tpu.memory_space<hbm>> -> memref<1664x16xf32, #tpu.memory_space<hbm>>
    tpu.wait_dma2 semaphore(%arg21 : memref<!tpu.dma_semaphore, #tpu.memory_space<semaphore_mem>>) src(%arg11 : memref<1664x16xf32, #tpu.memory_space<vmem>>) dst(%dma_wait3A_241 : memref<1664x16xf32, #tpu.memory_space<hbm>>)
    %mul3A_242 = arith.constant 13312 : i32
    %mul3A_243 = arith.muli %add3A, %mul3A_242 : i32
    %add3A_244 = arith.constant 11648 : i32
    %add3A_245 = arith.addi %mul3A_243, %add3A_244 : i32
    "tpu.region"() ({
      %run_scoped3A = tpu.sem_alloc : memref<!tpu.dma_semaphore, #tpu.memory_space<semaphore_mem>>
      %dma_start3A_310 = tpu.memref_slice %arg2[%add3A_245] : memref<425984xi32, #tpu.memory_space<hbm>> -> memref<1664xi32, #tpu.memory_space<hbm>>
      %dma_start3A_311 = tpu.memref_slice %arg2[%add3A_245] : memref<425984xi32, #tpu.memory_space<hbm>> -> memref<1664xi32, #tpu.memory_space<hbm>>
      tpu.enqueue_dma source(%dma_start3A_311 : memref<1664xi32, #tpu.memory_space<hbm>>) target(%arg9 : memref<1664xi32, #tpu.memory_space<vmem>>) target_semaphore(%run_scoped3A : memref<!tpu.dma_semaphore, #tpu.memory_space<semaphore_mem>>)
      %dma_wait3A_312 = tpu.memref_slice %arg2[%add3A_245] : memref<425984xi32, #tpu.memory_space<hbm>> -> memref<1664xi32, #tpu.memory_space<hbm>>
      %dma_wait3A_313 = tpu.memref_slice %arg2[%add3A_245] : memref<425984xi32, #tpu.memory_space<hbm>> -> memref<1664xi32, #tpu.memory_space<hbm>>
      tpu.wait_dma2 semaphore(%run_scoped3A : memref<!tpu.dma_semaphore, #tpu.memory_space<semaphore_mem>>) src(%dma_wait3A_313 : memref<1664xi32, #tpu.memory_space<hbm>>) dst(%arg9 : memref<1664xi32, #tpu.memory_space<vmem>>)
      tpu.yield
    }) : () -> ()
    %dma_start3A_246 = arith.constant 0 : i32
    %dma_start3A_247 = arith.constant 0 : i32
    %dma_start3A_248 = tpu.memref_slice %arg3[%dma_start3A_246, %dma_start3A_247] : memref<1000000x16xf32, #tpu.memory_space<hbm>> -> memref<1000000x16xf32, #tpu.memory_space<hbm>>
    tpu.enqueue_indirect_dma source(%dma_start3A_248 : memref<1000000x16xf32, #tpu.memory_space<hbm>>) target(%arg11 : memref<1664x16xf32, #tpu.memory_space<vmem>>) offsets(%arg9 : memref<1664xi32, #tpu.memory_space<vmem>>) semaphore(%arg17 : memref<!tpu.dma_semaphore, #tpu.memory_space<semaphore_mem>>)
    %dma_start3A_249 = arith.constant 0 : i32
    %dma_start3A_250 = arith.constant 0 : i32
    %dma_start3A_251 = tpu.memref_slice %arg4[%dma_start3A_249, %dma_start3A_250] : memref<1000000x16xf32, #tpu.memory_space<hbm>> -> memref<1000000x16xf32, #tpu.memory_space<hbm>>
    tpu.enqueue_indirect_dma source(%dma_start3A_251 : memref<1000000x16xf32, #tpu.memory_space<hbm>>) target(%arg13 : memref<1664x16xf32, #tpu.memory_space<vmem>>) offsets(%arg9 : memref<1664xi32, #tpu.memory_space<vmem>>) semaphore(%arg19 : memref<!tpu.dma_semaphore, #tpu.memory_space<semaphore_mem>>)
    %mul3A_252 = arith.constant 13312 : i32
    %mul3A_253 = arith.muli %add3A, %mul3A_252 : i32
    %add3A_254 = arith.constant 9984 : i32
    %add3A_255 = arith.addi %mul3A_253, %add3A_254 : i32
    %mul3A_256 = arith.constant 512 : i32
    %mul3A_257 = arith.muli %add3A, %mul3A_256 : i32
    %add3A_258 = arith.constant 384 : i32
    %add3A_259 = arith.addi %mul3A_257, %add3A_258 : i32
    %dma_wait3A_260 = arith.constant 0 : i32
    %dma_wait3A_261 = arith.constant 0 : i32
    %dma_wait3A_262 = tpu.memref_slice %arg3[%dma_wait3A_260, %dma_wait3A_261] : memref<1000000x16xf32, #tpu.memory_space<hbm>> -> memref<1000000x16xf32, #tpu.memory_space<hbm>>
    tpu.wait_indirect_dma semaphore(%arg16 : memref<!tpu.dma_semaphore, #tpu.memory_space<semaphore_mem>>) src(%dma_wait3A_262 : memref<1000000x16xf32, #tpu.memory_space<hbm>>) dst(%arg10 : memref<1664x16xf32, #tpu.memory_space<vmem>>)
    %dma_start3A_263 = arith.constant 0 : i32
    %dma_start3A_264 = tpu.memref_slice %arg6[%add3A_255, %dma_start3A_263] : memref<425984x16xf32, #tpu.memory_space<hbm>> -> memref<1664x16xf32, #tpu.memory_space<hbm>>
    %dma_start3A_265 = arith.constant 0 : i32
    %dma_start3A_266 = tpu.memref_slice %arg6[%add3A_255, %dma_start3A_265] : memref<425984x16xf32, #tpu.memory_space<hbm>> -> memref<1664x16xf32, #tpu.memory_space<hbm>>
    tpu.enqueue_dma source(%arg10 : memref<1664x16xf32, #tpu.memory_space<vmem>>) target(%dma_start3A_266 : memref<1664x16xf32, #tpu.memory_space<hbm>>) target_semaphore(%arg20 : memref<!tpu.dma_semaphore, #tpu.memory_space<semaphore_mem>>)
    %dma_wait3A_267 = arith.constant 0 : i32
    %dma_wait3A_268 = arith.constant 0 : i32
    %dma_wait3A_269 = tpu.memref_slice %arg4[%dma_wait3A_267, %dma_wait3A_268] : memref<1000000x16xf32, #tpu.memory_space<hbm>> -> memref<1000000x16xf32, #tpu.memory_space<hbm>>
    tpu.wait_indirect_dma semaphore(%arg18 : memref<!tpu.dma_semaphore, #tpu.memory_space<semaphore_mem>>) src(%dma_wait3A_269 : memref<1000000x16xf32, #tpu.memory_space<hbm>>) dst(%arg12 : memref<1664x16xf32, #tpu.memory_space<vmem>>)
    %scan3A_270 = arith.constant 0 : i32
    %scan3A_271 = arith.constant 0 : i32
    %scan3A_272 = arith.constant 64 : i32
    %scan3A_273 = arith.addi %scan3A_271, %scan3A_272 : i32
    %scan3A_274 = arith.constant 1 : i32
    %scan3A_275 = scf.for %scan3A_310 = %scan3A_271 to %scan3A_273 step %scan3A_274 iter_args(%scan3A_311 = %scan3A_270) -> (i32)  : i32 {
      %mul3A_312 = arith.constant 26 : i32
      %mul3A_313 = arith.muli %scan3A_310, %mul3A_312 : i32
      %get3A = arith.index_cast %mul3A_313 : i32 to index
      %get3A_314 = arith.constant 0 : index
      %get3A_315 = tpu.vector_load %arg12[%get3A, %get3A_314] {strides = array<i32>} : memref<1664x16xf32, #tpu.memory_space<vmem>>, vector<1x16xf32>,
      %get3A_316 = vector.shape_cast %get3A_315 : vector<1x16xf32> to vector<16xf32>
      %get3A_317 = arith.constant 0 : i32
      %get3A_318 = arith.index_cast %get3A_317 : i32 to index
      %get3A_319 = arith.constant 0 : index
      %get3A_320 = tpu.vector_load %arg15[%get3A_318, %get3A_319] {strides = array<i32>} : memref<26x16xf32, #tpu.memory_space<vmem>>, vector<1x16xf32>,
      %get3A_321 = vector.shape_cast %get3A_320 : vector<1x16xf32> to vector<16xf32>
      %mul3A_322 = arith.mulf %get3A_316, %get3A_321 : vector<16xf32>
      %add3A_323 = arith.constant 1 : i32
      %add3A_324 = arith.addi %mul3A_313, %add3A_323 : i32
      %get3A_325 = arith.index_cast %add3A_324 : i32 to index
      %get3A_326 = arith.constant 0 : index
      %get3A_327 = tpu.vector_load %arg12[%get3A_325, %get3A_326] {strides = array<i32>} : memref<1664x16xf32, #tpu.memory_space<vmem>>, vector<1x16xf32>,
      %get3A_328 = vector.shape_cast %get3A_327 : vector<1x16xf32> to vector<16xf32>
      %get3A_329 = arith.constant 1 : i32
      %get3A_330 = arith.index_cast %get3A_329 : i32 to index
      %get3A_331 = arith.constant 0 : index
      %get3A_332 = tpu.vector_load %arg15[%get3A_330, %get3A_331] {strides = array<i32>} : memref<26x16xf32, #tpu.memory_space<vmem>>, vector<1x16xf32>,
      %get3A_333 = vector.shape_cast %get3A_332 : vector<1x16xf32> to vector<16xf32>
      %mul3A_334 = arith.mulf %get3A_328, %get3A_333 : vector<16xf32>
      %add3A_335 = arith.addf %mul3A_322, %mul3A_334 : vector<16xf32>
      %add3A_336 = arith.constant 2 : i32
      %add3A_337 = arith.addi %mul3A_313, %add3A_336 : i32
      %get3A_338 = arith.index_cast %add3A_337 : i32 to index
      %get3A_339 = arith.constant 0 : index
      %get3A_340 = tpu.vector_load %arg12[%get3A_338, %get3A_339] {strides = array<i32>} : memref<1664x16xf32, #tpu.memory_space<vmem>>, vector<1x16xf32>,
      %get3A_341 = vector.shape_cast %get3A_340 : vector<1x16xf32> to vector<16xf32>
      %get3A_342 = arith.constant 2 : i32
      %get3A_343 = arith.index_cast %get3A_342 : i32 to index
      %get3A_344 = arith.constant 0 : index
      %get3A_345 = tpu.vector_load %arg15[%get3A_343, %get3A_344] {strides = array<i32>} : memref<26x16xf32, #tpu.memory_space<vmem>>, vector<1x16xf32>,
      %get3A_346 = vector.shape_cast %get3A_345 : vector<1x16xf32> to vector<16xf32>
      %mul3A_347 = arith.mulf %get3A_341, %get3A_346 : vector<16xf32>
      %add3A_348 = arith.addf %add3A_335, %mul3A_347 : vector<16xf32>
      %add3A_349 = arith.constant 3 : i32
      %add3A_350 = arith.addi %mul3A_313, %add3A_349 : i32
      %get3A_351 = arith.index_cast %add3A_350 : i32 to index
      %get3A_352 = arith.constant 0 : index
      %get3A_353 = tpu.vector_load %arg12[%get3A_351, %get3A_352] {strides = array<i32>} : memref<1664x16xf32, #tpu.memory_space<vmem>>, vector<1x16xf32>,
      %get3A_354 = vector.shape_cast %get3A_353 : vector<1x16xf32> to vector<16xf32>
      %get3A_355 = arith.constant 3 : i32
      %get3A_356 = arith.index_cast %get3A_355 : i32 to index
      %get3A_357 = arith.constant 0 : index
      %get3A_358 = tpu.vector_load %arg15[%get3A_356, %get3A_357] {strides = array<i32>} : memref<26x16xf32, #tpu.memory_space<vmem>>, vector<1x16xf32>,
      %get3A_359 = vector.shape_cast %get3A_358 : vector<1x16xf32> to vector<16xf32>
      %mul3A_360 = arith.mulf %get3A_354, %get3A_359 : vector<16xf32>
      %add3A_361 = arith.addf %add3A_348, %mul3A_360 : vector<16xf32>
      %add3A_362 = arith.constant 4 : i32
      %add3A_363 = arith.addi %mul3A_313, %add3A_362 : i32
      %get3A_364 = arith.index_cast %add3A_363 : i32 to index
      %get3A_365 = arith.constant 0 : index
      %get3A_366 = tpu.vector_load %arg12[%get3A_364, %get3A_365] {strides = array<i32>} : memref<1664x16xf32, #tpu.memory_space<vmem>>, vector<1x16xf32>,
      %get3A_367 = vector.shape_cast %get3A_366 : vector<1x16xf32> to vector<16xf32>
      %get3A_368 = arith.constant 4 : i32
      %get3A_369 = arith.index_cast %get3A_368 : i32 to index
      %get3A_370 = arith.constant 0 : index
      %get3A_371 = tpu.vector_load %arg15[%get3A_369, %get3A_370] {strides = array<i32>} : memref<26x16xf32, #tpu.memory_space<vmem>>, vector<1x16xf32>,
      %get3A_372 = vector.shape_cast %get3A_371 : vector<1x16xf32> to vector<16xf32>
      %mul3A_373 = arith.mulf %get3A_367, %get3A_372 : vector<16xf32>
      %add3A_374 = arith.addf %add3A_361, %mul3A_373 : vector<16xf32>
      %add3A_375 = arith.constant 5 : i32
      %add3A_376 = arith.addi %mul3A_313, %add3A_375 : i32
      %get3A_377 = arith.index_cast %add3A_376 : i32 to index
      %get3A_378 = arith.constant 0 : index
      %get3A_379 = tpu.vector_load %arg12[%get3A_377, %get3A_378] {strides = array<i32>} : memref<1664x16xf32, #tpu.memory_space<vmem>>, vector<1x16xf32>,
      %get3A_380 = vector.shape_cast %get3A_379 : vector<1x16xf32> to vector<16xf32>
      %get3A_381 = arith.constant 5 : i32
      %get3A_382 = arith.index_cast %get3A_381 : i32 to index
      %get3A_383 = arith.constant 0 : index
      %get3A_384 = tpu.vector_load %arg15[%get3A_382, %get3A_383] {strides = array<i32>} : memref<26x16xf32, #tpu.memory_space<vmem>>, vector<1x16xf32>,
      %get3A_385 = vector.shape_cast %get3A_384 : vector<1x16xf32> to vector<16xf32>
      %mul3A_386 = arith.mulf %get3A_380, %get3A_385 : vector<16xf32>
      %add3A_387 = arith.addf %add3A_374, %mul3A_386 : vector<16xf32>
      %add3A_388 = arith.constant 6 : i32
      %add3A_389 = arith.addi %mul3A_313, %add3A_388 : i32
      %get3A_390 = arith.index_cast %add3A_389 : i32 to index
      %get3A_391 = arith.constant 0 : index
      %get3A_392 = tpu.vector_load %arg12[%get3A_390, %get3A_391] {strides = array<i32>} : memref<1664x16xf32, #tpu.memory_space<vmem>>, vector<1x16xf32>,
      %get3A_393 = vector.shape_cast %get3A_392 : vector<1x16xf32> to vector<16xf32>
      %get3A_394 = arith.constant 6 : i32
      %get3A_395 = arith.index_cast %get3A_394 : i32 to index
      %get3A_396 = arith.constant 0 : index
      %get3A_397 = tpu.vector_load %arg15[%get3A_395, %get3A_396] {strides = array<i32>} : memref<26x16xf32, #tpu.memory_space<vmem>>, vector<1x16xf32>,
      %get3A_398 = vector.shape_cast %get3A_397 : vector<1x16xf32> to vector<16xf32>
      %mul3A_399 = arith.mulf %get3A_393, %get3A_398 : vector<16xf32>
      %add3A_400 = arith.addf %add3A_387, %mul3A_399 : vector<16xf32>
      %add3A_401 = arith.constant 7 : i32
      %add3A_402 = arith.addi %mul3A_313, %add3A_401 : i32
      %get3A_403 = arith.index_cast %add3A_402 : i32 to index
      %get3A_404 = arith.constant 0 : index
      %get3A_405 = tpu.vector_load %arg12[%get3A_403, %get3A_404] {strides = array<i32>} : memref<1664x16xf32, #tpu.memory_space<vmem>>, vector<1x16xf32>,
      %get3A_406 = vector.shape_cast %get3A_405 : vector<1x16xf32> to vector<16xf32>
      %get3A_407 = arith.constant 7 : i32
      %get3A_408 = arith.index_cast %get3A_407 : i32 to index
      %get3A_409 = arith.constant 0 : index
      %get3A_410 = tpu.vector_load %arg15[%get3A_408, %get3A_409] {strides = array<i32>} : memref<26x16xf32, #tpu.memory_space<vmem>>, vector<1x16xf32>,
      %get3A_411 = vector.shape_cast %get3A_410 : vector<1x16xf32> to vector<16xf32>
      %mul3A_412 = arith.mulf %get3A_406, %get3A_411 : vector<16xf32>
      %add3A_413 = arith.addf %add3A_400, %mul3A_412 : vector<16xf32>
      %add3A_414 = arith.constant 8 : i32
      %add3A_415 = arith.addi %mul3A_313, %add3A_414 : i32
      %get3A_416 = arith.index_cast %add3A_415 : i32 to index
      %get3A_417 = arith.constant 0 : index
      %get3A_418 = tpu.vector_load %arg12[%get3A_416, %get3A_417] {strides = array<i32>} : memref<1664x16xf32, #tpu.memory_space<vmem>>, vector<1x16xf32>,
      %get3A_419 = vector.shape_cast %get3A_418 : vector<1x16xf32> to vector<16xf32>
      %get3A_420 = arith.constant 8 : i32
      %get3A_421 = arith.index_cast %get3A_420 : i32 to index
      %get3A_422 = arith.constant 0 : index
      %get3A_423 = tpu.vector_load %arg15[%get3A_421, %get3A_422] {strides = array<i32>} : memref<26x16xf32, #tpu.memory_space<vmem>>, vector<1x16xf32>,
      %get3A_424 = vector.shape_cast %get3A_423 : vector<1x16xf32> to vector<16xf32>
      %mul3A_425 = arith.mulf %get3A_419, %get3A_424 : vector<16xf32>
      %add3A_426 = arith.addf %add3A_413, %mul3A_425 : vector<16xf32>
      %add3A_427 = arith.constant 9 : i32
      %add3A_428 = arith.addi %mul3A_313, %add3A_427 : i32
      %get3A_429 = arith.index_cast %add3A_428 : i32 to index
      %get3A_430 = arith.constant 0 : index
      %get3A_431 = tpu.vector_load %arg12[%get3A_429, %get3A_430] {strides = array<i32>} : memref<1664x16xf32, #tpu.memory_space<vmem>>, vector<1x16xf32>,
      %get3A_432 = vector.shape_cast %get3A_431 : vector<1x16xf32> to vector<16xf32>
      %get3A_433 = arith.constant 9 : i32
      %get3A_434 = arith.index_cast %get3A_433 : i32 to index
      %get3A_435 = arith.constant 0 : index
      %get3A_436 = tpu.vector_load %arg15[%get3A_434, %get3A_435] {strides = array<i32>} : memref<26x16xf32, #tpu.memory_space<vmem>>, vector<1x16xf32>,
      %get3A_437 = vector.shape_cast %get3A_436 : vector<1x16xf32> to vector<16xf32>
      %mul3A_438 = arith.mulf %get3A_432, %get3A_437 : vector<16xf32>
      %add3A_439 = arith.addf %add3A_426, %mul3A_438 : vector<16xf32>
      %add3A_440 = arith.constant 10 : i32
      %add3A_441 = arith.addi %mul3A_313, %add3A_440 : i32
      %get3A_442 = arith.index_cast %add3A_441 : i32 to index
      %get3A_443 = arith.constant 0 : index
      %get3A_444 = tpu.vector_load %arg12[%get3A_442, %get3A_443] {strides = array<i32>} : memref<1664x16xf32, #tpu.memory_space<vmem>>, vector<1x16xf32>,
      %get3A_445 = vector.shape_cast %get3A_444 : vector<1x16xf32> to vector<16xf32>
      %get3A_446 = arith.constant 10 : i32
      %get3A_447 = arith.index_cast %get3A_446 : i32 to index
      %get3A_448 = arith.constant 0 : index
      %get3A_449 = tpu.vector_load %arg15[%get3A_447, %get3A_448] {strides = array<i32>} : memref<26x16xf32, #tpu.memory_space<vmem>>, vector<1x16xf32>,
      %get3A_450 = vector.shape_cast %get3A_449 : vector<1x16xf32> to vector<16xf32>
      %mul3A_451 = arith.mulf %get3A_445, %get3A_450 : vector<16xf32>
      %add3A_452 = arith.addf %add3A_439, %mul3A_451 : vector<16xf32>
      %add3A_453 = arith.constant 11 : i32
      %add3A_454 = arith.addi %mul3A_313, %add3A_453 : i32
      %get3A_455 = arith.index_cast %add3A_454 : i32 to index
      %get3A_456 = arith.constant 0 : index
      %get3A_457 = tpu.vector_load %arg12[%get3A_455, %get3A_456] {strides = array<i32>} : memref<1664x16xf32, #tpu.memory_space<vmem>>, vector<1x16xf32>,
      %get3A_458 = vector.shape_cast %get3A_457 : vector<1x16xf32> to vector<16xf32>
      %get3A_459 = arith.constant 11 : i32
      %get3A_460 = arith.index_cast %get3A_459 : i32 to index
      %get3A_461 = arith.constant 0 : index
      %get3A_462 = tpu.vector_load %arg15[%get3A_460, %get3A_461] {strides = array<i32>} : memref<26x16xf32, #tpu.memory_space<vmem>>, vector<1x16xf32>,
      %get3A_463 = vector.shape_cast %get3A_462 : vector<1x16xf32> to vector<16xf32>
      %mul3A_464 = arith.mulf %get3A_458, %get3A_463 : vector<16xf32>
      %add3A_465 = arith.addf %add3A_452, %mul3A_464 : vector<16xf32>
      %add3A_466 = arith.constant 12 : i32
      %add3A_467 = arith.addi %mul3A_313, %add3A_466 : i32
      %get3A_468 = arith.index_cast %add3A_467 : i32 to index
      %get3A_469 = arith.constant 0 : index
      %get3A_470 = tpu.vector_load %arg12[%get3A_468, %get3A_469] {strides = array<i32>} : memref<1664x16xf32, #tpu.memory_space<vmem>>, vector<1x16xf32>,
      %get3A_471 = vector.shape_cast %get3A_470 : vector<1x16xf32> to vector<16xf32>
      %get3A_472 = arith.constant 12 : i32
      %get3A_473 = arith.index_cast %get3A_472 : i32 to index
      %get3A_474 = arith.constant 0 : index
      %get3A_475 = tpu.vector_load %arg15[%get3A_473, %get3A_474] {strides = array<i32>} : memref<26x16xf32, #tpu.memory_space<vmem>>, vector<1x16xf32>,
      %get3A_476 = vector.shape_cast %get3A_475 : vector<1x16xf32> to vector<16xf32>
      %mul3A_477 = arith.mulf %get3A_471, %get3A_476 : vector<16xf32>
      %add3A_478 = arith.addf %add3A_465, %mul3A_477 : vector<16xf32>
      %add3A_479 = arith.constant 13 : i32
      %add3A_480 = arith.addi %mul3A_313, %add3A_479 : i32
      %get3A_481 = arith.index_cast %add3A_480 : i32 to index
      %get3A_482 = arith.constant 0 : index
      %get3A_483 = tpu.vector_load %arg12[%get3A_481, %get3A_482] {strides = array<i32>} : memref<1664x16xf32, #tpu.memory_space<vmem>>, vector<1x16xf32>,
      %get3A_484 = vector.shape_cast %get3A_483 : vector<1x16xf32> to vector<16xf32>
      %get3A_485 = arith.constant 13 : i32
      %get3A_486 = arith.index_cast %get3A_485 : i32 to index
      %get3A_487 = arith.constant 0 : index
      %get3A_488 = tpu.vector_load %arg15[%get3A_486, %get3A_487] {strides = array<i32>} : memref<26x16xf32, #tpu.memory_space<vmem>>, vector<1x16xf32>,
      %get3A_489 = vector.shape_cast %get3A_488 : vector<1x16xf32> to vector<16xf32>
      %mul3A_490 = arith.mulf %get3A_484, %get3A_489 : vector<16xf32>
      %add3A_491 = arith.addf %add3A_478, %mul3A_490 : vector<16xf32>
      %add3A_492 = arith.constant 14 : i32
      %add3A_493 = arith.addi %mul3A_313, %add3A_492 : i32
      %get3A_494 = arith.index_cast %add3A_493 : i32 to index
      %get3A_495 = arith.constant 0 : index
      %get3A_496 = tpu.vector_load %arg12[%get3A_494, %get3A_495] {strides = array<i32>} : memref<1664x16xf32, #tpu.memory_space<vmem>>, vector<1x16xf32>,
      %get3A_497 = vector.shape_cast %get3A_496 : vector<1x16xf32> to vector<16xf32>
      %get3A_498 = arith.constant 14 : i32
      %get3A_499 = arith.index_cast %get3A_498 : i32 to index
      %get3A_500 = arith.constant 0 : index
      %get3A_501 = tpu.vector_load %arg15[%get3A_499, %get3A_500] {strides = array<i32>} : memref<26x16xf32, #tpu.memory_space<vmem>>, vector<1x16xf32>,
      %get3A_502 = vector.shape_cast %get3A_501 : vector<1x16xf32> to vector<16xf32>
      %mul3A_503 = arith.mulf %get3A_497, %get3A_502 : vector<16xf32>
      %add3A_504 = arith.addf %add3A_491, %mul3A_503 : vector<16xf32>
      %add3A_505 = arith.constant 15 : i32
      %add3A_506 = arith.addi %mul3A_313, %add3A_505 : i32
      %get3A_507 = arith.index_cast %add3A_506 : i32 to index
      %get3A_508 = arith.constant 0 : index
      %get3A_509 = tpu.vector_load %arg12[%get3A_507, %get3A_508] {strides = array<i32>} : memref<1664x16xf32, #tpu.memory_space<vmem>>, vector<1x16xf32>,
      %get3A_510 = vector.shape_cast %get3A_509 : vector<1x16xf32> to vector<16xf32>
      %get3A_511 = arith.constant 15 : i32
      %get3A_512 = arith.index_cast %get3A_511 : i32 to index
      %get3A_513 = arith.constant 0 : index
      %get3A_514 = tpu.vector_load %arg15[%get3A_512, %get3A_513] {strides = array<i32>} : memref<26x16xf32, #tpu.memory_space<vmem>>, vector<1x16xf32>,
      %get3A_515 = vector.shape_cast %get3A_514 : vector<1x16xf32> to vector<16xf32>
      %mul3A_516 = arith.mulf %get3A_510, %get3A_515 : vector<16xf32>
      %add3A_517 = arith.addf %add3A_504, %mul3A_516 : vector<16xf32>
      %add3A_518 = arith.constant 16 : i32
      %add3A_519 = arith.addi %mul3A_313, %add3A_518 : i32
      %get3A_520 = arith.index_cast %add3A_519 : i32 to index
      %get3A_521 = arith.constant 0 : index
      %get3A_522 = tpu.vector_load %arg12[%get3A_520, %get3A_521] {strides = array<i32>} : memref<1664x16xf32, #tpu.memory_space<vmem>>, vector<1x16xf32>,
      %get3A_523 = vector.shape_cast %get3A_522 : vector<1x16xf32> to vector<16xf32>
      %get3A_524 = arith.constant 16 : i32
      %get3A_525 = arith.index_cast %get3A_524 : i32 to index
      %get3A_526 = arith.constant 0 : index
      %get3A_527 = tpu.vector_load %arg15[%get3A_525, %get3A_526] {strides = array<i32>} : memref<26x16xf32, #tpu.memory_space<vmem>>, vector<1x16xf32>,
      %get3A_528 = vector.shape_cast %get3A_527 : vector<1x16xf32> to vector<16xf32>
      %mul3A_529 = arith.mulf %get3A_523, %get3A_528 : vector<16xf32>
      %add3A_530 = arith.addf %add3A_517, %mul3A_529 : vector<16xf32>
      %add3A_531 = arith.constant 17 : i32
      %add3A_532 = arith.addi %mul3A_313, %add3A_531 : i32
      %get3A_533 = arith.index_cast %add3A_532 : i32 to index
      %get3A_534 = arith.constant 0 : index
      %get3A_535 = tpu.vector_load %arg12[%get3A_533, %get3A_534] {strides = array<i32>} : memref<1664x16xf32, #tpu.memory_space<vmem>>, vector<1x16xf32>,
      %get3A_536 = vector.shape_cast %get3A_535 : vector<1x16xf32> to vector<16xf32>
      %get3A_537 = arith.constant 17 : i32
      %get3A_538 = arith.index_cast %get3A_537 : i32 to index
      %get3A_539 = arith.constant 0 : index
      %get3A_540 = tpu.vector_load %arg15[%get3A_538, %get3A_539] {strides = array<i32>} : memref<26x16xf32, #tpu.memory_space<vmem>>, vector<1x16xf32>,
      %get3A_541 = vector.shape_cast %get3A_540 : vector<1x16xf32> to vector<16xf32>
      %mul3A_542 = arith.mulf %get3A_536, %get3A_541 : vector<16xf32>
      %add3A_543 = arith.addf %add3A_530, %mul3A_542 : vector<16xf32>
      %add3A_544 = arith.constant 18 : i32
      %add3A_545 = arith.addi %mul3A_313, %add3A_544 : i32
      %get3A_546 = arith.index_cast %add3A_545 : i32 to index
      %get3A_547 = arith.constant 0 : index
      %get3A_548 = tpu.vector_load %arg12[%get3A_546, %get3A_547] {strides = array<i32>} : memref<1664x16xf32, #tpu.memory_space<vmem>>, vector<1x16xf32>,
      %get3A_549 = vector.shape_cast %get3A_548 : vector<1x16xf32> to vector<16xf32>
      %get3A_550 = arith.constant 18 : i32
      %get3A_551 = arith.index_cast %get3A_550 : i32 to index
      %get3A_552 = arith.constant 0 : index
      %get3A_553 = tpu.vector_load %arg15[%get3A_551, %get3A_552] {strides = array<i32>} : memref<26x16xf32, #tpu.memory_space<vmem>>, vector<1x16xf32>,
      %get3A_554 = vector.shape_cast %get3A_553 : vector<1x16xf32> to vector<16xf32>
      %mul3A_555 = arith.mulf %get3A_549, %get3A_554 : vector<16xf32>
      %add3A_556 = arith.addf %add3A_543, %mul3A_555 : vector<16xf32>
      %add3A_557 = arith.constant 19 : i32
      %add3A_558 = arith.addi %mul3A_313, %add3A_557 : i32
      %get3A_559 = arith.index_cast %add3A_558 : i32 to index
      %get3A_560 = arith.constant 0 : index
      %get3A_561 = tpu.vector_load %arg12[%get3A_559, %get3A_560] {strides = array<i32>} : memref<1664x16xf32, #tpu.memory_space<vmem>>, vector<1x16xf32>,
      %get3A_562 = vector.shape_cast %get3A_561 : vector<1x16xf32> to vector<16xf32>
      %get3A_563 = arith.constant 19 : i32
      %get3A_564 = arith.index_cast %get3A_563 : i32 to index
      %get3A_565 = arith.constant 0 : index
      %get3A_566 = tpu.vector_load %arg15[%get3A_564, %get3A_565] {strides = array<i32>} : memref<26x16xf32, #tpu.memory_space<vmem>>, vector<1x16xf32>,
      %get3A_567 = vector.shape_cast %get3A_566 : vector<1x16xf32> to vector<16xf32>
      %mul3A_568 = arith.mulf %get3A_562, %get3A_567 : vector<16xf32>
      %add3A_569 = arith.addf %add3A_556, %mul3A_568 : vector<16xf32>
      %add3A_570 = arith.constant 20 : i32
      %add3A_571 = arith.addi %mul3A_313, %add3A_570 : i32
      %get3A_572 = arith.index_cast %add3A_571 : i32 to index
      %get3A_573 = arith.constant 0 : index
      %get3A_574 = tpu.vector_load %arg12[%get3A_572, %get3A_573] {strides = array<i32>} : memref<1664x16xf32, #tpu.memory_space<vmem>>, vector<1x16xf32>,
      %get3A_575 = vector.shape_cast %get3A_574 : vector<1x16xf32> to vector<16xf32>
      %get3A_576 = arith.constant 20 : i32
      %get3A_577 = arith.index_cast %get3A_576 : i32 to index
      %get3A_578 = arith.constant 0 : index
      %get3A_579 = tpu.vector_load %arg15[%get3A_577, %get3A_578] {strides = array<i32>} : memref<26x16xf32, #tpu.memory_space<vmem>>, vector<1x16xf32>,
      %get3A_580 = vector.shape_cast %get3A_579 : vector<1x16xf32> to vector<16xf32>
      %mul3A_581 = arith.mulf %get3A_575, %get3A_580 : vector<16xf32>
      %add3A_582 = arith.addf %add3A_569, %mul3A_581 : vector<16xf32>
      %add3A_583 = arith.constant 21 : i32
      %add3A_584 = arith.addi %mul3A_313, %add3A_583 : i32
      %get3A_585 = arith.index_cast %add3A_584 : i32 to index
      %get3A_586 = arith.constant 0 : index
      %get3A_587 = tpu.vector_load %arg12[%get3A_585, %get3A_586] {strides = array<i32>} : memref<1664x16xf32, #tpu.memory_space<vmem>>, vector<1x16xf32>,
      %get3A_588 = vector.shape_cast %get3A_587 : vector<1x16xf32> to vector<16xf32>
      %get3A_589 = arith.constant 21 : i32
      %get3A_590 = arith.index_cast %get3A_589 : i32 to index
      %get3A_591 = arith.constant 0 : index
      %get3A_592 = tpu.vector_load %arg15[%get3A_590, %get3A_591] {strides = array<i32>} : memref<26x16xf32, #tpu.memory_space<vmem>>, vector<1x16xf32>,
      %get3A_593 = vector.shape_cast %get3A_592 : vector<1x16xf32> to vector<16xf32>
      %mul3A_594 = arith.mulf %get3A_588, %get3A_593 : vector<16xf32>
      %add3A_595 = arith.addf %add3A_582, %mul3A_594 : vector<16xf32>
      %add3A_596 = arith.constant 22 : i32
      %add3A_597 = arith.addi %mul3A_313, %add3A_596 : i32
      %get3A_598 = arith.index_cast %add3A_597 : i32 to index
      %get3A_599 = arith.constant 0 : index
      %get3A_600 = tpu.vector_load %arg12[%get3A_598, %get3A_599] {strides = array<i32>} : memref<1664x16xf32, #tpu.memory_space<vmem>>, vector<1x16xf32>,
      %get3A_601 = vector.shape_cast %get3A_600 : vector<1x16xf32> to vector<16xf32>
      %get3A_602 = arith.constant 22 : i32
      %get3A_603 = arith.index_cast %get3A_602 : i32 to index
      %get3A_604 = arith.constant 0 : index
      %get3A_605 = tpu.vector_load %arg15[%get3A_603, %get3A_604] {strides = array<i32>} : memref<26x16xf32, #tpu.memory_space<vmem>>, vector<1x16xf32>,
      %get3A_606 = vector.shape_cast %get3A_605 : vector<1x16xf32> to vector<16xf32>
      %mul3A_607 = arith.mulf %get3A_601, %get3A_606 : vector<16xf32>
      %add3A_608 = arith.addf %add3A_595, %mul3A_607 : vector<16xf32>
      %add3A_609 = arith.constant 23 : i32
      %add3A_610 = arith.addi %mul3A_313, %add3A_609 : i32
      %get3A_611 = arith.index_cast %add3A_610 : i32 to index
      %get3A_612 = arith.constant 0 : index
      %get3A_613 = tpu.vector_load %arg12[%get3A_611, %get3A_612] {strides = array<i32>} : memref<1664x16xf32, #tpu.memory_space<vmem>>, vector<1x16xf32>,
      %get3A_614 = vector.shape_cast %get3A_613 : vector<1x16xf32> to vector<16xf32>
      %get3A_615 = arith.constant 23 : i32
      %get3A_616 = arith.index_cast %get3A_615 : i32 to index
      %get3A_617 = arith.constant 0 : index
      %get3A_618 = tpu.vector_load %arg15[%get3A_616, %get3A_617] {strides = array<i32>} : memref<26x16xf32, #tpu.memory_space<vmem>>, vector<1x16xf32>,
      %get3A_619 = vector.shape_cast %get3A_618 : vector<1x16xf32> to vector<16xf32>
      %mul3A_620 = arith.mulf %get3A_614, %get3A_619 : vector<16xf32>
      %add3A_621 = arith.addf %add3A_608, %mul3A_620 : vector<16xf32>
      %add3A_622 = arith.constant 24 : i32
      %add3A_623 = arith.addi %mul3A_313, %add3A_622 : i32
      %get3A_624 = arith.index_cast %add3A_623 : i32 to index
      %get3A_625 = arith.constant 0 : index
      %get3A_626 = tpu.vector_load %arg12[%get3A_624, %get3A_625] {strides = array<i32>} : memref<1664x16xf32, #tpu.memory_space<vmem>>, vector<1x16xf32>,
      %get3A_627 = vector.shape_cast %get3A_626 : vector<1x16xf32> to vector<16xf32>
      %get3A_628 = arith.constant 24 : i32
      %get3A_629 = arith.index_cast %get3A_628 : i32 to index
      %get3A_630 = arith.constant 0 : index
      %get3A_631 = tpu.vector_load %arg15[%get3A_629, %get3A_630] {strides = array<i32>} : memref<26x16xf32, #tpu.memory_space<vmem>>, vector<1x16xf32>,
      %get3A_632 = vector.shape_cast %get3A_631 : vector<1x16xf32> to vector<16xf32>
      %mul3A_633 = arith.mulf %get3A_627, %get3A_632 : vector<16xf32>
      %add3A_634 = arith.addf %add3A_621, %mul3A_633 : vector<16xf32>
      %add3A_635 = arith.constant 25 : i32
      %add3A_636 = arith.addi %mul3A_313, %add3A_635 : i32
      %get3A_637 = arith.index_cast %add3A_636 : i32 to index
      %get3A_638 = arith.constant 0 : index
      %get3A_639 = tpu.vector_load %arg12[%get3A_637, %get3A_638] {strides = array<i32>} : memref<1664x16xf32, #tpu.memory_space<vmem>>, vector<1x16xf32>,
      %get3A_640 = vector.shape_cast %get3A_639 : vector<1x16xf32> to vector<16xf32>
      %get3A_641 = arith.constant 25 : i32
      %get3A_642 = arith.index_cast %get3A_641 : i32 to index
      %get3A_643 = arith.constant 0 : index
      %get3A_644 = tpu.vector_load %arg15[%get3A_642, %get3A_643] {strides = array<i32>} : memref<26x16xf32, #tpu.memory_space<vmem>>, vector<1x16xf32>,
      %get3A_645 = vector.shape_cast %get3A_644 : vector<1x16xf32> to vector<16xf32>
      %mul3A_646 = arith.mulf %get3A_640, %get3A_645 : vector<16xf32>
      %add3A_647 = arith.addf %add3A_634, %mul3A_646 : vector<16xf32>
      %swap3A = arith.index_cast %scan3A_310 : i32 to index
      %swap3A_648 = arith.constant 0 : index
      %swap3A_649 = tpu.vector_load %arg14[%swap3A, %swap3A_648] {strides = array<i32>} : memref<64x16xf32, #tpu.memory_space<vmem>>, vector<1x16xf32>,
      %swap3A_650 = vector.shape_cast %swap3A_649 : vector<1x16xf32> to vector<16xf32>
      %swap3A_651 = vector.shape_cast %add3A_647 : vector<16xf32> to vector<1x16xf32>
      tpu.vector_store %arg14[%swap3A, %swap3A_648], %swap3A_651 {strides = array<i32>} : memref<64x16xf32, #tpu.memory_space<vmem>>, vector<1x16xf32>,
      %scan3A_652 = arith.constant 0 : i32
      scf.yield %scan3A_652 : i32
    }
    %scan3A_276 = arith.constant 64 : i32
    "tpu.region"() ({
      %run_scoped3A = tpu.sem_alloc : memref<!tpu.dma_semaphore, #tpu.memory_space<semaphore_mem>>
      %dma_start3A_310 = arith.constant 0 : i32
      %dma_start3A_311 = tpu.memref_slice %arg7[%add3A_259, %dma_start3A_310] : memref<16384x16xf32, #tpu.memory_space<hbm>> -> memref<64x16xf32, #tpu.memory_space<hbm>>
      %dma_start3A_312 = arith.constant 0 : i32
      %dma_start3A_313 = tpu.memref_slice %arg7[%add3A_259, %dma_start3A_312] : memref<16384x16xf32, #tpu.memory_space<hbm>> -> memref<64x16xf32, #tpu.memory_space<hbm>>
      tpu.enqueue_dma source(%arg14 : memref<64x16xf32, #tpu.memory_space<vmem>>) target(%dma_start3A_313 : memref<64x16xf32, #tpu.memory_space<hbm>>) target_semaphore(%run_scoped3A : memref<!tpu.dma_semaphore, #tpu.memory_space<semaphore_mem>>)
      %dma_wait3A_314 = arith.constant 0 : i32
      %dma_wait3A_315 = tpu.memref_slice %arg7[%add3A_259, %dma_wait3A_314] : memref<16384x16xf32, #tpu.memory_space<hbm>> -> memref<64x16xf32, #tpu.memory_space<hbm>>
      %dma_wait3A_316 = arith.constant 0 : i32
      %dma_wait3A_317 = tpu.memref_slice %arg7[%add3A_259, %dma_wait3A_316] : memref<16384x16xf32, #tpu.memory_space<hbm>> -> memref<64x16xf32, #tpu.memory_space<hbm>>
      tpu.wait_dma2 semaphore(%run_scoped3A : memref<!tpu.dma_semaphore, #tpu.memory_space<semaphore_mem>>) src(%arg14 : memref<64x16xf32, #tpu.memory_space<vmem>>) dst(%dma_wait3A_317 : memref<64x16xf32, #tpu.memory_space<hbm>>)
      tpu.yield
    }) : () -> ()
    %mul3A_277 = arith.constant 13312 : i32
    %mul3A_278 = arith.muli %add3A, %mul3A_277 : i32
    %add3A_279 = arith.constant 11648 : i32
    %add3A_280 = arith.addi %mul3A_278, %add3A_279 : i32
    %mul3A_281 = arith.constant 512 : i32
    %mul3A_282 = arith.muli %add3A, %mul3A_281 : i32
    %add3A_283 = arith.constant 448 : i32
    %add3A_284 = arith.addi %mul3A_282, %add3A_283 : i32
    %dma_wait3A_285 = arith.constant 0 : i32
    %dma_wait3A_286 = arith.constant 0 : i32
    %dma_wait3A_287 = tpu.memref_slice %arg3[%dma_wait3A_285, %dma_wait3A_286] : memref<1000000x16xf32, #tpu.memory_space<hbm>> -> memref<1000000x16xf32, #tpu.memory_space<hbm>>
    tpu.wait_indirect_dma semaphore(%arg17 : memref<!tpu.dma_semaphore, #tpu.memory_space<semaphore_mem>>) src(%dma_wait3A_287 : memref<1000000x16xf32, #tpu.memory_space<hbm>>) dst(%arg11 : memref<1664x16xf32, #tpu.memory_space<vmem>>)
    %dma_start3A_288 = arith.constant 0 : i32
    %dma_start3A_289 = tpu.memref_slice %arg6[%add3A_280, %dma_start3A_288] : memref<425984x16xf32, #tpu.memory_space<hbm>> -> memref<1664x16xf32, #tpu.memory_space<hbm>>
    %dma_start3A_290 = arith.constant 0 : i32
    %dma_start3A_291 = tpu.memref_slice %arg6[%add3A_280, %dma_start3A_290] : memref<425984x16xf32, #tpu.memory_space<hbm>> -> memref<1664x16xf32, #tpu.memory_space<hbm>>
    tpu.enqueue_dma source(%arg11 : memref<1664x16xf32, #tpu.memory_space<vmem>>) target(%dma_start3A_291 : memref<1664x16xf32, #tpu.memory_space<hbm>>) target_semaphore(%arg21 : memref<!tpu.dma_semaphore, #tpu.memory_space<semaphore_mem>>)
    %dma_wait3A_292 = arith.constant 0 : i32
    %dma_wait3A_293 = arith.constant 0 : i32
    %dma_wait3A_294 = tpu.memref_slice %arg4[%dma_wait3A_292, %dma_wait3A_293] : memref<1000000x16xf32, #tpu.memory_space<hbm>> -> memref<1000000x16xf32, #tpu.memory_space<hbm>>
    tpu.wait_indirect_dma semaphore(%arg19 : memref<!tpu.dma_semaphore, #tpu.memory_space<semaphore_mem>>) src(%dma_wait3A_294 : memref<1000000x16xf32, #tpu.memory_space<hbm>>) dst(%arg13 : memref<1664x16xf32, #tpu.memory_space<vmem>>)
    %scan3A_295 = arith.constant 0 : i32
    %scan3A_296 = arith.constant 0 : i32
    %scan3A_297 = arith.constant 64 : i32
    %scan3A_298 = arith.addi %scan3A_296, %scan3A_297 : i32
    %scan3A_299 = arith.constant 1 : i32
    %scan3A_300 = scf.for %scan3A_310 = %scan3A_296 to %scan3A_298 step %scan3A_299 iter_args(%scan3A_311 = %scan3A_295) -> (i32)  : i32 {
      %mul3A_312 = arith.constant 26 : i32
      %mul3A_313 = arith.muli %scan3A_310, %mul3A_312 : i32
      %get3A = arith.index_cast %mul3A_313 : i32 to index
      %get3A_314 = arith.constant 0 : index
      %get3A_315 = tpu.vector_load %arg13[%get3A, %get3A_314] {strides = array<i32>} : memref<1664x16xf32, #tpu.memory_space<vmem>>, vector<1x16xf32>,
      %get3A_316 = vector.shape_cast %get3A_315 : vector<1x16xf32> to vector<16xf32>
      %get3A_317 = arith.constant 0 : i32
      %get3A_318 = arith.index_cast %get3A_317 : i32 to index
      %get3A_319 = arith.constant 0 : index
      %get3A_320 = tpu.vector_load %arg15[%get3A_318, %get3A_319] {strides = array<i32>} : memref<26x16xf32, #tpu.memory_space<vmem>>, vector<1x16xf32>,
      %get3A_321 = vector.shape_cast %get3A_320 : vector<1x16xf32> to vector<16xf32>
      %mul3A_322 = arith.mulf %get3A_316, %get3A_321 : vector<16xf32>
      %add3A_323 = arith.constant 1 : i32
      %add3A_324 = arith.addi %mul3A_313, %add3A_323 : i32
      %get3A_325 = arith.index_cast %add3A_324 : i32 to index
      %get3A_326 = arith.constant 0 : index
      %get3A_327 = tpu.vector_load %arg13[%get3A_325, %get3A_326] {strides = array<i32>} : memref<1664x16xf32, #tpu.memory_space<vmem>>, vector<1x16xf32>,
      %get3A_328 = vector.shape_cast %get3A_327 : vector<1x16xf32> to vector<16xf32>
      %get3A_329 = arith.constant 1 : i32
      %get3A_330 = arith.index_cast %get3A_329 : i32 to index
      %get3A_331 = arith.constant 0 : index
      %get3A_332 = tpu.vector_load %arg15[%get3A_330, %get3A_331] {strides = array<i32>} : memref<26x16xf32, #tpu.memory_space<vmem>>, vector<1x16xf32>,
      %get3A_333 = vector.shape_cast %get3A_332 : vector<1x16xf32> to vector<16xf32>
      %mul3A_334 = arith.mulf %get3A_328, %get3A_333 : vector<16xf32>
      %add3A_335 = arith.addf %mul3A_322, %mul3A_334 : vector<16xf32>
      %add3A_336 = arith.constant 2 : i32
      %add3A_337 = arith.addi %mul3A_313, %add3A_336 : i32
      %get3A_338 = arith.index_cast %add3A_337 : i32 to index
      %get3A_339 = arith.constant 0 : index
      %get3A_340 = tpu.vector_load %arg13[%get3A_338, %get3A_339] {strides = array<i32>} : memref<1664x16xf32, #tpu.memory_space<vmem>>, vector<1x16xf32>,
      %get3A_341 = vector.shape_cast %get3A_340 : vector<1x16xf32> to vector<16xf32>
      %get3A_342 = arith.constant 2 : i32
      %get3A_343 = arith.index_cast %get3A_342 : i32 to index
      %get3A_344 = arith.constant 0 : index
      %get3A_345 = tpu.vector_load %arg15[%get3A_343, %get3A_344] {strides = array<i32>} : memref<26x16xf32, #tpu.memory_space<vmem>>, vector<1x16xf32>,
      %get3A_346 = vector.shape_cast %get3A_345 : vector<1x16xf32> to vector<16xf32>
      %mul3A_347 = arith.mulf %get3A_341, %get3A_346 : vector<16xf32>
      %add3A_348 = arith.addf %add3A_335, %mul3A_347 : vector<16xf32>
      %add3A_349 = arith.constant 3 : i32
      %add3A_350 = arith.addi %mul3A_313, %add3A_349 : i32
      %get3A_351 = arith.index_cast %add3A_350 : i32 to index
      %get3A_352 = arith.constant 0 : index
      %get3A_353 = tpu.vector_load %arg13[%get3A_351, %get3A_352] {strides = array<i32>} : memref<1664x16xf32, #tpu.memory_space<vmem>>, vector<1x16xf32>,
      %get3A_354 = vector.shape_cast %get3A_353 : vector<1x16xf32> to vector<16xf32>
      %get3A_355 = arith.constant 3 : i32
      %get3A_356 = arith.index_cast %get3A_355 : i32 to index
      %get3A_357 = arith.constant 0 : index
      %get3A_358 = tpu.vector_load %arg15[%get3A_356, %get3A_357] {strides = array<i32>} : memref<26x16xf32, #tpu.memory_space<vmem>>, vector<1x16xf32>,
      %get3A_359 = vector.shape_cast %get3A_358 : vector<1x16xf32> to vector<16xf32>
      %mul3A_360 = arith.mulf %get3A_354, %get3A_359 : vector<16xf32>
      %add3A_361 = arith.addf %add3A_348, %mul3A_360 : vector<16xf32>
      %add3A_362 = arith.constant 4 : i32
      %add3A_363 = arith.addi %mul3A_313, %add3A_362 : i32
      %get3A_364 = arith.index_cast %add3A_363 : i32 to index
      %get3A_365 = arith.constant 0 : index
      %get3A_366 = tpu.vector_load %arg13[%get3A_364, %get3A_365] {strides = array<i32>} : memref<1664x16xf32, #tpu.memory_space<vmem>>, vector<1x16xf32>,
      %get3A_367 = vector.shape_cast %get3A_366 : vector<1x16xf32> to vector<16xf32>
      %get3A_368 = arith.constant 4 : i32
      %get3A_369 = arith.index_cast %get3A_368 : i32 to index
      %get3A_370 = arith.constant 0 : index
      %get3A_371 = tpu.vector_load %arg15[%get3A_369, %get3A_370] {strides = array<i32>} : memref<26x16xf32, #tpu.memory_space<vmem>>, vector<1x16xf32>,
      %get3A_372 = vector.shape_cast %get3A_371 : vector<1x16xf32> to vector<16xf32>
      %mul3A_373 = arith.mulf %get3A_367, %get3A_372 : vector<16xf32>
      %add3A_374 = arith.addf %add3A_361, %mul3A_373 : vector<16xf32>
      %add3A_375 = arith.constant 5 : i32
      %add3A_376 = arith.addi %mul3A_313, %add3A_375 : i32
      %get3A_377 = arith.index_cast %add3A_376 : i32 to index
      %get3A_378 = arith.constant 0 : index
      %get3A_379 = tpu.vector_load %arg13[%get3A_377, %get3A_378] {strides = array<i32>} : memref<1664x16xf32, #tpu.memory_space<vmem>>, vector<1x16xf32>,
      %get3A_380 = vector.shape_cast %get3A_379 : vector<1x16xf32> to vector<16xf32>
      %get3A_381 = arith.constant 5 : i32
      %get3A_382 = arith.index_cast %get3A_381 : i32 to index
      %get3A_383 = arith.constant 0 : index
      %get3A_384 = tpu.vector_load %arg15[%get3A_382, %get3A_383] {strides = array<i32>} : memref<26x16xf32, #tpu.memory_space<vmem>>, vector<1x16xf32>,
      %get3A_385 = vector.shape_cast %get3A_384 : vector<1x16xf32> to vector<16xf32>
      %mul3A_386 = arith.mulf %get3A_380, %get3A_385 : vector<16xf32>
      %add3A_387 = arith.addf %add3A_374, %mul3A_386 : vector<16xf32>
      %add3A_388 = arith.constant 6 : i32
      %add3A_389 = arith.addi %mul3A_313, %add3A_388 : i32
      %get3A_390 = arith.index_cast %add3A_389 : i32 to index
      %get3A_391 = arith.constant 0 : index
      %get3A_392 = tpu.vector_load %arg13[%get3A_390, %get3A_391] {strides = array<i32>} : memref<1664x16xf32, #tpu.memory_space<vmem>>, vector<1x16xf32>,
      %get3A_393 = vector.shape_cast %get3A_392 : vector<1x16xf32> to vector<16xf32>
      %get3A_394 = arith.constant 6 : i32
      %get3A_395 = arith.index_cast %get3A_394 : i32 to index
      %get3A_396 = arith.constant 0 : index
      %get3A_397 = tpu.vector_load %arg15[%get3A_395, %get3A_396] {strides = array<i32>} : memref<26x16xf32, #tpu.memory_space<vmem>>, vector<1x16xf32>,
      %get3A_398 = vector.shape_cast %get3A_397 : vector<1x16xf32> to vector<16xf32>
      %mul3A_399 = arith.mulf %get3A_393, %get3A_398 : vector<16xf32>
      %add3A_400 = arith.addf %add3A_387, %mul3A_399 : vector<16xf32>
      %add3A_401 = arith.constant 7 : i32
      %add3A_402 = arith.addi %mul3A_313, %add3A_401 : i32
      %get3A_403 = arith.index_cast %add3A_402 : i32 to index
      %get3A_404 = arith.constant 0 : index
      %get3A_405 = tpu.vector_load %arg13[%get3A_403, %get3A_404] {strides = array<i32>} : memref<1664x16xf32, #tpu.memory_space<vmem>>, vector<1x16xf32>,
      %get3A_406 = vector.shape_cast %get3A_405 : vector<1x16xf32> to vector<16xf32>
      %get3A_407 = arith.constant 7 : i32
      %get3A_408 = arith.index_cast %get3A_407 : i32 to index
      %get3A_409 = arith.constant 0 : index
      %get3A_410 = tpu.vector_load %arg15[%get3A_408, %get3A_409] {strides = array<i32>} : memref<26x16xf32, #tpu.memory_space<vmem>>, vector<1x16xf32>,
      %get3A_411 = vector.shape_cast %get3A_410 : vector<1x16xf32> to vector<16xf32>
      %mul3A_412 = arith.mulf %get3A_406, %get3A_411 : vector<16xf32>
      %add3A_413 = arith.addf %add3A_400, %mul3A_412 : vector<16xf32>
      %add3A_414 = arith.constant 8 : i32
      %add3A_415 = arith.addi %mul3A_313, %add3A_414 : i32
      %get3A_416 = arith.index_cast %add3A_415 : i32 to index
      %get3A_417 = arith.constant 0 : index
      %get3A_418 = tpu.vector_load %arg13[%get3A_416, %get3A_417] {strides = array<i32>} : memref<1664x16xf32, #tpu.memory_space<vmem>>, vector<1x16xf32>,
      %get3A_419 = vector.shape_cast %get3A_418 : vector<1x16xf32> to vector<16xf32>
      %get3A_420 = arith.constant 8 : i32
      %get3A_421 = arith.index_cast %get3A_420 : i32 to index
      %get3A_422 = arith.constant 0 : index
      %get3A_423 = tpu.vector_load %arg15[%get3A_421, %get3A_422] {strides = array<i32>} : memref<26x16xf32, #tpu.memory_space<vmem>>, vector<1x16xf32>,
      %get3A_424 = vector.shape_cast %get3A_423 : vector<1x16xf32> to vector<16xf32>
      %mul3A_425 = arith.mulf %get3A_419, %get3A_424 : vector<16xf32>
      %add3A_426 = arith.addf %add3A_413, %mul3A_425 : vector<16xf32>
      %add3A_427 = arith.constant 9 : i32
      %add3A_428 = arith.addi %mul3A_313, %add3A_427 : i32
      %get3A_429 = arith.index_cast %add3A_428 : i32 to index
      %get3A_430 = arith.constant 0 : index
      %get3A_431 = tpu.vector_load %arg13[%get3A_429, %get3A_430] {strides = array<i32>} : memref<1664x16xf32, #tpu.memory_space<vmem>>, vector<1x16xf32>,
      %get3A_432 = vector.shape_cast %get3A_431 : vector<1x16xf32> to vector<16xf32>
      %get3A_433 = arith.constant 9 : i32
      %get3A_434 = arith.index_cast %get3A_433 : i32 to index
      %get3A_435 = arith.constant 0 : index
      %get3A_436 = tpu.vector_load %arg15[%get3A_434, %get3A_435] {strides = array<i32>} : memref<26x16xf32, #tpu.memory_space<vmem>>, vector<1x16xf32>,
      %get3A_437 = vector.shape_cast %get3A_436 : vector<1x16xf32> to vector<16xf32>
      %mul3A_438 = arith.mulf %get3A_432, %get3A_437 : vector<16xf32>
      %add3A_439 = arith.addf %add3A_426, %mul3A_438 : vector<16xf32>
      %add3A_440 = arith.constant 10 : i32
      %add3A_441 = arith.addi %mul3A_313, %add3A_440 : i32
      %get3A_442 = arith.index_cast %add3A_441 : i32 to index
      %get3A_443 = arith.constant 0 : index
      %get3A_444 = tpu.vector_load %arg13[%get3A_442, %get3A_443] {strides = array<i32>} : memref<1664x16xf32, #tpu.memory_space<vmem>>, vector<1x16xf32>,
      %get3A_445 = vector.shape_cast %get3A_444 : vector<1x16xf32> to vector<16xf32>
      %get3A_446 = arith.constant 10 : i32
      %get3A_447 = arith.index_cast %get3A_446 : i32 to index
      %get3A_448 = arith.constant 0 : index
      %get3A_449 = tpu.vector_load %arg15[%get3A_447, %get3A_448] {strides = array<i32>} : memref<26x16xf32, #tpu.memory_space<vmem>>, vector<1x16xf32>,
      %get3A_450 = vector.shape_cast %get3A_449 : vector<1x16xf32> to vector<16xf32>
      %mul3A_451 = arith.mulf %get3A_445, %get3A_450 : vector<16xf32>
      %add3A_452 = arith.addf %add3A_439, %mul3A_451 : vector<16xf32>
      %add3A_453 = arith.constant 11 : i32
      %add3A_454 = arith.addi %mul3A_313, %add3A_453 : i32
      %get3A_455 = arith.index_cast %add3A_454 : i32 to index
      %get3A_456 = arith.constant 0 : index
      %get3A_457 = tpu.vector_load %arg13[%get3A_455, %get3A_456] {strides = array<i32>} : memref<1664x16xf32, #tpu.memory_space<vmem>>, vector<1x16xf32>,
      %get3A_458 = vector.shape_cast %get3A_457 : vector<1x16xf32> to vector<16xf32>
      %get3A_459 = arith.constant 11 : i32
      %get3A_460 = arith.index_cast %get3A_459 : i32 to index
      %get3A_461 = arith.constant 0 : index
      %get3A_462 = tpu.vector_load %arg15[%get3A_460, %get3A_461] {strides = array<i32>} : memref<26x16xf32, #tpu.memory_space<vmem>>, vector<1x16xf32>,
      %get3A_463 = vector.shape_cast %get3A_462 : vector<1x16xf32> to vector<16xf32>
      %mul3A_464 = arith.mulf %get3A_458, %get3A_463 : vector<16xf32>
      %add3A_465 = arith.addf %add3A_452, %mul3A_464 : vector<16xf32>
      %add3A_466 = arith.constant 12 : i32
      %add3A_467 = arith.addi %mul3A_313, %add3A_466 : i32
      %get3A_468 = arith.index_cast %add3A_467 : i32 to index
      %get3A_469 = arith.constant 0 : index
      %get3A_470 = tpu.vector_load %arg13[%get3A_468, %get3A_469] {strides = array<i32>} : memref<1664x16xf32, #tpu.memory_space<vmem>>, vector<1x16xf32>,
      %get3A_471 = vector.shape_cast %get3A_470 : vector<1x16xf32> to vector<16xf32>
      %get3A_472 = arith.constant 12 : i32
      %get3A_473 = arith.index_cast %get3A_472 : i32 to index
      %get3A_474 = arith.constant 0 : index
      %get3A_475 = tpu.vector_load %arg15[%get3A_473, %get3A_474] {strides = array<i32>} : memref<26x16xf32, #tpu.memory_space<vmem>>, vector<1x16xf32>,
      %get3A_476 = vector.shape_cast %get3A_475 : vector<1x16xf32> to vector<16xf32>
      %mul3A_477 = arith.mulf %get3A_471, %get3A_476 : vector<16xf32>
      %add3A_478 = arith.addf %add3A_465, %mul3A_477 : vector<16xf32>
      %add3A_479 = arith.constant 13 : i32
      %add3A_480 = arith.addi %mul3A_313, %add3A_479 : i32
      %get3A_481 = arith.index_cast %add3A_480 : i32 to index
      %get3A_482 = arith.constant 0 : index
      %get3A_483 = tpu.vector_load %arg13[%get3A_481, %get3A_482] {strides = array<i32>} : memref<1664x16xf32, #tpu.memory_space<vmem>>, vector<1x16xf32>,
      %get3A_484 = vector.shape_cast %get3A_483 : vector<1x16xf32> to vector<16xf32>
      %get3A_485 = arith.constant 13 : i32
      %get3A_486 = arith.index_cast %get3A_485 : i32 to index
      %get3A_487 = arith.constant 0 : index
      %get3A_488 = tpu.vector_load %arg15[%get3A_486, %get3A_487] {strides = array<i32>} : memref<26x16xf32, #tpu.memory_space<vmem>>, vector<1x16xf32>,
      %get3A_489 = vector.shape_cast %get3A_488 : vector<1x16xf32> to vector<16xf32>
      %mul3A_490 = arith.mulf %get3A_484, %get3A_489 : vector<16xf32>
      %add3A_491 = arith.addf %add3A_478, %mul3A_490 : vector<16xf32>
      %add3A_492 = arith.constant 14 : i32
      %add3A_493 = arith.addi %mul3A_313, %add3A_492 : i32
      %get3A_494 = arith.index_cast %add3A_493 : i32 to index
      %get3A_495 = arith.constant 0 : index
      %get3A_496 = tpu.vector_load %arg13[%get3A_494, %get3A_495] {strides = array<i32>} : memref<1664x16xf32, #tpu.memory_space<vmem>>, vector<1x16xf32>,
      %get3A_497 = vector.shape_cast %get3A_496 : vector<1x16xf32> to vector<16xf32>
      %get3A_498 = arith.constant 14 : i32
      %get3A_499 = arith.index_cast %get3A_498 : i32 to index
      %get3A_500 = arith.constant 0 : index
      %get3A_501 = tpu.vector_load %arg15[%get3A_499, %get3A_500] {strides = array<i32>} : memref<26x16xf32, #tpu.memory_space<vmem>>, vector<1x16xf32>,
      %get3A_502 = vector.shape_cast %get3A_501 : vector<1x16xf32> to vector<16xf32>
      %mul3A_503 = arith.mulf %get3A_497, %get3A_502 : vector<16xf32>
      %add3A_504 = arith.addf %add3A_491, %mul3A_503 : vector<16xf32>
      %add3A_505 = arith.constant 15 : i32
      %add3A_506 = arith.addi %mul3A_313, %add3A_505 : i32
      %get3A_507 = arith.index_cast %add3A_506 : i32 to index
      %get3A_508 = arith.constant 0 : index
      %get3A_509 = tpu.vector_load %arg13[%get3A_507, %get3A_508] {strides = array<i32>} : memref<1664x16xf32, #tpu.memory_space<vmem>>, vector<1x16xf32>,
      %get3A_510 = vector.shape_cast %get3A_509 : vector<1x16xf32> to vector<16xf32>
      %get3A_511 = arith.constant 15 : i32
      %get3A_512 = arith.index_cast %get3A_511 : i32 to index
      %get3A_513 = arith.constant 0 : index
      %get3A_514 = tpu.vector_load %arg15[%get3A_512, %get3A_513] {strides = array<i32>} : memref<26x16xf32, #tpu.memory_space<vmem>>, vector<1x16xf32>,
      %get3A_515 = vector.shape_cast %get3A_514 : vector<1x16xf32> to vector<16xf32>
      %mul3A_516 = arith.mulf %get3A_510, %get3A_515 : vector<16xf32>
      %add3A_517 = arith.addf %add3A_504, %mul3A_516 : vector<16xf32>
      %add3A_518 = arith.constant 16 : i32
      %add3A_519 = arith.addi %mul3A_313, %add3A_518 : i32
      %get3A_520 = arith.index_cast %add3A_519 : i32 to index
      %get3A_521 = arith.constant 0 : index
      %get3A_522 = tpu.vector_load %arg13[%get3A_520, %get3A_521] {strides = array<i32>} : memref<1664x16xf32, #tpu.memory_space<vmem>>, vector<1x16xf32>,
      %get3A_523 = vector.shape_cast %get3A_522 : vector<1x16xf32> to vector<16xf32>
      %get3A_524 = arith.constant 16 : i32
      %get3A_525 = arith.index_cast %get3A_524 : i32 to index
      %get3A_526 = arith.constant 0 : index
      %get3A_527 = tpu.vector_load %arg15[%get3A_525, %get3A_526] {strides = array<i32>} : memref<26x16xf32, #tpu.memory_space<vmem>>, vector<1x16xf32>,
      %get3A_528 = vector.shape_cast %get3A_527 : vector<1x16xf32> to vector<16xf32>
      %mul3A_529 = arith.mulf %get3A_523, %get3A_528 : vector<16xf32>
      %add3A_530 = arith.addf %add3A_517, %mul3A_529 : vector<16xf32>
      %add3A_531 = arith.constant 17 : i32
      %add3A_532 = arith.addi %mul3A_313, %add3A_531 : i32
      %get3A_533 = arith.index_cast %add3A_532 : i32 to index
      %get3A_534 = arith.constant 0 : index
      %get3A_535 = tpu.vector_load %arg13[%get3A_533, %get3A_534] {strides = array<i32>} : memref<1664x16xf32, #tpu.memory_space<vmem>>, vector<1x16xf32>,
      %get3A_536 = vector.shape_cast %get3A_535 : vector<1x16xf32> to vector<16xf32>
      %get3A_537 = arith.constant 17 : i32
      %get3A_538 = arith.index_cast %get3A_537 : i32 to index
      %get3A_539 = arith.constant 0 : index
      %get3A_540 = tpu.vector_load %arg15[%get3A_538, %get3A_539] {strides = array<i32>} : memref<26x16xf32, #tpu.memory_space<vmem>>, vector<1x16xf32>,
      %get3A_541 = vector.shape_cast %get3A_540 : vector<1x16xf32> to vector<16xf32>
      %mul3A_542 = arith.mulf %get3A_536, %get3A_541 : vector<16xf32>
      %add3A_543 = arith.addf %add3A_530, %mul3A_542 : vector<16xf32>
      %add3A_544 = arith.constant 18 : i32
      %add3A_545 = arith.addi %mul3A_313, %add3A_544 : i32
      %get3A_546 = arith.index_cast %add3A_545 : i32 to index
      %get3A_547 = arith.constant 0 : index
      %get3A_548 = tpu.vector_load %arg13[%get3A_546, %get3A_547] {strides = array<i32>} : memref<1664x16xf32, #tpu.memory_space<vmem>>, vector<1x16xf32>,
      %get3A_549 = vector.shape_cast %get3A_548 : vector<1x16xf32> to vector<16xf32>
      %get3A_550 = arith.constant 18 : i32
      %get3A_551 = arith.index_cast %get3A_550 : i32 to index
      %get3A_552 = arith.constant 0 : index
      %get3A_553 = tpu.vector_load %arg15[%get3A_551, %get3A_552] {strides = array<i32>} : memref<26x16xf32, #tpu.memory_space<vmem>>, vector<1x16xf32>,
      %get3A_554 = vector.shape_cast %get3A_553 : vector<1x16xf32> to vector<16xf32>
      %mul3A_555 = arith.mulf %get3A_549, %get3A_554 : vector<16xf32>
      %add3A_556 = arith.addf %add3A_543, %mul3A_555 : vector<16xf32>
      %add3A_557 = arith.constant 19 : i32
      %add3A_558 = arith.addi %mul3A_313, %add3A_557 : i32
      %get3A_559 = arith.index_cast %add3A_558 : i32 to index
      %get3A_560 = arith.constant 0 : index
      %get3A_561 = tpu.vector_load %arg13[%get3A_559, %get3A_560] {strides = array<i32>} : memref<1664x16xf32, #tpu.memory_space<vmem>>, vector<1x16xf32>,
      %get3A_562 = vector.shape_cast %get3A_561 : vector<1x16xf32> to vector<16xf32>
      %get3A_563 = arith.constant 19 : i32
      %get3A_564 = arith.index_cast %get3A_563 : i32 to index
      %get3A_565 = arith.constant 0 : index
      %get3A_566 = tpu.vector_load %arg15[%get3A_564, %get3A_565] {strides = array<i32>} : memref<26x16xf32, #tpu.memory_space<vmem>>, vector<1x16xf32>,
      %get3A_567 = vector.shape_cast %get3A_566 : vector<1x16xf32> to vector<16xf32>
      %mul3A_568 = arith.mulf %get3A_562, %get3A_567 : vector<16xf32>
      %add3A_569 = arith.addf %add3A_556, %mul3A_568 : vector<16xf32>
      %add3A_570 = arith.constant 20 : i32
      %add3A_571 = arith.addi %mul3A_313, %add3A_570 : i32
      %get3A_572 = arith.index_cast %add3A_571 : i32 to index
      %get3A_573 = arith.constant 0 : index
      %get3A_574 = tpu.vector_load %arg13[%get3A_572, %get3A_573] {strides = array<i32>} : memref<1664x16xf32, #tpu.memory_space<vmem>>, vector<1x16xf32>,
      %get3A_575 = vector.shape_cast %get3A_574 : vector<1x16xf32> to vector<16xf32>
      %get3A_576 = arith.constant 20 : i32
      %get3A_577 = arith.index_cast %get3A_576 : i32 to index
      %get3A_578 = arith.constant 0 : index
      %get3A_579 = tpu.vector_load %arg15[%get3A_577, %get3A_578] {strides = array<i32>} : memref<26x16xf32, #tpu.memory_space<vmem>>, vector<1x16xf32>,
      %get3A_580 = vector.shape_cast %get3A_579 : vector<1x16xf32> to vector<16xf32>
      %mul3A_581 = arith.mulf %get3A_575, %get3A_580 : vector<16xf32>
      %add3A_582 = arith.addf %add3A_569, %mul3A_581 : vector<16xf32>
      %add3A_583 = arith.constant 21 : i32
      %add3A_584 = arith.addi %mul3A_313, %add3A_583 : i32
      %get3A_585 = arith.index_cast %add3A_584 : i32 to index
      %get3A_586 = arith.constant 0 : index
      %get3A_587 = tpu.vector_load %arg13[%get3A_585, %get3A_586] {strides = array<i32>} : memref<1664x16xf32, #tpu.memory_space<vmem>>, vector<1x16xf32>,
      %get3A_588 = vector.shape_cast %get3A_587 : vector<1x16xf32> to vector<16xf32>
      %get3A_589 = arith.constant 21 : i32
      %get3A_590 = arith.index_cast %get3A_589 : i32 to index
      %get3A_591 = arith.constant 0 : index
      %get3A_592 = tpu.vector_load %arg15[%get3A_590, %get3A_591] {strides = array<i32>} : memref<26x16xf32, #tpu.memory_space<vmem>>, vector<1x16xf32>,
      %get3A_593 = vector.shape_cast %get3A_592 : vector<1x16xf32> to vector<16xf32>
      %mul3A_594 = arith.mulf %get3A_588, %get3A_593 : vector<16xf32>
      %add3A_595 = arith.addf %add3A_582, %mul3A_594 : vector<16xf32>
      %add3A_596 = arith.constant 22 : i32
      %add3A_597 = arith.addi %mul3A_313, %add3A_596 : i32
      %get3A_598 = arith.index_cast %add3A_597 : i32 to index
      %get3A_599 = arith.constant 0 : index
      %get3A_600 = tpu.vector_load %arg13[%get3A_598, %get3A_599] {strides = array<i32>} : memref<1664x16xf32, #tpu.memory_space<vmem>>, vector<1x16xf32>,
      %get3A_601 = vector.shape_cast %get3A_600 : vector<1x16xf32> to vector<16xf32>
      %get3A_602 = arith.constant 22 : i32
      %get3A_603 = arith.index_cast %get3A_602 : i32 to index
      %get3A_604 = arith.constant 0 : index
      %get3A_605 = tpu.vector_load %arg15[%get3A_603, %get3A_604] {strides = array<i32>} : memref<26x16xf32, #tpu.memory_space<vmem>>, vector<1x16xf32>,
      %get3A_606 = vector.shape_cast %get3A_605 : vector<1x16xf32> to vector<16xf32>
      %mul3A_607 = arith.mulf %get3A_601, %get3A_606 : vector<16xf32>
      %add3A_608 = arith.addf %add3A_595, %mul3A_607 : vector<16xf32>
      %add3A_609 = arith.constant 23 : i32
      %add3A_610 = arith.addi %mul3A_313, %add3A_609 : i32
      %get3A_611 = arith.index_cast %add3A_610 : i32 to index
      %get3A_612 = arith.constant 0 : index
      %get3A_613 = tpu.vector_load %arg13[%get3A_611, %get3A_612] {strides = array<i32>} : memref<1664x16xf32, #tpu.memory_space<vmem>>, vector<1x16xf32>,
      %get3A_614 = vector.shape_cast %get3A_613 : vector<1x16xf32> to vector<16xf32>
      %get3A_615 = arith.constant 23 : i32
      %get3A_616 = arith.index_cast %get3A_615 : i32 to index
      %get3A_617 = arith.constant 0 : index
      %get3A_618 = tpu.vector_load %arg15[%get3A_616, %get3A_617] {strides = array<i32>} : memref<26x16xf32, #tpu.memory_space<vmem>>, vector<1x16xf32>,
      %get3A_619 = vector.shape_cast %get3A_618 : vector<1x16xf32> to vector<16xf32>
      %mul3A_620 = arith.mulf %get3A_614, %get3A_619 : vector<16xf32>
      %add3A_621 = arith.addf %add3A_608, %mul3A_620 : vector<16xf32>
      %add3A_622 = arith.constant 24 : i32
      %add3A_623 = arith.addi %mul3A_313, %add3A_622 : i32
      %get3A_624 = arith.index_cast %add3A_623 : i32 to index
      %get3A_625 = arith.constant 0 : index
      %get3A_626 = tpu.vector_load %arg13[%get3A_624, %get3A_625] {strides = array<i32>} : memref<1664x16xf32, #tpu.memory_space<vmem>>, vector<1x16xf32>,
      %get3A_627 = vector.shape_cast %get3A_626 : vector<1x16xf32> to vector<16xf32>
      %get3A_628 = arith.constant 24 : i32
      %get3A_629 = arith.index_cast %get3A_628 : i32 to index
      %get3A_630 = arith.constant 0 : index
      %get3A_631 = tpu.vector_load %arg15[%get3A_629, %get3A_630] {strides = array<i32>} : memref<26x16xf32, #tpu.memory_space<vmem>>, vector<1x16xf32>,
      %get3A_632 = vector.shape_cast %get3A_631 : vector<1x16xf32> to vector<16xf32>
      %mul3A_633 = arith.mulf %get3A_627, %get3A_632 : vector<16xf32>
      %add3A_634 = arith.addf %add3A_621, %mul3A_633 : vector<16xf32>
      %add3A_635 = arith.constant 25 : i32
      %add3A_636 = arith.addi %mul3A_313, %add3A_635 : i32
      %get3A_637 = arith.index_cast %add3A_636 : i32 to index
      %get3A_638 = arith.constant 0 : index
      %get3A_639 = tpu.vector_load %arg13[%get3A_637, %get3A_638] {strides = array<i32>} : memref<1664x16xf32, #tpu.memory_space<vmem>>, vector<1x16xf32>,
      %get3A_640 = vector.shape_cast %get3A_639 : vector<1x16xf32> to vector<16xf32>
      %get3A_641 = arith.constant 25 : i32
      %get3A_642 = arith.index_cast %get3A_641 : i32 to index
      %get3A_643 = arith.constant 0 : index
      %get3A_644 = tpu.vector_load %arg15[%get3A_642, %get3A_643] {strides = array<i32>} : memref<26x16xf32, #tpu.memory_space<vmem>>, vector<1x16xf32>,
      %get3A_645 = vector.shape_cast %get3A_644 : vector<1x16xf32> to vector<16xf32>
      %mul3A_646 = arith.mulf %get3A_640, %get3A_645 : vector<16xf32>
      %add3A_647 = arith.addf %add3A_634, %mul3A_646 : vector<16xf32>
      %swap3A = arith.index_cast %scan3A_310 : i32 to index
      %swap3A_648 = arith.constant 0 : index
      %swap3A_649 = tpu.vector_load %arg14[%swap3A, %swap3A_648] {strides = array<i32>} : memref<64x16xf32, #tpu.memory_space<vmem>>, vector<1x16xf32>,
      %swap3A_650 = vector.shape_cast %swap3A_649 : vector<1x16xf32> to vector<16xf32>
      %swap3A_651 = vector.shape_cast %add3A_647 : vector<16xf32> to vector<1x16xf32>
      tpu.vector_store %arg14[%swap3A, %swap3A_648], %swap3A_651 {strides = array<i32>} : memref<64x16xf32, #tpu.memory_space<vmem>>, vector<1x16xf32>,
      %scan3A_652 = arith.constant 0 : i32
      scf.yield %scan3A_652 : i32
    }
    %scan3A_301 = arith.constant 64 : i32
    "tpu.region"() ({
      %run_scoped3A = tpu.sem_alloc : memref<!tpu.dma_semaphore, #tpu.memory_space<semaphore_mem>>
      %dma_start3A_310 = arith.constant 0 : i32
      %dma_start3A_311 = tpu.memref_slice %arg7[%add3A_284, %dma_start3A_310] : memref<16384x16xf32, #tpu.memory_space<hbm>> -> memref<64x16xf32, #tpu.memory_space<hbm>>
      %dma_start3A_312 = arith.constant 0 : i32
      %dma_start3A_313 = tpu.memref_slice %arg7[%add3A_284, %dma_start3A_312] : memref<16384x16xf32, #tpu.memory_space<hbm>> -> memref<64x16xf32, #tpu.memory_space<hbm>>
      tpu.enqueue_dma source(%arg14 : memref<64x16xf32, #tpu.memory_space<vmem>>) target(%dma_start3A_313 : memref<64x16xf32, #tpu.memory_space<hbm>>) target_semaphore(%run_scoped3A : memref<!tpu.dma_semaphore, #tpu.memory_space<semaphore_mem>>)
      %dma_wait3A_314 = arith.constant 0 : i32
      %dma_wait3A_315 = tpu.memref_slice %arg7[%add3A_284, %dma_wait3A_314] : memref<16384x16xf32, #tpu.memory_space<hbm>> -> memref<64x16xf32, #tpu.memory_space<hbm>>
      %dma_wait3A_316 = arith.constant 0 : i32
      %dma_wait3A_317 = tpu.memref_slice %arg7[%add3A_284, %dma_wait3A_316] : memref<16384x16xf32, #tpu.memory_space<hbm>> -> memref<64x16xf32, #tpu.memory_space<hbm>>
      tpu.wait_dma2 semaphore(%run_scoped3A : memref<!tpu.dma_semaphore, #tpu.memory_space<semaphore_mem>>) src(%arg14 : memref<64x16xf32, #tpu.memory_space<vmem>>) dst(%dma_wait3A_317 : memref<64x16xf32, #tpu.memory_space<hbm>>)
      tpu.yield
    }) : () -> ()
    %dma_wait3A_302 = arith.constant 0 : i32
    %dma_wait3A_303 = tpu.memref_slice %arg6[%add3A_255, %dma_wait3A_302] : memref<425984x16xf32, #tpu.memory_space<hbm>> -> memref<1664x16xf32, #tpu.memory_space<hbm>>
    %dma_wait3A_304 = arith.constant 0 : i32
    %dma_wait3A_305 = tpu.memref_slice %arg6[%add3A_255, %dma_wait3A_304] : memref<425984x16xf32, #tpu.memory_space<hbm>> -> memref<1664x16xf32, #tpu.memory_space<hbm>>
    tpu.wait_dma2 semaphore(%arg20 : memref<!tpu.dma_semaphore, #tpu.memory_space<semaphore_mem>>) src(%arg10 : memref<1664x16xf32, #tpu.memory_space<vmem>>) dst(%dma_wait3A_305 : memref<1664x16xf32, #tpu.memory_space<hbm>>)
    %dma_wait3A_306 = arith.constant 0 : i32
    %dma_wait3A_307 = tpu.memref_slice %arg6[%add3A_280, %dma_wait3A_306] : memref<425984x16xf32, #tpu.memory_space<hbm>> -> memref<1664x16xf32, #tpu.memory_space<hbm>>
    %dma_wait3A_308 = arith.constant 0 : i32
    %dma_wait3A_309 = tpu.memref_slice %arg6[%add3A_280, %dma_wait3A_308] : memref<425984x16xf32, #tpu.memory_space<hbm>> -> memref<1664x16xf32, #tpu.memory_space<hbm>>
    tpu.wait_dma2 semaphore(%arg21 : memref<!tpu.dma_semaphore, #tpu.memory_space<semaphore_mem>>) src(%arg11 : memref<1664x16xf32, #tpu.memory_space<vmem>>) dst(%dma_wait3A_309 : memref<1664x16xf32, #tpu.memory_space<hbm>>)
    return
  }
}

module attributes {stable_mosaic.version = 14 : i64} {
  func.func @_tc_body(%arg0: i32, %arg1: memref<2048x416xf32, #tpu.memory_space<vmem>>, %arg2: memref<2048x16xf32, #tpu.memory_space<vmem>>, %arg3: memref<416x16xf32, #tpu.memory_space<vmem>>, %arg4: memref<416x1024xf32, #tpu.memory_space<vmem>>, %arg5: memref<1x1024xf32, #tpu.memory_space<vmem>>, %arg6: memref<1024x512xf32, #tpu.memory_space<vmem>>, %arg7: memref<1x512xf32, #tpu.memory_space<vmem>>, %arg8: memref<512x256xf32, #tpu.memory_space<vmem>>, %arg9: memref<1x256xf32, #tpu.memory_space<vmem>>, %arg10: memref<256x1xf32, #tpu.memory_space<vmem>>, %arg11: memref<1x1xf32, #tpu.memory_space<vmem>>, %arg12: memref<2048x1xf32, #tpu.memory_space<vmem>>) attributes {dimension_semantics = [#tpu.dimension_semantics<arbitrary>], iteration_bounds = array<i64: 8>, scalar_prefetch = 0 : i64, scratch_operands = 0 : i64, tpu.core_type = #tpu.core_type<tc>, window_params = [{transform_indices = @transform_0, window_bounds = array<i64: 2048, 416>}, {transform_indices = @transform_1, window_bounds = array<i64: 2048, 16>}, {pipeline_mode = #tpu.pipeline_mode<synchronous>, transform_indices = @transform_2, window_bounds = array<i64: 416, 16>}, {pipeline_mode = #tpu.pipeline_mode<synchronous>, transform_indices = @transform_3, window_bounds = array<i64: 416, 1024>}, {pipeline_mode = #tpu.pipeline_mode<synchronous>, transform_indices = @transform_4, window_bounds = array<i64: 1, 1024>}, {pipeline_mode = #tpu.pipeline_mode<synchronous>, transform_indices = @transform_5, window_bounds = array<i64: 1024, 512>}, {pipeline_mode = #tpu.pipeline_mode<synchronous>, transform_indices = @transform_6, window_bounds = array<i64: 1, 512>}, {pipeline_mode = #tpu.pipeline_mode<synchronous>, transform_indices = @transform_7, window_bounds = array<i64: 512, 256>}, {pipeline_mode = #tpu.pipeline_mode<synchronous>, transform_indices = @transform_8, window_bounds = array<i64: 1, 256>}, {pipeline_mode = #tpu.pipeline_mode<synchronous>, transform_indices = @transform_9, window_bounds = array<i64: 256, 1>}, {pipeline_mode = #tpu.pipeline_mode<synchronous>, transform_indices = @transform_10, window_bounds = array<i64: 1, 1>}, {transform_indices = @transform_11, window_bounds = array<i64: 2048, 1>}]} {
    %get3A = arith.constant 0 : index
    %get3A_0 = arith.constant 0 : index
    %get3A_1 = vector.load %arg1[%get3A, %get3A_0] : memref<2048x416xf32, #tpu.memory_space<vmem>>, vector<2048x416xf32>
    %get3A_2 = arith.constant 0 : index
    %get3A_3 = arith.constant 0 : index
    %get3A_4 = vector.load %arg3[%get3A_2, %get3A_3] : memref<416x16xf32, #tpu.memory_space<vmem>>, vector<416x16xf32>
    %dot_general3A = arith.constant dense<0.000000e+00> : vector<2048x16xf32>
    %dot_general3A_5 = tpu.matmul %get3A_1, %get3A_4, %dot_general3A {dimension_numbers = #tpu.dot_dimension_numbers<[1], [0], [0], [1], [0, 0, 1, 1], [], []>, transpose_lhs_hint = false} : vector<2048x416xf32>, vector<416x16xf32>, vector<2048x16xf32> -> vector<2048x16xf32>
    %mul3A = arith.mulf %dot_general3A_5, %dot_general3A_5 : vector<2048x16xf32>
    %reduce_sum3A = arith.constant dense<0.000000e+00> : vector<2048xf32>
    %reduce_sum3A_6 = vector.multi_reduction <add>, %mul3A, %reduce_sum3A [1] : vector<2048x16xf32> to vector<2048xf32>
    %broadcast_in_dim3A = vector.shape_cast %reduce_sum3A_6 : vector<2048xf32> to vector<2048x1xf32>
    %mul3A_7 = arith.mulf %get3A_1, %get3A_1 : vector<2048x416xf32>
    %reduce_sum3A_8 = arith.constant dense<0.000000e+00> : vector<2048xf32>
    %reduce_sum3A_9 = vector.multi_reduction <add>, %mul3A_7, %reduce_sum3A_8 [1] : vector<2048x416xf32> to vector<2048xf32>
    %broadcast_in_dim3A_10 = vector.shape_cast %reduce_sum3A_9 : vector<2048xf32> to vector<2048x1xf32>
    %sub3A = arith.subf %broadcast_in_dim3A, %broadcast_in_dim3A_10 : vector<2048x1xf32>
    %mul3A_11 = arith.constant 5.000000e-01 : f32
    %mul3A_12 = vector.broadcast %mul3A_11 : f32 to vector<2048x1xf32>
    %mul3A_13 = arith.mulf %mul3A_12, %sub3A : vector<2048x1xf32>
    %get3A_14 = arith.constant 0 : index
    %get3A_15 = arith.constant 0 : index
    %get3A_16 = vector.load %arg2[%get3A_14, %get3A_15] : memref<2048x16xf32, #tpu.memory_space<vmem>>, vector<2048x16xf32>
    %reduce_sum3A_17 = arith.constant dense<0.000000e+00> : vector<2048xf32>
    %reduce_sum3A_18 = vector.multi_reduction <add>, %get3A_16, %reduce_sum3A_17 [1] : vector<2048x16xf32> to vector<2048xf32>
    %broadcast_in_dim3A_19 = vector.shape_cast %reduce_sum3A_18 : vector<2048xf32> to vector<2048x1xf32>
    %get3A_20 = arith.constant 0 : index
    %get3A_21 = arith.constant 0 : index
    %get3A_22 = vector.load %arg4[%get3A_20, %get3A_21] : memref<416x1024xf32, #tpu.memory_space<vmem>>, vector<416x1024xf32>
    %dot_general3A_23 = arith.constant dense<0.000000e+00> : vector<2048x1024xf32>
    %dot_general3A_24 = tpu.matmul %get3A_1, %get3A_22, %dot_general3A_23 {dimension_numbers = #tpu.dot_dimension_numbers<[1], [0], [0], [1], [0, 0, 1, 1], [], []>, transpose_lhs_hint = false} : vector<2048x416xf32>, vector<416x1024xf32>, vector<2048x1024xf32> -> vector<2048x1024xf32>
    %get3A_25 = arith.constant 0 : index
    %get3A_26 = arith.constant 0 : index
    %get3A_27 = vector.load %arg5[%get3A_25, %get3A_26] : memref<1x1024xf32, #tpu.memory_space<vmem>>, vector<1x1024xf32>
    %add3A = vector.broadcast %get3A_27 : vector<1x1024xf32> to vector<2048x1024xf32>
    %add3A_28 = arith.addf %dot_general3A_24, %add3A : vector<2048x1024xf32>
    %max3A = arith.constant 0.000000e+00 : f32
    %max3A_29 = vector.broadcast %max3A : f32 to vector<2048x1024xf32>
    %max3A_30 = arith.maximumf %add3A_28, %max3A_29 : vector<2048x1024xf32>
    %get3A_31 = arith.constant 0 : index
    %get3A_32 = arith.constant 0 : index
    %get3A_33 = vector.load %arg6[%get3A_31, %get3A_32] : memref<1024x512xf32, #tpu.memory_space<vmem>>, vector<1024x512xf32>
    %dot_general3A_34 = arith.constant dense<0.000000e+00> : vector<2048x512xf32>
    %dot_general3A_35 = tpu.matmul %max3A_30, %get3A_33, %dot_general3A_34 {dimension_numbers = #tpu.dot_dimension_numbers<[1], [0], [0], [1], [0, 0, 1, 1], [], []>, transpose_lhs_hint = false} : vector<2048x1024xf32>, vector<1024x512xf32>, vector<2048x512xf32> -> vector<2048x512xf32>
    %get3A_36 = arith.constant 0 : index
    %get3A_37 = arith.constant 0 : index
    %get3A_38 = vector.load %arg7[%get3A_36, %get3A_37] : memref<1x512xf32, #tpu.memory_space<vmem>>, vector<1x512xf32>
    %add3A_39 = vector.broadcast %get3A_38 : vector<1x512xf32> to vector<2048x512xf32>
    %add3A_40 = arith.addf %dot_general3A_35, %add3A_39 : vector<2048x512xf32>
    %max3A_41 = arith.constant 0.000000e+00 : f32
    %max3A_42 = vector.broadcast %max3A_41 : f32 to vector<2048x512xf32>
    %max3A_43 = arith.maximumf %add3A_40, %max3A_42 : vector<2048x512xf32>
    %get3A_44 = arith.constant 0 : index
    %get3A_45 = arith.constant 0 : index
    %get3A_46 = vector.load %arg8[%get3A_44, %get3A_45] : memref<512x256xf32, #tpu.memory_space<vmem>>, vector<512x256xf32>
    %dot_general3A_47 = arith.constant dense<0.000000e+00> : vector<2048x256xf32>
    %dot_general3A_48 = tpu.matmul %max3A_43, %get3A_46, %dot_general3A_47 {dimension_numbers = #tpu.dot_dimension_numbers<[1], [0], [0], [1], [0, 0, 1, 1], [], []>, transpose_lhs_hint = false} : vector<2048x512xf32>, vector<512x256xf32>, vector<2048x256xf32> -> vector<2048x256xf32>
    %get3A_49 = arith.constant 0 : index
    %get3A_50 = arith.constant 0 : index
    %get3A_51 = vector.load %arg9[%get3A_49, %get3A_50] : memref<1x256xf32, #tpu.memory_space<vmem>>, vector<1x256xf32>
    %add3A_52 = vector.broadcast %get3A_51 : vector<1x256xf32> to vector<2048x256xf32>
    %add3A_53 = arith.addf %dot_general3A_48, %add3A_52 : vector<2048x256xf32>
    %max3A_54 = arith.constant 0.000000e+00 : f32
    %max3A_55 = vector.broadcast %max3A_54 : f32 to vector<2048x256xf32>
    %max3A_56 = arith.maximumf %add3A_53, %max3A_55 : vector<2048x256xf32>
    %get3A_57 = arith.constant 0 : index
    %get3A_58 = arith.constant 0 : index
    %get3A_59 = vector.load %arg10[%get3A_57, %get3A_58] : memref<256x1xf32, #tpu.memory_space<vmem>>, vector<256x1xf32>
    %dot_general3A_60 = arith.constant dense<0.000000e+00> : vector<2048x1xf32>
    %dot_general3A_61 = tpu.matmul %max3A_56, %get3A_59, %dot_general3A_60 {dimension_numbers = #tpu.dot_dimension_numbers<[1], [0], [0], [1], [0, 0, 1, 1], [], []>, transpose_lhs_hint = false} : vector<2048x256xf32>, vector<256x1xf32>, vector<2048x1xf32> -> vector<2048x1xf32>
    %add3A_62 = arith.addf %mul3A_13, %broadcast_in_dim3A_19 : vector<2048x1xf32>
    %add3A_63 = arith.addf %add3A_62, %dot_general3A_61 : vector<2048x1xf32>
    %get3A_64 = arith.constant 0 : index
    %get3A_65 = arith.constant 0 : index
    %get3A_66 = vector.load %arg11[%get3A_64, %get3A_65] : memref<1x1xf32, #tpu.memory_space<vmem>>, vector<1x1xf32>
    %add3A_67 = vector.broadcast %get3A_66 : vector<1x1xf32> to vector<2048x1xf32>
    %add3A_68 = arith.addf %add3A_63, %add3A_67 : vector<2048x1xf32>
    %logistic3A = arith.negf %add3A_68 : vector<2048x1xf32>
    %logistic3A_69 = math.exp %logistic3A : vector<2048x1xf32>
    %logistic3A_70 = arith.constant 1.000000e+00 : f32
    %logistic3A_71 = vector.broadcast %logistic3A_70 : f32 to vector<2048x1xf32>
    %logistic3A_72 = arith.addf %logistic3A_71, %logistic3A_69 : vector<2048x1xf32>
    %logistic3A_73 = arith.divf %logistic3A_71, %logistic3A_72 : vector<2048x1xf32>
    %swap3A = arith.constant 0 : index
    %swap3A_74 = arith.constant 0 : index
    %swap3A_75 = vector.load %arg12[%swap3A, %swap3A_74] : memref<2048x1xf32, #tpu.memory_space<vmem>>, vector<2048x1xf32>
    tpu.vector_store %arg12[%swap3A, %swap3A_74], %logistic3A_73 {strides = array<i32>} : memref<2048x1xf32, #tpu.memory_space<vmem>>, vector<2048x1xf32>,
    return
  }
  func.func @transform_0(%arg0: i32) -> (i32, i32) {
    %c0_i32 = arith.constant 0 : i32
    %c0_i32_0 = arith.constant 0 : i32
    return %arg0, %c0_i32 : i32, i32
  }
  func.func @transform_1(%arg0: i32) -> (i32, i32) {
    %c0_i32 = arith.constant 0 : i32
    %c0_i32_0 = arith.constant 0 : i32
    return %arg0, %c0_i32 : i32, i32
  }
  func.func @transform_2(%arg0: i32) -> (i32, i32) {
    %c0_i32 = arith.constant 0 : i32
    %c0_i32_0 = arith.constant 0 : i32
    %c0_i32_1 = arith.constant 0 : i32
    return %c0_i32, %c0_i32_0 : i32, i32
  }
  func.func @transform_3(%arg0: i32) -> (i32, i32) {
    %c0_i32 = arith.constant 0 : i32
    %c0_i32_0 = arith.constant 0 : i32
    %c0_i32_1 = arith.constant 0 : i32
    return %c0_i32, %c0_i32_0 : i32, i32
  }
  func.func @transform_4(%arg0: i32) -> (i32, i32) {
    %c0_i32 = arith.constant 0 : i32
    %c0_i32_0 = arith.constant 0 : i32
    %c0_i32_1 = arith.constant 0 : i32
    return %c0_i32, %c0_i32_0 : i32, i32
  }
  func.func @transform_5(%arg0: i32) -> (i32, i32) {
    %c0_i32 = arith.constant 0 : i32
    %c0_i32_0 = arith.constant 0 : i32
    %c0_i32_1 = arith.constant 0 : i32
    return %c0_i32, %c0_i32_0 : i32, i32
  }
  func.func @transform_6(%arg0: i32) -> (i32, i32) {
    %c0_i32 = arith.constant 0 : i32
    %c0_i32_0 = arith.constant 0 : i32
    %c0_i32_1 = arith.constant 0 : i32
    return %c0_i32, %c0_i32_0 : i32, i32
  }
  func.func @transform_7(%arg0: i32) -> (i32, i32) {
    %c0_i32 = arith.constant 0 : i32
    %c0_i32_0 = arith.constant 0 : i32
    %c0_i32_1 = arith.constant 0 : i32
    return %c0_i32, %c0_i32_0 : i32, i32
  }
  func.func @transform_8(%arg0: i32) -> (i32, i32) {
    %c0_i32 = arith.constant 0 : i32
    %c0_i32_0 = arith.constant 0 : i32
    %c0_i32_1 = arith.constant 0 : i32
    return %c0_i32, %c0_i32_0 : i32, i32
  }
  func.func @transform_9(%arg0: i32) -> (i32, i32) {
    %c0_i32 = arith.constant 0 : i32
    %c0_i32_0 = arith.constant 0 : i32
    %c0_i32_1 = arith.constant 0 : i32
    return %c0_i32, %c0_i32_0 : i32, i32
  }
  func.func @transform_10(%arg0: i32) -> (i32, i32) {
    %c0_i32 = arith.constant 0 : i32
    %c0_i32_0 = arith.constant 0 : i32
    %c0_i32_1 = arith.constant 0 : i32
    return %c0_i32, %c0_i32_0 : i32, i32
  }
  func.func @transform_11(%arg0: i32) -> (i32, i32) {
    %c0_i32 = arith.constant 0 : i32
    %c0_i32_0 = arith.constant 0 : i32
    return %arg0, %c0_i32 : i32, i32
  }
}

</mosaic_0001>

<sc_bundles>
// kernel: kernel.4.cloned.1.call-start
scs
__scs_entry_jumppad:
0x0: {  	(pc) =	sbr.rel $0x88, $3  }
0x1: {  	(tag) =	ssettag $0x0;
	lr =	simm.s32 $0x1  }
0x2: {  	[smem:$0x3F94] =	sst lr;
	_ =	strace $0xD0000000  }
0x3: {  	_ = 	snop  }
0x4: {  	_ = 	snop  }
0x5: {  	_ = 	snop  }
0x6: {  	_ = 	snop  }
0x7: {  	_ = 	snop  }
__scs_overlays_trampoline_lowered:
0x8: {  	[smem:$0x3FA3] =	sst s0  }
0x9: {  	[smem:$0x3FA4] =	sst s1  }
0xa: {  	[smem:$0x3FA5] =	sst s2  }
0xb: {  	[smem:$0x3FA6] =	sst s3  }
0xc: {  	[smem:$0x3FA7] =	sst s4  }
0xd: {  	[smem:$0x3FA8] =	sst s5  }
0xe: {  	[smem:$0x3FA9] =	sst s6  }
0xf: {  	[smem:$0x3FAA] =	sst s7  }
0x10: {  	[smem:$0x3FAB] =	sst s8  }
0x11: {  	[smem:$0x3FAC] =	sst s9;
	s0 =	simm.s32 @!p0 $0x0  }
0x12: {  	s1 =	sld [smem:$0x3F92];
	s0 =	simm.s32 @p0 $0x1  }
0x13: {  	[smem:$0x3FAD] =	sst s0;
	s0 =	simm.s32 @!p1 $0x0  }
0x14: {  	s2 =	sld [smem:$0x3F91];
	s0 =	simm.s32 @p1 $0x1  }
0x15: {  	[smem:$0x3FAE] =	sst s0;
	s0 =	simm.s32 @!p2 $0x0  }
0x16: {  	s3 =	sld [smem:$0x3FDB];
	s0 =	simm.s32 @p2 $0x1  }
0x17: {  	s4 =	simm.s32 $0x1BF5;
	[smem:$0x3FB0] =	sst s0  }
0x18: {  	s0 =	sld [smem:$0x3F93];
	_ =	swait.ge [sflag:s4], $0x0  }
0x19: {  	s7 =	sld [smem:$0x3F94]  }
0x1a: {  	s8 =	sadd.s32 $0xFFFFE003, lr  }
0x1b: {  	s9 =	sadd.s32 $0xFFFFFEF7, lr;
	s5 =	simm.s32 $0xFFFFFFFF;
	p2 =	slt.u32 s8, $0xFFFFF086  }
0x1c: {  	p1 =	slt.u32 s9, $0xF7A;
	s5 =	simm.s32 @!p2 $0x0  }
0x1d: {  	s5 =	simm.s32 @p1 $0x1;
	p0 =	seq.s32 s7, s2  }
0x1e: {  	s7 =	smul.u32 @!p0 $0xF7A, s2;
	p2 =	seq.s32 @!p0 s5, $0x0  }
0x1f: {  	s9 =	smul.u32 $0xF7A, s1;
	s8 =	simm.s32 @!p0 $0x1BF5;
	p2 =	por !p2, p0  }
0x20: {  	[sflag:s8] =	ssyncset.s32 @!p0 $0xFFFFF086;
	s6 =	sadd.s32 @!p0 s3, s7;
	s7 =	simm.s32 @!p0 $0x108  }
0x21: {  	s3 =	sadd.s32 s3, s9;
	s6 =	sadd.s32 @!p0 $0x88, s6;
	s7 =	simm.s32 @p2 $0x1082  }
0x22: {  	[simem:s7], [sflag:s8] =	dma.local @!p0 [hbm:s6], $0xF7A  }
0x23: {  	s9 =	sor.u32 $0xD0000000, s2;
	s6 =	simm.s32 $0x108;
	_ =	swait.ge @!p0 [sflag:s8], $0x0  }
0x24: {  	s3 =	sadd.s32 $0x88, s3;
	s6 =	simm.s32 @!p1 $0x1082;
	[sflag:s4] =	ssyncset.s32 $0xFFFFF086  }
0x25: {  	[simem:s6], [sflag:s4] =	dma.local [hbm:s3], $0xF7A  }
0x26: {  	[smem:$0x3F94] =	sst s1;
	(tag) =	ssettag s2;
	_ =	strace s9  }
0x27: {  	s1 =	sld [smem:$0x3FA4]  }
0x28: {  	s2 =	sld [smem:$0x3FA5]  }
0x29: {  	s4 =	sld [smem:$0x3FA7]  }
0x2a: {  	p0 =	seq.s32 s5, $0x0;
	s5 =	sld [smem:$0x3FA8]  }
0x2b: {  	s6 =	sld [smem:$0x3FA9]  }
0x2c: {  	s7 =	sld [smem:$0x3FAA]  }
0x2d: {  	s3 =	simm.s32 $0x108;
	s8 =	sld [smem:$0x3FAB]  }
0x2e: {  	s3 =	simm.s32 @!p0 $0x1082;
	s9 =	sld [smem:$0x3FAC]  }
0x2f: {  	lr =	sadd.s32 s0, s3;
	s0 =	sld [smem:$0x3FA3]  }
0x30: {  	s3 =	sld [smem:$0x3FA6]  }
0x31: {  	[smem:$0x3FAF] =	sst s10  }
0x32: {  	s10 =	sld [smem:$0x3FAD];
	_ =	sdelay $0x3  }
0x33: {  	p0 =	seq.s32 s10, $0x1;
	s10 =	sld [smem:$0x3FAF];
	_ =	sdelay $0x3  }
0x34: {  	[smem:$0x3FAF] =	sst s10  }
0x35: {  	s10 =	sld [smem:$0x3FAE];
	_ =	sdelay $0x3  }
0x36: {  	p1 =	seq.s32 s10, $0x1;
	s10 =	sld [smem:$0x3FAF];
	_ =	sdelay $0x3  }
0x37: {  	[smem:$0x3FAF] =	sst s10  }
0x38: {  	s10 =	sld [smem:$0x3FB0]  }
0x39: {  	_ = 	snop;
	(pc) =	sbr.ind lr, $3  }
0x3a: {  	_ = 	snop  }
0x3b: {  	_ = 	snop  }
0x3c: {  	p2 =	seq.s32 s10, $0x1;
	s10 =	sld [smem:$0x3FAF]  }
0x3d: {  	_ =	shalt  }
0x3e: {  	_ =	shalt  }
0x3f: {  	_ =	shalt  }
0x40: {  	_ =	shalt  }
0x41: {  	_ =	shalt  }
0x42: {  	_ =	shalt  }
0x43: {  	_ =	shalt  }
0x44: {  	_ =	shalt  }
0x45: {  	_ =	shalt  }
0x46: {  	_ =	shalt  }
0x47: {  	_ =	shalt  }
0x48: {  	_ =	shalt  }
0x49: {  	_ =	shalt  }
0x4a: {  	_ =	shalt  }
0x4b: {  	_ =	shalt  }
0x4c: {  	_ =	shalt  }
0x4d: {  	_ =	shalt  }
0x4e: {  	_ =	shalt  }
0x4f: {  	_ =	shalt  }
0x50: {  	_ =	shalt  }
0x51: {  	_ =	shalt  }
0x52: {  	_ =	shalt  }
0x53: {  	_ =	shalt  }
0x54: {  	_ =	shalt  }
0x55: {  	_ =	shalt  }
0x56: {  	_ =	shalt  }
0x57: {  	_ =	shalt  }
0x58: {  	_ =	shalt  }
0x59: {  	_ =	shalt  }
0x5a: {  	_ =	shalt  }
0x5b: {  	_ =	shalt  }
0x5c: {  	_ =	shalt  }
0x5d: {  	_ =	shalt  }
0x5e: {  	_ =	shalt  }
0x5f: {  	_ =	shalt  }
0x60: {  	_ =	shalt  }
0x61: {  	_ =	shalt  }
0x62: {  	_ =	shalt  }
0x63: {  	_ =	shalt  }
0x64: {  	_ =	shalt  }
0x65: {  	_ =	shalt  }
0x66: {  	_ =	shalt  }
0x67: {  	_ =	shalt  }
0x68: {  	_ =	shalt  }
0x69: {  	_ =	shalt  }
0x6a: {  	_ =	shalt  }
0x6b: {  	_ =	shalt  }
0x6c: {  	_ =	shalt  }
0x6d: {  	_ =	shalt  }
0x6e: {  	_ =	shalt  }
0x6f: {  	_ =	shalt  }
0x70: {  	_ =	shalt  }
0x71: {  	_ =	shalt  }
0x72: {  	_ =	shalt  }
0x73: {  	_ =	shalt  }
0x74: {  	_ =	shalt  }
0x75: {  	_ =	shalt  }
0x76: {  	_ =	shalt  }
0x77: {  	_ =	shalt  }
0x78: {  	_ =	shalt  }
0x79: {  	_ =	shalt  }
0x7a: {  	_ =	shalt  }
0x7b: {  	_ =	shalt  }
0x7c: {  	_ =	shalt  }
0x7d: {  	_ =	shalt  }
0x7e: {  	_ =	shalt  }
0x7f: {  	_ =	shalt  }
0x80: {  	_ =	shalt  }
0x81: {  	_ =	shalt  }
0x82: {  	_ =	shalt  }
0x83: {  	_ =	shalt  }
0x84: {  	_ =	shalt  }
0x85: {  	_ =	shalt  }
0x86: {  	_ =	shalt  }
0x87: {  	_ =	shalt  }
.Lfunc_end0:
.L_simem_size_0:
called_computation_lowered:
.L_overlay_start_0:
0x88: {  	s2 =	sld [smem:$0x3FD9]  }
0x89: {  	s3 =	sld [smem:$0x3FFE];
	_ =	sdelay $0x1  }
0x8a: {  	s1 =	srdreg.scid  }
0x8b: {  	s0 =	sand.u32 $0x1, s1  }
0x8c: {  	s17 =	sshll.u32 s0, $0xA;
	s2 =	sadd.s32 s3, s2  }
0x8d: {  	s2 =	sadd.s32 s2, s17  }
0x8e: {  	[smem:$0x3FBB] =	sst s2  }
0x8f: {  	_ = 	snop  }
0x90: {  	s2 =	sld [smem:$0x3FC6];
	(tm) =	ssettm $0x1  }
0x91: {  	s18 =	sld [smem:$0x3FFB];
	_ =	sdelay $0x3  }
0x92: {  	_ =	strace s18  }
0x93: {  	s3 =	sld [smem:$0x3FFC];
	_ =	sdelay $0x3  }
0x94: {  	_ =	strace s3  }
0x95: {  	s3 =	sld [smem:$0x3FFD];
	_ =	sdelay $0x3  }
0x96: {  	_ =	strace s3  }
0x97: {  	_ =	strace $0x8FFFFFFF  }
0x98: {  	s19 =	sld [smem:$0x3FDB];
	_ =	sdelay $0x1  }
0x99: {  	s4 =	simm.s32 $_scs_section_size  }
0x9a: {  	s5 =	simm.s32 $_size__tile_overlayer_lowered;
	s6 =	simm.s32 $_tile_overlayer_lowered  }
0x9b: {  	s22 =	simm.s32 $0x1BFF;
	s21 =	sshll.u32 s6, $0x1;
	s3 =	sadd.s32 s4, s19  }
0x9c: {  	s7 =	simm.s32 $0x0;
	s20 =	sshll.u32 s5, $0x1;
	s5 =	sadd.s32 s21, s3  }
0x9d: {  	[timem:s7], [sflag:s22] =	dma.local [hbm:s5], s20  }
0x9e: {  	_ =	swait.ge [sflag:s22], s20  }
0x9f: {  	s4 =	ssub.s32 $0x0, s20;
	[sflag:s22] =	ssyncset.done $0x0  }
0xa0: {  	[sflag:s22] =	ssyncadd.s32 s4;
	_ =	sdelay $0x1  }
0xa1: {  	s23 =	simm.s32 $0x1B8B  }
0xa2: {  	_ =	swait.ge [sflag:s23], $0x1  }
0xa3: {  	[sflag:s23] =	ssyncset.done $0x0  }
0xa4: {  	s25 =	simm.s32 $0x1B8E;
	s24 =	sld [smem:$0x3FFE];
	[sflag:s23] =	ssyncadd.s32 $0xFFFFFFFF  }
0xa5: {  	s26 =	simm.s32 $execute0_lowered;
	[smem:$0x3FD2] =	sst s25  }
0xa6: {  	s5 =	sshll.u32 s26, $0x1;
	_ =	strace $0x80000046;
	[dreg:$0x1] =	wrdreg $0xFFFFFFFF  }
0xa7: {  	s28 =	simm.s32 $_size_execute0_lowered;
	s3 =	sadd.s32 s3, s5;
	[dreg:$0x0] =	wrdreg $0x0  }
0xa8: {  	s5 =	sshll.u32 s28, $0x1;
	[dreg:$0x2] =	wrdreg s3  }
0xa9: {  	[dreg:$0x3] =	wrdreg s5  }
0xaa: {  	[dreg:$0x4] =	wrdreg $0xC0  }
0xab: {  	_ =	task [dreg:s7], $0x5FFFF  }
0xac: {  	[dreg:$0x1] =	wrdreg $0xFFFFFFFF  }
0xad: {  	[dreg:$0x0] =	wrdreg $0x60  }
0xae: {  	[dreg:$0x2] =	wrdreg s24  }
0xaf: {  	[dreg:$0x3] =	wrdreg s2  }
0xb0: {  	[dreg:$0x4] =	wrdreg $0x9  }
0xb1: {  	_ =	task.clear_ibuf [dreg:s7], $0x5FFFF;
	_ =	strace $0x90000046  }
0xb2: {  	s29 =	simm.s32 $0x9;
	_ =	strace $0x80000048  }
0xb3: {  	_ =	swait.ge [sflag:s29], $0x1  }
0xb4: {  	[sflag:s29] =	ssyncadd.s32 $0xFFFFFFFF  }
0xb5: {  	_ =	strace $0x90000048  }
0xb6: {  	_ =	sfence  }
0xb7: {  	s30 =	sld [smem:$0x0];
	_ =	sdelay $0x2  }
0xb8: {  	s31 =	sshll.u32 s1, $0xD;
	s1 =	sshrl.u32 s1, $0x2  }
0xb9: {  	s3 =	sand.u32 $0x4000, s31;
	s1 =	sadd.s32 s1, s30  }
0xba: {  	s0 =	sor.u32 s3, s0;
	s1 =	sshll.u32 s1, $0x11  }
0xbb: {  	s0 =	sor.u32 s1, s0  }
0xbc: {  	s0 =	sadd.s32 $0x8F2B, s0  }
0xbd: {  	[sflag:s0] =	ssyncadd.remote.s32 $0x1  }
0xbe: {  	_ =	sfence.sel $0xFFFF  }
0xbf: {  	[dreg:$0x0] =	wrdreg $0xFFFFFFFF;
	(pc) =	sbr.abs _section_cstart, $3  }
0xc0: {  	[dreg:$0x1] =	wrdreg $0xFFFFFFFF  }
0xc1: {  	_ =	task.clear_ibuf [dreg:s7], $0x2FFFF;
	_ =	strace $0x9FFFFFFF  }
0xc2: {  	(tm) =	ssettm $0x7FFFFFFF  }
0xc3: {  	_ =	shalt  }
tec
execute0_lowered:
.L_overlay_start_1:
0x0: {  	(tag) =	ssettag $0x1  }
0x1: {  	s0 =	rddreg [dreg:$0x0];
	s3 =	simm.s32 $0x0;
	s1 =	srdreg.scid  }
0x2: {  	s2 =	stileid.u32;
	[smem:$0x7FF] =	sst s3;
	s1 =	sand.u32 $0x1, s1  }
0x3: {  	s2 =	sshll.u32 s2, $0x1;
	s4 =	sadd.s32 $0x112C400, s0;
	s6 =	sadd.s32 $0x1A00, s0  }
0x4: {  	s5 =	sadd.s32 $0xF43E00, s0;
	s8 =	sadd.s32 $0xEA00, s0;
	s2 =	sor.u32 s1, s2  }
0x5: {  	_ =	strace $0x80000047;
	s1 =	ssub.s32 $0x2, s1;
	s7 =	smul.u32 $0x3400, s2  }
0x6: {  	s9 =	sshll.u32 s2, $0xA;
	s18 =	sshrl.u32 s1, $0x1;
	s2 =	smul.u32 $0x6800, s2  }
0x7: {  	s0 =	sadd.s32 s9, s0;
	s1 =	ssub.s32 s1, s18;
	s9 =	simm.s32 $0x1  }
0x8: {  	s10 =	sadd.s32 $0x680, s7;
	s11 =	sshrl.u32 s7, $0x3;
	s2 =	sadd.s32 s8, s2  }
0x9: {  	s21 =	sadd.s32 $0xD00, s7;
	s22 =	sadd.s32 $0x1380, s7;
	s13 =	sadd.s32 $0x1A00, s7  }
0xa: {  	s16 =	sadd.s32 $0x2700, s7;
	s28 =	sadd.s32 $0xDEC80, s0;
	s29 =	sadd.s32 $0xDED00, s0  }
0xb: {  	s30 =	sadd.s32 $0xDED80, s0;
	s31 =	smax.u32 s1, $0x1;
	s1 =	simm.s32 $0x7  }
0xc: {  	s12 =	sshrl.u32 s10, $0x3;
	s19 =	sadd.s32 s6, s11;
	[dreg:$0x5] =	wrdreg s2  }
0xd: {  	s23 =	sshrl.u32 s21, $0x3;
	s24 =	sshrl.u32 s22, $0x3;
	s26 =	sshrl.u32 s13, $0x3  }
0xe: {  	s15 =	sshrl.u32 s16, $0x3;
	s2 =	sshll.u32 s21, $0x1;
	s21 =	sshll.u32 s22, $0x1  }
0xf: {  	[dreg:$0x3] =	wrdreg s19;
	s20 =	sadd.s32 s6, s12;
	s11 =	sadd.s32 s6, s23  }
0x10: {  	s25 =	sadd.s32 s6, s24;
	s12 =	sadd.s32 $0x2080, s7;
	[dreg:$0x4] =	wrdreg s20  }
0x11: {  	s7 =	sadd.s32 $0x2D80, s7;
	s17 =	sadd.s32 s6, s15;
	[dreg:$0x6] =	wrdreg s11  }
0x12: {  	s19 =	sadd.s32 $0xDEA00, s0;
	s2 =	sadd.s32 s8, s2;
	[dreg:$0x7] =	wrdreg s25  }
0x13: {  	s22 =	sadd.s32 s8, s21;
	s23 =	sshll.u32 s13, $0x1;
	[dreg:$0xa] =	wrdreg s17  }
0x14: {  	s13 =	simm.s32 $0x2;
	s15 =	simm.s32 $0x6;
	[dreg:$0xc] =	wrdreg s19  }
0x15: {  	s11 =	sadd.s32 s6, s26;
	s14 =	sshrl.u32 s12, $0x3;
	[dreg:$0xe] =	wrdreg s2  }
0x16: {  	s18 =	sshrl.u32 s7, $0x3;
	s20 =	sshll.u32 s10, $0x1;
	[dreg:$0xf] =	wrdreg s22  }
0x17: {  	s2 =	sadd.s32 s8, s23;
	s24 =	sshll.u32 s12, $0x1;
	s25 =	sshll.u32 s16, $0x1  }
0x18: {  	s26 =	sshll.u32 s7, $0x1;
	s23 =	sadd.s32 $0xDEA80, s0;
	s7 =	simm.s32 $0x7500  }
0x19: {  	s10 =	simm.s32 $0x3;
	s12 =	simm.s32 $0x5;
	s16 =	simm.s32 $0x0  }
0x1a: {  	[dreg:$0x8] =	wrdreg s11;
	s14 =	sadd.s32 s6, s14;
	s6 =	sadd.s32 s6, s18  }
0x1b: {  	[dreg:$0x10] =	wrdreg s2;
	s2 =	sadd.s32 s8, s24;
	s21 =	sadd.s32 s8, s25  }
0x1c: {  	s22 =	sadd.s32 s8, s26;
	s24 =	sadd.s32 $0xDEB00, s0;
	s25 =	sadd.s32 $0xDEB80, s0  }
0x1d: {  	s26 =	sadd.s32 $0xDEC00, s0;
	s0 =	simm.s32 $0xD00;
	[dreg:$0x9] =	wrdreg s14  }
0x1e: {  	s11 =	simm.s32 $0x1AD00;
	[dreg:$0xb] =	wrdreg s6;
	s6 =	sadd.s32 s8, s20  }
0x1f: {  	[dreg:$0x11] =	wrdreg s2;
	s2 =	simm.s32 $0x680;
	s8 =	simm.s32 $0x14500  }
0x20: {  	s14 =	simm.s32 $0x4;
	[dreg:$0xd] =	wrdreg s6;
	s6 =	simm.s32 $0xDD00  }
.LBB2_1:
0x21: {  	s17 =	rddreg [dreg:$0x1];
	s18 =	simm.s32 $0x1B100  }
0x22: {  	[tilespmem:s18], [sflag:$0x7] =	stream.linear.gather [hbm4b:s17+s3], $0x1A0, $0x38;
	[tilespmem:$0x1B2A0] =	vst v63  }
0x23: {  	_ =	swait.ge [sflag:s1], $0x1A0  }
0x24: {  	[sflag:s1] =	ssyncset.done $0x0  }
0x25: {  	s18 =	rddreg [dreg:$0x3];
	[sflag:s1] =	ssyncadd.s32 $0xFFFFFE60  }
0x26: {  	[tilespmem:s3], [sflag:$0x7] =	stream.linear.gather [hbm4b:s18+s3], $0x680, $0x38;
	[tilespmem:$0x1B2A0] =	vst v63  }
0x27: {  	_ =	swait.ge [sflag:s1], $0x680  }
0x28: {  	[sflag:s1] =	ssyncset.done $0x0  }
0x29: {  	[sflag:s1] =	ssyncadd.s32 $0xFFFFF980  }
0x2a: {  	[tilespmem:s0], [sflag:$0x1] =	stream.indirect.gather [hbm4b:s4+s2], $0x10, s3, s2, $0xb8;
	[tilespmem:$0x1B2A0] =	vst v63  }
0x2b: {  	_ = 	snop  }
0x2c: {  	[tilespmem:s6], [sflag:$0x3] =	stream.indirect.gather [hbm4b:s5+s2], $0x10, s3, s2, $0xb8;
	[tilespmem:$0x1B2A0] =	vst v63  }
0x2d: {  	s19 =	rddreg [dreg:$0x4]  }
0x2e: {  	[tilespmem:s2], [sflag:$0x7] =	stream.linear.gather [hbm4b:s19+s3], $0x680, $0x38;
	[tilespmem:$0x1B2A0] =	vst v63  }
0x2f: {  	_ =	swait.ge [sflag:s1], $0x680  }
0x30: {  	[sflag:s1] =	ssyncset.done $0x0  }
0x31: {  	[sflag:s1] =	ssyncadd.s32 $0xFFFFF980  }
0x32: {  	[tilespmem:s7], [sflag:$0x2] =	stream.indirect.gather [hbm4b:s4+s2], $0x10, s2, s2, $0xb8;
	[tilespmem:$0x1B2A0] =	vst v63  }
0x33: {  	_ = 	snop  }
0x34: {  	[tilespmem:s8], [sflag:$0x4] =	stream.indirect.gather [hbm4b:s5+s2], $0x10, s2, s2, $0xb8;
	[tilespmem:$0x1B2A0] =	vst v63  }
0x35: {  	_ =	swait.ge [sflag:s9], $0x6800  }
0x36: {  	[sflag:s9] =	ssyncset.done $0x0  }
0x37: {  	s20 =	rddreg [dreg:$0x5];
	[sflag:s9] =	ssyncadd.s32 $0xFFFF9800  }
0x38: {  	[hbm4b:s20+s3] =	stream.linear.scatter [tilespmem:s0], [sflag:$0x5], $0x6800, $0x38;
	[tilespmem:$0x1B2A0] =	vst v63  }
0x39: {  	_ =	swait.ge [sflag:s10], $0x6800  }
0x3a: {  	[sflag:s10] =	ssyncset.done $0x0  }
0x3b: {  	[sflag:s10] =	ssyncadd.s32 $0xFFFF9800  }
0x3c: {  	s18 =	simm.s32 $0xDDD0;
	v0 =	vld [tilespmem:$0x1B100]  }
0x3d: {  	v1 =	vld [tilespmem:s18+$0xFFFFFF30]  }
0x3e: {  	v2 =	vld [tilespmem:s18+$0xFFFFFF40]  }
0x3f: {  	s17 =	simm.s32 $0x0;
	s19 =	simm.s32 $0x40;
	v3 =	vld [tilespmem:$0x1B110]  }
.LBB2_2:
0x40: {  	p0 =	sne.s32 s19, $0xFC0;
	v4 =	vld [tilespmem:s18+$0xFFFFFF50]  }
0x41: {  	v5 =	vld [tilespmem:$0x1B120]  }
0x42: {  	v6 =	vld [tilespmem:s18+$0xFFFFFF60]  }
0x43: {  	v7 =	vld [tilespmem:$0x1B130]  }
0x44: {  	v0 =	vmul.f32 v0, v1;
	v1 =	vmul.f32 v3, v2;
	v2 =	vld [tilespmem:s18+$0xFFFFFF70]  }
0x45: {  	v3 =	vld [tilespmem:$0x1B140]  }
0x46: {  	v0 =	vadd.f32 v1, v0;
	v1 =	vmul.f32 v5, v4;
	v4 =	vld [tilespmem:s18+$0xFFFFFF80]  }
0x47: {  	v5 =	vld [tilespmem:$0x1B150]  }
0x48: {  	v0 =	vadd.f32 v1, v0;
	v1 =	vmul.f32 v7, v6;
	v6 =	vld [tilespmem:s18+$0xFFFFFF90]  }
0x49: {  	v7 =	vld [tilespmem:$0x1B160]  }
0x4a: {  	v0 =	vadd.f32 v1, v0;
	v1 =	vmul.f32 v3, v2;
	v2 =	vld [tilespmem:s18+$0xFFFFFFA0]  }
0x4b: {  	v3 =	vld [tilespmem:$0x1B170]  }
0x4c: {  	v0 =	vadd.f32 v1, v0;
	v1 =	vmul.f32 v5, v4;
	v4 =	vld [tilespmem:s18+$0xFFFFFFB0]  }
0x4d: {  	v5 =	vld [tilespmem:$0x1B180]  }
0x4e: {  	v0 =	vadd.f32 v1, v0;
	v1 =	vmul.f32 v7, v6;
	v6 =	vld [tilespmem:s18+$0xFFFFFFC0]  }
0x4f: {  	v7 =	vld [tilespmem:$0x1B190]  }
0x50: {  	v0 =	vadd.f32 v1, v0;
	v1 =	vmul.f32 v3, v2;
	v2 =	vld [tilespmem:s18+$0xFFFFFFD0]  }
0x51: {  	v3 =	vld [tilespmem:$0x1B1A0]  }
0x52: {  	v0 =	vadd.f32 v1, v0;
	v1 =	vmul.f32 v5, v4;
	v4 =	vld [tilespmem:s18+$0xFFFFFFE0]  }
0x53: {  	v5 =	vld [tilespmem:$0x1B1B0]  }
0x54: {  	v0 =	vadd.f32 v1, v0;
	v1 =	vmul.f32 v7, v6;
	v6 =	vld [tilespmem:s18+$0xFFFFFFF0]  }
0x55: {  	v7 =	vld [tilespmem:$0x1B1C0]  }
0x56: {  	v0 =	vadd.f32 v1, v0;
	v1 =	vmul.f32 v3, v2;
	v2 =	vld [tilespmem:s18+$0x0]  }
0x57: {  	v3 =	vld [tilespmem:$0x1B1D0]  }
0x58: {  	v0 =	vadd.f32 v1, v0;
	v1 =	vmul.f32 v5, v4;
	v4 =	vld [tilespmem:s18+$0x10]  }
0x59: {  	v5 =	vld [tilespmem:$0x1B1E0]  }
0x5a: {  	v0 =	vadd.f32 v1, v0;
	v1 =	vmul.f32 v7, v6;
	v6 =	vld [tilespmem:s18+$0x20]  }
0x5b: {  	v7 =	vld [tilespmem:$0x1B1F0]  }
0x5c: {  	v0 =	vadd.f32 v1, v0;
	v1 =	vmul.f32 v3, v2;
	v2 =	vld [tilespmem:s18+$0x30]  }
0x5d: {  	v3 =	vld [tilespmem:$0x1B200]  }
0x5e: {  	v0 =	vadd.f32 v1, v0;
	v1 =	vmul.f32 v5, v4;
	v4 =	vld [tilespmem:s18+$0x40]  }
0x5f: {  	v5 =	vld [tilespmem:$0x1B210]  }
0x60: {  	v0 =	vadd.f32 v1, v0;
	v1 =	vmul.f32 v7, v6;
	v6 =	vld [tilespmem:s18+$0x50]  }
0x61: {  	v7 =	vld [tilespmem:$0x1B220]  }
0x62: {  	v0 =	vadd.f32 v1, v0;
	v1 =	vmul.f32 v3, v2;
	v2 =	vld [tilespmem:s18+$0x60]  }
0x63: {  	v3 =	vld [tilespmem:$0x1B230]  }
0x64: {  	v0 =	vadd.f32 v1, v0;
	v1 =	vmul.f32 v5, v4;
	v4 =	vld [tilespmem:s18+$0x70]  }
0x65: {  	v5 =	vld [tilespmem:$0x1B240]  }
0x66: {  	v0 =	vadd.f32 v1, v0;
	v1 =	vmul.f32 v7, v6;
	v6 =	vld [tilespmem:s18+$0x80]  }
0x67: {  	v7 =	vld [tilespmem:$0x1B250]  }
0x68: {  	v0 =	vadd.f32 v1, v0;
	v1 =	vmul.f32 v3, v2;
	v2 =	vld [tilespmem:s18+$0x90]  }
0x69: {  	v3 =	vld [tilespmem:$0x1B260]  }
0x6a: {  	v0 =	vadd.f32 v1, v0;
	v1 =	vmul.f32 v5, v4;
	v4 =	vld [tilespmem:s18+$0xA0]  }
0x6b: {  	v5 =	vld [tilespmem:$0x1B270]  }
0x6c: {  	v0 =	vadd.f32 v1, v0;
	v1 =	vmul.f32 v7, v6;
	v6 =	vld [tilespmem:s18+$0xB0]  }
0x6d: {  	v7 =	vld [tilespmem:$0x1B280]  }
0x6e: {  	v0 =	vadd.f32 v1, v0;
	v1 =	vmul.f32 v3, v2;
	v2 =	vld [tilespmem:s18+$0xC0]  }
0x6f: {  	v3 =	vld [tilespmem:$0x1B290]  }
0x70: {  	v0 =	vadd.f32 v1, v0;
	v1 =	vmul.f32 v5, v4;
	_ =	sdelay $0x1  }
0x71: {  	v0 =	vadd.f32 v1, v0;
	v1 =	vmul.f32 v7, v6;
	_ =	sdelay $0x1  }
0x72: {  	v0 =	vadd.f32 v1, v0;
	v1 =	vmul.f32 v3, v2;
	_ =	sdelay $0x1  }
0x73: {  	v0 =	vadd.f32 v1, v0  }
0x74: {  	s20 =	sshra.s32 s17, $0x2;
	s17 =	smov.u32 s19  }
.Ltmp0:
0x75: {  	[tilespmem:s20+$0x1AD00] =	vst v0;
	(pc) =	sbr.rel @p0 .LBB2_2-.Ltmp0, $4  }
0x76: {  	s18 =	sadd.s32 $0x1A0, s18;
	v0 =	vld [tilespmem:$0x1B100]  }
0x77: {  	v1 =	vld [tilespmem:s18+$0xFFFFFF30]  }
0x78: {  	v2 =	vld [tilespmem:s18+$0xFFFFFF40]  }
0x79: {  	s19 =	sadd.s32 $0x40, s19;
	v3 =	vld [tilespmem:$0x1B110]  }
0x7a: {  	v4 =	vld [tilespmem:s18+$0xFFFFFF50]  }
0x7b: {  	v5 =	vld [tilespmem:$0x1B120]  }
0x7c: {  	v6 =	vld [tilespmem:s18+$0xFFFFFF60]  }
0x7d: {  	v7 =	vld [tilespmem:$0x1B130]  }
0x7e: {  	v0 =	vmul.f32 v0, v1;
	v1 =	vmul.f32 v3, v2;
	v2 =	vld [tilespmem:s18+$0xFFFFFF70]  }
0x7f: {  	v3 =	vld [tilespmem:$0x1B140]  }
0x80: {  	v0 =	vadd.f32 v1, v0;
	v1 =	vmul.f32 v5, v4;
	v4 =	vld [tilespmem:s18+$0xFFFFFF80]  }
0x81: {  	v5 =	vld [tilespmem:$0x1B150]  }
0x82: {  	v50 =	vld [tilespmem:s18+$0xFFFFFF90];
	v0 =	vadd.f32 v1, v0;
	v1 =	vmul.f32 v7, v6  }
0x83: {  	v51 =	vld [tilespmem:$0x1B160]  }
0x84: {  	v0 =	vadd.f32 v1, v0;
	v1 =	vmul.f32 v3, v2;
	v2 =	vld [tilespmem:s18+$0xFFFFFFA0]  }
0x85: {  	v3 =	vld [tilespmem:$0x1B170]  }
0x86: {  	v0 =	vadd.f32 v1, v0;
	v1 =	vmul.f32 v5, v4;
	v4 =	vld [tilespmem:s18+$0xFFFFFFB0]  }
0x87: {  	v5 =	vld [tilespmem:$0x1B180]  }
0x88: {  	v52 =	vld [tilespmem:s18+$0xFFFFFFC0];
	v0 =	vadd.f32 v1, v0;
	v1 =	vmul.f32 v51, v50  }
0x89: {  	v53 =	vld [tilespmem:$0x1B190]  }
0x8a: {  	v0 =	vadd.f32 v1, v0;
	v1 =	vmul.f32 v3, v2;
	v2 =	vld [tilespmem:s18+$0xFFFFFFD0]  }
0x8b: {  	v3 =	vld [tilespmem:$0x1B1A0]  }
0x8c: {  	v0 =	vadd.f32 v1, v0;
	v1 =	vmul.f32 v5, v4;
	v4 =	vld [tilespmem:s18+$0xFFFFFFE0]  }
0x8d: {  	v5 =	vld [tilespmem:$0x1B1B0]  }
0x8e: {  	v54 =	vld [tilespmem:s18+$0xFFFFFFF0];
	v0 =	vadd.f32 v1, v0;
	v1 =	vmul.f32 v53, v52  }
0x8f: {  	v55 =	vld [tilespmem:$0x1B1C0]  }
0x90: {  	v0 =	vadd.f32 v1, v0;
	v1 =	vmul.f32 v3, v2;
	v2 =	vld [tilespmem:s18+$0x0]  }
0x91: {  	v3 =	vld [tilespmem:$0x1B1D0]  }
0x92: {  	v0 =	vadd.f32 v1, v0;
	v1 =	vmul.f32 v5, v4;
	v4 =	vld [tilespmem:s18+$0x10]  }
0x93: {  	v5 =	vld [tilespmem:$0x1B1E0]  }
0x94: {  	v56 =	vld [tilespmem:s18+$0x20];
	v0 =	vadd.f32 v1, v0;
	v1 =	vmul.f32 v55, v54  }
0x95: {  	v57 =	vld [tilespmem:$0x1B1F0]  }
0x96: {  	v0 =	vadd.f32 v1, v0;
	v1 =	vmul.f32 v3, v2;
	v2 =	vld [tilespmem:s18+$0x30]  }
0x97: {  	v3 =	vld [tilespmem:$0x1B200]  }
0x98: {  	v0 =	vadd.f32 v1, v0;
	v1 =	vmul.f32 v5, v4;
	v4 =	vld [tilespmem:s18+$0x40]  }
0x99: {  	v5 =	vld [tilespmem:$0x1B210]  }
0x9a: {  	v58 =	vld [tilespmem:s18+$0x50];
	v0 =	vadd.f32 v1, v0;
	v1 =	vmul.f32 v57, v56  }
0x9b: {  	v59 =	vld [tilespmem:$0x1B220]  }
0x9c: {  	v0 =	vadd.f32 v1, v0;
	v1 =	vmul.f32 v3, v2;
	v2 =	vld [tilespmem:s18+$0x60]  }
0x9d: {  	v3 =	vld [tilespmem:$0x1B230]  }
0x9e: {  	v0 =	vadd.f32 v1, v0;
	v1 =	vmul.f32 v5, v4;
	v4 =	vld [tilespmem:s18+$0x70]  }
0x9f: {  	v5 =	vld [tilespmem:$0x1B240]  }
0xa0: {  	v60 =	vld [tilespmem:s18+$0x80];
	v0 =	vadd.f32 v1, v0;
	v1 =	vmul.f32 v59, v58  }
0xa1: {  	v61 =	vld [tilespmem:$0x1B250]  }
0xa2: {  	v0 =	vadd.f32 v1, v0;
	v1 =	vmul.f32 v3, v2;
	v2 =	vld [tilespmem:s18+$0x90]  }
0xa3: {  	v3 =	vld [tilespmem:$0x1B260]  }
0xa4: {  	v0 =	vadd.f32 v1, v0;
	v1 =	vmul.f32 v5, v4;
	v4 =	vld [tilespmem:s18+$0xA0]  }
0xa5: {  	v5 =	vld [tilespmem:$0x1B270]  }
0xa6: {  	v62 =	vld [tilespmem:s18+$0xB0];
	v0 =	vadd.f32 v1, v0;
	v1 =	vmul.f32 v61, v60  }
0xa7: {  	v63 =	vld [tilespmem:$0x1B280]  }
0xa8: {  	v0 =	vadd.f32 v1, v0;
	v1 =	vmul.f32 v3, v2;
	v2 =	vld [tilespmem:s18+$0xC0]  }
0xa9: {  	v3 =	vld [tilespmem:$0x1B290]  }
0xaa: {  	v0 =	vadd.f32 v1, v0;
	v1 =	vmul.f32 v5, v4;
	_ =	sdelay $0x1  }
0xab: {  	v0 =	vadd.f32 v1, v0;
	v1 =	vmul.f32 v63, v62;
	_ =	sdelay $0x1  }
0xac: {  	v0 =	vadd.f32 v1, v0;
	v1 =	vmul.f32 v3, v2;
	_ =	sdelay $0x1  }
0xad: {  	v0 =	vadd.f32 v1, v0  }
0xae: {  	s17 =	sshra.s32 s17, $0x2  }
0xaf: {  	s20 =	rddreg [dreg:$0xc];
	[tilespmem:s17+$0x1AD00] =	vst v0;
	s17 =	simm.s32 $0x0  }
0xb0: {  	[hbm4b:s20+s17] =	stream.linear.scatter [tilespmem:s11], [sflag:$0x7], $0x400, $0x38;
	[tilespmem:$0x1B2A0] =	vst v63  }
0xb1: {  	_ =	swait.ge [sflag:s1], $0x400  }
0xb2: {  	[sflag:s1] =	ssyncset.done $0x0  }
0xb3: {  	[sflag:s1] =	ssyncadd.s32 $0xFFFFFC00  }
0xb4: {  	_ =	swait.ge [sflag:s12], $0x6800  }
0xb5: {  	[sflag:s12] =	ssyncset.done $0x0  }
0xb6: {  	s19 =	rddreg [dreg:$0x6];
	[sflag:s12] =	ssyncadd.s32 $0xFFFF9800  }
0xb7: {  	[tilespmem:s17], [sflag:$0x7] =	stream.linear.gather [hbm4b:s19+s17], $0x680, $0x38;
	[tilespmem:$0x1B2A0] =	vst v63  }
0xb8: {  	_ =	swait.ge [sflag:s1], $0x680  }
0xb9: {  	[sflag:s1] =	ssyncset.done $0x0  }
0xba: {  	[sflag:s1] =	ssyncadd.s32 $0xFFFFF980  }
0xbb: {  	[tilespmem:s0], [sflag:$0x1] =	stream.indirect.gather [hbm4b:s4+s2], $0x10, s17, s2, $0xb8;
	[tilespmem:$0x1B2A0] =	vst v63  }
0xbc: {  	_ = 	snop  }
0xbd: {  	[tilespmem:s6], [sflag:$0x3] =	stream.indirect.gather [hbm4b:s5+s2], $0x10, s17, s2, $0xb8;
	[tilespmem:$0x1B2A0] =	vst v63  }
0xbe: {  	_ =	swait.ge [sflag:s13], $0x6800  }
0xbf: {  	[sflag:s13] =	ssyncset.done $0x0  }
0xc0: {  	s20 =	rddreg [dreg:$0xd];
	[sflag:s13] =	ssyncadd.s32 $0xFFFF9800  }
0xc1: {  	[hbm4b:s20+s17] =	stream.linear.scatter [tilespmem:s7], [sflag:$0x6], $0x6800, $0x38;
	[tilespmem:$0x1B2A0] =	vst v63  }
0xc2: {  	_ =	swait.ge [sflag:s14], $0x6800  }
0xc3: {  	[sflag:s14] =	ssyncset.done $0x0  }
0xc4: {  	[sflag:s14] =	ssyncadd.s32 $0xFFFF9800  }
0xc5: {  	s18 =	simm.s32 $0x145D0;
	v0 =	vld [tilespmem:$0x1B100]  }
0xc6: {  	v1 =	vld [tilespmem:s18+$0xFFFFFF30]  }
0xc7: {  	v2 =	vld [tilespmem:s18+$0xFFFFFF40]  }
0xc8: {  	s19 =	simm.s32 $0x40;
	v3 =	vld [tilespmem:$0x1B110]  }
.LBB2_4:
0xc9: {  	p0 =	sne.s32 s19, $0xFC0;
	v4 =	vld [tilespmem:s18+$0xFFFFFF50]  }
0xca: {  	v5 =	vld [tilespmem:$0x1B120]  }
0xcb: {  	v6 =	vld [tilespmem:s18+$0xFFFFFF60]  }
0xcc: {  	v7 =	vld [tilespmem:$0x1B130]  }
0xcd: {  	v0 =	vmul.f32 v0, v1;
	v1 =	vmul.f32 v3, v2;
	v2 =	vld [tilespmem:s18+$0xFFFFFF70]  }
0xce: {  	v3 =	vld [tilespmem:$0x1B140]  }
0xcf: {  	v0 =	vadd.f32 v1, v0;
	v1 =	vmul.f32 v5, v4;
	v4 =	vld [tilespmem:s18+$0xFFFFFF80]  }
0xd0: {  	v5 =	vld [tilespmem:$0x1B150]  }
0xd1: {  	v0 =	vadd.f32 v1, v0;
	v1 =	vmul.f32 v7, v6;
	v6 =	vld [tilespmem:s18+$0xFFFFFF90]  }
0xd2: {  	v7 =	vld [tilespmem:$0x1B160]  }
0xd3: {  	v0 =	vadd.f32 v1, v0;
	v1 =	vmul.f32 v3, v2;
	v2 =	vld [tilespmem:s18+$0xFFFFFFA0]  }
0xd4: {  	v3 =	vld [tilespmem:$0x1B170]  }
0xd5: {  	v0 =	vadd.f32 v1, v0;
	v1 =	vmul.f32 v5, v4;
	v4 =	vld [tilespmem:s18+$0xFFFFFFB0]  }
0xd6: {  	v5 =	vld [tilespmem:$0x1B180]  }
0xd7: {  	v0 =	vadd.f32 v1, v0;
	v1 =	vmul.f32 v7, v6;
	v6 =	vld [tilespmem:s18+$0xFFFFFFC0]  }
0xd8: {  	v7 =	vld [tilespmem:$0x1B190]  }
0xd9: {  	v0 =	vadd.f32 v1, v0;
	v1 =	vmul.f32 v3, v2;
	v2 =	vld [tilespmem:s18+$0xFFFFFFD0]  }
0xda: {  	v3 =	vld [tilespmem:$0x1B1A0]  }
0xdb: {  	v0 =	vadd.f32 v1, v0;
	v1 =	vmul.f32 v5, v4;
	v4 =	vld [tilespmem:s18+$0xFFFFFFE0]  }
0xdc: {  	v5 =	vld [tilespmem:$0x1B1B0]  }
0xdd: {  	v0 =	vadd.f32 v1, v0;
	v1 =	vmul.f32 v7, v6;
	v6 =	vld [tilespmem:s18+$0xFFFFFFF0]  }
0xde: {  	v7 =	vld [tilespmem:$0x1B1C0]  }
0xdf: {  	v0 =	vadd.f32 v1, v0;
	v1 =	vmul.f32 v3, v2;
	v2 =	vld [tilespmem:s18+$0x0]  }
0xe0: {  	v3 =	vld [tilespmem:$0x1B1D0]  }
0xe1: {  	v0 =	vadd.f32 v1, v0;
	v1 =	vmul.f32 v5, v4;
	v4 =	vld [tilespmem:s18+$0x10]  }
0xe2: {  	v5 =	vld [tilespmem:$0x1B1E0]  }
0xe3: {  	v0 =	vadd.f32 v1, v0;
	v1 =	vmul.f32 v7, v6;
	v6 =	vld [tilespmem:s18+$0x20]  }
0xe4: {  	v7 =	vld [tilespmem:$0x1B1F0]  }
0xe5: {  	v0 =	vadd.f32 v1, v0;
	v1 =	vmul.f32 v3, v2;
	v2 =	vld [tilespmem:s18+$0x30]  }
0xe6: {  	v3 =	vld [tilespmem:$0x1B200]  }
0xe7: {  	v0 =	vadd.f32 v1, v0;
	v1 =	vmul.f32 v5, v4;
	v4 =	vld [tilespmem:s18+$0x40]  }
0xe8: {  	v5 =	vld [tilespmem:$0x1B210]  }
0xe9: {  	v0 =	vadd.f32 v1, v0;
	v1 =	vmul.f32 v7, v6;
	v6 =	vld [tilespmem:s18+$0x50]  }
0xea: {  	v7 =	vld [tilespmem:$0x1B220]  }
0xeb: {  	v0 =	vadd.f32 v1, v0;
	v1 =	vmul.f32 v3, v2;
	v2 =	vld [tilespmem:s18+$0x60]  }
0xec: {  	v3 =	vld [tilespmem:$0x1B230]  }
0xed: {  	v0 =	vadd.f32 v1, v0;
	v1 =	vmul.f32 v5, v4;
	v4 =	vld [tilespmem:s18+$0x70]  }
0xee: {  	v5 =	vld [tilespmem:$0x1B240]  }
0xef: {  	v0 =	vadd.f32 v1, v0;
	v1 =	vmul.f32 v7, v6;
	v6 =	vld [tilespmem:s18+$0x80]  }
0xf0: {  	v7 =	vld [tilespmem:$0x1B250]  }
0xf1: {  	v0 =	vadd.f32 v1, v0;
	v1 =	vmul.f32 v3, v2;
	v2 =	vld [tilespmem:s18+$0x90]  }
0xf2: {  	v3 =	vld [tilespmem:$0x1B260]  }
0xf3: {  	v0 =	vadd.f32 v1, v0;
	v1 =	vmul.f32 v5, v4;
	v4 =	vld [tilespmem:s18+$0xA0]  }
0xf4: {  	v5 =	vld [tilespmem:$0x1B270]  }
0xf5: {  	v0 =	vadd.f32 v1, v0;
	v1 =	vmul.f32 v7, v6;
	v6 =	vld [tilespmem:s18+$0xB0]  }
0xf6: {  	v7 =	vld [tilespmem:$0x1B280]  }
0xf7: {  	v0 =	vadd.f32 v1, v0;
	v1 =	vmul.f32 v3, v2;
	v2 =	vld [tilespmem:s18+$0xC0]  }
0xf8: {  	v3 =	vld [tilespmem:$0x1B290]  }
0xf9: {  	v0 =	vadd.f32 v1, v0;
	v1 =	vmul.f32 v5, v4;
	_ =	sdelay $0x1  }
0xfa: {  	v0 =	vadd.f32 v1, v0;
	v1 =	vmul.f32 v7, v6;
	_ =	sdelay $0x1  }
0xfb: {  	v0 =	vadd.f32 v1, v0;
	v1 =	vmul.f32 v3, v2;
	_ =	sdelay $0x1  }
0xfc: {  	v0 =	vadd.f32 v1, v0  }
0xfd: {  	s20 =	sshra.s32 s17, $0x2;
	s17 =	smov.u32 s19  }
.Ltmp1:
0xfe: {  	[tilespmem:s20+$0x1AD00] =	vst v0;
	(pc) =	sbr.rel @p0 .LBB2_4-.Ltmp1, $4  }
0xff: {  	s18 =	sadd.s32 $0x1A0, s18;
	v0 =	vld [tilespmem:$0x1B100]  }
0x100: {  	v1 =	vld [tilespmem:s18+$0xFFFFFF30]  }
0x101: {  	v2 =	vld [tilespmem:s18+$0xFFFFFF40]  }
0x102: {  	s19 =	sadd.s32 $0x40, s19;
	v3 =	vld [tilespmem:$0x1B110]  }
0x103: {  	v4 =	vld [tilespmem:s18+$0xFFFFFF50]  }
0x104: {  	v5 =	vld [tilespmem:$0x1B120]  }
0x105: {  	v6 =	vld [tilespmem:s18+$0xFFFFFF60]  }
0x106: {  	v7 =	vld [tilespmem:$0x1B130]  }
0x107: {  	v0 =	vmul.f32 v0, v1;
	v1 =	vmul.f32 v3, v2;
	v2 =	vld [tilespmem:s18+$0xFFFFFF70]  }
0x108: {  	v3 =	vld [tilespmem:$0x1B140]  }
0x109: {  	v0 =	vadd.f32 v1, v0;
	v1 =	vmul.f32 v5, v4;
	v4 =	vld [tilespmem:s18+$0xFFFFFF80]  }
0x10a: {  	v5 =	vld [tilespmem:$0x1B150]  }
0x10b: {  	v50 =	vld [tilespmem:s18+$0xFFFFFF90];
	v0 =	vadd.f32 v1, v0;
	v1 =	vmul.f32 v7, v6  }
0x10c: {  	v51 =	vld [tilespmem:$0x1B160]  }
0x10d: {  	v0 =	vadd.f32 v1, v0;
	v1 =	vmul.f32 v3, v2;
	v2 =	vld [tilespmem:s18+$0xFFFFFFA0]  }
0x10e: {  	v3 =	vld [tilespmem:$0x1B170]  }
0x10f: {  	v0 =	vadd.f32 v1, v0;
	v1 =	vmul.f32 v5, v4;
	v4 =	vld [tilespmem:s18+$0xFFFFFFB0]  }
0x110: {  	v5 =	vld [tilespmem:$0x1B180]  }
0x111: {  	v52 =	vld [tilespmem:s18+$0xFFFFFFC0];
	v0 =	vadd.f32 v1, v0;
	v1 =	vmul.f32 v51, v50  }
0x112: {  	v53 =	vld [tilespmem:$0x1B190]  }
0x113: {  	v0 =	vadd.f32 v1, v0;
	v1 =	vmul.f32 v3, v2;
	v2 =	vld [tilespmem:s18+$0xFFFFFFD0]  }
0x114: {  	v3 =	vld [tilespmem:$0x1B1A0]  }
0x115: {  	v0 =	vadd.f32 v1, v0;
	v1 =	vmul.f32 v5, v4;
	v4 =	vld [tilespmem:s18+$0xFFFFFFE0]  }
0x116: {  	v5 =	vld [tilespmem:$0x1B1B0]  }
0x117: {  	v54 =	vld [tilespmem:s18+$0xFFFFFFF0];
	v0 =	vadd.f32 v1, v0;
	v1 =	vmul.f32 v53, v52  }
0x118: {  	v55 =	vld [tilespmem:$0x1B1C0]  }
0x119: {  	v0 =	vadd.f32 v1, v0;
	v1 =	vmul.f32 v3, v2;
	v2 =	vld [tilespmem:s18+$0x0]  }
0x11a: {  	v3 =	vld [tilespmem:$0x1B1D0]  }
0x11b: {  	v0 =	vadd.f32 v1, v0;
	v1 =	vmul.f32 v5, v4;
	v4 =	vld [tilespmem:s18+$0x10]  }
0x11c: {  	v5 =	vld [tilespmem:$0x1B1E0]  }
0x11d: {  	v56 =	vld [tilespmem:s18+$0x20];
	v0 =	vadd.f32 v1, v0;
	v1 =	vmul.f32 v55, v54  }
0x11e: {  	v57 =	vld [tilespmem:$0x1B1F0]  }
0x11f: {  	v0 =	vadd.f32 v1, v0;
	v1 =	vmul.f32 v3, v2;
	v2 =	vld [tilespmem:s18+$0x30]  }
0x120: {  	v3 =	vld [tilespmem:$0x1B200]  }
0x121: {  	v0 =	vadd.f32 v1, v0;
	v1 =	vmul.f32 v5, v4;
	v4 =	vld [tilespmem:s18+$0x40]  }
0x122: {  	v5 =	vld [tilespmem:$0x1B210]  }
0x123: {  	v58 =	vld [tilespmem:s18+$0x50];
	v0 =	vadd.f32 v1, v0;
	v1 =	vmul.f32 v57, v56  }
0x124: {  	v59 =	vld [tilespmem:$0x1B220]  }
0x125: {  	v0 =	vadd.f32 v1, v0;
	v1 =	vmul.f32 v3, v2;
	v2 =	vld [tilespmem:s18+$0x60]  }
0x126: {  	v3 =	vld [tilespmem:$0x1B230]  }
0x127: {  	v0 =	vadd.f32 v1, v0;
	v1 =	vmul.f32 v5, v4;
	v4 =	vld [tilespmem:s18+$0x70]  }
0x128: {  	v5 =	vld [tilespmem:$0x1B240]  }
0x129: {  	v60 =	vld [tilespmem:s18+$0x80];
	v0 =	vadd.f32 v1, v0;
	v1 =	vmul.f32 v59, v58  }
0x12a: {  	v61 =	vld [tilespmem:$0x1B250]  }
0x12b: {  	v0 =	vadd.f32 v1, v0;
	v1 =	vmul.f32 v3, v2;
	v2 =	vld [tilespmem:s18+$0x90]  }
0x12c: {  	v3 =	vld [tilespmem:$0x1B260]  }
0x12d: {  	v0 =	vadd.f32 v1, v0;
	v1 =	vmul.f32 v5, v4;
	v4 =	vld [tilespmem:s18+$0xA0]  }
0x12e: {  	v5 =	vld [tilespmem:$0x1B270]  }
0x12f: {  	v62 =	vld [tilespmem:s18+$0xB0];
	v0 =	vadd.f32 v1, v0;
	v1 =	vmul.f32 v61, v60  }
0x130: {  	v63 =	vld [tilespmem:$0x1B280]  }
0x131: {  	v0 =	vadd.f32 v1, v0;
	v1 =	vmul.f32 v3, v2;
	v2 =	vld [tilespmem:s18+$0xC0]  }
0x132: {  	v3 =	vld [tilespmem:$0x1B290]  }
0x133: {  	v0 =	vadd.f32 v1, v0;
	v1 =	vmul.f32 v5, v4;
	_ =	sdelay $0x1  }
0x134: {  	v0 =	vadd.f32 v1, v0;
	v1 =	vmul.f32 v63, v62;
	_ =	sdelay $0x1  }
0x135: {  	v0 =	vadd.f32 v1, v0;
	v1 =	vmul.f32 v3, v2;
	_ =	sdelay $0x1  }
0x136: {  	v0 =	vadd.f32 v1, v0  }
0x137: {  	s17 =	sshra.s32 s17, $0x2  }
0x138: {  	[tilespmem:s17+$0x1AD00] =	vst v0;
	s17 =	simm.s32 $0x0  }
0x139: {  	[hbm4b:s23+s17] =	stream.linear.scatter [tilespmem:s11], [sflag:$0x7], $0x400, $0x38;
	[tilespmem:$0x1B2A0] =	vst v63  }
0x13a: {  	_ =	swait.ge [sflag:s1], $0x400  }
0x13b: {  	[sflag:s1] =	ssyncset.done $0x0  }
0x13c: {  	[sflag:s1] =	ssyncadd.s32 $0xFFFFFC00  }
0x13d: {  	_ =	swait.ge [sflag:s15], $0x6800  }
0x13e: {  	[sflag:s15] =	ssyncset.done $0x0  }
0x13f: {  	s19 =	rddreg [dreg:$0x7];
	[sflag:s15] =	ssyncadd.s32 $0xFFFF9800  }
0x140: {  	[tilespmem:s2], [sflag:$0x7] =	stream.linear.gather [hbm4b:s19+s17], $0x680, $0x38;
	[tilespmem:$0x1B2A0] =	vst v63  }
0x141: {  	_ =	swait.ge [sflag:s1], $0x680  }
0x142: {  	[sflag:s1] =	ssyncset.done $0x0  }
0x143: {  	[sflag:s1] =	ssyncadd.s32 $0xFFFFF980  }
0x144: {  	[tilespmem:s7], [sflag:$0x2] =	stream.indirect.gather [hbm4b:s4+s2], $0x10, s2, s2, $0xb8;
	[tilespmem:$0x1B2A0] =	vst v63  }
0x145: {  	_ = 	snop  }
0x146: {  	[tilespmem:s8], [sflag:$0x4] =	stream.indirect.gather [hbm4b:s5+s2], $0x10, s2, s2, $0xb8;
	[tilespmem:$0x1B2A0] =	vst v63  }
0x147: {  	_ =	swait.ge [sflag:s9], $0x6800  }
0x148: {  	[sflag:s9] =	ssyncset.done $0x0  }
0x149: {  	s20 =	rddreg [dreg:$0xe];
	[sflag:s9] =	ssyncadd.s32 $0xFFFF9800  }
0x14a: {  	[hbm4b:s20+s17] =	stream.linear.scatter [tilespmem:s0], [sflag:$0x5], $0x6800, $0x38;
	[tilespmem:$0x1B2A0] =	vst v63  }
0x14b: {  	_ =	swait.ge [sflag:s10], $0x6800  }
0x14c: {  	[sflag:s10] =	ssyncset.done $0x0  }
0x14d: {  	[sflag:s10] =	ssyncadd.s32 $0xFFFF9800  }
0x14e: {  	s18 =	simm.s32 $0xDDD0;
	v0 =	vld [tilespmem:$0x1B100]  }
0x14f: {  	v1 =	vld [tilespmem:s18+$0xFFFFFF30]  }
0x150: {  	v2 =	vld [tilespmem:s18+$0xFFFFFF40]  }
0x151: {  	s19 =	simm.s32 $0x40;
	v3 =	vld [tilespmem:$0x1B110]  }
.LBB2_6:
0x152: {  	p0 =	sne.s32 s19, $0xFC0;
	v4 =	vld [tilespmem:s18+$0xFFFFFF50]  }
0x153: {  	v5 =	vld [tilespmem:$0x1B120]  }
0x154: {  	v6 =	vld [tilespmem:s18+$0xFFFFFF60]  }
0x155: {  	v7 =	vld [tilespmem:$0x1B130]  }
0x156: {  	v0 =	vmul.f32 v0, v1;
	v1 =	vmul.f32 v3, v2;
	v2 =	vld [tilespmem:s18+$0xFFFFFF70]  }
0x157: {  	v3 =	vld [tilespmem:$0x1B140]  }
0x158: {  	v0 =	vadd.f32 v1, v0;
	v1 =	vmul.f32 v5, v4;
	v4 =	vld [tilespmem:s18+$0xFFFFFF80]  }
0x159: {  	v5 =	vld [tilespmem:$0x1B150]  }
0x15a: {  	v0 =	vadd.f32 v1, v0;
	v1 =	vmul.f32 v7, v6;
	v6 =	vld [tilespmem:s18+$0xFFFFFF90]  }
0x15b: {  	v7 =	vld [tilespmem:$0x1B160]  }
0x15c: {  	v0 =	vadd.f32 v1, v0;
	v1 =	vmul.f32 v3, v2;
	v2 =	vld [tilespmem:s18+$0xFFFFFFA0]  }
0x15d: {  	v3 =	vld [tilespmem:$0x1B170]  }
0x15e: {  	v0 =	vadd.f32 v1, v0;
	v1 =	vmul.f32 v5, v4;
	v4 =	vld [tilespmem:s18+$0xFFFFFFB0]  }
0x15f: {  	v5 =	vld [tilespmem:$0x1B180]  }
0x160: {  	v0 =	vadd.f32 v1, v0;
	v1 =	vmul.f32 v7, v6;
	v6 =	vld [tilespmem:s18+$0xFFFFFFC0]  }
0x161: {  	v7 =	vld [tilespmem:$0x1B190]  }
0x162: {  	v0 =	vadd.f32 v1, v0;
	v1 =	vmul.f32 v3, v2;
	v2 =	vld [tilespmem:s18+$0xFFFFFFD0]  }
0x163: {  	v3 =	vld [tilespmem:$0x1B1A0]  }
0x164: {  	v0 =	vadd.f32 v1, v0;
	v1 =	vmul.f32 v5, v4;
	v4 =	vld [tilespmem:s18+$0xFFFFFFE0]  }
0x165: {  	v5 =	vld [tilespmem:$0x1B1B0]  }
0x166: {  	v0 =	vadd.f32 v1, v0;
	v1 =	vmul.f32 v7, v6;
	v6 =	vld [tilespmem:s18+$0xFFFFFFF0]  }
0x167: {  	v7 =	vld [tilespmem:$0x1B1C0]  }
0x168: {  	v0 =	vadd.f32 v1, v0;
	v1 =	vmul.f32 v3, v2;
	v2 =	vld [tilespmem:s18+$0x0]  }
0x169: {  	v3 =	vld [tilespmem:$0x1B1D0]  }
0x16a: {  	v0 =	vadd.f32 v1, v0;
	v1 =	vmul.f32 v5, v4;
	v4 =	vld [tilespmem:s18+$0x10]  }
0x16b: {  	v5 =	vld [tilespmem:$0x1B1E0]  }
0x16c: {  	v0 =	vadd.f32 v1, v0;
	v1 =	vmul.f32 v7, v6;
	v6 =	vld [tilespmem:s18+$0x20]  }
0x16d: {  	v7 =	vld [tilespmem:$0x1B1F0]  }
0x16e: {  	v0 =	vadd.f32 v1, v0;
	v1 =	vmul.f32 v3, v2;
	v2 =	vld [tilespmem:s18+$0x30]  }
0x16f: {  	v3 =	vld [tilespmem:$0x1B200]  }
0x170: {  	v0 =	vadd.f32 v1, v0;
	v1 =	vmul.f32 v5, v4;
	v4 =	vld [tilespmem:s18+$0x40]  }
0x171: {  	v5 =	vld [tilespmem:$0x1B210]  }
0x172: {  	v0 =	vadd.f32 v1, v0;
	v1 =	vmul.f32 v7, v6;
	v6 =	vld [tilespmem:s18+$0x50]  }
0x173: {  	v7 =	vld [tilespmem:$0x1B220]  }
0x174: {  	v0 =	vadd.f32 v1, v0;
	v1 =	vmul.f32 v3, v2;
	v2 =	vld [tilespmem:s18+$0x60]  }
0x175: {  	v3 =	vld [tilespmem:$0x1B230]  }
0x176: {  	v0 =	vadd.f32 v1, v0;
	v1 =	vmul.f32 v5, v4;
	v4 =	vld [tilespmem:s18+$0x70]  }
0x177: {  	v5 =	vld [tilespmem:$0x1B240]  }
0x178: {  	v0 =	vadd.f32 v1, v0;
	v1 =	vmul.f32 v7, v6;
	v6 =	vld [tilespmem:s18+$0x80]  }
0x179: {  	v7 =	vld [tilespmem:$0x1B250]  }
0x17a: {  	v0 =	vadd.f32 v1, v0;
	v1 =	vmul.f32 v3, v2;
	v2 =	vld [tilespmem:s18+$0x90]  }
0x17b: {  	v3 =	vld [tilespmem:$0x1B260]  }
0x17c: {  	v0 =	vadd.f32 v1, v0;
	v1 =	vmul.f32 v5, v4;
	v4 =	vld [tilespmem:s18+$0xA0]  }
0x17d: {  	v5 =	vld [tilespmem:$0x1B270]  }
0x17e: {  	v0 =	vadd.f32 v1, v0;
	v1 =	vmul.f32 v7, v6;
	v6 =	vld [tilespmem:s18+$0xB0]  }
0x17f: {  	v7 =	vld [tilespmem:$0x1B280]  }
0x180: {  	v0 =	vadd.f32 v1, v0;
	v1 =	vmul.f32 v3, v2;
	v2 =	vld [tilespmem:s18+$0xC0]  }
0x181: {  	v3 =	vld [tilespmem:$0x1B290]  }
0x182: {  	v0 =	vadd.f32 v1, v0;
	v1 =	vmul.f32 v5, v4;
	_ =	sdelay $0x1  }
0x183: {  	v0 =	vadd.f32 v1, v0;
	v1 =	vmul.f32 v7, v6;
	_ =	sdelay $0x1  }
0x184: {  	v0 =	vadd.f32 v1, v0;
	v1 =	vmul.f32 v3, v2;
	_ =	sdelay $0x1  }
0x185: {  	v0 =	vadd.f32 v1, v0  }
0x186: {  	s20 =	sshra.s32 s17, $0x2;
	s17 =	smov.u32 s19  }
.Ltmp2:
0x187: {  	[tilespmem:s20+$0x1AD00] =	vst v0;
	(pc) =	sbr.rel @p0 .LBB2_6-.Ltmp2, $4  }
0x188: {  	s18 =	sadd.s32 $0x1A0, s18;
	v0 =	vld [tilespmem:$0x1B100]  }
0x189: {  	v1 =	vld [tilespmem:s18+$0xFFFFFF30]  }
0x18a: {  	v2 =	vld [tilespmem:s18+$0xFFFFFF40]  }
0x18b: {  	s19 =	sadd.s32 $0x40, s19;
	v3 =	vld [tilespmem:$0x1B110]  }
0x18c: {  	v4 =	vld [tilespmem:s18+$0xFFFFFF50]  }
0x18d: {  	v5 =	vld [tilespmem:$0x1B120]  }
0x18e: {  	v6 =	vld [tilespmem:s18+$0xFFFFFF60]  }
0x18f: {  	v7 =	vld [tilespmem:$0x1B130]  }
0x190: {  	v0 =	vmul.f32 v0, v1;
	v1 =	vmul.f32 v3, v2;
	v2 =	vld [tilespmem:s18+$0xFFFFFF70]  }
0x191: {  	v3 =	vld [tilespmem:$0x1B140]  }
0x192: {  	v0 =	vadd.f32 v1, v0;
	v1 =	vmul.f32 v5, v4;
	v4 =	vld [tilespmem:s18+$0xFFFFFF80]  }
0x193: {  	v5 =	vld [tilespmem:$0x1B150]  }
0x194: {  	v50 =	vld [tilespmem:s18+$0xFFFFFF90];
	v0 =	vadd.f32 v1, v0;
	v1 =	vmul.f32 v7, v6  }
0x195: {  	v51 =	vld [tilespmem:$0x1B160]  }
0x196: {  	v0 =	vadd.f32 v1, v0;
	v1 =	vmul.f32 v3, v2;
	v2 =	vld [tilespmem:s18+$0xFFFFFFA0]  }
0x197: {  	v3 =	vld [tilespmem:$0x1B170]  }
0x198: {  	v0 =	vadd.f32 v1, v0;
	v1 =	vmul.f32 v5, v4;
	v4 =	vld [tilespmem:s18+$0xFFFFFFB0]  }
0x199: {  	v5 =	vld [tilespmem:$0x1B180]  }
0x19a: {  	v52 =	vld [tilespmem:s18+$0xFFFFFFC0];
	v0 =	vadd.f32 v1, v0;
	v1 =	vmul.f32 v51, v50  }
0x19b: {  	v53 =	vld [tilespmem:$0x1B190]  }
0x19c: {  	v0 =	vadd.f32 v1, v0;
	v1 =	vmul.f32 v3, v2;
	v2 =	vld [tilespmem:s18+$0xFFFFFFD0]  }
0x19d: {  	v3 =	vld [tilespmem:$0x1B1A0]  }
0x19e: {  	v0 =	vadd.f32 v1, v0;
	v1 =	vmul.f32 v5, v4;
	v4 =	vld [tilespmem:s18+$0xFFFFFFE0]  }
0x19f: {  	v5 =	vld [tilespmem:$0x1B1B0]  }
0x1a0: {  	v54 =	vld [tilespmem:s18+$0xFFFFFFF0];
	v0 =	vadd.f32 v1, v0;
	v1 =	vmul.f32 v53, v52  }
0x1a1: {  	v55 =	vld [tilespmem:$0x1B1C0]  }
0x1a2: {  	v0 =	vadd.f32 v1, v0;
	v1 =	vmul.f32 v3, v2;
	v2 =	vld [tilespmem:s18+$0x0]  }
0x1a3: {  	v3 =	vld [tilespmem:$0x1B1D0]  }
0x1a4: {  	v0 =	vadd.f32 v1, v0;
	v1 =	vmul.f32 v5, v4;
	v4 =	vld [tilespmem:s18+$0x10]  }
0x1a5: {  	v5 =	vld [tilespmem:$0x1B1E0]  }
0x1a6: {  	v56 =	vld [tilespmem:s18+$0x20];
	v0 =	vadd.f32 v1, v0;
	v1 =	vmul.f32 v55, v54  }
0x1a7: {  	v57 =	vld [tilespmem:$0x1B1F0]  }
0x1a8: {  	v0 =	vadd.f32 v1, v0;
	v1 =	vmul.f32 v3, v2;
	v2 =	vld [tilespmem:s18+$0x30]  }
0x1a9: {  	v3 =	vld [tilespmem:$0x1B200]  }
0x1aa: {  	v0 =	vadd.f32 v1, v0;
	v1 =	vmul.f32 v5, v4;
	v4 =	vld [tilespmem:s18+$0x40]  }
0x1ab: {  	v5 =	vld [tilespmem:$0x1B210]  }
0x1ac: {  	v58 =	vld [tilespmem:s18+$0x50];
	v0 =	vadd.f32 v1, v0;
	v1 =	vmul.f32 v57, v56  }
0x1ad: {  	v59 =	vld [tilespmem:$0x1B220]  }
0x1ae: {  	v0 =	vadd.f32 v1, v0;
	v1 =	vmul.f32 v3, v2;
	v2 =	vld [tilespmem:s18+$0x60]  }
0x1af: {  	v3 =	vld [tilespmem:$0x1B230]  }
0x1b0: {  	v0 =	vadd.f32 v1, v0;
	v1 =	vmul.f32 v5, v4;
	v4 =	vld [tilespmem:s18+$0x70]  }
0x1b1: {  	v5 =	vld [tilespmem:$0x1B240]  }
0x1b2: {  	v60 =	vld [tilespmem:s18+$0x80];
	v0 =	vadd.f32 v1, v0;
	v1 =	vmul.f32 v59, v58  }
0x1b3: {  	v61 =	vld [tilespmem:$0x1B250]  }
0x1b4: {  	v0 =	vadd.f32 v1, v0;
	v1 =	vmul.f32 v3, v2;
	v2 =	vld [tilespmem:s18+$0x90]  }
0x1b5: {  	v3 =	vld [tilespmem:$0x1B260]  }
0x1b6: {  	v0 =	vadd.f32 v1, v0;
	v1 =	vmul.f32 v5, v4;
	v4 =	vld [tilespmem:s18+$0xA0]  }
0x1b7: {  	v5 =	vld [tilespmem:$0x1B270]  }
0x1b8: {  	v62 =	vld [tilespmem:s18+$0xB0];
	v0 =	vadd.f32 v1, v0;
	v1 =	vmul.f32 v61, v60  }
0x1b9: {  	v63 =	vld [tilespmem:$0x1B280]  }
0x1ba: {  	v0 =	vadd.f32 v1, v0;
	v1 =	vmul.f32 v3, v2;
	v2 =	vld [tilespmem:s18+$0xC0]  }
0x1bb: {  	v3 =	vld [tilespmem:$0x1B290]  }
0x1bc: {  	v0 =	vadd.f32 v1, v0;
	v1 =	vmul.f32 v5, v4;
	_ =	sdelay $0x1  }
0x1bd: {  	v0 =	vadd.f32 v1, v0;
	v1 =	vmul.f32 v63, v62;
	_ =	sdelay $0x1  }
0x1be: {  	v0 =	vadd.f32 v1, v0;
	v1 =	vmul.f32 v3, v2;
	_ =	sdelay $0x1  }
0x1bf: {  	v0 =	vadd.f32 v1, v0  }
0x1c0: {  	s17 =	sshra.s32 s17, $0x2  }
0x1c1: {  	[tilespmem:s17+$0x1AD00] =	vst v0;
	s17 =	simm.s32 $0x0  }
0x1c2: {  	[hbm4b:s24+s17] =	stream.linear.scatter [tilespmem:s11], [sflag:$0x7], $0x400, $0x38;
	[tilespmem:$0x1B2A0] =	vst v63  }
0x1c3: {  	_ =	swait.ge [sflag:s1], $0x400  }
0x1c4: {  	[sflag:s1] =	ssyncset.done $0x0  }
0x1c5: {  	[sflag:s1] =	ssyncadd.s32 $0xFFFFFC00  }
0x1c6: {  	_ =	swait.ge [sflag:s12], $0x6800  }
0x1c7: {  	[sflag:s12] =	ssyncset.done $0x0  }
0x1c8: {  	s19 =	rddreg [dreg:$0x8];
	[sflag:s12] =	ssyncadd.s32 $0xFFFF9800  }
0x1c9: {  	[tilespmem:s17], [sflag:$0x7] =	stream.linear.gather [hbm4b:s19+s17], $0x680, $0x38;
	[tilespmem:$0x1B2A0] =	vst v63  }
0x1ca: {  	_ =	swait.ge [sflag:s1], $0x680  }
0x1cb: {  	[sflag:s1] =	ssyncset.done $0x0  }
0x1cc: {  	[sflag:s1] =	ssyncadd.s32 $0xFFFFF980  }
0x1cd: {  	[tilespmem:s0], [sflag:$0x1] =	stream.indirect.gather [hbm4b:s4+s2], $0x10, s17, s2, $0xb8;
	[tilespmem:$0x1B2A0] =	vst v63  }
0x1ce: {  	_ = 	snop  }
0x1cf: {  	[tilespmem:s6], [sflag:$0x3] =	stream.indirect.gather [hbm4b:s5+s2], $0x10, s17, s2, $0xb8;
	[tilespmem:$0x1B2A0] =	vst v63  }
0x1d0: {  	_ =	swait.ge [sflag:s13], $0x6800  }
0x1d1: {  	[sflag:s13] =	ssyncset.done $0x0  }
0x1d2: {  	s20 =	rddreg [dreg:$0xf];
	[sflag:s13] =	ssyncadd.s32 $0xFFFF9800  }
0x1d3: {  	[hbm4b:s20+s17] =	stream.linear.scatter [tilespmem:s7], [sflag:$0x6], $0x6800, $0x38;
	[tilespmem:$0x1B2A0] =	vst v63  }
0x1d4: {  	_ =	swait.ge [sflag:s14], $0x6800  }
0x1d5: {  	[sflag:s14] =	ssyncset.done $0x0  }
0x1d6: {  	[sflag:s14] =	ssyncadd.s32 $0xFFFF9800  }
0x1d7: {  	s18 =	simm.s32 $0x145D0;
	v0 =	vld [tilespmem:$0x1B100]  }
0x1d8: {  	v1 =	vld [tilespmem:s18+$0xFFFFFF30]  }
0x1d9: {  	v2 =	vld [tilespmem:s18+$0xFFFFFF40]  }
0x1da: {  	s19 =	simm.s32 $0x40;
	v3 =	vld [tilespmem:$0x1B110]  }
.LBB2_8:
0x1db: {  	p0 =	sne.s32 s19, $0xFC0;
	v4 =	vld [tilespmem:s18+$0xFFFFFF50]  }
0x1dc: {  	v5 =	vld [tilespmem:$0x1B120]  }
0x1dd: {  	v6 =	vld [tilespmem:s18+$0xFFFFFF60]  }
0x1de: {  	v7 =	vld [tilespmem:$0x1B130]  }
0x1df: {  	v0 =	vmul.f32 v0, v1;
	v1 =	vmul.f32 v3, v2;
	v2 =	vld [tilespmem:s18+$0xFFFFFF70]  }
0x1e0: {  	v3 =	vld [tilespmem:$0x1B140]  }
0x1e1: {  	v0 =	vadd.f32 v1, v0;
	v1 =	vmul.f32 v5, v4;
	v4 =	vld [tilespmem:s18+$0xFFFFFF80]  }
0x1e2: {  	v5 =	vld [tilespmem:$0x1B150]  }
0x1e3: {  	v0 =	vadd.f32 v1, v0;
	v1 =	vmul.f32 v7, v6;
	v6 =	vld [tilespmem:s18+$0xFFFFFF90]  }
0x1e4: {  	v7 =	vld [tilespmem:$0x1B160]  }
0x1e5: {  	v0 =	vadd.f32 v1, v0;
	v1 =	vmul.f32 v3, v2;
	v2 =	vld [tilespmem:s18+$0xFFFFFFA0]  }
0x1e6: {  	v3 =	vld [tilespmem:$0x1B170]  }
0x1e7: {  	v0 =	vadd.f32 v1, v0;
	v1 =	vmul.f32 v5, v4;
	v4 =	vld [tilespmem:s18+$0xFFFFFFB0]  }
0x1e8: {  	v5 =	vld [tilespmem:$0x1B180]  }
0x1e9: {  	v0 =	vadd.f32 v1, v0;
	v1 =	vmul.f32 v7, v6;
	v6 =	vld [tilespmem:s18+$0xFFFFFFC0]  }
0x1ea: {  	v7 =	vld [tilespmem:$0x1B190]  }
0x1eb: {  	v0 =	vadd.f32 v1, v0;
	v1 =	vmul.f32 v3, v2;
	v2 =	vld [tilespmem:s18+$0xFFFFFFD0]  }
0x1ec: {  	v3 =	vld [tilespmem:$0x1B1A0]  }
0x1ed: {  	v0 =	vadd.f32 v1, v0;
	v1 =	vmul.f32 v5, v4;
	v4 =	vld [tilespmem:s18+$0xFFFFFFE0]  }
0x1ee: {  	v5 =	vld [tilespmem:$0x1B1B0]  }
0x1ef: {  	v0 =	vadd.f32 v1, v0;
	v1 =	vmul.f32 v7, v6;
	v6 =	vld [tilespmem:s18+$0xFFFFFFF0]  }
0x1f0: {  	v7 =	vld [tilespmem:$0x1B1C0]  }
0x1f1: {  	v0 =	vadd.f32 v1, v0;
	v1 =	vmul.f32 v3, v2;
	v2 =	vld [tilespmem:s18+$0x0]  }
0x1f2: {  	v3 =	vld [tilespmem:$0x1B1D0]  }
0x1f3: {  	v0 =	vadd.f32 v1, v0;
	v1 =	vmul.f32 v5, v4;
	v4 =	vld [tilespmem:s18+$0x10]  }
0x1f4: {  	v5 =	vld [tilespmem:$0x1B1E0]  }
0x1f5: {  	v0 =	vadd.f32 v1, v0;
	v1 =	vmul.f32 v7, v6;
	v6 =	vld [tilespmem:s18+$0x20]  }
0x1f6: {  	v7 =	vld [tilespmem:$0x1B1F0]  }
0x1f7: {  	v0 =	vadd.f32 v1, v0;
	v1 =	vmul.f32 v3, v2;
	v2 =	vld [tilespmem:s18+$0x30]  }
0x1f8: {  	v3 =	vld [tilespmem:$0x1B200]  }
0x1f9: {  	v0 =	vadd.f32 v1, v0;
	v1 =	vmul.f32 v5, v4;
	v4 =	vld [tilespmem:s18+$0x40]  }
0x1fa: {  	v5 =	vld [tilespmem:$0x1B210]  }
0x1fb: {  	v0 =	vadd.f32 v1, v0;
	v1 =	vmul.f32 v7, v6;
	v6 =	vld [tilespmem:s18+$0x50]  }
0x1fc: {  	v7 =	vld [tilespmem:$0x1B220]  }
0x1fd: {  	v0 =	vadd.f32 v1, v0;
	v1 =	vmul.f32 v3, v2;
	v2 =	vld [tilespmem:s18+$0x60]  }
0x1fe: {  	v3 =	vld [tilespmem:$0x1B230]  }
0x1ff: {  	v0 =	vadd.f32 v1, v0;
	v1 =	vmul.f32 v5, v4;
	v4 =	vld [tilespmem:s18+$0x70]  }
0x200: {  	v5 =	vld [tilespmem:$0x1B240]  }
0x201: {  	v0 =	vadd.f32 v1, v0;
	v1 =	vmul.f32 v7, v6;
	v6 =	vld [tilespmem:s18+$0x80]  }
0x202: {  	v7 =	vld [tilespmem:$0x1B250]  }
0x203: {  	v0 =	vadd.f32 v1, v0;
	v1 =	vmul.f32 v3, v2;
	v2 =	vld [tilespmem:s18+$0x90]  }
0x204: {  	v3 =	vld [tilespmem:$0x1B260]  }
0x205: {  	v0 =	vadd.f32 v1, v0;
	v1 =	vmul.f32 v5, v4;
	v4 =	vld [tilespmem:s18+$0xA0]  }
0x206: {  	v5 =	vld [tilespmem:$0x1B270]  }
0x207: {  	v0 =	vadd.f32 v1, v0;
	v1 =	vmul.f32 v7, v6;
	v6 =	vld [tilespmem:s18+$0xB0]  }
0x208: {  	v7 =	vld [tilespmem:$0x1B280]  }
0x209: {  	v0 =	vadd.f32 v1, v0;
	v1 =	vmul.f32 v3, v2;
	v2 =	vld [tilespmem:s18+$0xC0]  }
0x20a: {  	v3 =	vld [tilespmem:$0x1B290]  }
0x20b: {  	v0 =	vadd.f32 v1, v0;
	v1 =	vmul.f32 v5, v4;
	_ =	sdelay $0x1  }
0x20c: {  	v0 =	vadd.f32 v1, v0;
	v1 =	vmul.f32 v7, v6;
	_ =	sdelay $0x1  }
0x20d: {  	v0 =	vadd.f32 v1, v0;
	v1 =	vmul.f32 v3, v2;
	_ =	sdelay $0x1  }
0x20e: {  	v0 =	vadd.f32 v1, v0  }
0x20f: {  	s20 =	sshra.s32 s17, $0x2;
	s17 =	smov.u32 s19  }
.Ltmp3:
0x210: {  	[tilespmem:s20+$0x1AD00] =	vst v0;
	(pc) =	sbr.rel @p0 .LBB2_8-.Ltmp3, $4  }
0x211: {  	s18 =	sadd.s32 $0x1A0, s18;
	v0 =	vld [tilespmem:$0x1B100]  }
0x212: {  	v1 =	vld [tilespmem:s18+$0xFFFFFF30]  }
0x213: {  	v2 =	vld [tilespmem:s18+$0xFFFFFF40]  }
0x214: {  	s19 =	sadd.s32 $0x40, s19;
	v3 =	vld [tilespmem:$0x1B110]  }
0x215: {  	v4 =	vld [tilespmem:s18+$0xFFFFFF50]  }
0x216: {  	v5 =	vld [tilespmem:$0x1B120]  }
0x217: {  	v6 =	vld [tilespmem:s18+$0xFFFFFF60]  }
0x218: {  	v7 =	vld [tilespmem:$0x1B130]  }
0x219: {  	v0 =	vmul.f32 v0, v1;
	v1 =	vmul.f32 v3, v2;
	v2 =	vld [tilespmem:s18+$0xFFFFFF70]  }
0x21a: {  	v3 =	vld [tilespmem:$0x1B140]  }
0x21b: {  	v0 =	vadd.f32 v1, v0;
	v1 =	vmul.f32 v5, v4;
	v4 =	vld [tilespmem:s18+$0xFFFFFF80]  }
0x21c: {  	v5 =	vld [tilespmem:$0x1B150]  }
0x21d: {  	v50 =	vld [tilespmem:s18+$0xFFFFFF90];
	v0 =	vadd.f32 v1, v0;
	v1 =	vmul.f32 v7, v6  }
0x21e: {  	v51 =	vld [tilespmem:$0x1B160]  }
0x21f: {  	v0 =	vadd.f32 v1, v0;
	v1 =	vmul.f32 v3, v2;
	v2 =	vld [tilespmem:s18+$0xFFFFFFA0]  }
0x220: {  	v3 =	vld [tilespmem:$0x1B170]  }
0x221: {  	v0 =	vadd.f32 v1, v0;
	v1 =	vmul.f32 v5, v4;
	v4 =	vld [tilespmem:s18+$0xFFFFFFB0]  }
0x222: {  	v5 =	vld [tilespmem:$0x1B180]  }
0x223: {  	v52 =	vld [tilespmem:s18+$0xFFFFFFC0];
	v0 =	vadd.f32 v1, v0;
	v1 =	vmul.f32 v51, v50  }
0x224: {  	v53 =	vld [tilespmem:$0x1B190]  }
0x225: {  	v0 =	vadd.f32 v1, v0;
	v1 =	vmul.f32 v3, v2;
	v2 =	vld [tilespmem:s18+$0xFFFFFFD0]  }
0x226: {  	v3 =	vld [tilespmem:$0x1B1A0]  }
0x227: {  	v0 =	vadd.f32 v1, v0;
	v1 =	vmul.f32 v5, v4;
	v4 =	vld [tilespmem:s18+$0xFFFFFFE0]  }
0x228: {  	v5 =	vld [tilespmem:$0x1B1B0]  }
0x229: {  	v54 =	vld [tilespmem:s18+$0xFFFFFFF0];
	v0 =	vadd.f32 v1, v0;
	v1 =	vmul.f32 v53, v52  }
0x22a: {  	v55 =	vld [tilespmem:$0x1B1C0]  }
0x22b: {  	v0 =	vadd.f32 v1, v0;
	v1 =	vmul.f32 v3, v2;
	v2 =	vld [tilespmem:s18+$0x0]  }
0x22c: {  	v3 =	vld [tilespmem:$0x1B1D0]  }
0x22d: {  	v0 =	vadd.f32 v1, v0;
	v1 =	vmul.f32 v5, v4;
	v4 =	vld [tilespmem:s18+$0x10]  }
0x22e: {  	v5 =	vld [tilespmem:$0x1B1E0]  }
0x22f: {  	v56 =	vld [tilespmem:s18+$0x20];
	v0 =	vadd.f32 v1, v0;
	v1 =	vmul.f32 v55, v54  }
0x230: {  	v57 =	vld [tilespmem:$0x1B1F0]  }
0x231: {  	v0 =	vadd.f32 v1, v0;
	v1 =	vmul.f32 v3, v2;
	v2 =	vld [tilespmem:s18+$0x30]  }
0x232: {  	v3 =	vld [tilespmem:$0x1B200]  }
0x233: {  	v0 =	vadd.f32 v1, v0;
	v1 =	vmul.f32 v5, v4;
	v4 =	vld [tilespmem:s18+$0x40]  }
0x234: {  	v5 =	vld [tilespmem:$0x1B210]  }
0x235: {  	v58 =	vld [tilespmem:s18+$0x50];
	v0 =	vadd.f32 v1, v0;
	v1 =	vmul.f32 v57, v56  }
0x236: {  	v59 =	vld [tilespmem:$0x1B220]  }
0x237: {  	v0 =	vadd.f32 v1, v0;
	v1 =	vmul.f32 v3, v2;
	v2 =	vld [tilespmem:s18+$0x60]  }
0x238: {  	v3 =	vld [tilespmem:$0x1B230]  }
0x239: {  	v0 =	vadd.f32 v1, v0;
	v1 =	vmul.f32 v5, v4;
	v4 =	vld [tilespmem:s18+$0x70]  }
0x23a: {  	v5 =	vld [tilespmem:$0x1B240]  }
0x23b: {  	v60 =	vld [tilespmem:s18+$0x80];
	v0 =	vadd.f32 v1, v0;
	v1 =	vmul.f32 v59, v58  }
0x23c: {  	v61 =	vld [tilespmem:$0x1B250]  }
0x23d: {  	v0 =	vadd.f32 v1, v0;
	v1 =	vmul.f32 v3, v2;
	v2 =	vld [tilespmem:s18+$0x90]  }
0x23e: {  	v3 =	vld [tilespmem:$0x1B260]  }
0x23f: {  	v0 =	vadd.f32 v1, v0;
	v1 =	vmul.f32 v5, v4;
	v4 =	vld [tilespmem:s18+$0xA0]  }
0x240: {  	v5 =	vld [tilespmem:$0x1B270]  }
0x241: {  	v62 =	vld [tilespmem:s18+$0xB0];
	v0 =	vadd.f32 v1, v0;
	v1 =	vmul.f32 v61, v60  }
0x242: {  	v63 =	vld [tilespmem:$0x1B280]  }
0x243: {  	v0 =	vadd.f32 v1, v0;
	v1 =	vmul.f32 v3, v2;
	v2 =	vld [tilespmem:s18+$0xC0]  }
0x244: {  	v3 =	vld [tilespmem:$0x1B290]  }
0x245: {  	v0 =	vadd.f32 v1, v0;
	v1 =	vmul.f32 v5, v4;
	_ =	sdelay $0x1  }
0x246: {  	v0 =	vadd.f32 v1, v0;
	v1 =	vmul.f32 v63, v62;
	_ =	sdelay $0x1  }
0x247: {  	v0 =	vadd.f32 v1, v0;
	v1 =	vmul.f32 v3, v2;
	_ =	sdelay $0x1  }
0x248: {  	v0 =	vadd.f32 v1, v0  }
0x249: {  	s17 =	sshra.s32 s17, $0x2  }
0x24a: {  	[tilespmem:s17+$0x1AD00] =	vst v0;
	s17 =	simm.s32 $0x0  }
0x24b: {  	[hbm4b:s25+s17] =	stream.linear.scatter [tilespmem:s11], [sflag:$0x7], $0x400, $0x38;
	[tilespmem:$0x1B2A0] =	vst v63  }
0x24c: {  	_ =	swait.ge [sflag:s1], $0x400  }
0x24d: {  	[sflag:s1] =	ssyncset.done $0x0  }
0x24e: {  	[sflag:s1] =	ssyncadd.s32 $0xFFFFFC00  }
0x24f: {  	_ =	swait.ge [sflag:s15], $0x6800  }
0x250: {  	[sflag:s15] =	ssyncset.done $0x0  }
0x251: {  	s19 =	rddreg [dreg:$0x9];
	[sflag:s15] =	ssyncadd.s32 $0xFFFF9800  }
0x252: {  	[tilespmem:s2], [sflag:$0x7] =	stream.linear.gather [hbm4b:s19+s17], $0x680, $0x38;
	[tilespmem:$0x1B2A0] =	vst v63  }
0x253: {  	_ =	swait.ge [sflag:s1], $0x680  }
0x254: {  	[sflag:s1] =	ssyncset.done $0x0  }
0x255: {  	[sflag:s1] =	ssyncadd.s32 $0xFFFFF980  }
0x256: {  	[tilespmem:s7], [sflag:$0x2] =	stream.indirect.gather [hbm4b:s4+s2], $0x10, s2, s2, $0xb8;
	[tilespmem:$0x1B2A0] =	vst v63  }
0x257: {  	_ = 	snop  }
0x258: {  	[tilespmem:s8], [sflag:$0x4] =	stream.indirect.gather [hbm4b:s5+s2], $0x10, s2, s2, $0xb8;
	[tilespmem:$0x1B2A0] =	vst v63  }
0x259: {  	_ =	swait.ge [sflag:s9], $0x6800  }
0x25a: {  	[sflag:s9] =	ssyncset.done $0x0  }
0x25b: {  	s20 =	rddreg [dreg:$0x10];
	[sflag:s9] =	ssyncadd.s32 $0xFFFF9800  }
0x25c: {  	[hbm4b:s20+s17] =	stream.linear.scatter [tilespmem:s0], [sflag:$0x5], $0x6800, $0x38;
	[tilespmem:$0x1B2A0] =	vst v63  }
0x25d: {  	_ =	swait.ge [sflag:s10], $0x6800  }
0x25e: {  	[sflag:s10] =	ssyncset.done $0x0  }
0x25f: {  	[sflag:s10] =	ssyncadd.s32 $0xFFFF9800  }
0x260: {  	s18 =	simm.s32 $0xDDD0;
	v0 =	vld [tilespmem:$0x1B100]  }
0x261: {  	v1 =	vld [tilespmem:s18+$0xFFFFFF30]  }
0x262: {  	v2 =	vld [tilespmem:s18+$0xFFFFFF40]  }
0x263: {  	s19 =	simm.s32 $0x40;
	v3 =	vld [tilespmem:$0x1B110]  }
.LBB2_10:
0x264: {  	p0 =	sne.s32 s19, $0xFC0;
	v4 =	vld [tilespmem:s18+$0xFFFFFF50]  }
0x265: {  	v5 =	vld [tilespmem:$0x1B120]  }
0x266: {  	v6 =	vld [tilespmem:s18+$0xFFFFFF60]  }
0x267: {  	v7 =	vld [tilespmem:$0x1B130]  }
0x268: {  	v0 =	vmul.f32 v0, v1;
	v1 =	vmul.f32 v3, v2;
	v2 =	vld [tilespmem:s18+$0xFFFFFF70]  }
0x269: {  	v3 =	vld [tilespmem:$0x1B140]  }
0x26a: {  	v0 =	vadd.f32 v1, v0;
	v1 =	vmul.f32 v5, v4;
	v4 =	vld [tilespmem:s18+$0xFFFFFF80]  }
0x26b: {  	v5 =	vld [tilespmem:$0x1B150]  }
0x26c: {  	v0 =	vadd.f32 v1, v0;
	v1 =	vmul.f32 v7, v6;
	v6 =	vld [tilespmem:s18+$0xFFFFFF90]  }
0x26d: {  	v7 =	vld [tilespmem:$0x1B160]  }
0x26e: {  	v0 =	vadd.f32 v1, v0;
	v1 =	vmul.f32 v3, v2;
	v2 =	vld [tilespmem:s18+$0xFFFFFFA0]  }
0x26f: {  	v3 =	vld [tilespmem:$0x1B170]  }
0x270: {  	v0 =	vadd.f32 v1, v0;
	v1 =	vmul.f32 v5, v4;
	v4 =	vld [tilespmem:s18+$0xFFFFFFB0]  }
0x271: {  	v5 =	vld [tilespmem:$0x1B180]  }
0x272: {  	v0 =	vadd.f32 v1, v0;
	v1 =	vmul.f32 v7, v6;
	v6 =	vld [tilespmem:s18+$0xFFFFFFC0]  }
0x273: {  	v7 =	vld [tilespmem:$0x1B190]  }
0x274: {  	v0 =	vadd.f32 v1, v0;
	v1 =	vmul.f32 v3, v2;
	v2 =	vld [tilespmem:s18+$0xFFFFFFD0]  }
0x275: {  	v3 =	vld [tilespmem:$0x1B1A0]  }
0x276: {  	v0 =	vadd.f32 v1, v0;
	v1 =	vmul.f32 v5, v4;
	v4 =	vld [tilespmem:s18+$0xFFFFFFE0]  }
0x277: {  	v5 =	vld [tilespmem:$0x1B1B0]  }
0x278: {  	v0 =	vadd.f32 v1, v0;
	v1 =	vmul.f32 v7, v6;
	v6 =	vld [tilespmem:s18+$0xFFFFFFF0]  }
0x279: {  	v7 =	vld [tilespmem:$0x1B1C0]  }
0x27a: {  	v0 =	vadd.f32 v1, v0;
	v1 =	vmul.f32 v3, v2;
	v2 =	vld [tilespmem:s18+$0x0]  }
0x27b: {  	v3 =	vld [tilespmem:$0x1B1D0]  }
0x27c: {  	v0 =	vadd.f32 v1, v0;
	v1 =	vmul.f32 v5, v4;
	v4 =	vld [tilespmem:s18+$0x10]  }
0x27d: {  	v5 =	vld [tilespmem:$0x1B1E0]  }
0x27e: {  	v0 =	vadd.f32 v1, v0;
	v1 =	vmul.f32 v7, v6;
	v6 =	vld [tilespmem:s18+$0x20]  }
0x27f: {  	v7 =	vld [tilespmem:$0x1B1F0]  }
0x280: {  	v0 =	vadd.f32 v1, v0;
	v1 =	vmul.f32 v3, v2;
	v2 =	vld [tilespmem:s18+$0x30]  }
0x281: {  	v3 =	vld [tilespmem:$0x1B200]  }
0x282: {  	v0 =	vadd.f32 v1, v0;
	v1 =	vmul.f32 v5, v4;
	v4 =	vld [tilespmem:s18+$0x40]  }
0x283: {  	v5 =	vld [tilespmem:$0x1B210]  }
0x284: {  	v0 =	vadd.f32 v1, v0;
	v1 =	vmul.f32 v7, v6;
	v6 =	vld [tilespmem:s18+$0x50]  }
0x285: {  	v7 =	vld [tilespmem:$0x1B220]  }
0x286: {  	v0 =	vadd.f32 v1, v0;
	v1 =	vmul.f32 v3, v2;
	v2 =	vld [tilespmem:s18+$0x60]  }
0x287: {  	v3 =	vld [tilespmem:$0x1B230]  }
0x288: {  	v0 =	vadd.f32 v1, v0;
	v1 =	vmul.f32 v5, v4;
	v4 =	vld [tilespmem:s18+$0x70]  }
0x289: {  	v5 =	vld [tilespmem:$0x1B240]  }
0x28a: {  	v0 =	vadd.f32 v1, v0;
	v1 =	vmul.f32 v7, v6;
	v6 =	vld [tilespmem:s18+$0x80]  }
0x28b: {  	v7 =	vld [tilespmem:$0x1B250]  }
0x28c: {  	v0 =	vadd.f32 v1, v0;
	v1 =	vmul.f32 v3, v2;
	v2 =	vld [tilespmem:s18+$0x90]  }
0x28d: {  	v3 =	vld [tilespmem:$0x1B260]  }
0x28e: {  	v0 =	vadd.f32 v1, v0;
	v1 =	vmul.f32 v5, v4;
	v4 =	vld [tilespmem:s18+$0xA0]  }
0x28f: {  	v5 =	vld [tilespmem:$0x1B270]  }
0x290: {  	v0 =	vadd.f32 v1, v0;
	v1 =	vmul.f32 v7, v6;
	v6 =	vld [tilespmem:s18+$0xB0]  }
0x291: {  	v7 =	vld [tilespmem:$0x1B280]  }
0x292: {  	v0 =	vadd.f32 v1, v0;
	v1 =	vmul.f32 v3, v2;
	v2 =	vld [tilespmem:s18+$0xC0]  }
0x293: {  	v3 =	vld [tilespmem:$0x1B290]  }
0x294: {  	v0 =	vadd.f32 v1, v0;
	v1 =	vmul.f32 v5, v4;
	_ =	sdelay $0x1  }
0x295: {  	v0 =	vadd.f32 v1, v0;
	v1 =	vmul.f32 v7, v6;
	_ =	sdelay $0x1  }
0x296: {  	v0 =	vadd.f32 v1, v0;
	v1 =	vmul.f32 v3, v2;
	_ =	sdelay $0x1  }
0x297: {  	v0 =	vadd.f32 v1, v0  }
0x298: {  	s20 =	sshra.s32 s17, $0x2;
	s17 =	smov.u32 s19  }
.Ltmp4:
0x299: {  	[tilespmem:s20+$0x1AD00] =	vst v0;
	(pc) =	sbr.rel @p0 .LBB2_10-.Ltmp4, $4  }
0x29a: {  	s18 =	sadd.s32 $0x1A0, s18;
	v0 =	vld [tilespmem:$0x1B100]  }
0x29b: {  	v1 =	vld [tilespmem:s18+$0xFFFFFF30]  }
0x29c: {  	v2 =	vld [tilespmem:s18+$0xFFFFFF40]  }
0x29d: {  	s19 =	sadd.s32 $0x40, s19;
	v3 =	vld [tilespmem:$0x1B110]  }
0x29e: {  	v4 =	vld [tilespmem:s18+$0xFFFFFF50]  }
0x29f: {  	v5 =	vld [tilespmem:$0x1B120]  }
0x2a0: {  	v6 =	vld [tilespmem:s18+$0xFFFFFF60]  }
0x2a1: {  	v7 =	vld [tilespmem:$0x1B130]  }
0x2a2: {  	v0 =	vmul.f32 v0, v1;
	v1 =	vmul.f32 v3, v2;
	v2 =	vld [tilespmem:s18+$0xFFFFFF70]  }
0x2a3: {  	v3 =	vld [tilespmem:$0x1B140]  }
0x2a4: {  	v0 =	vadd.f32 v1, v0;
	v1 =	vmul.f32 v5, v4;
	v4 =	vld [tilespmem:s18+$0xFFFFFF80]  }
0x2a5: {  	v5 =	vld [tilespmem:$0x1B150]  }
0x2a6: {  	v50 =	vld [tilespmem:s18+$0xFFFFFF90];
	v0 =	vadd.f32 v1, v0;
	v1 =	vmul.f32 v7, v6  }
0x2a7: {  	v51 =	vld [tilespmem:$0x1B160]  }
0x2a8: {  	v0 =	vadd.f32 v1, v0;
	v1 =	vmul.f32 v3, v2;
	v2 =	vld [tilespmem:s18+$0xFFFFFFA0]  }
0x2a9: {  	v3 =	vld [tilespmem:$0x1B170]  }
0x2aa: {  	v0 =	vadd.f32 v1, v0;
	v1 =	vmul.f32 v5, v4;
	v4 =	vld [tilespmem:s18+$0xFFFFFFB0]  }
0x2ab: {  	v5 =	vld [tilespmem:$0x1B180]  }
0x2ac: {  	v52 =	vld [tilespmem:s18+$0xFFFFFFC0];
	v0 =	vadd.f32 v1, v0;
	v1 =	vmul.f32 v51, v50  }
0x2ad: {  	v53 =	vld [tilespmem:$0x1B190]  }
0x2ae: {  	v0 =	vadd.f32 v1, v0;
	v1 =	vmul.f32 v3, v2;
	v2 =	vld [tilespmem:s18+$0xFFFFFFD0]  }
0x2af: {  	v3 =	vld [tilespmem:$0x1B1A0]  }
0x2b0: {  	v0 =	vadd.f32 v1, v0;
	v1 =	vmul.f32 v5, v4;
	v4 =	vld [tilespmem:s18+$0xFFFFFFE0]  }
0x2b1: {  	v5 =	vld [tilespmem:$0x1B1B0]  }
0x2b2: {  	v54 =	vld [tilespmem:s18+$0xFFFFFFF0];
	v0 =	vadd.f32 v1, v0;
	v1 =	vmul.f32 v53, v52  }
0x2b3: {  	v55 =	vld [tilespmem:$0x1B1C0]  }
0x2b4: {  	v0 =	vadd.f32 v1, v0;
	v1 =	vmul.f32 v3, v2;
	v2 =	vld [tilespmem:s18+$0x0]  }
0x2b5: {  	v3 =	vld [tilespmem:$0x1B1D0]  }
0x2b6: {  	v0 =	vadd.f32 v1, v0;
	v1 =	vmul.f32 v5, v4;
	v4 =	vld [tilespmem:s18+$0x10]  }
0x2b7: {  	v5 =	vld [tilespmem:$0x1B1E0]  }
0x2b8: {  	v56 =	vld [tilespmem:s18+$0x20];
	v0 =	vadd.f32 v1, v0;
	v1 =	vmul.f32 v55, v54  }
0x2b9: {  	v57 =	vld [tilespmem:$0x1B1F0]  }
0x2ba: {  	v0 =	vadd.f32 v1, v0;
	v1 =	vmul.f32 v3, v2;
	v2 =	vld [tilespmem:s18+$0x30]  }
0x2bb: {  	v3 =	vld [tilespmem:$0x1B200]  }
0x2bc: {  	v0 =	vadd.f32 v1, v0;
	v1 =	vmul.f32 v5, v4;
	v4 =	vld [tilespmem:s18+$0x40]  }
0x2bd: {  	v5 =	vld [tilespmem:$0x1B210]  }
0x2be: {  	v58 =	vld [tilespmem:s18+$0x50];
	v0 =	vadd.f32 v1, v0;
	v1 =	vmul.f32 v57, v56  }
0x2bf: {  	v59 =	vld [tilespmem:$0x1B220]  }
0x2c0: {  	v0 =	vadd.f32 v1, v0;
	v1 =	vmul.f32 v3, v2;
	v2 =	vld [tilespmem:s18+$0x60]  }
0x2c1: {  	v3 =	vld [tilespmem:$0x1B230]  }
0x2c2: {  	v0 =	vadd.f32 v1, v0;
	v1 =	vmul.f32 v5, v4;
	v4 =	vld [tilespmem:s18+$0x70]  }
0x2c3: {  	v5 =	vld [tilespmem:$0x1B240]  }
0x2c4: {  	v60 =	vld [tilespmem:s18+$0x80];
	v0 =	vadd.f32 v1, v0;
	v1 =	vmul.f32 v59, v58  }
0x2c5: {  	v61 =	vld [tilespmem:$0x1B250]  }
0x2c6: {  	v0 =	vadd.f32 v1, v0;
	v1 =	vmul.f32 v3, v2;
	v2 =	vld [tilespmem:s18+$0x90]  }
0x2c7: {  	v3 =	vld [tilespmem:$0x1B260]  }
0x2c8: {  	v0 =	vadd.f32 v1, v0;
	v1 =	vmul.f32 v5, v4;
	v4 =	vld [tilespmem:s18+$0xA0]  }
0x2c9: {  	v5 =	vld [tilespmem:$0x1B270]  }
0x2ca: {  	v62 =	vld [tilespmem:s18+$0xB0];
	v0 =	vadd.f32 v1, v0;
	v1 =	vmul.f32 v61, v60  }
0x2cb: {  	v63 =	vld [tilespmem:$0x1B280]  }
0x2cc: {  	v0 =	vadd.f32 v1, v0;
	v1 =	vmul.f32 v3, v2;
	v2 =	vld [tilespmem:s18+$0xC0]  }
0x2cd: {  	v3 =	vld [tilespmem:$0x1B290]  }
0x2ce: {  	v0 =	vadd.f32 v1, v0;
	v1 =	vmul.f32 v5, v4;
	_ =	sdelay $0x1  }
0x2cf: {  	v0 =	vadd.f32 v1, v0;
	v1 =	vmul.f32 v63, v62;
	_ =	sdelay $0x1  }
0x2d0: {  	v0 =	vadd.f32 v1, v0;
	v1 =	vmul.f32 v3, v2;
	_ =	sdelay $0x1  }
0x2d1: {  	v0 =	vadd.f32 v1, v0  }
0x2d2: {  	s17 =	sshra.s32 s17, $0x2  }
0x2d3: {  	[tilespmem:s17+$0x1AD00] =	vst v0;
	s17 =	simm.s32 $0x0  }
0x2d4: {  	[hbm4b:s26+s17] =	stream.linear.scatter [tilespmem:s11], [sflag:$0x7], $0x400, $0x38;
	[tilespmem:$0x1B2A0] =	vst v63  }
0x2d5: {  	_ =	swait.ge [sflag:s1], $0x400  }
0x2d6: {  	[sflag:s1] =	ssyncset.done $0x0  }
0x2d7: {  	[sflag:s1] =	ssyncadd.s32 $0xFFFFFC00  }
0x2d8: {  	_ =	swait.ge [sflag:s12], $0x6800  }
0x2d9: {  	[sflag:s12] =	ssyncset.done $0x0  }
0x2da: {  	s19 =	rddreg [dreg:$0xa];
	[sflag:s12] =	ssyncadd.s32 $0xFFFF9800  }
0x2db: {  	[tilespmem:s17], [sflag:$0x7] =	stream.linear.gather [hbm4b:s19+s17], $0x680, $0x38;
	[tilespmem:$0x1B2A0] =	vst v63  }
0x2dc: {  	_ =	swait.ge [sflag:s1], $0x680  }
0x2dd: {  	[sflag:s1] =	ssyncset.done $0x0  }
0x2de: {  	[sflag:s1] =	ssyncadd.s32 $0xFFFFF980  }
0x2df: {  	[tilespmem:s0], [sflag:$0x1] =	stream.indirect.gather [hbm4b:s4+s2], $0x10, s17, s2, $0xb8;
	[tilespmem:$0x1B2A0] =	vst v63  }
0x2e0: {  	_ = 	snop  }
0x2e1: {  	[tilespmem:s6], [sflag:$0x3] =	stream.indirect.gather [hbm4b:s5+s2], $0x10, s17, s2, $0xb8;
	[tilespmem:$0x1B2A0] =	vst v63  }
0x2e2: {  	_ =	swait.ge [sflag:s13], $0x6800  }
0x2e3: {  	[sflag:s13] =	ssyncset.done $0x0  }
0x2e4: {  	s20 =	rddreg [dreg:$0x11];
	[sflag:s13] =	ssyncadd.s32 $0xFFFF9800  }
0x2e5: {  	[hbm4b:s20+s17] =	stream.linear.scatter [tilespmem:s7], [sflag:$0x6], $0x6800, $0x38;
	[tilespmem:$0x1B2A0] =	vst v63  }
0x2e6: {  	_ =	swait.ge [sflag:s14], $0x6800  }
0x2e7: {  	[sflag:s14] =	ssyncset.done $0x0  }
0x2e8: {  	[sflag:s14] =	ssyncadd.s32 $0xFFFF9800  }
0x2e9: {  	s18 =	simm.s32 $0x145D0;
	v0 =	vld [tilespmem:$0x1B100]  }
0x2ea: {  	v1 =	vld [tilespmem:s18+$0xFFFFFF30]  }
0x2eb: {  	v2 =	vld [tilespmem:s18+$0xFFFFFF40]  }
0x2ec: {  	s19 =	simm.s32 $0x40;
	v3 =	vld [tilespmem:$0x1B110]  }
.LBB2_12:
0x2ed: {  	p0 =	sne.s32 s19, $0xFC0;
	v4 =	vld [tilespmem:s18+$0xFFFFFF50]  }
0x2ee: {  	v5 =	vld [tilespmem:$0x1B120]  }
0x2ef: {  	v6 =	vld [tilespmem:s18+$0xFFFFFF60]  }
0x2f0: {  	v7 =	vld [tilespmem:$0x1B130]  }
0x2f1: {  	v0 =	vmul.f32 v0, v1;
	v1 =	vmul.f32 v3, v2;
	v2 =	vld [tilespmem:s18+$0xFFFFFF70]  }
0x2f2: {  	v3 =	vld [tilespmem:$0x1B140]  }
0x2f3: {  	v0 =	vadd.f32 v1, v0;
	v1 =	vmul.f32 v5, v4;
	v4 =	vld [tilespmem:s18+$0xFFFFFF80]  }
0x2f4: {  	v5 =	vld [tilespmem:$0x1B150]  }
0x2f5: {  	v0 =	vadd.f32 v1, v0;
	v1 =	vmul.f32 v7, v6;
	v6 =	vld [tilespmem:s18+$0xFFFFFF90]  }
0x2f6: {  	v7 =	vld [tilespmem:$0x1B160]  }
0x2f7: {  	v0 =	vadd.f32 v1, v0;
	v1 =	vmul.f32 v3, v2;
	v2 =	vld [tilespmem:s18+$0xFFFFFFA0]  }
0x2f8: {  	v3 =	vld [tilespmem:$0x1B170]  }
0x2f9: {  	v0 =	vadd.f32 v1, v0;
	v1 =	vmul.f32 v5, v4;
	v4 =	vld [tilespmem:s18+$0xFFFFFFB0]  }
0x2fa: {  	v5 =	vld [tilespmem:$0x1B180]  }
0x2fb: {  	v0 =	vadd.f32 v1, v0;
	v1 =	vmul.f32 v7, v6;
	v6 =	vld [tilespmem:s18+$0xFFFFFFC0]  }
0x2fc: {  	v7 =	vld [tilespmem:$0x1B190]  }
0x2fd: {  	v0 =	vadd.f32 v1, v0;
	v1 =	vmul.f32 v3, v2;
	v2 =	vld [tilespmem:s18+$0xFFFFFFD0]  }
0x2fe: {  	v3 =	vld [tilespmem:$0x1B1A0]  }
0x2ff: {  	v0 =	vadd.f32 v1, v0;
	v1 =	vmul.f32 v5, v4;
	v4 =	vld [tilespmem:s18+$0xFFFFFFE0]  }
0x300: {  	v5 =	vld [tilespmem:$0x1B1B0]  }
0x301: {  	v0 =	vadd.f32 v1, v0;
	v1 =	vmul.f32 v7, v6;
	v6 =	vld [tilespmem:s18+$0xFFFFFFF0]  }
0x302: {  	v7 =	vld [tilespmem:$0x1B1C0]  }
0x303: {  	v0 =	vadd.f32 v1, v0;
	v1 =	vmul.f32 v3, v2;
	v2 =	vld [tilespmem:s18+$0x0]  }
0x304: {  	v3 =	vld [tilespmem:$0x1B1D0]  }
0x305: {  	v0 =	vadd.f32 v1, v0;
	v1 =	vmul.f32 v5, v4;
	v4 =	vld [tilespmem:s18+$0x10]  }
0x306: {  	v5 =	vld [tilespmem:$0x1B1E0]  }
0x307: {  	v0 =	vadd.f32 v1, v0;
	v1 =	vmul.f32 v7, v6;
	v6 =	vld [tilespmem:s18+$0x20]  }
0x308: {  	v7 =	vld [tilespmem:$0x1B1F0]  }
0x309: {  	v0 =	vadd.f32 v1, v0;
	v1 =	vmul.f32 v3, v2;
	v2 =	vld [tilespmem:s18+$0x30]  }
0x30a: {  	v3 =	vld [tilespmem:$0x1B200]  }
0x30b: {  	v0 =	vadd.f32 v1, v0;
	v1 =	vmul.f32 v5, v4;
	v4 =	vld [tilespmem:s18+$0x40]  }
0x30c: {  	v5 =	vld [tilespmem:$0x1B210]  }
0x30d: {  	v0 =	vadd.f32 v1, v0;
	v1 =	vmul.f32 v7, v6;
	v6 =	vld [tilespmem:s18+$0x50]  }
0x30e: {  	v7 =	vld [tilespmem:$0x1B220]  }
0x30f: {  	v0 =	vadd.f32 v1, v0;
	v1 =	vmul.f32 v3, v2;
	v2 =	vld [tilespmem:s18+$0x60]  }
0x310: {  	v3 =	vld [tilespmem:$0x1B230]  }
0x311: {  	v0 =	vadd.f32 v1, v0;
	v1 =	vmul.f32 v5, v4;
	v4 =	vld [tilespmem:s18+$0x70]  }
0x312: {  	v5 =	vld [tilespmem:$0x1B240]  }
0x313: {  	v0 =	vadd.f32 v1, v0;
	v1 =	vmul.f32 v7, v6;
	v6 =	vld [tilespmem:s18+$0x80]  }
0x314: {  	v7 =	vld [tilespmem:$0x1B250]  }
0x315: {  	v0 =	vadd.f32 v1, v0;
	v1 =	vmul.f32 v3, v2;
	v2 =	vld [tilespmem:s18+$0x90]  }
0x316: {  	v3 =	vld [tilespmem:$0x1B260]  }
0x317: {  	v0 =	vadd.f32 v1, v0;
	v1 =	vmul.f32 v5, v4;
	v4 =	vld [tilespmem:s18+$0xA0]  }
0x318: {  	v5 =	vld [tilespmem:$0x1B270]  }
0x319: {  	v0 =	vadd.f32 v1, v0;
	v1 =	vmul.f32 v7, v6;
	v6 =	vld [tilespmem:s18+$0xB0]  }
0x31a: {  	v7 =	vld [tilespmem:$0x1B280]  }
0x31b: {  	v0 =	vadd.f32 v1, v0;
	v1 =	vmul.f32 v3, v2;
	v2 =	vld [tilespmem:s18+$0xC0]  }
0x31c: {  	v3 =	vld [tilespmem:$0x1B290]  }
0x31d: {  	v0 =	vadd.f32 v1, v0;
	v1 =	vmul.f32 v5, v4;
	_ =	sdelay $0x1  }
0x31e: {  	v0 =	vadd.f32 v1, v0;
	v1 =	vmul.f32 v7, v6;
	_ =	sdelay $0x1  }
0x31f: {  	v0 =	vadd.f32 v1, v0;
	v1 =	vmul.f32 v3, v2;
	_ =	sdelay $0x1  }
0x320: {  	v0 =	vadd.f32 v1, v0  }
0x321: {  	s20 =	sshra.s32 s17, $0x2;
	s17 =	smov.u32 s19  }
.Ltmp5:
0x322: {  	[tilespmem:s20+$0x1AD00] =	vst v0;
	(pc) =	sbr.rel @p0 .LBB2_12-.Ltmp5, $4  }
0x323: {  	s18 =	sadd.s32 $0x1A0, s18;
	v0 =	vld [tilespmem:$0x1B100]  }
0x324: {  	v1 =	vld [tilespmem:s18+$0xFFFFFF30]  }
0x325: {  	v2 =	vld [tilespmem:s18+$0xFFFFFF40]  }
0x326: {  	s19 =	sadd.s32 $0x40, s19;
	v3 =	vld [tilespmem:$0x1B110]  }
0x327: {  	v4 =	vld [tilespmem:s18+$0xFFFFFF50]  }
0x328: {  	v5 =	vld [tilespmem:$0x1B120]  }
0x329: {  	v6 =	vld [tilespmem:s18+$0xFFFFFF60]  }
0x32a: {  	v7 =	vld [tilespmem:$0x1B130]  }
0x32b: {  	v0 =	vmul.f32 v0, v1;
	v1 =	vmul.f32 v3, v2;
	v2 =	vld [tilespmem:s18+$0xFFFFFF70]  }
0x32c: {  	v3 =	vld [tilespmem:$0x1B140]  }
0x32d: {  	v0 =	vadd.f32 v1, v0;
	v1 =	vmul.f32 v5, v4;
	v4 =	vld [tilespmem:s18+$0xFFFFFF80]  }
0x32e: {  	v5 =	vld [tilespmem:$0x1B150]  }
0x32f: {  	v50 =	vld [tilespmem:s18+$0xFFFFFF90];
	v0 =	vadd.f32 v1, v0;
	v1 =	vmul.f32 v7, v6  }
0x330: {  	v51 =	vld [tilespmem:$0x1B160]  }
0x331: {  	v0 =	vadd.f32 v1, v0;
	v1 =	vmul.f32 v3, v2;
	v2 =	vld [tilespmem:s18+$0xFFFFFFA0]  }
0x332: {  	v3 =	vld [tilespmem:$0x1B170]  }
0x333: {  	v0 =	vadd.f32 v1, v0;
	v1 =	vmul.f32 v5, v4;
	v4 =	vld [tilespmem:s18+$0xFFFFFFB0]  }
0x334: {  	v5 =	vld [tilespmem:$0x1B180]  }
0x335: {  	v52 =	vld [tilespmem:s18+$0xFFFFFFC0];
	v0 =	vadd.f32 v1, v0;
	v1 =	vmul.f32 v51, v50  }
0x336: {  	v53 =	vld [tilespmem:$0x1B190]  }
0x337: {  	v0 =	vadd.f32 v1, v0;
	v1 =	vmul.f32 v3, v2;
	v2 =	vld [tilespmem:s18+$0xFFFFFFD0]  }
0x338: {  	v3 =	vld [tilespmem:$0x1B1A0]  }
0x339: {  	v0 =	vadd.f32 v1, v0;
	v1 =	vmul.f32 v5, v4;
	v4 =	vld [tilespmem:s18+$0xFFFFFFE0]  }
0x33a: {  	v5 =	vld [tilespmem:$0x1B1B0]  }
0x33b: {  	v54 =	vld [tilespmem:s18+$0xFFFFFFF0];
	v0 =	vadd.f32 v1, v0;
	v1 =	vmul.f32 v53, v52  }
0x33c: {  	v55 =	vld [tilespmem:$0x1B1C0]  }
0x33d: {  	v0 =	vadd.f32 v1, v0;
	v1 =	vmul.f32 v3, v2;
	v2 =	vld [tilespmem:s18+$0x0]  }
0x33e: {  	v3 =	vld [tilespmem:$0x1B1D0]  }
0x33f: {  	v0 =	vadd.f32 v1, v0;
	v1 =	vmul.f32 v5, v4;
	v4 =	vld [tilespmem:s18+$0x10]  }
0x340: {  	v5 =	vld [tilespmem:$0x1B1E0]  }
0x341: {  	v56 =	vld [tilespmem:s18+$0x20];
	v0 =	vadd.f32 v1, v0;
	v1 =	vmul.f32 v55, v54  }
0x342: {  	v57 =	vld [tilespmem:$0x1B1F0]  }
0x343: {  	v0 =	vadd.f32 v1, v0;
	v1 =	vmul.f32 v3, v2;
	v2 =	vld [tilespmem:s18+$0x30]  }
0x344: {  	v3 =	vld [tilespmem:$0x1B200]  }
0x345: {  	v0 =	vadd.f32 v1, v0;
	v1 =	vmul.f32 v5, v4;
	v4 =	vld [tilespmem:s18+$0x40]  }
0x346: {  	v5 =	vld [tilespmem:$0x1B210]  }
0x347: {  	v58 =	vld [tilespmem:s18+$0x50];
	v0 =	vadd.f32 v1, v0;
	v1 =	vmul.f32 v57, v56  }
0x348: {  	v59 =	vld [tilespmem:$0x1B220]  }
0x349: {  	v0 =	vadd.f32 v1, v0;
	v1 =	vmul.f32 v3, v2;
	v2 =	vld [tilespmem:s18+$0x60]  }
0x34a: {  	v3 =	vld [tilespmem:$0x1B230]  }
0x34b: {  	v0 =	vadd.f32 v1, v0;
	v1 =	vmul.f32 v5, v4;
	v4 =	vld [tilespmem:s18+$0x70]  }
0x34c: {  	v5 =	vld [tilespmem:$0x1B240]  }
0x34d: {  	v60 =	vld [tilespmem:s18+$0x80];
	v0 =	vadd.f32 v1, v0;
	v1 =	vmul.f32 v59, v58  }
0x34e: {  	v61 =	vld [tilespmem:$0x1B250]  }
0x34f: {  	v0 =	vadd.f32 v1, v0;
	v1 =	vmul.f32 v3, v2;
	v2 =	vld [tilespmem:s18+$0x90]  }
0x350: {  	v3 =	vld [tilespmem:$0x1B260]  }
0x351: {  	v0 =	vadd.f32 v1, v0;
	v1 =	vmul.f32 v5, v4;
	v4 =	vld [tilespmem:s18+$0xA0]  }
0x352: {  	v5 =	vld [tilespmem:$0x1B270]  }
0x353: {  	v62 =	vld [tilespmem:s18+$0xB0];
	v0 =	vadd.f32 v1, v0;
	v1 =	vmul.f32 v61, v60  }
0x354: {  	v63 =	vld [tilespmem:$0x1B280]  }
0x355: {  	v0 =	vadd.f32 v1, v0;
	v1 =	vmul.f32 v3, v2;
	v2 =	vld [tilespmem:s18+$0xC0]  }
0x356: {  	v3 =	vld [tilespmem:$0x1B290]  }
0x357: {  	v0 =	vadd.f32 v1, v0;
	v1 =	vmul.f32 v5, v4;
	_ =	sdelay $0x1  }
0x358: {  	v0 =	vadd.f32 v1, v0;
	v1 =	vmul.f32 v63, v62;
	_ =	sdelay $0x1  }
0x359: {  	v0 =	vadd.f32 v1, v0;
	v1 =	vmul.f32 v3, v2;
	_ =	sdelay $0x1  }
0x35a: {  	v0 =	vadd.f32 v1, v0  }
0x35b: {  	s17 =	sshra.s32 s17, $0x2  }
0x35c: {  	[tilespmem:s17+$0x1AD00] =	vst v0;
	s17 =	simm.s32 $0x0  }
0x35d: {  	[hbm4b:s28+s17] =	stream.linear.scatter [tilespmem:s11], [sflag:$0x7], $0x400, $0x38;
	[tilespmem:$0x1B2A0] =	vst v63  }
0x35e: {  	_ =	swait.ge [sflag:s1], $0x400  }
0x35f: {  	[sflag:s1] =	ssyncset.done $0x0  }
0x360: {  	[sflag:s1] =	ssyncadd.s32 $0xFFFFFC00  }
0x361: {  	_ =	swait.ge [sflag:s15], $0x6800  }
0x362: {  	[sflag:s15] =	ssyncset.done $0x0  }
0x363: {  	s20 =	rddreg [dreg:$0xb];
	[sflag:s15] =	ssyncadd.s32 $0xFFFF9800  }
0x364: {  	[tilespmem:s2], [sflag:$0x7] =	stream.linear.gather [hbm4b:s20+s17], $0x680, $0x38;
	[tilespmem:$0x1B2A0] =	vst v63  }
0x365: {  	_ =	swait.ge [sflag:s1], $0x680  }
0x366: {  	[sflag:s1] =	ssyncset.done $0x0  }
0x367: {  	[sflag:s1] =	ssyncadd.s32 $0xFFFFF980  }
0x368: {  	[tilespmem:s7], [sflag:$0x2] =	stream.indirect.gather [hbm4b:s4+s2], $0x10, s2, s2, $0xb8;
	[tilespmem:$0x1B2A0] =	vst v63  }
0x369: {  	_ = 	snop  }
0x36a: {  	[tilespmem:s8], [sflag:$0x4] =	stream.indirect.gather [hbm4b:s5+s2], $0x10, s2, s2, $0xb8;
	[tilespmem:$0x1B2A0] =	vst v63  }
0x36b: {  	_ =	swait.ge [sflag:s9], $0x6800  }
0x36c: {  	[sflag:s9] =	ssyncset.done $0x0  }
0x36d: {  	[sflag:s9] =	ssyncadd.s32 $0xFFFF9800  }
0x36e: {  	[hbm4b:s21+s17] =	stream.linear.scatter [tilespmem:s0], [sflag:$0x5], $0x6800, $0x38;
	[tilespmem:$0x1B2A0] =	vst v63  }
0x36f: {  	_ =	swait.ge [sflag:s10], $0x6800  }
0x370: {  	[sflag:s10] =	ssyncset.done $0x0  }
0x371: {  	[sflag:s10] =	ssyncadd.s32 $0xFFFF9800  }
0x372: {  	s18 =	simm.s32 $0xDDD0;
	v0 =	vld [tilespmem:$0x1B100]  }
0x373: {  	v1 =	vld [tilespmem:s18+$0xFFFFFF30]  }
0x374: {  	v2 =	vld [tilespmem:s18+$0xFFFFFF40]  }
0x375: {  	s19 =	simm.s32 $0x40;
	v3 =	vld [tilespmem:$0x1B110]  }
.LBB2_14:
0x376: {  	p0 =	sne.s32 s19, $0xFC0;
	v4 =	vld [tilespmem:s18+$0xFFFFFF50]  }
0x377: {  	v5 =	vld [tilespmem:$0x1B120]  }
0x378: {  	v6 =	vld [tilespmem:s18+$0xFFFFFF60]  }
0x379: {  	v7 =	vld [tilespmem:$0x1B130]  }
0x37a: {  	v0 =	vmul.f32 v0, v1;
	v1 =	vmul.f32 v3, v2;
	v2 =	vld [tilespmem:s18+$0xFFFFFF70]  }
0x37b: {  	v3 =	vld [tilespmem:$0x1B140]  }
0x37c: {  	v0 =	vadd.f32 v1, v0;
	v1 =	vmul.f32 v5, v4;
	v4 =	vld [tilespmem:s18+$0xFFFFFF80]  }
0x37d: {  	v5 =	vld [tilespmem:$0x1B150]  }
0x37e: {  	v0 =	vadd.f32 v1, v0;
	v1 =	vmul.f32 v7, v6;
	v6 =	vld [tilespmem:s18+$0xFFFFFF90]  }
0x37f: {  	v7 =	vld [tilespmem:$0x1B160]  }
0x380: {  	v0 =	vadd.f32 v1, v0;
	v1 =	vmul.f32 v3, v2;
	v2 =	vld [tilespmem:s18+$0xFFFFFFA0]  }
0x381: {  	v3 =	vld [tilespmem:$0x1B170]  }
0x382: {  	v0 =	vadd.f32 v1, v0;
	v1 =	vmul.f32 v5, v4;
	v4 =	vld [tilespmem:s18+$0xFFFFFFB0]  }
0x383: {  	v5 =	vld [tilespmem:$0x1B180]  }
0x384: {  	v0 =	vadd.f32 v1, v0;
	v1 =	vmul.f32 v7, v6;
	v6 =	vld [tilespmem:s18+$0xFFFFFFC0]  }
0x385: {  	v7 =	vld [tilespmem:$0x1B190]  }
0x386: {  	v0 =	vadd.f32 v1, v0;
	v1 =	vmul.f32 v3, v2;
	v2 =	vld [tilespmem:s18+$0xFFFFFFD0]  }
0x387: {  	v3 =	vld [tilespmem:$0x1B1A0]  }
0x388: {  	v0 =	vadd.f32 v1, v0;
	v1 =	vmul.f32 v5, v4;
	v4 =	vld [tilespmem:s18+$0xFFFFFFE0]  }
0x389: {  	v5 =	vld [tilespmem:$0x1B1B0]  }
0x38a: {  	v0 =	vadd.f32 v1, v0;
	v1 =	vmul.f32 v7, v6;
	v6 =	vld [tilespmem:s18+$0xFFFFFFF0]  }
0x38b: {  	v7 =	vld [tilespmem:$0x1B1C0]  }
0x38c: {  	v0 =	vadd.f32 v1, v0;
	v1 =	vmul.f32 v3, v2;
	v2 =	vld [tilespmem:s18+$0x0]  }
0x38d: {  	v3 =	vld [tilespmem:$0x1B1D0]  }
0x38e: {  	v0 =	vadd.f32 v1, v0;
	v1 =	vmul.f32 v5, v4;
	v4 =	vld [tilespmem:s18+$0x10]  }
0x38f: {  	v5 =	vld [tilespmem:$0x1B1E0]  }
0x390: {  	v0 =	vadd.f32 v1, v0;
	v1 =	vmul.f32 v7, v6;
	v6 =	vld [tilespmem:s18+$0x20]  }
0x391: {  	v7 =	vld [tilespmem:$0x1B1F0]  }
0x392: {  	v0 =	vadd.f32 v1, v0;
	v1 =	vmul.f32 v3, v2;
	v2 =	vld [tilespmem:s18+$0x30]  }
0x393: {  	v3 =	vld [tilespmem:$0x1B200]  }
0x394: {  	v0 =	vadd.f32 v1, v0;
	v1 =	vmul.f32 v5, v4;
	v4 =	vld [tilespmem:s18+$0x40]  }
0x395: {  	v5 =	vld [tilespmem:$0x1B210]  }
0x396: {  	v0 =	vadd.f32 v1, v0;
	v1 =	vmul.f32 v7, v6;
	v6 =	vld [tilespmem:s18+$0x50]  }
0x397: {  	v7 =	vld [tilespmem:$0x1B220]  }
0x398: {  	v0 =	vadd.f32 v1, v0;
	v1 =	vmul.f32 v3, v2;
	v2 =	vld [tilespmem:s18+$0x60]  }
0x399: {  	v3 =	vld [tilespmem:$0x1B230]  }
0x39a: {  	v0 =	vadd.f32 v1, v0;
	v1 =	vmul.f32 v5, v4;
	v4 =	vld [tilespmem:s18+$0x70]  }
0x39b: {  	v5 =	vld [tilespmem:$0x1B240]  }
0x39c: {  	v0 =	vadd.f32 v1, v0;
	v1 =	vmul.f32 v7, v6;
	v6 =	vld [tilespmem:s18+$0x80]  }
0x39d: {  	v7 =	vld [tilespmem:$0x1B250]  }
0x39e: {  	v0 =	vadd.f32 v1, v0;
	v1 =	vmul.f32 v3, v2;
	v2 =	vld [tilespmem:s18+$0x90]  }
0x39f: {  	v3 =	vld [tilespmem:$0x1B260]  }
0x3a0: {  	v0 =	vadd.f32 v1, v0;
	v1 =	vmul.f32 v5, v4;
	v4 =	vld [tilespmem:s18+$0xA0]  }
0x3a1: {  	v5 =	vld [tilespmem:$0x1B270]  }
0x3a2: {  	v0 =	vadd.f32 v1, v0;
	v1 =	vmul.f32 v7, v6;
	v6 =	vld [tilespmem:s18+$0xB0]  }
0x3a3: {  	v7 =	vld [tilespmem:$0x1B280]  }
0x3a4: {  	v0 =	vadd.f32 v1, v0;
	v1 =	vmul.f32 v3, v2;
	v2 =	vld [tilespmem:s18+$0xC0]  }
0x3a5: {  	v3 =	vld [tilespmem:$0x1B290]  }
0x3a6: {  	v0 =	vadd.f32 v1, v0;
	v1 =	vmul.f32 v5, v4;
	_ =	sdelay $0x1  }
0x3a7: {  	v0 =	vadd.f32 v1, v0;
	v1 =	vmul.f32 v7, v6;
	_ =	sdelay $0x1  }
0x3a8: {  	v0 =	vadd.f32 v1, v0;
	v1 =	vmul.f32 v3, v2;
	_ =	sdelay $0x1  }
0x3a9: {  	v0 =	vadd.f32 v1, v0  }
0x3aa: {  	s20 =	sshra.s32 s17, $0x2;
	s17 =	smov.u32 s19  }
.Ltmp6:
0x3ab: {  	[tilespmem:s20+$0x1AD00] =	vst v0;
	(pc) =	sbr.rel @p0 .LBB2_14-.Ltmp6, $4  }
0x3ac: {  	s18 =	sadd.s32 $0x1A0, s18;
	v0 =	vld [tilespmem:$0x1B100]  }
0x3ad: {  	v1 =	vld [tilespmem:s18+$0xFFFFFF30]  }
0x3ae: {  	v2 =	vld [tilespmem:s18+$0xFFFFFF40]  }
0x3af: {  	s19 =	sadd.s32 $0x40, s19;
	v3 =	vld [tilespmem:$0x1B110]  }
0x3b0: {  	v4 =	vld [tilespmem:s18+$0xFFFFFF50]  }
0x3b1: {  	v5 =	vld [tilespmem:$0x1B120]  }
0x3b2: {  	v6 =	vld [tilespmem:s18+$0xFFFFFF60]  }
0x3b3: {  	v7 =	vld [tilespmem:$0x1B130]  }
0x3b4: {  	v0 =	vmul.f32 v0, v1;
	v1 =	vmul.f32 v3, v2;
	v2 =	vld [tilespmem:s18+$0xFFFFFF70]  }
0x3b5: {  	v3 =	vld [tilespmem:$0x1B140]  }
0x3b6: {  	v0 =	vadd.f32 v1, v0;
	v1 =	vmul.f32 v5, v4;
	v4 =	vld [tilespmem:s18+$0xFFFFFF80]  }
0x3b7: {  	v5 =	vld [tilespmem:$0x1B150]  }
0x3b8: {  	v50 =	vld [tilespmem:s18+$0xFFFFFF90];
	v0 =	vadd.f32 v1, v0;
	v1 =	vmul.f32 v7, v6  }
0x3b9: {  	v51 =	vld [tilespmem:$0x1B160]  }
0x3ba: {  	v0 =	vadd.f32 v1, v0;
	v1 =	vmul.f32 v3, v2;
	v2 =	vld [tilespmem:s18+$0xFFFFFFA0]  }
0x3bb: {  	v3 =	vld [tilespmem:$0x1B170]  }
0x3bc: {  	v0 =	vadd.f32 v1, v0;
	v1 =	vmul.f32 v5, v4;
	v4 =	vld [tilespmem:s18+$0xFFFFFFB0]  }
0x3bd: {  	v5 =	vld [tilespmem:$0x1B180]  }
0x3be: {  	v52 =	vld [tilespmem:s18+$0xFFFFFFC0];
	v0 =	vadd.f32 v1, v0;
	v1 =	vmul.f32 v51, v50  }
0x3bf: {  	v53 =	vld [tilespmem:$0x1B190]  }
0x3c0: {  	v0 =	vadd.f32 v1, v0;
	v1 =	vmul.f32 v3, v2;
	v2 =	vld [tilespmem:s18+$0xFFFFFFD0]  }
0x3c1: {  	v3 =	vld [tilespmem:$0x1B1A0]  }
0x3c2: {  	v0 =	vadd.f32 v1, v0;
	v1 =	vmul.f32 v5, v4;
	v4 =	vld [tilespmem:s18+$0xFFFFFFE0]  }
0x3c3: {  	v5 =	vld [tilespmem:$0x1B1B0]  }
0x3c4: {  	v54 =	vld [tilespmem:s18+$0xFFFFFFF0];
	v0 =	vadd.f32 v1, v0;
	v1 =	vmul.f32 v53, v52  }
0x3c5: {  	v55 =	vld [tilespmem:$0x1B1C0]  }
0x3c6: {  	v0 =	vadd.f32 v1, v0;
	v1 =	vmul.f32 v3, v2;
	v2 =	vld [tilespmem:s18+$0x0]  }
0x3c7: {  	v3 =	vld [tilespmem:$0x1B1D0]  }
0x3c8: {  	v0 =	vadd.f32 v1, v0;
	v1 =	vmul.f32 v5, v4;
	v4 =	vld [tilespmem:s18+$0x10]  }
0x3c9: {  	v5 =	vld [tilespmem:$0x1B1E0]  }
0x3ca: {  	v56 =	vld [tilespmem:s18+$0x20];
	v0 =	vadd.f32 v1, v0;
	v1 =	vmul.f32 v55, v54  }
0x3cb: {  	v57 =	vld [tilespmem:$0x1B1F0]  }
0x3cc: {  	v0 =	vadd.f32 v1, v0;
	v1 =	vmul.f32 v3, v2;
	v2 =	vld [tilespmem:s18+$0x30]  }
0x3cd: {  	v3 =	vld [tilespmem:$0x1B200]  }
0x3ce: {  	v0 =	vadd.f32 v1, v0;
	v1 =	vmul.f32 v5, v4;
	v4 =	vld [tilespmem:s18+$0x40]  }
0x3cf: {  	v5 =	vld [tilespmem:$0x1B210]  }
0x3d0: {  	v58 =	vld [tilespmem:s18+$0x50];
	v0 =	vadd.f32 v1, v0;
	v1 =	vmul.f32 v57, v56  }
0x3d1: {  	v59 =	vld [tilespmem:$0x1B220]  }
0x3d2: {  	v0 =	vadd.f32 v1, v0;
	v1 =	vmul.f32 v3, v2;
	v2 =	vld [tilespmem:s18+$0x60]  }
0x3d3: {  	v3 =	vld [tilespmem:$0x1B230]  }
0x3d4: {  	v0 =	vadd.f32 v1, v0;
	v1 =	vmul.f32 v5, v4;
	v4 =	vld [tilespmem:s18+$0x70]  }
0x3d5: {  	v5 =	vld [tilespmem:$0x1B240]  }
0x3d6: {  	v60 =	vld [tilespmem:s18+$0x80];
	v0 =	vadd.f32 v1, v0;
	v1 =	vmul.f32 v59, v58  }
0x3d7: {  	v61 =	vld [tilespmem:$0x1B250]  }
0x3d8: {  	v0 =	vadd.f32 v1, v0;
	v1 =	vmul.f32 v3, v2;
	v2 =	vld [tilespmem:s18+$0x90]  }
0x3d9: {  	v3 =	vld [tilespmem:$0x1B260]  }
0x3da: {  	v0 =	vadd.f32 v1, v0;
	v1 =	vmul.f32 v5, v4;
	v4 =	vld [tilespmem:s18+$0xA0]  }
0x3db: {  	v5 =	vld [tilespmem:$0x1B270]  }
0x3dc: {  	v62 =	vld [tilespmem:s18+$0xB0];
	v0 =	vadd.f32 v1, v0;
	v1 =	vmul.f32 v61, v60  }
0x3dd: {  	v63 =	vld [tilespmem:$0x1B280]  }
0x3de: {  	v0 =	vadd.f32 v1, v0;
	v1 =	vmul.f32 v3, v2;
	v2 =	vld [tilespmem:s18+$0xC0]  }
0x3df: {  	v3 =	vld [tilespmem:$0x1B290]  }
0x3e0: {  	v0 =	vadd.f32 v1, v0;
	v1 =	vmul.f32 v5, v4;
	_ =	sdelay $0x1  }
0x3e1: {  	v0 =	vadd.f32 v1, v0;
	v1 =	vmul.f32 v63, v62;
	_ =	sdelay $0x1  }
0x3e2: {  	v0 =	vadd.f32 v1, v0;
	v1 =	vmul.f32 v3, v2;
	_ =	sdelay $0x1  }
0x3e3: {  	v0 =	vadd.f32 v1, v0  }
0x3e4: {  	s17 =	sshra.s32 s17, $0x2  }
0x3e5: {  	[tilespmem:s17+$0x1AD00] =	vst v0;
	s17 =	simm.s32 $0x0  }
0x3e6: {  	[hbm4b:s29+s17] =	stream.linear.scatter [tilespmem:s11], [sflag:$0x7], $0x400, $0x38;
	[tilespmem:$0x1B2A0] =	vst v63  }
0x3e7: {  	_ =	swait.ge [sflag:s1], $0x400  }
0x3e8: {  	[sflag:s1] =	ssyncset.done $0x0  }
0x3e9: {  	[sflag:s1] =	ssyncadd.s32 $0xFFFFFC00  }
0x3ea: {  	_ =	swait.ge [sflag:s13], $0x6800  }
0x3eb: {  	[sflag:s13] =	ssyncset.done $0x0  }
0x3ec: {  	[sflag:s13] =	ssyncadd.s32 $0xFFFF9800  }
0x3ed: {  	[hbm4b:s22+s17] =	stream.linear.scatter [tilespmem:s7], [sflag:$0x6], $0x6800, $0x38;
	[tilespmem:$0x1B2A0] =	vst v63  }
0x3ee: {  	_ =	swait.ge [sflag:s14], $0x6800  }
0x3ef: {  	[sflag:s14] =	ssyncset.done $0x0  }
0x3f0: {  	[sflag:s14] =	ssyncadd.s32 $0xFFFF9800  }
0x3f1: {  	s18 =	simm.s32 $0x145D0;
	v0 =	vld [tilespmem:$0x1B100]  }
0x3f2: {  	v1 =	vld [tilespmem:s18+$0xFFFFFF30]  }
0x3f3: {  	v2 =	vld [tilespmem:s18+$0xFFFFFF40]  }
0x3f4: {  	s19 =	simm.s32 $0x40;
	v3 =	vld [tilespmem:$0x1B110]  }
.LBB2_16:
0x3f5: {  	p0 =	sne.s32 s19, $0xFC0;
	v4 =	vld [tilespmem:s18+$0xFFFFFF50]  }
0x3f6: {  	v5 =	vld [tilespmem:$0x1B120]  }
0x3f7: {  	v6 =	vld [tilespmem:s18+$0xFFFFFF60]  }
0x3f8: {  	v7 =	vld [tilespmem:$0x1B130]  }
0x3f9: {  	v0 =	vmul.f32 v0, v1;
	v1 =	vmul.f32 v3, v2;
	v2 =	vld [tilespmem:s18+$0xFFFFFF70]  }
0x3fa: {  	v3 =	vld [tilespmem:$0x1B140]  }
0x3fb: {  	v0 =	vadd.f32 v1, v0;
	v1 =	vmul.f32 v5, v4;
	v4 =	vld [tilespmem:s18+$0xFFFFFF80]  }
0x3fc: {  	v5 =	vld [tilespmem:$0x1B150]  }
0x3fd: {  	v0 =	vadd.f32 v1, v0;
	v1 =	vmul.f32 v7, v6;
	v6 =	vld [tilespmem:s18+$0xFFFFFF90]  }
0x3fe: {  	v7 =	vld [tilespmem:$0x1B160]  }
0x3ff: {  	v0 =	vadd.f32 v1, v0;
	v1 =	vmul.f32 v3, v2;
	v2 =	vld [tilespmem:s18+$0xFFFFFFA0]  }
0x400: {  	v3 =	vld [tilespmem:$0x1B170]  }
0x401: {  	v0 =	vadd.f32 v1, v0;
	v1 =	vmul.f32 v5, v4;
	v4 =	vld [tilespmem:s18+$0xFFFFFFB0]  }
0x402: {  	v5 =	vld [tilespmem:$0x1B180]  }
0x403: {  	v0 =	vadd.f32 v1, v0;
	v1 =	vmul.f32 v7, v6;
	v6 =	vld [tilespmem:s18+$0xFFFFFFC0]  }
0x404: {  	v7 =	vld [tilespmem:$0x1B190]  }
0x405: {  	v0 =	vadd.f32 v1, v0;
	v1 =	vmul.f32 v3, v2;
	v2 =	vld [tilespmem:s18+$0xFFFFFFD0]  }
0x406: {  	v3 =	vld [tilespmem:$0x1B1A0]  }
0x407: {  	v0 =	vadd.f32 v1, v0;
	v1 =	vmul.f32 v5, v4;
	v4 =	vld [tilespmem:s18+$0xFFFFFFE0]  }
0x408: {  	v5 =	vld [tilespmem:$0x1B1B0]  }
0x409: {  	v0 =	vadd.f32 v1, v0;
	v1 =	vmul.f32 v7, v6;
	v6 =	vld [tilespmem:s18+$0xFFFFFFF0]  }
0x40a: {  	v7 =	vld [tilespmem:$0x1B1C0]  }
0x40b: {  	v0 =	vadd.f32 v1, v0;
	v1 =	vmul.f32 v3, v2;
	v2 =	vld [tilespmem:s18+$0x0]  }
0x40c: {  	v3 =	vld [tilespmem:$0x1B1D0]  }
0x40d: {  	v0 =	vadd.f32 v1, v0;
	v1 =	vmul.f32 v5, v4;
	v4 =	vld [tilespmem:s18+$0x10]  }
0x40e: {  	v5 =	vld [tilespmem:$0x1B1E0]  }
0x40f: {  	v0 =	vadd.f32 v1, v0;
	v1 =	vmul.f32 v7, v6;
	v6 =	vld [tilespmem:s18+$0x20]  }
0x410: {  	v7 =	vld [tilespmem:$0x1B1F0]  }
0x411: {  	v0 =	vadd.f32 v1, v0;
	v1 =	vmul.f32 v3, v2;
	v2 =	vld [tilespmem:s18+$0x30]  }
0x412: {  	v3 =	vld [tilespmem:$0x1B200]  }
0x413: {  	v0 =	vadd.f32 v1, v0;
	v1 =	vmul.f32 v5, v4;
	v4 =	vld [tilespmem:s18+$0x40]  }
0x414: {  	v5 =	vld [tilespmem:$0x1B210]  }
0x415: {  	v0 =	vadd.f32 v1, v0;
	v1 =	vmul.f32 v7, v6;
	v6 =	vld [tilespmem:s18+$0x50]  }
0x416: {  	v7 =	vld [tilespmem:$0x1B220]  }
0x417: {  	v0 =	vadd.f32 v1, v0;
	v1 =	vmul.f32 v3, v2;
	v2 =	vld [tilespmem:s18+$0x60]  }
0x418: {  	v3 =	vld [tilespmem:$0x1B230]  }
0x419: {  	v0 =	vadd.f32 v1, v0;
	v1 =	vmul.f32 v5, v4;
	v4 =	vld [tilespmem:s18+$0x70]  }
0x41a: {  	v5 =	vld [tilespmem:$0x1B240]  }
0x41b: {  	v0 =	vadd.f32 v1, v0;
	v1 =	vmul.f32 v7, v6;
	v6 =	vld [tilespmem:s18+$0x80]  }
0x41c: {  	v7 =	vld [tilespmem:$0x1B250]  }
0x41d: {  	v0 =	vadd.f32 v1, v0;
	v1 =	vmul.f32 v3, v2;
	v2 =	vld [tilespmem:s18+$0x90]  }
0x41e: {  	v3 =	vld [tilespmem:$0x1B260]  }
0x41f: {  	v0 =	vadd.f32 v1, v0;
	v1 =	vmul.f32 v5, v4;
	v4 =	vld [tilespmem:s18+$0xA0]  }
0x420: {  	v5 =	vld [tilespmem:$0x1B270]  }
0x421: {  	v0 =	vadd.f32 v1, v0;
	v1 =	vmul.f32 v7, v6;
	v6 =	vld [tilespmem:s18+$0xB0]  }
0x422: {  	v7 =	vld [tilespmem:$0x1B280]  }
0x423: {  	v0 =	vadd.f32 v1, v0;
	v1 =	vmul.f32 v3, v2;
	v2 =	vld [tilespmem:s18+$0xC0]  }
0x424: {  	v3 =	vld [tilespmem:$0x1B290]  }
0x425: {  	v0 =	vadd.f32 v1, v0;
	v1 =	vmul.f32 v5, v4;
	_ =	sdelay $0x1  }
0x426: {  	v0 =	vadd.f32 v1, v0;
	v1 =	vmul.f32 v7, v6;
	_ =	sdelay $0x1  }
0x427: {  	v0 =	vadd.f32 v1, v0;
	v1 =	vmul.f32 v3, v2;
	_ =	sdelay $0x1  }
0x428: {  	v0 =	vadd.f32 v1, v0  }
0x429: {  	s20 =	sshra.s32 s17, $0x2;
	s17 =	smov.u32 s19  }
.Ltmp7:
0x42a: {  	[tilespmem:s20+$0x1AD00] =	vst v0;
	(pc) =	sbr.rel @p0 .LBB2_16-.Ltmp7, $4  }
0x42b: {  	s18 =	sadd.s32 $0x1A0, s18;
	v0 =	vld [tilespmem:$0x1B100]  }
0x42c: {  	v1 =	vld [tilespmem:s18+$0xFFFFFF30]  }
0x42d: {  	v2 =	vld [tilespmem:s18+$0xFFFFFF40]  }
0x42e: {  	s19 =	sadd.s32 $0x40, s19;
	v3 =	vld [tilespmem:$0x1B110]  }
0x42f: {  	v4 =	vld [tilespmem:s18+$0xFFFFFF50]  }
0x430: {  	v5 =	vld [tilespmem:$0x1B120]  }
0x431: {  	v6 =	vld [tilespmem:s18+$0xFFFFFF60]  }
0x432: {  	v7 =	vld [tilespmem:$0x1B130]  }
0x433: {  	v51 =	vld [tilespmem:s18+$0xFFFFFF70];
	v0 =	vmul.f32 v0, v1;
	v50 =	vmul.f32 v3, v2  }
0x434: {  	v52 =	vld [tilespmem:$0x1B140]  }
0x435: {  	v54 =	vld [tilespmem:s18+$0xFFFFFF80];
	v53 =	vmul.f32 v5, v4;
	v0 =	vadd.f32 v50, v0  }
0x436: {  	v55 =	vld [tilespmem:$0x1B150]  }
0x437: {  	v57 =	vld [tilespmem:s18+$0xFFFFFF90];
	v56 =	vmul.f32 v7, v6;
	v0 =	vadd.f32 v53, v0  }
0x438: {  	v58 =	vld [tilespmem:$0x1B160]  }
0x439: {  	v60 =	vld [tilespmem:s18+$0xFFFFFFA0];
	v59 =	vmul.f32 v52, v51;
	v0 =	vadd.f32 v56, v0  }
0x43a: {  	v61 =	vld [tilespmem:$0x1B170]  }
0x43b: {  	v63 =	vld [tilespmem:s18+$0xFFFFFFB0];
	v62 =	vmul.f32 v55, v54;
	v0 =	vadd.f32 v59, v0  }
0x43c: {  	v9 =	vld [tilespmem:$0x1B180]  }
0x43d: {  	v11 =	vld [tilespmem:s18+$0xFFFFFFC0];
	v10 =	vmul.f32 v58, v57;
	v0 =	vadd.f32 v62, v0  }
0x43e: {  	v12 =	vld [tilespmem:$0x1B190]  }
0x43f: {  	v14 =	vld [tilespmem:s18+$0xFFFFFFD0];
	v13 =	vmul.f32 v61, v60;
	v0 =	vadd.f32 v10, v0  }
0x440: {  	v15 =	vld [tilespmem:$0x1B1A0]  }
0x441: {  	v17 =	vld [tilespmem:s18+$0xFFFFFFE0];
	v16 =	vmul.f32 v9, v63;
	v0 =	vadd.f32 v13, v0  }
0x442: {  	v18 =	vld [tilespmem:$0x1B1B0]  }
0x443: {  	v20 =	vld [tilespmem:s18+$0xFFFFFFF0];
	v19 =	vmul.f32 v12, v11;
	v0 =	vadd.f32 v16, v0  }
0x444: {  	v21 =	vld [tilespmem:$0x1B1C0]  }
0x445: {  	v23 =	vld [tilespmem:s18+$0x0];
	v22 =	vmul.f32 v15, v14;
	v0 =	vadd.f32 v19, v0  }
0x446: {  	v24 =	vld [tilespmem:$0x1B1D0]  }
0x447: {  	v26 =	vld [tilespmem:s18+$0x10];
	v25 =	vmul.f32 v18, v17;
	v0 =	vadd.f32 v22, v0  }
0x448: {  	v27 =	vld [tilespmem:$0x1B1E0]  }
0x449: {  	v29 =	vld [tilespmem:s18+$0x20];
	v28 =	vmul.f32 v21, v20;
	v0 =	vadd.f32 v25, v0  }
0x44a: {  	v30 =	vld [tilespmem:$0x1B1F0]  }
0x44b: {  	v32 =	vld [tilespmem:s18+$0x30];
	v31 =	vmul.f32 v24, v23;
	v0 =	vadd.f32 v28, v0  }
0x44c: {  	v33 =	vld [tilespmem:$0x1B200]  }
0x44d: {  	v35 =	vld [tilespmem:s18+$0x40];
	v34 =	vmul.f32 v27, v26;
	v0 =	vadd.f32 v31, v0  }
0x44e: {  	v36 =	vld [tilespmem:$0x1B210]  }
0x44f: {  	v38 =	vld [tilespmem:s18+$0x50];
	v37 =	vmul.f32 v30, v29;
	v0 =	vadd.f32 v34, v0  }
0x450: {  	v39 =	vld [tilespmem:$0x1B220]  }
0x451: {  	v41 =	vld [tilespmem:s18+$0x60];
	v40 =	vmul.f32 v33, v32;
	v0 =	vadd.f32 v37, v0  }
0x452: {  	v42 =	vld [tilespmem:$0x1B230]  }
0x453: {  	v44 =	vld [tilespmem:s18+$0x70];
	v43 =	vmul.f32 v36, v35;
	v0 =	vadd.f32 v40, v0  }
0x454: {  	v45 =	vld [tilespmem:$0x1B240]  }
0x455: {  	v47 =	vld [tilespmem:s18+$0x80];
	v46 =	vmul.f32 v39, v38;
	v0 =	vadd.f32 v43, v0  }
0x456: {  	v48 =	vld [tilespmem:$0x1B250]  }
0x457: {  	v49 =	vmul.f32 v42, v41;
	v51 =	vld [tilespmem:$0x1B260];
	v0 =	vadd.f32 v46, v0  }
0x458: {  	v50 =	vld [tilespmem:s18+$0x90]  }
0x459: {  	v52 =	vmul.f32 v45, v44;
	v54 =	vld [tilespmem:$0x1B270];
	v0 =	vadd.f32 v49, v0  }
0x45a: {  	v53 =	vld [tilespmem:s18+$0xA0]  }
0x45b: {  	v55 =	vmul.f32 v48, v47;
	v57 =	vld [tilespmem:$0x1B280];
	v0 =	vadd.f32 v52, v0  }
0x45c: {  	v56 =	vld [tilespmem:s18+$0xB0]  }
0x45d: {  	v60 =	vld [tilespmem:$0x1B290];
	v58 =	vmul.f32 v51, v50;
	v0 =	vadd.f32 v55, v0  }
0x45e: {  	v59 =	vld [tilespmem:s18+$0xC0]  }
0x45f: {  	v61 =	vmul.f32 v54, v53;
	v0 =	vadd.f32 v58, v0;
	_ =	sdelay $0x1  }
0x460: {  	v62 =	vmul.f32 v57, v56;
	v0 =	vadd.f32 v61, v0;
	_ =	sdelay $0x1  }
0x461: {  	v63 =	vmul.f32 v60, v59;
	v0 =	vadd.f32 v62, v0;
	_ =	sdelay $0x1  }
0x462: {  	v0 =	vadd.f32 v63, v0  }
0x463: {  	s17 =	sshra.s32 s17, $0x2  }
0x464: {  	[tilespmem:s17+$0x1AD00] =	vst v0  }
0x465: {  	[hbm4b:s30+s3] =	stream.linear.scatter [tilespmem:s11], [sflag:$0x7], $0x400, $0x38;
	[tilespmem:$0x1B2A0] =	vst v63  }
0x466: {  	_ =	swait.ge [sflag:s1], $0x400  }
0x467: {  	[sflag:s1] =	ssyncset.done $0x0  }
0x468: {  	s16 =	sadd.s32 $0x1, s16;
	[sflag:s1] =	ssyncadd.s32 $0xFFFFFC00  }
0x469: {  	p0 =	sne.s32 s16, s31;
	_ =	swait.ge [sflag:s12], $0x6800  }
.Ltmp8:
0x46a: {  	[sflag:s12] =	ssyncset.done $0x0;
	(pc) =	sbr.rel @p0 .LBB2_1-.Ltmp8, $4  }
0x46b: {  	[sflag:s12] =	ssyncadd.s32 $0xFFFF9800  }
0x46c: {  	_ =	swait.ge [sflag:s15], $0x6800  }
0x46d: {  	[sflag:s15] =	ssyncset.done $0x0  }
0x46e: {  	[sflag:s15] =	ssyncadd.s32 $0xFFFF9800  }
0x46f: {  	_ =	sfence.sel $0x180000  }
0x470: {  	[bflag:$0x0] =	sbarrier.arrive $0xFFFF  }
0x471: {  	_ =	strace $0x90000047  }
0x472: {  	s0 =	stileid.u32;
	[bflag:$0x2] =	sbarrier.arrive $0xFFFF  }
0x473: {  	p0 =	sne.s32 s0, $0x0;
	s0 =	rddreg [dreg:$0x2]  }
0x474: {  	s0 =	sadd.s32 @!p0 $0x100000, s0  }
0x475: {  	[sflag:s0] =	ssyncadd.tile.s32 @!p0 $0x1;
	_ =	shalt  }
.Lfunc_end2:
_tile_overlayer_lowered:
.L_overlay_start_2:
0x476: {  	(tag) =	ssettag $0x2  }
0x477: {  	s0 =	rddreg [dreg:$0x0];
	s2 =	stileid.u32  }
0x478: {  	s1 =	rddreg [dreg:$0x1];
	p0 =	sne.s32 s2, $0x0  }
0x479: {  	s3 =	rddreg [dreg:$0x2];
	[bflag:$0x3] =	sbarrier.arrive $0xFFFF;
	s2 =	simm.s32 @!p0 $0x1C07  }
0x47a: {  	[timem:s3], [sflag:s2] =	dma.local @!p0 [hbm:s0], s1  }
0x47b: {  	s0 =	simm.s32 @!p0 $0x7  }
0x47c: {  	_ =	swait.ge @!p0 [sflag:s0], s1  }
0x47d: {  	s1 =	ssub.s32 @!p0 $0x0, s1;
	[sflag:s0] =	ssyncset.done @!p0 $0x0  }
0x47e: {  	[sflag:s0] =	ssyncadd.s32 @!p0 s1  }
0x47f: {  	[bflag:$0x3] =	sbarrier.arrive $0xFFFF  }
0x480: {  	_ =	shalt  }

</sc_bundles>
